<compile_context>
chip_gen: v7x
topology: tpu7x:2x2x1
jax: 0.10.2.dev20260603
libtpu: 0.0.44.dev20260713+nightly
codegen_flags: <defaults>
</compile_context>

<pallas_src>
import functools

import jax
import jax.numpy as jnp
from jax import lax
from jax.experimental import pallas as pl
from jax.experimental.pallas import tpu as pltpu
from jax.experimental.pallas import tpu_sc as plsc

NN = 10000
NB = 32
DIM = 32
E = 160000
EPAD = 163840
CH = 128
NCHUNK = EPAD // (32 * CH)
ACC_ROWS = 10240


FPAD = 352
FH = FPAD // 2
ACC_ROWS_X = 10112
CHX = 40


def _edge_agg_x(xf, src2, dst2, z192):
    mesh = plsc.VectorSubcoreMesh(core_axis_name="c", subcore_axis_name="s")
    epr = EPAD // 16
    nch = epr // CHX
    sl = ACC_ROWS_X // 16

    @functools.partial(
        pl.kernel,
        out_type=jax.ShapeDtypeStruct((2 * ACC_ROWS_X, FH), jnp.float32),
        mesh=mesh,
        compiler_params=pltpu.CompilerParams(use_tc_tiling_on_sc=False),
        scratch_types=[
            pltpu.VMEM_SHARED((ACC_ROWS_X, FH), jnp.float32),
            pltpu.VMEM((CHX,), jnp.int32), pltpu.VMEM((CHX,), jnp.int32),
            pltpu.VMEM((CHX,), jnp.int32), pltpu.VMEM((CHX,), jnp.int32),
            pltpu.VMEM((CHX, FH), jnp.float32), pltpu.VMEM((CHX, FH), jnp.float32),
            pltpu.SemaphoreType.DMA, pltpu.SemaphoreType.DMA,
            pltpu.SemaphoreType.DMA, pltpu.SemaphoreType.DMA,
        ],
    )
    def k(x_hbm, src_hbm, dst_hbm, z_hbm, out_hbm, acc,
          sidx0, sidx1, didx0, didx1, rows0, rows1, gs0, gs1, ss0, ss1):
        c = lax.axis_index("c")
        s = lax.axis_index("s")
        pltpu.sync_copy(z_hbm.at[pl.ds(s * sl, sl)], acc.at[pl.ds(s * sl, sl)])
        plsc.subcore_barrier()

        ebase = c * EPAD + s * epr

        def body(i, carry):
            c0 = ebase + (2 * i) * CHX
            c1 = c0 + CHX
            pltpu.sync_copy(src_hbm.at[pl.ds(c0, CHX)], sidx0)
            pltpu.sync_copy(dst_hbm.at[pl.ds(c0, CHX)], didx0)
            g0 = pltpu.async_copy(x_hbm.at[sidx0], rows0, gs0)
            pltpu.sync_copy(src_hbm.at[pl.ds(c1, CHX)], sidx1)
            pltpu.sync_copy(dst_hbm.at[pl.ds(c1, CHX)], didx1)
            g1 = pltpu.async_copy(x_hbm.at[sidx1], rows1, gs1)
            g0.wait()
            s0 = pltpu.async_copy(rows0, acc.at[didx0], ss0, add=True)
            g1.wait()
            s1 = pltpu.async_copy(rows1, acc.at[didx1], ss1, add=True)
            s0.wait()
            s1.wait()
            return carry

        lax.fori_loop(0, nch // 2, body, 0)
        plsc.subcore_barrier()
        pltpu.sync_copy(acc.at[pl.ds(s * sl, sl)],
                        out_hbm.at[pl.ds(c * ACC_ROWS_X + s * sl, sl)])

    return k(xf, src2, dst2, z192)


def _edge_agg(p, src, dst, zrows):
    mesh = plsc.VectorSubcoreMesh(core_axis_name="c", subcore_axis_name="s")

    NS = 8

    @functools.partial(
        pl.kernel,
        out_type=jax.ShapeDtypeStruct((2 * ACC_ROWS, DIM), jnp.float32),
        mesh=mesh,
        compiler_params=pltpu.CompilerParams(use_tc_tiling_on_sc=False),
        scratch_types=[
            pltpu.VMEM_SHARED((ACC_ROWS, DIM), jnp.float32),
            [pltpu.VMEM((CH,), jnp.int32)] * NS,
            [pltpu.VMEM((CH,), jnp.int32)] * NS,
            [pltpu.VMEM((CH, DIM), jnp.float32)] * NS,
            [pltpu.SemaphoreType.DMA] * NS,
            [pltpu.SemaphoreType.DMA] * NS,
        ],
    )
    def k(p_hbm, src_hbm, dst_hbm, z_hbm, out_hbm, acc, sidx, didx, rows, gs, ss):
        c = lax.axis_index("c")
        s = lax.axis_index("s")
        wid = c * 16 + s
        zr = ACC_ROWS // 16
        pltpu.sync_copy(z_hbm.at[pl.ds(s * zr, zr)], acc.at[pl.ds(s * zr, zr)])
        plsc.subcore_barrier()

        ebase = wid * (NCHUNK * CH)

        def body(i, carry):
            base = ebase + (NS * i) * CH
            gh = []
            for t in range(NS):
                off = base + t * CH
                pltpu.sync_copy(src_hbm.at[pl.ds(off, CH)], sidx[t])
                pltpu.sync_copy(dst_hbm.at[pl.ds(off, CH)], didx[t])
                gh.append(pltpu.async_copy(p_hbm.at[sidx[t]], rows[t], gs[t]))
            sh = []
            for t in range(NS):
                gh[t].wait()
                sh.append(pltpu.async_copy(rows[t], acc.at[didx[t]], ss[t], add=True))
            for t in range(NS):
                sh[t].wait()
            return carry

        lax.fori_loop(0, NCHUNK // NS, body, 0)
        plsc.subcore_barrier()
        pltpu.sync_copy(acc.at[pl.ds(s * zr, zr)],
                        out_hbm.at[pl.ds(c * ACC_ROWS + s * zr, zr)])

    return k(p, src, dst, zrows)


def _gin_tail(s, w1_ref, b1_ref, w2_ref, b2_ref, g_ref, be_ref):
    z = jnp.maximum(jnp.dot(s, w1_ref[...],
                            preferred_element_type=jnp.float32) + b1_ref[...], 0.0)
    t = jnp.dot(z, w2_ref[...], preferred_element_type=jnp.float32) + b2_ref[...]
    hh = jnp.maximum(t, 0.0)
    mu = jnp.mean(hh, axis=0, keepdims=True)
    var = jnp.mean((hh - mu) * (hh - mu), axis=0, keepdims=True)
    return (hh - mu) / jnp.sqrt(var + 1e-5) * g_ref[...] + be_ref[...]


def _gin1(xp, aggx, w1p, b1, w2, b2, g, be):
    def body(x_ref, agg_ref, w1_ref, b1_ref, w2_ref, b2_ref, g_ref, be_ref, o_ref):
        s = x_ref[...] + jnp.concatenate(
            [agg_ref[:NN], agg_ref[ACC_ROWS_X:ACC_ROWS_X + NN]], axis=1)
        o_ref[...] = _gin_tail(s, w1_ref, b1_ref, w2_ref, b2_ref, g_ref, be_ref)

    return pl.pallas_call(
        body,
        out_shape=jax.ShapeDtypeStruct((NN, DIM), jnp.float32),
    )(xp, aggx, w1p, b1, w2, b2, g, be)


def _gin_mid(h, agg, w1, b1, w2, b2, g, be):
    def body(h_ref, agg_ref, w1_ref, b1_ref, w2_ref, b2_ref, g_ref, be_ref, o_ref):
        s = h_ref[...] + agg_ref[:NN] + agg_ref[ACC_ROWS:ACC_ROWS + NN]
        o_ref[...] = _gin_tail(s, w1_ref, b1_ref, w2_ref, b2_ref, g_ref, be_ref)

    return pl.pallas_call(
        body,
        out_shape=jax.ShapeDtypeStruct((NN, DIM), jnp.float32),
    )(h, agg, w1, b1, w2, b2, g, be)


def _gin_last(h, agg, w1, b1, w2, b2, g, be, batch2d, wxd, bxd):
    def body(h_ref, agg_ref, w1_ref, b1_ref, w2_ref, b2_ref, g_ref, be_ref,
             bt_ref, wxd_ref, bxd_ref, o_ref):
        s = h_ref[...] + agg_ref[:NN] + agg_ref[ACC_ROWS:ACC_ROWS + NN]
        hn = _gin_tail(s, w1_ref, b1_ref, w2_ref, b2_ref, g_ref, be_ref)
        seg = jax.lax.broadcasted_iota(jnp.int32, (NN, NB), 1)
        onehot = (bt_ref[...] == seg).astype(jnp.float32)
        pooled = jax.lax.dot_general(onehot, hn, (((0,), (0,)), ((), ())),
                                     preferred_element_type=jnp.float32,
                                     precision=jax.lax.Precision.HIGHEST)
        o_ref[...] = jnp.maximum(
            jnp.dot(pooled, wxd_ref[...], preferred_element_type=jnp.float32)
            + bxd_ref[...], 0.0)

    return pl.pallas_call(
        body,
        out_shape=jax.ShapeDtypeStruct((NB, 128), jnp.float32),
    )(h, agg, w1, b1, w2, b2, g, be, batch2d, wxd, bxd)


def _cnn(xc, w1c, b1c, w2f, b2c, w3f, b3c):
    T1, T2, T3 = 13125, 4368, 1449
    P1, P2, P3 = 4375, 1456, 483

    def max3(ref):
        return jnp.maximum(jnp.maximum(ref[0::3, :], ref[1::3, :]), ref[2::3, :])

    def body(x_ref, w1_ref, b1_ref, w2_ref, b2_ref, w3_ref, b3_ref, o_ref,
             s1, s2, s3):
        xb = x_ref[0]
        u1t = jnp.concatenate([xb[:, kk:kk + T1] for kk in range(8)], axis=0)
        u1 = jnp.transpose(u1t)
        o1 = jnp.dot(u1, w1_ref[...], preferred_element_type=jnp.float32)
        s1[...] = jnp.maximum(o1 + b1_ref[...], 0.0)
        h1 = max3(s1)

        u2 = jnp.concatenate([h1[kk:kk + T2, :] for kk in range(8)], axis=1)
        o2 = jnp.dot(u2, w2_ref[...], preferred_element_type=jnp.float32)
        s2[...] = jnp.maximum(o2 + b2_ref[...], 0.0)
        h2 = max3(s2)

        u3 = jnp.concatenate([h2[kk:kk + T3, :] for kk in range(8)], axis=1)
        o3 = jnp.dot(u3, w3_ref[...], preferred_element_type=jnp.float32)
        s3[...] = jnp.maximum(o3 + b3_ref[...], 0.0)
        h3 = max3(s3)

        o_ref[...] = jnp.transpose(h3).reshape(1, 128, P3)

    out = pl.pallas_call(
        body,
        grid=(NB,),
        scratch_shapes=[pltpu.VMEM((T1, 32), jnp.float32),
                        pltpu.VMEM((T2, 64), jnp.float32),
                        pltpu.VMEM((T3, 128), jnp.float32)],
        in_specs=[pl.BlockSpec((1, 1, 13132), lambda i: (i, 0, 0)),
                  pl.BlockSpec((8, 32), lambda i: (0, 0)),
                  pl.BlockSpec((1, 32), lambda i: (0, 0)),
                  pl.BlockSpec((256, 64), lambda i: (0, 0)),
                  pl.BlockSpec((1, 64), lambda i: (0, 0)),
                  pl.BlockSpec((512, 128), lambda i: (0, 0)),
                  pl.BlockSpec((1, 128), lambda i: (0, 0))],
        out_specs=pl.BlockSpec((1, 128, P3), lambda i: (i, 0, 0)),
        out_shape=jax.ShapeDtypeStruct((NB, 128, P3), jnp.float32),
    )(xc.reshape(NB, 1, 13132), w1c, b1c, w2f, b2c, w3f, b3c)
    return out.reshape(NB, 61824)


def _fc_xt(ct, w, b):
    KB = 8832

    def body(a_ref, w_ref, b_ref, o_ref):
        @pl.when(pl.program_id(0) == 0)
        def _():
            o_ref[...] = jnp.broadcast_to(b_ref[...], (NB, 128))
        o_ref[...] += jnp.dot(a_ref[...], w_ref[...],
                              preferred_element_type=jnp.float32)

    return pl.pallas_call(
        body,
        grid=(61824 // KB,),
        in_specs=[pl.BlockSpec((NB, KB), lambda k: (0, k)),
                  pl.BlockSpec((KB, 128), lambda k: (k, 0)),
                  pl.BlockSpec((1, 128), lambda k: (0, 0))],
        out_specs=pl.BlockSpec((NB, 128), lambda k: (0, 0)),
        out_shape=jax.ShapeDtypeStruct((NB, 128), jnp.float32),
    )(ct, w, b)


def _head(xg, ct, w1, b1, w2, b2, wo, bo):
    def body(xg_ref, ct_ref, w1_ref, b1_ref, w2_ref, b2_ref, wo_ref, bo_ref, o_ref):
        xc = jnp.concatenate([xg_ref[...], ct_ref[...]], axis=1)
        h = jnp.maximum(jnp.dot(xc, w1_ref[...],
                                preferred_element_type=jnp.float32) + b1_ref[...], 0.0)
        h = jnp.maximum(jnp.dot(h, w2_ref[...],
                                preferred_element_type=jnp.float32) + b2_ref[...], 0.0)
        o_ref[...] = jax.nn.sigmoid(
            jnp.dot(h, wo_ref[...], preferred_element_type=jnp.float32) + bo_ref[...])

    return pl.pallas_call(
        body,
        out_shape=jax.ShapeDtypeStruct((NB, 1), jnp.float32),
    )(xg, ct, w1, b1, w2, b2, wo, bo)


def kernel(x, edge_index, batch, x_cell_mut, edge_feat, params):
    gin = params['gin']
    bn = params['bn']

    src = edge_index[0].astype(jnp.int32)
    dst = edge_index[1].astype(jnp.int32)
    npad = EPAD - E
    src_p = jnp.concatenate([src, jnp.zeros((npad,), jnp.int32)])
    dst_p = jnp.concatenate([dst, jnp.full((npad,), NN, jnp.int32)])
    src2 = jnp.concatenate([src_p, src_p + NN])
    dst2 = jnp.concatenate([dst_p, dst_p])
    zrows = jnp.zeros((ACC_ROWS, DIM), jnp.float32)
    z192 = jnp.zeros((ACC_ROWS_X, FH), jnp.float32)

    def r2(v):
        return v.reshape(1, -1)

    xp = jnp.concatenate([x, jnp.zeros((NN, FPAD - x.shape[1]), jnp.float32)], axis=1)
    xf = jnp.concatenate([xp[:, :FH], xp[:, FH:]], axis=0)
    w1p = jnp.concatenate(
        [gin[0][0], jnp.zeros((FPAD - x.shape[1], DIM), jnp.float32)], axis=0)
    aggx = _edge_agg_x(xf, src2, dst2, z192)
    (w1, b1, w2, b2) = gin[0]
    (g, be) = bn[0]
    h = _gin1(xp, aggx, w1p, r2(b1), w2, r2(b2), r2(g), r2(be))
    for l in range(1, 4):
        agg = _edge_agg(h, src_p, dst_p, zrows)
        (w1, b1, w2, b2) = gin[l]
        (g, be) = bn[l]
        h = _gin_mid(h, agg, w1, r2(b1), w2, r2(b2), r2(g), r2(be))
    agg = _edge_agg(h, src_p, dst_p, zrows)
    (w1, b1, w2, b2) = gin[4]
    (g, be) = bn[4]
    wxd, bxd = params['fc1_xd']
    xg = _gin_last(h, agg, w1, r2(b1), w2, r2(b2), r2(g), r2(be),
                   batch.reshape(NN, 1).astype(jnp.int32), wxd, r2(bxd))

    (cw1, cb1), (cw2, cb2), (cw3, cb3) = params['conv_xt']
    w1c = cw1.reshape(32, 8).T
    w2f = cw2.transpose(2, 1, 0).reshape(256, 64)
    w3f = cw3.transpose(2, 1, 0).reshape(512, 128)
    ctf = _cnn(x_cell_mut.reshape(NB, 13132), w1c, cb1.reshape(1, 32),
               w2f, cb2.reshape(1, 64), w3f, cb3.reshape(1, 128))
    wxt, bxt = params['fc1_xt']
    ct = _fc_xt(ctf, wxt, r2(bxt))

    w1h, b1h = params['fc1']
    w2h, b2h = params['fc2']
    wo, bo = params['out']
    return _head(xg, ct, w1h, r2(b1h), w2h, r2(b2h), wo, r2(bo))

# --- scband reference (transcript-rebuilt; emitter-appended) ---
"""Pipeline reference for scband-ginnet-28707561406530 (READ-ONLY COPY).

The authoritative reference and input builder live on the scoring server;
editing this copy changes nothing except your own understanding.
"""

import jax, jax.numpy as jnp
import numpy as np

N = 10000
E = 160000
B = 32
L = 13132


def _p(k, shape):
    return jax.random.normal(k, shape, jnp.float32) * 0.05


def setup_inputs(seed: int = 0) -> dict:
    key = jax.random.key(seed)
    ks = list(jax.random.split(key, 48))
    x = jax.random.normal(ks[0], (N, 334), jnp.float32)
    edge_index = jax.random.randint(ks[1], (2, E), 0, N)
    batch = jnp.sort(jax.random.randint(ks[2], (N,), 0, B))
    x_cell_mut = jax.random.normal(ks[3], (B, 1, L), jnp.float32)
    edge_feat = jax.random.normal(ks[4], (E, 4), jnp.float32)
    dim = 32
    ins = [334, dim, dim, dim, dim]
    gin = []
    bn = []
    i = 5
    for l in range(5):
        gin.append((_p(ks[i], (ins[l], dim)), _p(ks[i + 1], (dim,)),
                    _p(ks[i + 2], (dim, dim)), _p(ks[i + 3], (dim,))))
        bn.append((jnp.ones((dim,), jnp.float32), jnp.zeros((dim,), jnp.float32)))
        i += 4
    params = {
        'gin': gin,
        'bn': bn,
        'fc1_xd': (_p(ks[i], (dim, 128)), _p(ks[i + 1], (128,))),
        'conv_xt': [(_p(ks[i + 2], (32, 1, 8)), _p(ks[i + 3], (32,))),
                    (_p(ks[i + 4], (64, 32, 8)), _p(ks[i + 5], (64,))),
                    (_p(ks[i + 6], (128, 64, 8)), _p(ks[i + 7], (128,)))],
        'fc1_xt': (_p(ks[i + 8], (61824, 128)), _p(ks[i + 9], (128,))),
        'fc1': (_p(ks[i + 10], (256, 1024)), _p(ks[i + 11], (1024,))),
        'fc2': (_p(ks[i + 12], (1024, 128)), _p(ks[i + 13], (128,))),
        'out': (_p(ks[i + 14], (128, 1)), _p(ks[i + 15], (1,))),
    }
    return {'x': x, 'edge_index': edge_index, 'batch': batch,
            'x_cell_mut': x_cell_mut, 'edge_feat': edge_feat, 'params': params}


def _forward(x, edge_index, batch, x_cell_mut, params):
    src = edge_index[0]
    dst = edge_index[1]
    h = x
    for (W1, b1, W2, b2), (g, be) in zip(params['gin'], params['bn']):
        # GINConv (eps=0): nn((1+eps)*x + sum_{j in N(i)} x_j)
        agg = jnp.zeros_like(h).at[dst].add(h[src])
        z = h + agg
        z = jnp.maximum(z @ W1 + b1, 0.0)
        z = z @ W2 + b2
        h = jnp.maximum(z, 0.0)  # F.relu after conv
        # BatchNorm1d (training-mode batch statistics, biased var)
        mu = h.mean(axis=0)
        var = h.var(axis=0)
        h = (h - mu) / jnp.sqrt(var + 1e-5) * g + be
    # global_add_pool
    xg = jax.ops.segment_sum(h, batch, num_segments=B)
    Wxd, bxd = params['fc1_xd']
    xg = jnp.maximum(xg @ Wxd + bxd, 0.0)
    # dropout = identity (eval mode)
    c = x_cell_mut
    for (Wc, bc) in params['conv_xt']:
        c = jax.lax.conv_general_dilated(c, Wc, (1,), 'VALID',
                                         dimension_numbers=('NCH', 'OIH', 'NCH'))
        c = jnp.maximum(c + bc[None, :, None], 0.0)
        c = jax.lax.reduce_window(c, -jnp.inf, jax.lax.max, (1, 1, 3), (1, 1, 3), 'VALID')
    ct = c.reshape(c.shape[0], -1)
    Wxt, bxt = params['fc1_xt']
    ct = ct @ Wxt + bxt
    xc = jnp.concatenate([xg, ct], axis=1)
    W, b = params['fc1']
    xc = jnp.maximum(xc @ W + b, 0.0)
    W, b = params['fc2']
    xc = jnp.maximum(xc @ W + b, 0.0)
    W, b = params['out']
    return jax.nn.sigmoid(xc @ W + b)


def reference(x, edge_index, batch, x_cell_mut, edge_feat, params):
    # edge_feat is accepted by the torch forward but never used
    return _forward(x, edge_index, batch, x_cell_mut, params)

if __name__ == "__main__":
    import jax
    _d = setup_inputs()
    print(jax.jit(kernel)(*tuple(_d.values())))

</pallas_src>

<mosaic_0001>
#map = affine_map<(d0, d1) -> (0, 0)>
#map1 = affine_map<(d0, d1) -> (0)>
module attributes {stable_mosaic.version = 14 : i64} {
  func.func @k(%arg0: i32, %arg1: i32, %arg2: memref<10000x32xf32, #tpu.memory_space<hbm>>, %arg3: memref<163840xi32, #tpu.memory_space<hbm>>, %arg4: memref<163840xi32, #tpu.memory_space<hbm>>, %arg5: memref<10240x32xf32, #tpu.memory_space<hbm>>, %arg6: memref<20480x32xf32, #tpu.memory_space<hbm>>, %arg7: memref<10240x32xf32, #tpu.memory_space<vmem_shared>>, %arg8: memref<128xi32, #tpu.memory_space<vmem>>, %arg9: memref<128xi32, #tpu.memory_space<vmem>>, %arg10: memref<128xi32, #tpu.memory_space<vmem>>, %arg11: memref<128xi32, #tpu.memory_space<vmem>>, %arg12: memref<128xi32, #tpu.memory_space<vmem>>, %arg13: memref<128xi32, #tpu.memory_space<vmem>>, %arg14: memref<128xi32, #tpu.memory_space<vmem>>, %arg15: memref<128xi32, #tpu.memory_space<vmem>>, %arg16: memref<128xi32, #tpu.memory_space<vmem>>, %arg17: memref<128xi32, #tpu.memory_space<vmem>>, %arg18: memref<128xi32, #tpu.memory_space<vmem>>, %arg19: memref<128xi32, #tpu.memory_space<vmem>>, %arg20: memref<128xi32, #tpu.memory_space<vmem>>, %arg21: memref<128xi32, #tpu.memory_space<vmem>>, %arg22: memref<128xi32, #tpu.memory_space<vmem>>, %arg23: memref<128xi32, #tpu.memory_space<vmem>>, %arg24: memref<128x32xf32, #tpu.memory_space<vmem>>, %arg25: memref<128x32xf32, #tpu.memory_space<vmem>>, %arg26: memref<128x32xf32, #tpu.memory_space<vmem>>, %arg27: memref<128x32xf32, #tpu.memory_space<vmem>>, %arg28: memref<128x32xf32, #tpu.memory_space<vmem>>, %arg29: memref<128x32xf32, #tpu.memory_space<vmem>>, %arg30: memref<128x32xf32, #tpu.memory_space<vmem>>, %arg31: memref<128x32xf32, #tpu.memory_space<vmem>>, %arg32: memref<!tpu.dma_semaphore, #tpu.memory_space<semaphore_mem>>, %arg33: memref<!tpu.dma_semaphore, #tpu.memory_space<semaphore_mem>>, %arg34: memref<!tpu.dma_semaphore, #tpu.memory_space<semaphore_mem>>, %arg35: memref<!tpu.dma_semaphore, #tpu.memory_space<semaphore_mem>>, %arg36: memref<!tpu.dma_semaphore, #tpu.memory_space<semaphore_mem>>, %arg37: memref<!tpu.dma_semaphore, #tpu.memory_space<semaphore_mem>>, %arg38: memref<!tpu.dma_semaphore, #tpu.memory_space<semaphore_mem>>, %arg39: memref<!tpu.dma_semaphore, #tpu.memory_space<semaphore_mem>>, %arg40: memref<!tpu.dma_semaphore, #tpu.memory_space<semaphore_mem>>, %arg41: memref<!tpu.dma_semaphore, #tpu.memory_space<semaphore_mem>>, %arg42: memref<!tpu.dma_semaphore, #tpu.memory_space<semaphore_mem>>, %arg43: memref<!tpu.dma_semaphore, #tpu.memory_space<semaphore_mem>>, %arg44: memref<!tpu.dma_semaphore, #tpu.memory_space<semaphore_mem>>, %arg45: memref<!tpu.dma_semaphore, #tpu.memory_space<semaphore_mem>>, %arg46: memref<!tpu.dma_semaphore, #tpu.memory_space<semaphore_mem>>, %arg47: memref<!tpu.dma_semaphore, #tpu.memory_space<semaphore_mem>>) attributes {dimension_semantics = [#tpu.dimension_semantics<core_parallel>, #tpu.dimension_semantics<subcore_parallel>], iteration_bounds = array<i64: 2, 16>, scalar_prefetch = 0 : i64, scratch_operands = 41 : i64, tpu.core_type = #tpu.core_type<sc_vector_subcore>, window_params = [{transform_indices = #map}, {transform_indices = #map1}, {transform_indices = #map1}, {transform_indices = #map}, {transform_indices = #map}]} {
    %mul3A = arith.constant 16 : i32
    %mul3A_0 = arith.muli %arg0, %mul3A : i32
    %add3A = arith.addi %mul3A_0, %arg1 : i32
    %mul3A_1 = arith.constant 640 : i32
    %mul3A_2 = arith.muli %arg1, %mul3A_1 : i32
    %mul3A_3 = arith.constant 640 : i32
    %mul3A_4 = arith.muli %arg1, %mul3A_3 : i32
    "tpu.region"() ({
      %run_scoped3A = tpu.sem_alloc : memref<!tpu.dma_semaphore, #tpu.memory_space<semaphore_mem>>
      %dma_start3A = arith.constant 0 : i32
      %dma_start3A_20 = tpu.memref_slice %arg7[%mul3A_4, %dma_start3A] : memref<10240x32xf32, #tpu.memory_space<vmem_shared>> -> memref<640x32xf32, #tpu.memory_space<vmem_shared>>
      %dma_start3A_21 = arith.constant 0 : i32
      %dma_start3A_22 = tpu.memref_slice %arg5[%mul3A_2, %dma_start3A_21] : memref<10240x32xf32, #tpu.memory_space<hbm>> -> memref<640x32xf32, #tpu.memory_space<hbm>>
      tpu.enqueue_dma source(%dma_start3A_22 : memref<640x32xf32, #tpu.memory_space<hbm>>) target(%dma_start3A_20 : memref<640x32xf32, #tpu.memory_space<vmem_shared>>) target_semaphore(%run_scoped3A : memref<!tpu.dma_semaphore, #tpu.memory_space<semaphore_mem>>)
      %dma_wait3A = arith.constant 0 : i32
      %dma_wait3A_23 = tpu.memref_slice %arg7[%mul3A_4, %dma_wait3A] : memref<10240x32xf32, #tpu.memory_space<vmem_shared>> -> memref<640x32xf32, #tpu.memory_space<vmem_shared>>
      %dma_wait3A_24 = arith.constant 0 : i32
      %dma_wait3A_25 = tpu.memref_slice %arg5[%mul3A_2, %dma_wait3A_24] : memref<10240x32xf32, #tpu.memory_space<hbm>> -> memref<640x32xf32, #tpu.memory_space<hbm>>
      tpu.wait_dma2 semaphore(%run_scoped3A : memref<!tpu.dma_semaphore, #tpu.memory_space<semaphore_mem>>) src(%dma_wait3A_25 : memref<640x32xf32, #tpu.memory_space<hbm>>) dst(%dma_wait3A_23 : memref<640x32xf32, #tpu.memory_space<vmem_shared>>)
      tpu.yield
    }) : () -> ()
    %barrier3A = arith.constant 0 : index
    tpu.barrier barrier_id(%barrier3A)
    %mul3A_5 = arith.constant 5120 : i32
    %mul3A_6 = arith.muli %add3A, %mul3A_5 : i32
    %scan3A = arith.constant 0 : i32
    %scan3A_7 = arith.constant 0 : i32
    %scan3A_8 = arith.constant 5 : i32
    %scan3A_9 = arith.addi %scan3A_7, %scan3A_8 : i32
    %scan3A_10 = arith.constant 1 : i32
    scf.for %scan3A_20 = %scan3A_7 to %scan3A_9 step %scan3A_10  : i32 {
      %mul3A_21 = arith.constant 8 : i32
      %mul3A_22 = arith.muli %mul3A_21, %scan3A_20 : i32
      %mul3A_23 = arith.constant 128 : i32
      %mul3A_24 = arith.muli %mul3A_22, %mul3A_23 : i32
      %add3A_25 = arith.addi %mul3A_6, %mul3A_24 : i32
      %add3A_26 = arith.constant 0 : i32
      %add3A_27 = arith.addi %add3A_25, %add3A_26 : i32
      "tpu.region"() ({
        %run_scoped3A = tpu.sem_alloc : memref<!tpu.dma_semaphore, #tpu.memory_space<semaphore_mem>>
        %dma_start3A_136 = tpu.memref_slice %arg3[%add3A_27] : memref<163840xi32, #tpu.memory_space<hbm>> -> memref<128xi32, #tpu.memory_space<hbm>>
        %dma_start3A_137 = tpu.memref_slice %arg3[%add3A_27] : memref<163840xi32, #tpu.memory_space<hbm>> -> memref<128xi32, #tpu.memory_space<hbm>>
        tpu.enqueue_dma source(%dma_start3A_137 : memref<128xi32, #tpu.memory_space<hbm>>) target(%arg8 : memref<128xi32, #tpu.memory_space<vmem>>) target_semaphore(%run_scoped3A : memref<!tpu.dma_semaphore, #tpu.memory_space<semaphore_mem>>)
        %dma_wait3A_138 = tpu.memref_slice %arg3[%add3A_27] : memref<163840xi32, #tpu.memory_space<hbm>> -> memref<128xi32, #tpu.memory_space<hbm>>
        %dma_wait3A_139 = tpu.memref_slice %arg3[%add3A_27] : memref<163840xi32, #tpu.memory_space<hbm>> -> memref<128xi32, #tpu.memory_space<hbm>>
        tpu.wait_dma2 semaphore(%run_scoped3A : memref<!tpu.dma_semaphore, #tpu.memory_space<semaphore_mem>>) src(%dma_wait3A_139 : memref<128xi32, #tpu.memory_space<hbm>>) dst(%arg8 : memref<128xi32, #tpu.memory_space<vmem>>)
        tpu.yield
      }) : () -> ()
      "tpu.region"() ({
        %run_scoped3A = tpu.sem_alloc : memref<!tpu.dma_semaphore, #tpu.memory_space<semaphore_mem>>
        %dma_start3A_136 = tpu.memref_slice %arg4[%add3A_27] : memref<163840xi32, #tpu.memory_space<hbm>> -> memref<128xi32, #tpu.memory_space<hbm>>
        %dma_start3A_137 = tpu.memref_slice %arg4[%add3A_27] : memref<163840xi32, #tpu.memory_space<hbm>> -> memref<128xi32, #tpu.memory_space<hbm>>
        tpu.enqueue_dma source(%dma_start3A_137 : memref<128xi32, #tpu.memory_space<hbm>>) target(%arg16 : memref<128xi32, #tpu.memory_space<vmem>>) target_semaphore(%run_scoped3A : memref<!tpu.dma_semaphore, #tpu.memory_space<semaphore_mem>>)
        %dma_wait3A_138 = tpu.memref_slice %arg4[%add3A_27] : memref<163840xi32, #tpu.memory_space<hbm>> -> memref<128xi32, #tpu.memory_space<hbm>>
        %dma_wait3A_139 = tpu.memref_slice %arg4[%add3A_27] : memref<163840xi32, #tpu.memory_space<hbm>> -> memref<128xi32, #tpu.memory_space<hbm>>
        tpu.wait_dma2 semaphore(%run_scoped3A : memref<!tpu.dma_semaphore, #tpu.memory_space<semaphore_mem>>) src(%dma_wait3A_139 : memref<128xi32, #tpu.memory_space<hbm>>) dst(%arg16 : memref<128xi32, #tpu.memory_space<vmem>>)
        tpu.yield
      }) : () -> ()
      %dma_start3A = arith.constant 0 : i32
      %dma_start3A_28 = arith.constant 0 : i32
      %dma_start3A_29 = tpu.memref_slice %arg2[%dma_start3A, %dma_start3A_28] : memref<10000x32xf32, #tpu.memory_space<hbm>> -> memref<10000x32xf32, #tpu.memory_space<hbm>>
      tpu.enqueue_indirect_dma source(%dma_start3A_29 : memref<10000x32xf32, #tpu.memory_space<hbm>>) target(%arg24 : memref<128x32xf32, #tpu.memory_space<vmem>>) offsets(%arg8 : memref<128xi32, #tpu.memory_space<vmem>>) semaphore(%arg32 : memref<!tpu.dma_semaphore, #tpu.memory_space<semaphore_mem>>)
      %add3A_30 = arith.constant 128 : i32
      %add3A_31 = arith.addi %add3A_25, %add3A_30 : i32
      "tpu.region"() ({
        %run_scoped3A = tpu.sem_alloc : memref<!tpu.dma_semaphore, #tpu.memory_space<semaphore_mem>>
        %dma_start3A_136 = tpu.memref_slice %arg3[%add3A_31] : memref<163840xi32, #tpu.memory_space<hbm>> -> memref<128xi32, #tpu.memory_space<hbm>>
        %dma_start3A_137 = tpu.memref_slice %arg3[%add3A_31] : memref<163840xi32, #tpu.memory_space<hbm>> -> memref<128xi32, #tpu.memory_space<hbm>>
        tpu.enqueue_dma source(%dma_start3A_137 : memref<128xi32, #tpu.memory_space<hbm>>) target(%arg9 : memref<128xi32, #tpu.memory_space<vmem>>) target_semaphore(%run_scoped3A : memref<!tpu.dma_semaphore, #tpu.memory_space<semaphore_mem>>)
        %dma_wait3A_138 = tpu.memref_slice %arg3[%add3A_31] : memref<163840xi32, #tpu.memory_space<hbm>> -> memref<128xi32, #tpu.memory_space<hbm>>
        %dma_wait3A_139 = tpu.memref_slice %arg3[%add3A_31] : memref<163840xi32, #tpu.memory_space<hbm>> -> memref<128xi32, #tpu.memory_space<hbm>>
        tpu.wait_dma2 semaphore(%run_scoped3A : memref<!tpu.dma_semaphore, #tpu.memory_space<semaphore_mem>>) src(%dma_wait3A_139 : memref<128xi32, #tpu.memory_space<hbm>>) dst(%arg9 : memref<128xi32, #tpu.memory_space<vmem>>)
        tpu.yield
      }) : () -> ()
      "tpu.region"() ({
        %run_scoped3A = tpu.sem_alloc : memref<!tpu.dma_semaphore, #tpu.memory_space<semaphore_mem>>
        %dma_start3A_136 = tpu.memref_slice %arg4[%add3A_31] : memref<163840xi32, #tpu.memory_space<hbm>> -> memref<128xi32, #tpu.memory_space<hbm>>
        %dma_start3A_137 = tpu.memref_slice %arg4[%add3A_31] : memref<163840xi32, #tpu.memory_space<hbm>> -> memref<128xi32, #tpu.memory_space<hbm>>
        tpu.enqueue_dma source(%dma_start3A_137 : memref<128xi32, #tpu.memory_space<hbm>>) target(%arg17 : memref<128xi32, #tpu.memory_space<vmem>>) target_semaphore(%run_scoped3A : memref<!tpu.dma_semaphore, #tpu.memory_space<semaphore_mem>>)
        %dma_wait3A_138 = tpu.memref_slice %arg4[%add3A_31] : memref<163840xi32, #tpu.memory_space<hbm>> -> memref<128xi32, #tpu.memory_space<hbm>>
        %dma_wait3A_139 = tpu.memref_slice %arg4[%add3A_31] : memref<163840xi32, #tpu.memory_space<hbm>> -> memref<128xi32, #tpu.memory_space<hbm>>
        tpu.wait_dma2 semaphore(%run_scoped3A : memref<!tpu.dma_semaphore, #tpu.memory_space<semaphore_mem>>) src(%dma_wait3A_139 : memref<128xi32, #tpu.memory_space<hbm>>) dst(%arg17 : memref<128xi32, #tpu.memory_space<vmem>>)
        tpu.yield
      }) : () -> ()
      %dma_start3A_32 = arith.constant 0 : i32
      %dma_start3A_33 = arith.constant 0 : i32
      %dma_start3A_34 = tpu.memref_slice %arg2[%dma_start3A_32, %dma_start3A_33] : memref<10000x32xf32, #tpu.memory_space<hbm>> -> memref<10000x32xf32, #tpu.memory_space<hbm>>
      tpu.enqueue_indirect_dma source(%dma_start3A_34 : memref<10000x32xf32, #tpu.memory_space<hbm>>) target(%arg25 : memref<128x32xf32, #tpu.memory_space<vmem>>) offsets(%arg9 : memref<128xi32, #tpu.memory_space<vmem>>) semaphore(%arg33 : memref<!tpu.dma_semaphore, #tpu.memory_space<semaphore_mem>>)
      %add3A_35 = arith.constant 256 : i32
      %add3A_36 = arith.addi %add3A_25, %add3A_35 : i32
      "tpu.region"() ({
        %run_scoped3A = tpu.sem_alloc : memref<!tpu.dma_semaphore, #tpu.memory_space<semaphore_mem>>
        %dma_start3A_136 = tpu.memref_slice %arg3[%add3A_36] : memref<163840xi32, #tpu.memory_space<hbm>> -> memref<128xi32, #tpu.memory_space<hbm>>
        %dma_start3A_137 = tpu.memref_slice %arg3[%add3A_36] : memref<163840xi32, #tpu.memory_space<hbm>> -> memref<128xi32, #tpu.memory_space<hbm>>
        tpu.enqueue_dma source(%dma_start3A_137 : memref<128xi32, #tpu.memory_space<hbm>>) target(%arg10 : memref<128xi32, #tpu.memory_space<vmem>>) target_semaphore(%run_scoped3A : memref<!tpu.dma_semaphore, #tpu.memory_space<semaphore_mem>>)
        %dma_wait3A_138 = tpu.memref_slice %arg3[%add3A_36] : memref<163840xi32, #tpu.memory_space<hbm>> -> memref<128xi32, #tpu.memory_space<hbm>>
        %dma_wait3A_139 = tpu.memref_slice %arg3[%add3A_36] : memref<163840xi32, #tpu.memory_space<hbm>> -> memref<128xi32, #tpu.memory_space<hbm>>
        tpu.wait_dma2 semaphore(%run_scoped3A : memref<!tpu.dma_semaphore, #tpu.memory_space<semaphore_mem>>) src(%dma_wait3A_139 : memref<128xi32, #tpu.memory_space<hbm>>) dst(%arg10 : memref<128xi32, #tpu.memory_space<vmem>>)
        tpu.yield
      }) : () -> ()
      "tpu.region"() ({
        %run_scoped3A = tpu.sem_alloc : memref<!tpu.dma_semaphore, #tpu.memory_space<semaphore_mem>>
        %dma_start3A_136 = tpu.memref_slice %arg4[%add3A_36] : memref<163840xi32, #tpu.memory_space<hbm>> -> memref<128xi32, #tpu.memory_space<hbm>>
        %dma_start3A_137 = tpu.memref_slice %arg4[%add3A_36] : memref<163840xi32, #tpu.memory_space<hbm>> -> memref<128xi32, #tpu.memory_space<hbm>>
        tpu.enqueue_dma source(%dma_start3A_137 : memref<128xi32, #tpu.memory_space<hbm>>) target(%arg18 : memref<128xi32, #tpu.memory_space<vmem>>) target_semaphore(%run_scoped3A : memref<!tpu.dma_semaphore, #tpu.memory_space<semaphore_mem>>)
        %dma_wait3A_138 = tpu.memref_slice %arg4[%add3A_36] : memref<163840xi32, #tpu.memory_space<hbm>> -> memref<128xi32, #tpu.memory_space<hbm>>
        %dma_wait3A_139 = tpu.memref_slice %arg4[%add3A_36] : memref<163840xi32, #tpu.memory_space<hbm>> -> memref<128xi32, #tpu.memory_space<hbm>>
        tpu.wait_dma2 semaphore(%run_scoped3A : memref<!tpu.dma_semaphore, #tpu.memory_space<semaphore_mem>>) src(%dma_wait3A_139 : memref<128xi32, #tpu.memory_space<hbm>>) dst(%arg18 : memref<128xi32, #tpu.memory_space<vmem>>)
        tpu.yield
      }) : () -> ()
      %dma_start3A_37 = arith.constant 0 : i32
      %dma_start3A_38 = arith.constant 0 : i32
      %dma_start3A_39 = tpu.memref_slice %arg2[%dma_start3A_37, %dma_start3A_38] : memref<10000x32xf32, #tpu.memory_space<hbm>> -> memref<10000x32xf32, #tpu.memory_space<hbm>>
      tpu.enqueue_indirect_dma source(%dma_start3A_39 : memref<10000x32xf32, #tpu.memory_space<hbm>>) target(%arg26 : memref<128x32xf32, #tpu.memory_space<vmem>>) offsets(%arg10 : memref<128xi32, #tpu.memory_space<vmem>>) semaphore(%arg34 : memref<!tpu.dma_semaphore, #tpu.memory_space<semaphore_mem>>)
      %add3A_40 = arith.constant 384 : i32
      %add3A_41 = arith.addi %add3A_25, %add3A_40 : i32
      "tpu.region"() ({
        %run_scoped3A = tpu.sem_alloc : memref<!tpu.dma_semaphore, #tpu.memory_space<semaphore_mem>>
        %dma_start3A_136 = tpu.memref_slice %arg3[%add3A_41] : memref<163840xi32, #tpu.memory_space<hbm>> -> memref<128xi32, #tpu.memory_space<hbm>>
        %dma_start3A_137 = tpu.memref_slice %arg3[%add3A_41] : memref<163840xi32, #tpu.memory_space<hbm>> -> memref<128xi32, #tpu.memory_space<hbm>>
        tpu.enqueue_dma source(%dma_start3A_137 : memref<128xi32, #tpu.memory_space<hbm>>) target(%arg11 : memref<128xi32, #tpu.memory_space<vmem>>) target_semaphore(%run_scoped3A : memref<!tpu.dma_semaphore, #tpu.memory_space<semaphore_mem>>)
        %dma_wait3A_138 = tpu.memref_slice %arg3[%add3A_41] : memref<163840xi32, #tpu.memory_space<hbm>> -> memref<128xi32, #tpu.memory_space<hbm>>
        %dma_wait3A_139 = tpu.memref_slice %arg3[%add3A_41] : memref<163840xi32, #tpu.memory_space<hbm>> -> memref<128xi32, #tpu.memory_space<hbm>>
        tpu.wait_dma2 semaphore(%run_scoped3A : memref<!tpu.dma_semaphore, #tpu.memory_space<semaphore_mem>>) src(%dma_wait3A_139 : memref<128xi32, #tpu.memory_space<hbm>>) dst(%arg11 : memref<128xi32, #tpu.memory_space<vmem>>)
        tpu.yield
      }) : () -> ()
      "tpu.region"() ({
        %run_scoped3A = tpu.sem_alloc : memref<!tpu.dma_semaphore, #tpu.memory_space<semaphore_mem>>
        %dma_start3A_136 = tpu.memref_slice %arg4[%add3A_41] : memref<163840xi32, #tpu.memory_space<hbm>> -> memref<128xi32, #tpu.memory_space<hbm>>
        %dma_start3A_137 = tpu.memref_slice %arg4[%add3A_41] : memref<163840xi32, #tpu.memory_space<hbm>> -> memref<128xi32, #tpu.memory_space<hbm>>
        tpu.enqueue_dma source(%dma_start3A_137 : memref<128xi32, #tpu.memory_space<hbm>>) target(%arg19 : memref<128xi32, #tpu.memory_space<vmem>>) target_semaphore(%run_scoped3A : memref<!tpu.dma_semaphore, #tpu.memory_space<semaphore_mem>>)
        %dma_wait3A_138 = tpu.memref_slice %arg4[%add3A_41] : memref<163840xi32, #tpu.memory_space<hbm>> -> memref<128xi32, #tpu.memory_space<hbm>>
        %dma_wait3A_139 = tpu.memref_slice %arg4[%add3A_41] : memref<163840xi32, #tpu.memory_space<hbm>> -> memref<128xi32, #tpu.memory_space<hbm>>
        tpu.wait_dma2 semaphore(%run_scoped3A : memref<!tpu.dma_semaphore, #tpu.memory_space<semaphore_mem>>) src(%dma_wait3A_139 : memref<128xi32, #tpu.memory_space<hbm>>) dst(%arg19 : memref<128xi32, #tpu.memory_space<vmem>>)
        tpu.yield
      }) : () -> ()
      %dma_start3A_42 = arith.constant 0 : i32
      %dma_start3A_43 = arith.constant 0 : i32
      %dma_start3A_44 = tpu.memref_slice %arg2[%dma_start3A_42, %dma_start3A_43] : memref<10000x32xf32, #tpu.memory_space<hbm>> -> memref<10000x32xf32, #tpu.memory_space<hbm>>
      tpu.enqueue_indirect_dma source(%dma_start3A_44 : memref<10000x32xf32, #tpu.memory_space<hbm>>) target(%arg27 : memref<128x32xf32, #tpu.memory_space<vmem>>) offsets(%arg11 : memref<128xi32, #tpu.memory_space<vmem>>) semaphore(%arg35 : memref<!tpu.dma_semaphore, #tpu.memory_space<semaphore_mem>>)
      %add3A_45 = arith.constant 512 : i32
      %add3A_46 = arith.addi %add3A_25, %add3A_45 : i32
      "tpu.region"() ({
        %run_scoped3A = tpu.sem_alloc : memref<!tpu.dma_semaphore, #tpu.memory_space<semaphore_mem>>
        %dma_start3A_136 = tpu.memref_slice %arg3[%add3A_46] : memref<163840xi32, #tpu.memory_space<hbm>> -> memref<128xi32, #tpu.memory_space<hbm>>
        %dma_start3A_137 = tpu.memref_slice %arg3[%add3A_46] : memref<163840xi32, #tpu.memory_space<hbm>> -> memref<128xi32, #tpu.memory_space<hbm>>
        tpu.enqueue_dma source(%dma_start3A_137 : memref<128xi32, #tpu.memory_space<hbm>>) target(%arg12 : memref<128xi32, #tpu.memory_space<vmem>>) target_semaphore(%run_scoped3A : memref<!tpu.dma_semaphore, #tpu.memory_space<semaphore_mem>>)
        %dma_wait3A_138 = tpu.memref_slice %arg3[%add3A_46] : memref<163840xi32, #tpu.memory_space<hbm>> -> memref<128xi32, #tpu.memory_space<hbm>>
        %dma_wait3A_139 = tpu.memref_slice %arg3[%add3A_46] : memref<163840xi32, #tpu.memory_space<hbm>> -> memref<128xi32, #tpu.memory_space<hbm>>
        tpu.wait_dma2 semaphore(%run_scoped3A : memref<!tpu.dma_semaphore, #tpu.memory_space<semaphore_mem>>) src(%dma_wait3A_139 : memref<128xi32, #tpu.memory_space<hbm>>) dst(%arg12 : memref<128xi32, #tpu.memory_space<vmem>>)
        tpu.yield
      }) : () -> ()
      "tpu.region"() ({
        %run_scoped3A = tpu.sem_alloc : memref<!tpu.dma_semaphore, #tpu.memory_space<semaphore_mem>>
        %dma_start3A_136 = tpu.memref_slice %arg4[%add3A_46] : memref<163840xi32, #tpu.memory_space<hbm>> -> memref<128xi32, #tpu.memory_space<hbm>>
        %dma_start3A_137 = tpu.memref_slice %arg4[%add3A_46] : memref<163840xi32, #tpu.memory_space<hbm>> -> memref<128xi32, #tpu.memory_space<hbm>>
        tpu.enqueue_dma source(%dma_start3A_137 : memref<128xi32, #tpu.memory_space<hbm>>) target(%arg20 : memref<128xi32, #tpu.memory_space<vmem>>) target_semaphore(%run_scoped3A : memref<!tpu.dma_semaphore, #tpu.memory_space<semaphore_mem>>)
        %dma_wait3A_138 = tpu.memref_slice %arg4[%add3A_46] : memref<163840xi32, #tpu.memory_space<hbm>> -> memref<128xi32, #tpu.memory_space<hbm>>
        %dma_wait3A_139 = tpu.memref_slice %arg4[%add3A_46] : memref<163840xi32, #tpu.memory_space<hbm>> -> memref<128xi32, #tpu.memory_space<hbm>>
        tpu.wait_dma2 semaphore(%run_scoped3A : memref<!tpu.dma_semaphore, #tpu.memory_space<semaphore_mem>>) src(%dma_wait3A_139 : memref<128xi32, #tpu.memory_space<hbm>>) dst(%arg20 : memref<128xi32, #tpu.memory_space<vmem>>)
        tpu.yield
      }) : () -> ()
      %dma_start3A_47 = arith.constant 0 : i32
      %dma_start3A_48 = arith.constant 0 : i32
      %dma_start3A_49 = tpu.memref_slice %arg2[%dma_start3A_47, %dma_start3A_48] : memref<10000x32xf32, #tpu.memory_space<hbm>> -> memref<10000x32xf32, #tpu.memory_space<hbm>>
      tpu.enqueue_indirect_dma source(%dma_start3A_49 : memref<10000x32xf32, #tpu.memory_space<hbm>>) target(%arg28 : memref<128x32xf32, #tpu.memory_space<vmem>>) offsets(%arg12 : memref<128xi32, #tpu.memory_space<vmem>>) semaphore(%arg36 : memref<!tpu.dma_semaphore, #tpu.memory_space<semaphore_mem>>)
      %add3A_50 = arith.constant 640 : i32
      %add3A_51 = arith.addi %add3A_25, %add3A_50 : i32
      "tpu.region"() ({
        %run_scoped3A = tpu.sem_alloc : memref<!tpu.dma_semaphore, #tpu.memory_space<semaphore_mem>>
        %dma_start3A_136 = tpu.memref_slice %arg3[%add3A_51] : memref<163840xi32, #tpu.memory_space<hbm>> -> memref<128xi32, #tpu.memory_space<hbm>>
        %dma_start3A_137 = tpu.memref_slice %arg3[%add3A_51] : memref<163840xi32, #tpu.memory_space<hbm>> -> memref<128xi32, #tpu.memory_space<hbm>>
        tpu.enqueue_dma source(%dma_start3A_137 : memref<128xi32, #tpu.memory_space<hbm>>) target(%arg13 : memref<128xi32, #tpu.memory_space<vmem>>) target_semaphore(%run_scoped3A : memref<!tpu.dma_semaphore, #tpu.memory_space<semaphore_mem>>)
        %dma_wait3A_138 = tpu.memref_slice %arg3[%add3A_51] : memref<163840xi32, #tpu.memory_space<hbm>> -> memref<128xi32, #tpu.memory_space<hbm>>
        %dma_wait3A_139 = tpu.memref_slice %arg3[%add3A_51] : memref<163840xi32, #tpu.memory_space<hbm>> -> memref<128xi32, #tpu.memory_space<hbm>>
        tpu.wait_dma2 semaphore(%run_scoped3A : memref<!tpu.dma_semaphore, #tpu.memory_space<semaphore_mem>>) src(%dma_wait3A_139 : memref<128xi32, #tpu.memory_space<hbm>>) dst(%arg13 : memref<128xi32, #tpu.memory_space<vmem>>)
        tpu.yield
      }) : () -> ()
      "tpu.region"() ({
        %run_scoped3A = tpu.sem_alloc : memref<!tpu.dma_semaphore, #tpu.memory_space<semaphore_mem>>
        %dma_start3A_136 = tpu.memref_slice %arg4[%add3A_51] : memref<163840xi32, #tpu.memory_space<hbm>> -> memref<128xi32, #tpu.memory_space<hbm>>
        %dma_start3A_137 = tpu.memref_slice %arg4[%add3A_51] : memref<163840xi32, #tpu.memory_space<hbm>> -> memref<128xi32, #tpu.memory_space<hbm>>
        tpu.enqueue_dma source(%dma_start3A_137 : memref<128xi32, #tpu.memory_space<hbm>>) target(%arg21 : memref<128xi32, #tpu.memory_space<vmem>>) target_semaphore(%run_scoped3A : memref<!tpu.dma_semaphore, #tpu.memory_space<semaphore_mem>>)
        %dma_wait3A_138 = tpu.memref_slice %arg4[%add3A_51] : memref<163840xi32, #tpu.memory_space<hbm>> -> memref<128xi32, #tpu.memory_space<hbm>>
        %dma_wait3A_139 = tpu.memref_slice %arg4[%add3A_51] : memref<163840xi32, #tpu.memory_space<hbm>> -> memref<128xi32, #tpu.memory_space<hbm>>
        tpu.wait_dma2 semaphore(%run_scoped3A : memref<!tpu.dma_semaphore, #tpu.memory_space<semaphore_mem>>) src(%dma_wait3A_139 : memref<128xi32, #tpu.memory_space<hbm>>) dst(%arg21 : memref<128xi32, #tpu.memory_space<vmem>>)
        tpu.yield
      }) : () -> ()
      %dma_start3A_52 = arith.constant 0 : i32
      %dma_start3A_53 = arith.constant 0 : i32
      %dma_start3A_54 = tpu.memref_slice %arg2[%dma_start3A_52, %dma_start3A_53] : memref<10000x32xf32, #tpu.memory_space<hbm>> -> memref<10000x32xf32, #tpu.memory_space<hbm>>
      tpu.enqueue_indirect_dma source(%dma_start3A_54 : memref<10000x32xf32, #tpu.memory_space<hbm>>) target(%arg29 : memref<128x32xf32, #tpu.memory_space<vmem>>) offsets(%arg13 : memref<128xi32, #tpu.memory_space<vmem>>) semaphore(%arg37 : memref<!tpu.dma_semaphore, #tpu.memory_space<semaphore_mem>>)
      %add3A_55 = arith.constant 768 : i32
      %add3A_56 = arith.addi %add3A_25, %add3A_55 : i32
      "tpu.region"() ({
        %run_scoped3A = tpu.sem_alloc : memref<!tpu.dma_semaphore, #tpu.memory_space<semaphore_mem>>
        %dma_start3A_136 = tpu.memref_slice %arg3[%add3A_56] : memref<163840xi32, #tpu.memory_space<hbm>> -> memref<128xi32, #tpu.memory_space<hbm>>
        %dma_start3A_137 = tpu.memref_slice %arg3[%add3A_56] : memref<163840xi32, #tpu.memory_space<hbm>> -> memref<128xi32, #tpu.memory_space<hbm>>
        tpu.enqueue_dma source(%dma_start3A_137 : memref<128xi32, #tpu.memory_space<hbm>>) target(%arg14 : memref<128xi32, #tpu.memory_space<vmem>>) target_semaphore(%run_scoped3A : memref<!tpu.dma_semaphore, #tpu.memory_space<semaphore_mem>>)
        %dma_wait3A_138 = tpu.memref_slice %arg3[%add3A_56] : memref<163840xi32, #tpu.memory_space<hbm>> -> memref<128xi32, #tpu.memory_space<hbm>>
        %dma_wait3A_139 = tpu.memref_slice %arg3[%add3A_56] : memref<163840xi32, #tpu.memory_space<hbm>> -> memref<128xi32, #tpu.memory_space<hbm>>
        tpu.wait_dma2 semaphore(%run_scoped3A : memref<!tpu.dma_semaphore, #tpu.memory_space<semaphore_mem>>) src(%dma_wait3A_139 : memref<128xi32, #tpu.memory_space<hbm>>) dst(%arg14 : memref<128xi32, #tpu.memory_space<vmem>>)
        tpu.yield
      }) : () -> ()
      "tpu.region"() ({
        %run_scoped3A = tpu.sem_alloc : memref<!tpu.dma_semaphore, #tpu.memory_space<semaphore_mem>>
        %dma_start3A_136 = tpu.memref_slice %arg4[%add3A_56] : memref<163840xi32, #tpu.memory_space<hbm>> -> memref<128xi32, #tpu.memory_space<hbm>>
        %dma_start3A_137 = tpu.memref_slice %arg4[%add3A_56] : memref<163840xi32, #tpu.memory_space<hbm>> -> memref<128xi32, #tpu.memory_space<hbm>>
        tpu.enqueue_dma source(%dma_start3A_137 : memref<128xi32, #tpu.memory_space<hbm>>) target(%arg22 : memref<128xi32, #tpu.memory_space<vmem>>) target_semaphore(%run_scoped3A : memref<!tpu.dma_semaphore, #tpu.memory_space<semaphore_mem>>)
        %dma_wait3A_138 = tpu.memref_slice %arg4[%add3A_56] : memref<163840xi32, #tpu.memory_space<hbm>> -> memref<128xi32, #tpu.memory_space<hbm>>
        %dma_wait3A_139 = tpu.memref_slice %arg4[%add3A_56] : memref<163840xi32, #tpu.memory_space<hbm>> -> memref<128xi32, #tpu.memory_space<hbm>>
        tpu.wait_dma2 semaphore(%run_scoped3A : memref<!tpu.dma_semaphore, #tpu.memory_space<semaphore_mem>>) src(%dma_wait3A_139 : memref<128xi32, #tpu.memory_space<hbm>>) dst(%arg22 : memref<128xi32, #tpu.memory_space<vmem>>)
        tpu.yield
      }) : () -> ()
      %dma_start3A_57 = arith.constant 0 : i32
      %dma_start3A_58 = arith.constant 0 : i32
      %dma_start3A_59 = tpu.memref_slice %arg2[%dma_start3A_57, %dma_start3A_58] : memref<10000x32xf32, #tpu.memory_space<hbm>> -> memref<10000x32xf32, #tpu.memory_space<hbm>>
      tpu.enqueue_indirect_dma source(%dma_start3A_59 : memref<10000x32xf32, #tpu.memory_space<hbm>>) target(%arg30 : memref<128x32xf32, #tpu.memory_space<vmem>>) offsets(%arg14 : memref<128xi32, #tpu.memory_space<vmem>>) semaphore(%arg38 : memref<!tpu.dma_semaphore, #tpu.memory_space<semaphore_mem>>)
      %add3A_60 = arith.constant 896 : i32
      %add3A_61 = arith.addi %add3A_25, %add3A_60 : i32
      "tpu.region"() ({
        %run_scoped3A = tpu.sem_alloc : memref<!tpu.dma_semaphore, #tpu.memory_space<semaphore_mem>>
        %dma_start3A_136 = tpu.memref_slice %arg3[%add3A_61] : memref<163840xi32, #tpu.memory_space<hbm>> -> memref<128xi32, #tpu.memory_space<hbm>>
        %dma_start3A_137 = tpu.memref_slice %arg3[%add3A_61] : memref<163840xi32, #tpu.memory_space<hbm>> -> memref<128xi32, #tpu.memory_space<hbm>>
        tpu.enqueue_dma source(%dma_start3A_137 : memref<128xi32, #tpu.memory_space<hbm>>) target(%arg15 : memref<128xi32, #tpu.memory_space<vmem>>) target_semaphore(%run_scoped3A : memref<!tpu.dma_semaphore, #tpu.memory_space<semaphore_mem>>)
        %dma_wait3A_138 = tpu.memref_slice %arg3[%add3A_61] : memref<163840xi32, #tpu.memory_space<hbm>> -> memref<128xi32, #tpu.memory_space<hbm>>
        %dma_wait3A_139 = tpu.memref_slice %arg3[%add3A_61] : memref<163840xi32, #tpu.memory_space<hbm>> -> memref<128xi32, #tpu.memory_space<hbm>>
        tpu.wait_dma2 semaphore(%run_scoped3A : memref<!tpu.dma_semaphore, #tpu.memory_space<semaphore_mem>>) src(%dma_wait3A_139 : memref<128xi32, #tpu.memory_space<hbm>>) dst(%arg15 : memref<128xi32, #tpu.memory_space<vmem>>)
        tpu.yield
      }) : () -> ()
      "tpu.region"() ({
        %run_scoped3A = tpu.sem_alloc : memref<!tpu.dma_semaphore, #tpu.memory_space<semaphore_mem>>
        %dma_start3A_136 = tpu.memref_slice %arg4[%add3A_61] : memref<163840xi32, #tpu.memory_space<hbm>> -> memref<128xi32, #tpu.memory_space<hbm>>
        %dma_start3A_137 = tpu.memref_slice %arg4[%add3A_61] : memref<163840xi32, #tpu.memory_space<hbm>> -> memref<128xi32, #tpu.memory_space<hbm>>
        tpu.enqueue_dma source(%dma_start3A_137 : memref<128xi32, #tpu.memory_space<hbm>>) target(%arg23 : memref<128xi32, #tpu.memory_space<vmem>>) target_semaphore(%run_scoped3A : memref<!tpu.dma_semaphore, #tpu.memory_space<semaphore_mem>>)
        %dma_wait3A_138 = tpu.memref_slice %arg4[%add3A_61] : memref<163840xi32, #tpu.memory_space<hbm>> -> memref<128xi32, #tpu.memory_space<hbm>>
        %dma_wait3A_139 = tpu.memref_slice %arg4[%add3A_61] : memref<163840xi32, #tpu.memory_space<hbm>> -> memref<128xi32, #tpu.memory_space<hbm>>
        tpu.wait_dma2 semaphore(%run_scoped3A : memref<!tpu.dma_semaphore, #tpu.memory_space<semaphore_mem>>) src(%dma_wait3A_139 : memref<128xi32, #tpu.memory_space<hbm>>) dst(%arg23 : memref<128xi32, #tpu.memory_space<vmem>>)
        tpu.yield
      }) : () -> ()
      %dma_start3A_62 = arith.constant 0 : i32
      %dma_start3A_63 = arith.constant 0 : i32
      %dma_start3A_64 = tpu.memref_slice %arg2[%dma_start3A_62, %dma_start3A_63] : memref<10000x32xf32, #tpu.memory_space<hbm>> -> memref<10000x32xf32, #tpu.memory_space<hbm>>
      tpu.enqueue_indirect_dma source(%dma_start3A_64 : memref<10000x32xf32, #tpu.memory_space<hbm>>) target(%arg31 : memref<128x32xf32, #tpu.memory_space<vmem>>) offsets(%arg15 : memref<128xi32, #tpu.memory_space<vmem>>) semaphore(%arg39 : memref<!tpu.dma_semaphore, #tpu.memory_space<semaphore_mem>>)
      %dma_wait3A = arith.constant 0 : i32
      %dma_wait3A_65 = arith.constant 0 : i32
      %dma_wait3A_66 = tpu.memref_slice %arg2[%dma_wait3A, %dma_wait3A_65] : memref<10000x32xf32, #tpu.memory_space<hbm>> -> memref<10000x32xf32, #tpu.memory_space<hbm>>
      tpu.wait_indirect_dma semaphore(%arg32 : memref<!tpu.dma_semaphore, #tpu.memory_space<semaphore_mem>>) src(%dma_wait3A_66 : memref<10000x32xf32, #tpu.memory_space<hbm>>) dst(%arg24 : memref<128x32xf32, #tpu.memory_space<vmem>>)
      %dma_start3A_67 = arith.constant 0 : i32
      %dma_start3A_68 = arith.constant 0 : i32
      %dma_start3A_69 = tpu.memref_slice %arg7[%dma_start3A_67, %dma_start3A_68] : memref<10240x32xf32, #tpu.memory_space<vmem_shared>> -> memref<10240x32xf32, #tpu.memory_space<vmem_shared>>
      tpu.enqueue_indirect_dma source(%arg24 : memref<128x32xf32, #tpu.memory_space<vmem>>) target(%dma_start3A_69 : memref<10240x32xf32, #tpu.memory_space<vmem_shared>>) offsets(%arg16 : memref<128xi32, #tpu.memory_space<vmem>>) semaphore(%arg40 : memref<!tpu.dma_semaphore, #tpu.memory_space<semaphore_mem>>) {add = true}
      %dma_wait3A_70 = arith.constant 0 : i32
      %dma_wait3A_71 = arith.constant 0 : i32
      %dma_wait3A_72 = tpu.memref_slice %arg2[%dma_wait3A_70, %dma_wait3A_71] : memref<10000x32xf32, #tpu.memory_space<hbm>> -> memref<10000x32xf32, #tpu.memory_space<hbm>>
      tpu.wait_indirect_dma semaphore(%arg33 : memref<!tpu.dma_semaphore, #tpu.memory_space<semaphore_mem>>) src(%dma_wait3A_72 : memref<10000x32xf32, #tpu.memory_space<hbm>>) dst(%arg25 : memref<128x32xf32, #tpu.memory_space<vmem>>)
      %dma_start3A_73 = arith.constant 0 : i32
      %dma_start3A_74 = arith.constant 0 : i32
      %dma_start3A_75 = tpu.memref_slice %arg7[%dma_start3A_73, %dma_start3A_74] : memref<10240x32xf32, #tpu.memory_space<vmem_shared>> -> memref<10240x32xf32, #tpu.memory_space<vmem_shared>>
      tpu.enqueue_indirect_dma source(%arg25 : memref<128x32xf32, #tpu.memory_space<vmem>>) target(%dma_start3A_75 : memref<10240x32xf32, #tpu.memory_space<vmem_shared>>) offsets(%arg17 : memref<128xi32, #tpu.memory_space<vmem>>) semaphore(%arg41 : memref<!tpu.dma_semaphore, #tpu.memory_space<semaphore_mem>>) {add = true}
      %dma_wait3A_76 = arith.constant 0 : i32
      %dma_wait3A_77 = arith.constant 0 : i32
      %dma_wait3A_78 = tpu.memref_slice %arg2[%dma_wait3A_76, %dma_wait3A_77] : memref<10000x32xf32, #tpu.memory_space<hbm>> -> memref<10000x32xf32, #tpu.memory_space<hbm>>
      tpu.wait_indirect_dma semaphore(%arg34 : memref<!tpu.dma_semaphore, #tpu.memory_space<semaphore_mem>>) src(%dma_wait3A_78 : memref<10000x32xf32, #tpu.memory_space<hbm>>) dst(%arg26 : memref<128x32xf32, #tpu.memory_space<vmem>>)
      %dma_start3A_79 = arith.constant 0 : i32
      %dma_start3A_80 = arith.constant 0 : i32
      %dma_start3A_81 = tpu.memref_slice %arg7[%dma_start3A_79, %dma_start3A_80] : memref<10240x32xf32, #tpu.memory_space<vmem_shared>> -> memref<10240x32xf32, #tpu.memory_space<vmem_shared>>
      tpu.enqueue_indirect_dma source(%arg26 : memref<128x32xf32, #tpu.memory_space<vmem>>) target(%dma_start3A_81 : memref<10240x32xf32, #tpu.memory_space<vmem_shared>>) offsets(%arg18 : memref<128xi32, #tpu.memory_space<vmem>>) semaphore(%arg42 : memref<!tpu.dma_semaphore, #tpu.memory_space<semaphore_mem>>) {add = true}
      %dma_wait3A_82 = arith.constant 0 : i32
      %dma_wait3A_83 = arith.constant 0 : i32
      %dma_wait3A_84 = tpu.memref_slice %arg2[%dma_wait3A_82, %dma_wait3A_83] : memref<10000x32xf32, #tpu.memory_space<hbm>> -> memref<10000x32xf32, #tpu.memory_space<hbm>>
      tpu.wait_indirect_dma semaphore(%arg35 : memref<!tpu.dma_semaphore, #tpu.memory_space<semaphore_mem>>) src(%dma_wait3A_84 : memref<10000x32xf32, #tpu.memory_space<hbm>>) dst(%arg27 : memref<128x32xf32, #tpu.memory_space<vmem>>)
      %dma_start3A_85 = arith.constant 0 : i32
      %dma_start3A_86 = arith.constant 0 : i32
      %dma_start3A_87 = tpu.memref_slice %arg7[%dma_start3A_85, %dma_start3A_86] : memref<10240x32xf32, #tpu.memory_space<vmem_shared>> -> memref<10240x32xf32, #tpu.memory_space<vmem_shared>>
      tpu.enqueue_indirect_dma source(%arg27 : memref<128x32xf32, #tpu.memory_space<vmem>>) target(%dma_start3A_87 : memref<10240x32xf32, #tpu.memory_space<vmem_shared>>) offsets(%arg19 : memref<128xi32, #tpu.memory_space<vmem>>) semaphore(%arg43 : memref<!tpu.dma_semaphore, #tpu.memory_space<semaphore_mem>>) {add = true}
      %dma_wait3A_88 = arith.constant 0 : i32
      %dma_wait3A_89 = arith.constant 0 : i32
      %dma_wait3A_90 = tpu.memref_slice %arg2[%dma_wait3A_88, %dma_wait3A_89] : memref<10000x32xf32, #tpu.memory_space<hbm>> -> memref<10000x32xf32, #tpu.memory_space<hbm>>
      tpu.wait_indirect_dma semaphore(%arg36 : memref<!tpu.dma_semaphore, #tpu.memory_space<semaphore_mem>>) src(%dma_wait3A_90 : memref<10000x32xf32, #tpu.memory_space<hbm>>) dst(%arg28 : memref<128x32xf32, #tpu.memory_space<vmem>>)
      %dma_start3A_91 = arith.constant 0 : i32
      %dma_start3A_92 = arith.constant 0 : i32
      %dma_start3A_93 = tpu.memref_slice %arg7[%dma_start3A_91, %dma_start3A_92] : memref<10240x32xf32, #tpu.memory_space<vmem_shared>> -> memref<10240x32xf32, #tpu.memory_space<vmem_shared>>
      tpu.enqueue_indirect_dma source(%arg28 : memref<128x32xf32, #tpu.memory_space<vmem>>) target(%dma_start3A_93 : memref<10240x32xf32, #tpu.memory_space<vmem_shared>>) offsets(%arg20 : memref<128xi32, #tpu.memory_space<vmem>>) semaphore(%arg44 : memref<!tpu.dma_semaphore, #tpu.memory_space<semaphore_mem>>) {add = true}
      %dma_wait3A_94 = arith.constant 0 : i32
      %dma_wait3A_95 = arith.constant 0 : i32
      %dma_wait3A_96 = tpu.memref_slice %arg2[%dma_wait3A_94, %dma_wait3A_95] : memref<10000x32xf32, #tpu.memory_space<hbm>> -> memref<10000x32xf32, #tpu.memory_space<hbm>>
      tpu.wait_indirect_dma semaphore(%arg37 : memref<!tpu.dma_semaphore, #tpu.memory_space<semaphore_mem>>) src(%dma_wait3A_96 : memref<10000x32xf32, #tpu.memory_space<hbm>>) dst(%arg29 : memref<128x32xf32, #tpu.memory_space<vmem>>)
      %dma_start3A_97 = arith.constant 0 : i32
      %dma_start3A_98 = arith.constant 0 : i32
      %dma_start3A_99 = tpu.memref_slice %arg7[%dma_start3A_97, %dma_start3A_98] : memref<10240x32xf32, #tpu.memory_space<vmem_shared>> -> memref<10240x32xf32, #tpu.memory_space<vmem_shared>>
      tpu.enqueue_indirect_dma source(%arg29 : memref<128x32xf32, #tpu.memory_space<vmem>>) target(%dma_start3A_99 : memref<10240x32xf32, #tpu.memory_space<vmem_shared>>) offsets(%arg21 : memref<128xi32, #tpu.memory_space<vmem>>) semaphore(%arg45 : memref<!tpu.dma_semaphore, #tpu.memory_space<semaphore_mem>>) {add = true}
      %dma_wait3A_100 = arith.constant 0 : i32
      %dma_wait3A_101 = arith.constant 0 : i32
      %dma_wait3A_102 = tpu.memref_slice %arg2[%dma_wait3A_100, %dma_wait3A_101] : memref<10000x32xf32, #tpu.memory_space<hbm>> -> memref<10000x32xf32, #tpu.memory_space<hbm>>
      tpu.wait_indirect_dma semaphore(%arg38 : memref<!tpu.dma_semaphore, #tpu.memory_space<semaphore_mem>>) src(%dma_wait3A_102 : memref<10000x32xf32, #tpu.memory_space<hbm>>) dst(%arg30 : memref<128x32xf32, #tpu.memory_space<vmem>>)
      %dma_start3A_103 = arith.constant 0 : i32
      %dma_start3A_104 = arith.constant 0 : i32
      %dma_start3A_105 = tpu.memref_slice %arg7[%dma_start3A_103, %dma_start3A_104] : memref<10240x32xf32, #tpu.memory_space<vmem_shared>> -> memref<10240x32xf32, #tpu.memory_space<vmem_shared>>
      tpu.enqueue_indirect_dma source(%arg30 : memref<128x32xf32, #tpu.memory_space<vmem>>) target(%dma_start3A_105 : memref<10240x32xf32, #tpu.memory_space<vmem_shared>>) offsets(%arg22 : memref<128xi32, #tpu.memory_space<vmem>>) semaphore(%arg46 : memref<!tpu.dma_semaphore, #tpu.memory_space<semaphore_mem>>) {add = true}
      %dma_wait3A_106 = arith.constant 0 : i32
      %dma_wait3A_107 = arith.constant 0 : i32
      %dma_wait3A_108 = tpu.memref_slice %arg2[%dma_wait3A_106, %dma_wait3A_107] : memref<10000x32xf32, #tpu.memory_space<hbm>> -> memref<10000x32xf32, #tpu.memory_space<hbm>>
      tpu.wait_indirect_dma semaphore(%arg39 : memref<!tpu.dma_semaphore, #tpu.memory_space<semaphore_mem>>) src(%dma_wait3A_108 : memref<10000x32xf32, #tpu.memory_space<hbm>>) dst(%arg31 : memref<128x32xf32, #tpu.memory_space<vmem>>)
      %dma_start3A_109 = arith.constant 0 : i32
      %dma_start3A_110 = arith.constant 0 : i32
      %dma_start3A_111 = tpu.memref_slice %arg7[%dma_start3A_109, %dma_start3A_110] : memref<10240x32xf32, #tpu.memory_space<vmem_shared>> -> memref<10240x32xf32, #tpu.memory_space<vmem_shared>>
      tpu.enqueue_indirect_dma source(%arg31 : memref<128x32xf32, #tpu.memory_space<vmem>>) target(%dma_start3A_111 : memref<10240x32xf32, #tpu.memory_space<vmem_shared>>) offsets(%arg23 : memref<128xi32, #tpu.memory_space<vmem>>) semaphore(%arg47 : memref<!tpu.dma_semaphore, #tpu.memory_space<semaphore_mem>>) {add = true}
      %dma_wait3A_112 = arith.constant 0 : i32
      %dma_wait3A_113 = arith.constant 0 : i32
      %dma_wait3A_114 = tpu.memref_slice %arg7[%dma_wait3A_112, %dma_wait3A_113] : memref<10240x32xf32, #tpu.memory_space<vmem_shared>> -> memref<10240x32xf32, #tpu.memory_space<vmem_shared>>
      tpu.wait_indirect_dma semaphore(%arg40 : memref<!tpu.dma_semaphore, #tpu.memory_space<semaphore_mem>>) src(%arg24 : memref<128x32xf32, #tpu.memory_space<vmem>>) dst(%dma_wait3A_114 : memref<10240x32xf32, #tpu.memory_space<vmem_shared>>)
      %dma_wait3A_115 = arith.constant 0 : i32
      %dma_wait3A_116 = arith.constant 0 : i32
      %dma_wait3A_117 = tpu.memref_slice %arg7[%dma_wait3A_115, %dma_wait3A_116] : memref<10240x32xf32, #tpu.memory_space<vmem_shared>> -> memref<10240x32xf32, #tpu.memory_space<vmem_shared>>
      tpu.wait_indirect_dma semaphore(%arg41 : memref<!tpu.dma_semaphore, #tpu.memory_space<semaphore_mem>>) src(%arg25 : memref<128x32xf32, #tpu.memory_space<vmem>>) dst(%dma_wait3A_117 : memref<10240x32xf32, #tpu.memory_space<vmem_shared>>)
      %dma_wait3A_118 = arith.constant 0 : i32
      %dma_wait3A_119 = arith.constant 0 : i32
      %dma_wait3A_120 = tpu.memref_slice %arg7[%dma_wait3A_118, %dma_wait3A_119] : memref<10240x32xf32, #tpu.memory_space<vmem_shared>> -> memref<10240x32xf32, #tpu.memory_space<vmem_shared>>
      tpu.wait_indirect_dma semaphore(%arg42 : memref<!tpu.dma_semaphore, #tpu.memory_space<semaphore_mem>>) src(%arg26 : memref<128x32xf32, #tpu.memory_space<vmem>>) dst(%dma_wait3A_120 : memref<10240x32xf32, #tpu.memory_space<vmem_shared>>)
      %dma_wait3A_121 = arith.constant 0 : i32
      %dma_wait3A_122 = arith.constant 0 : i32
      %dma_wait3A_123 = tpu.memref_slice %arg7[%dma_wait3A_121, %dma_wait3A_122] : memref<10240x32xf32, #tpu.memory_space<vmem_shared>> -> memref<10240x32xf32, #tpu.memory_space<vmem_shared>>
      tpu.wait_indirect_dma semaphore(%arg43 : memref<!tpu.dma_semaphore, #tpu.memory_space<semaphore_mem>>) src(%arg27 : memref<128x32xf32, #tpu.memory_space<vmem>>) dst(%dma_wait3A_123 : memref<10240x32xf32, #tpu.memory_space<vmem_shared>>)
      %dma_wait3A_124 = arith.constant 0 : i32
      %dma_wait3A_125 = arith.constant 0 : i32
      %dma_wait3A_126 = tpu.memref_slice %arg7[%dma_wait3A_124, %dma_wait3A_125] : memref<10240x32xf32, #tpu.memory_space<vmem_shared>> -> memref<10240x32xf32, #tpu.memory_space<vmem_shared>>
      tpu.wait_indirect_dma semaphore(%arg44 : memref<!tpu.dma_semaphore, #tpu.memory_space<semaphore_mem>>) src(%arg28 : memref<128x32xf32, #tpu.memory_space<vmem>>) dst(%dma_wait3A_126 : memref<10240x32xf32, #tpu.memory_space<vmem_shared>>)
      %dma_wait3A_127 = arith.constant 0 : i32
      %dma_wait3A_128 = arith.constant 0 : i32
      %dma_wait3A_129 = tpu.memref_slice %arg7[%dma_wait3A_127, %dma_wait3A_128] : memref<10240x32xf32, #tpu.memory_space<vmem_shared>> -> memref<10240x32xf32, #tpu.memory_space<vmem_shared>>
      tpu.wait_indirect_dma semaphore(%arg45 : memref<!tpu.dma_semaphore, #tpu.memory_space<semaphore_mem>>) src(%arg29 : memref<128x32xf32, #tpu.memory_space<vmem>>) dst(%dma_wait3A_129 : memref<10240x32xf32, #tpu.memory_space<vmem_shared>>)
      %dma_wait3A_130 = arith.constant 0 : i32
      %dma_wait3A_131 = arith.constant 0 : i32
      %dma_wait3A_132 = tpu.memref_slice %arg7[%dma_wait3A_130, %dma_wait3A_131] : memref<10240x32xf32, #tpu.memory_space<vmem_shared>> -> memref<10240x32xf32, #tpu.memory_space<vmem_shared>>
      tpu.wait_indirect_dma semaphore(%arg46 : memref<!tpu.dma_semaphore, #tpu.memory_space<semaphore_mem>>) src(%arg30 : memref<128x32xf32, #tpu.memory_space<vmem>>) dst(%dma_wait3A_132 : memref<10240x32xf32, #tpu.memory_space<vmem_shared>>)
      %dma_wait3A_133 = arith.constant 0 : i32
      %dma_wait3A_134 = arith.constant 0 : i32
      %dma_wait3A_135 = tpu.memref_slice %arg7[%dma_wait3A_133, %dma_wait3A_134] : memref<10240x32xf32, #tpu.memory_space<vmem_shared>> -> memref<10240x32xf32, #tpu.memory_space<vmem_shared>>
      tpu.wait_indirect_dma semaphore(%arg47 : memref<!tpu.dma_semaphore, #tpu.memory_space<semaphore_mem>>) src(%arg31 : memref<128x32xf32, #tpu.memory_space<vmem>>) dst(%dma_wait3A_135 : memref<10240x32xf32, #tpu.memory_space<vmem_shared>>)
    }
    %scan3A_11 = arith.constant 5 : i32
    %barrier3A_12 = arith.constant 0 : index
    tpu.barrier barrier_id(%barrier3A_12)
    %mul3A_13 = arith.constant 640 : i32
    %mul3A_14 = arith.muli %arg1, %mul3A_13 : i32
    %mul3A_15 = arith.constant 10240 : i32
    %mul3A_16 = arith.muli %arg0, %mul3A_15 : i32
    %mul3A_17 = arith.constant 640 : i32
    %mul3A_18 = arith.muli %arg1, %mul3A_17 : i32
    %add3A_19 = arith.addi %mul3A_16, %mul3A_18 : i32
    "tpu.region"() ({
      %run_scoped3A = tpu.sem_alloc : memref<!tpu.dma_semaphore, #tpu.memory_space<semaphore_mem>>
      %dma_start3A = arith.constant 0 : i32
      %dma_start3A_20 = tpu.memref_slice %arg6[%add3A_19, %dma_start3A] : memref<20480x32xf32, #tpu.memory_space<hbm>> -> memref<640x32xf32, #tpu.memory_space<hbm>>
      %dma_start3A_21 = arith.constant 0 : i32
      %dma_start3A_22 = tpu.memref_slice %arg7[%mul3A_14, %dma_start3A_21] : memref<10240x32xf32, #tpu.memory_space<vmem_shared>> -> memref<640x32xf32, #tpu.memory_space<vmem_shared>>
      tpu.enqueue_dma source(%dma_start3A_22 : memref<640x32xf32, #tpu.memory_space<vmem_shared>>) target(%dma_start3A_20 : memref<640x32xf32, #tpu.memory_space<hbm>>) target_semaphore(%run_scoped3A : memref<!tpu.dma_semaphore, #tpu.memory_space<semaphore_mem>>)
      %dma_wait3A = arith.constant 0 : i32
      %dma_wait3A_23 = tpu.memref_slice %arg6[%add3A_19, %dma_wait3A] : memref<20480x32xf32, #tpu.memory_space<hbm>> -> memref<640x32xf32, #tpu.memory_space<hbm>>
      %dma_wait3A_24 = arith.constant 0 : i32
      %dma_wait3A_25 = tpu.memref_slice %arg7[%mul3A_14, %dma_wait3A_24] : memref<10240x32xf32, #tpu.memory_space<vmem_shared>> -> memref<640x32xf32, #tpu.memory_space<vmem_shared>>
      tpu.wait_dma2 semaphore(%run_scoped3A : memref<!tpu.dma_semaphore, #tpu.memory_space<semaphore_mem>>) src(%dma_wait3A_25 : memref<640x32xf32, #tpu.memory_space<vmem_shared>>) dst(%dma_wait3A_23 : memref<640x32xf32, #tpu.memory_space<hbm>>)
      tpu.yield
    }) : () -> ()
    return
  }
}

#map = affine_map<(d0, d1) -> (0, 0)>
#map1 = affine_map<(d0, d1) -> (0)>
module attributes {stable_mosaic.version = 14 : i64} {
  func.func @k(%arg0: i32, %arg1: i32, %arg2: memref<10000x32xf32, #tpu.memory_space<hbm>>, %arg3: memref<163840xi32, #tpu.memory_space<hbm>>, %arg4: memref<163840xi32, #tpu.memory_space<hbm>>, %arg5: memref<10240x32xf32, #tpu.memory_space<hbm>>, %arg6: memref<20480x32xf32, #tpu.memory_space<hbm>>, %arg7: memref<10240x32xf32, #tpu.memory_space<vmem_shared>>, %arg8: memref<128xi32, #tpu.memory_space<vmem>>, %arg9: memref<128xi32, #tpu.memory_space<vmem>>, %arg10: memref<128xi32, #tpu.memory_space<vmem>>, %arg11: memref<128xi32, #tpu.memory_space<vmem>>, %arg12: memref<128xi32, #tpu.memory_space<vmem>>, %arg13: memref<128xi32, #tpu.memory_space<vmem>>, %arg14: memref<128xi32, #tpu.memory_space<vmem>>, %arg15: memref<128xi32, #tpu.memory_space<vmem>>, %arg16: memref<128xi32, #tpu.memory_space<vmem>>, %arg17: memref<128xi32, #tpu.memory_space<vmem>>, %arg18: memref<128xi32, #tpu.memory_space<vmem>>, %arg19: memref<128xi32, #tpu.memory_space<vmem>>, %arg20: memref<128xi32, #tpu.memory_space<vmem>>, %arg21: memref<128xi32, #tpu.memory_space<vmem>>, %arg22: memref<128xi32, #tpu.memory_space<vmem>>, %arg23: memref<128xi32, #tpu.memory_space<vmem>>, %arg24: memref<128x32xf32, #tpu.memory_space<vmem>>, %arg25: memref<128x32xf32, #tpu.memory_space<vmem>>, %arg26: memref<128x32xf32, #tpu.memory_space<vmem>>, %arg27: memref<128x32xf32, #tpu.memory_space<vmem>>, %arg28: memref<128x32xf32, #tpu.memory_space<vmem>>, %arg29: memref<128x32xf32, #tpu.memory_space<vmem>>, %arg30: memref<128x32xf32, #tpu.memory_space<vmem>>, %arg31: memref<128x32xf32, #tpu.memory_space<vmem>>, %arg32: memref<!tpu.dma_semaphore, #tpu.memory_space<semaphore_mem>>, %arg33: memref<!tpu.dma_semaphore, #tpu.memory_space<semaphore_mem>>, %arg34: memref<!tpu.dma_semaphore, #tpu.memory_space<semaphore_mem>>, %arg35: memref<!tpu.dma_semaphore, #tpu.memory_space<semaphore_mem>>, %arg36: memref<!tpu.dma_semaphore, #tpu.memory_space<semaphore_mem>>, %arg37: memref<!tpu.dma_semaphore, #tpu.memory_space<semaphore_mem>>, %arg38: memref<!tpu.dma_semaphore, #tpu.memory_space<semaphore_mem>>, %arg39: memref<!tpu.dma_semaphore, #tpu.memory_space<semaphore_mem>>, %arg40: memref<!tpu.dma_semaphore, #tpu.memory_space<semaphore_mem>>, %arg41: memref<!tpu.dma_semaphore, #tpu.memory_space<semaphore_mem>>, %arg42: memref<!tpu.dma_semaphore, #tpu.memory_space<semaphore_mem>>, %arg43: memref<!tpu.dma_semaphore, #tpu.memory_space<semaphore_mem>>, %arg44: memref<!tpu.dma_semaphore, #tpu.memory_space<semaphore_mem>>, %arg45: memref<!tpu.dma_semaphore, #tpu.memory_space<semaphore_mem>>, %arg46: memref<!tpu.dma_semaphore, #tpu.memory_space<semaphore_mem>>, %arg47: memref<!tpu.dma_semaphore, #tpu.memory_space<semaphore_mem>>) attributes {dimension_semantics = [#tpu.dimension_semantics<core_parallel>, #tpu.dimension_semantics<subcore_parallel>], iteration_bounds = array<i64: 2, 16>, scalar_prefetch = 0 : i64, scratch_operands = 41 : i64, tpu.core_type = #tpu.core_type<sc_vector_subcore>, window_params = [{transform_indices = #map}, {transform_indices = #map1}, {transform_indices = #map1}, {transform_indices = #map}, {transform_indices = #map}]} {
    %mul3A = arith.constant 16 : i32
    %mul3A_0 = arith.muli %arg0, %mul3A : i32
    %add3A = arith.addi %mul3A_0, %arg1 : i32
    %mul3A_1 = arith.constant 640 : i32
    %mul3A_2 = arith.muli %arg1, %mul3A_1 : i32
    %mul3A_3 = arith.constant 640 : i32
    %mul3A_4 = arith.muli %arg1, %mul3A_3 : i32
    "tpu.region"() ({
      %run_scoped3A = tpu.sem_alloc : memref<!tpu.dma_semaphore, #tpu.memory_space<semaphore_mem>>
      %dma_start3A = arith.constant 0 : i32
      %dma_start3A_20 = tpu.memref_slice %arg7[%mul3A_4, %dma_start3A] : memref<10240x32xf32, #tpu.memory_space<vmem_shared>> -> memref<640x32xf32, #tpu.memory_space<vmem_shared>>
      %dma_start3A_21 = arith.constant 0 : i32
      %dma_start3A_22 = tpu.memref_slice %arg5[%mul3A_2, %dma_start3A_21] : memref<10240x32xf32, #tpu.memory_space<hbm>> -> memref<640x32xf32, #tpu.memory_space<hbm>>
      tpu.enqueue_dma source(%dma_start3A_22 : memref<640x32xf32, #tpu.memory_space<hbm>>) target(%dma_start3A_20 : memref<640x32xf32, #tpu.memory_space<vmem_shared>>) target_semaphore(%run_scoped3A : memref<!tpu.dma_semaphore, #tpu.memory_space<semaphore_mem>>)
      %dma_wait3A = arith.constant 0 : i32
      %dma_wait3A_23 = tpu.memref_slice %arg7[%mul3A_4, %dma_wait3A] : memref<10240x32xf32, #tpu.memory_space<vmem_shared>> -> memref<640x32xf32, #tpu.memory_space<vmem_shared>>
      %dma_wait3A_24 = arith.constant 0 : i32
      %dma_wait3A_25 = tpu.memref_slice %arg5[%mul3A_2, %dma_wait3A_24] : memref<10240x32xf32, #tpu.memory_space<hbm>> -> memref<640x32xf32, #tpu.memory_space<hbm>>
      tpu.wait_dma2 semaphore(%run_scoped3A : memref<!tpu.dma_semaphore, #tpu.memory_space<semaphore_mem>>) src(%dma_wait3A_25 : memref<640x32xf32, #tpu.memory_space<hbm>>) dst(%dma_wait3A_23 : memref<640x32xf32, #tpu.memory_space<vmem_shared>>)
      tpu.yield
    }) : () -> ()
    %barrier3A = arith.constant 0 : index
    tpu.barrier barrier_id(%barrier3A)
    %mul3A_5 = arith.constant 5120 : i32
    %mul3A_6 = arith.muli %add3A, %mul3A_5 : i32
    %scan3A = arith.constant 0 : i32
    %scan3A_7 = arith.constant 0 : i32
    %scan3A_8 = arith.constant 5 : i32
    %scan3A_9 = arith.addi %scan3A_7, %scan3A_8 : i32
    %scan3A_10 = arith.constant 1 : i32
    scf.for %scan3A_20 = %scan3A_7 to %scan3A_9 step %scan3A_10  : i32 {
      %mul3A_21 = arith.constant 8 : i32
      %mul3A_22 = arith.muli %mul3A_21, %scan3A_20 : i32
      %mul3A_23 = arith.constant 128 : i32
      %mul3A_24 = arith.muli %mul3A_22, %mul3A_23 : i32
      %add3A_25 = arith.addi %mul3A_6, %mul3A_24 : i32
      %add3A_26 = arith.constant 0 : i32
      %add3A_27 = arith.addi %add3A_25, %add3A_26 : i32
      "tpu.region"() ({
        %run_scoped3A = tpu.sem_alloc : memref<!tpu.dma_semaphore, #tpu.memory_space<semaphore_mem>>
        %dma_start3A_136 = tpu.memref_slice %arg3[%add3A_27] : memref<163840xi32, #tpu.memory_space<hbm>> -> memref<128xi32, #tpu.memory_space<hbm>>
        %dma_start3A_137 = tpu.memref_slice %arg3[%add3A_27] : memref<163840xi32, #tpu.memory_space<hbm>> -> memref<128xi32, #tpu.memory_space<hbm>>
        tpu.enqueue_dma source(%dma_start3A_137 : memref<128xi32, #tpu.memory_space<hbm>>) target(%arg8 : memref<128xi32, #tpu.memory_space<vmem>>) target_semaphore(%run_scoped3A : memref<!tpu.dma_semaphore, #tpu.memory_space<semaphore_mem>>)
        %dma_wait3A_138 = tpu.memref_slice %arg3[%add3A_27] : memref<163840xi32, #tpu.memory_space<hbm>> -> memref<128xi32, #tpu.memory_space<hbm>>
        %dma_wait3A_139 = tpu.memref_slice %arg3[%add3A_27] : memref<163840xi32, #tpu.memory_space<hbm>> -> memref<128xi32, #tpu.memory_space<hbm>>
        tpu.wait_dma2 semaphore(%run_scoped3A : memref<!tpu.dma_semaphore, #tpu.memory_space<semaphore_mem>>) src(%dma_wait3A_139 : memref<128xi32, #tpu.memory_space<hbm>>) dst(%arg8 : memref<128xi32, #tpu.memory_space<vmem>>)
        tpu.yield
      }) : () -> ()
      "tpu.region"() ({
        %run_scoped3A = tpu.sem_alloc : memref<!tpu.dma_semaphore, #tpu.memory_space<semaphore_mem>>
        %dma_start3A_136 = tpu.memref_slice %arg4[%add3A_27] : memref<163840xi32, #tpu.memory_space<hbm>> -> memref<128xi32, #tpu.memory_space<hbm>>
        %dma_start3A_137 = tpu.memref_slice %arg4[%add3A_27] : memref<163840xi32, #tpu.memory_space<hbm>> -> memref<128xi32, #tpu.memory_space<hbm>>
        tpu.enqueue_dma source(%dma_start3A_137 : memref<128xi32, #tpu.memory_space<hbm>>) target(%arg16 : memref<128xi32, #tpu.memory_space<vmem>>) target_semaphore(%run_scoped3A : memref<!tpu.dma_semaphore, #tpu.memory_space<semaphore_mem>>)
        %dma_wait3A_138 = tpu.memref_slice %arg4[%add3A_27] : memref<163840xi32, #tpu.memory_space<hbm>> -> memref<128xi32, #tpu.memory_space<hbm>>
        %dma_wait3A_139 = tpu.memref_slice %arg4[%add3A_27] : memref<163840xi32, #tpu.memory_space<hbm>> -> memref<128xi32, #tpu.memory_space<hbm>>
        tpu.wait_dma2 semaphore(%run_scoped3A : memref<!tpu.dma_semaphore, #tpu.memory_space<semaphore_mem>>) src(%dma_wait3A_139 : memref<128xi32, #tpu.memory_space<hbm>>) dst(%arg16 : memref<128xi32, #tpu.memory_space<vmem>>)
        tpu.yield
      }) : () -> ()
      %dma_start3A = arith.constant 0 : i32
      %dma_start3A_28 = arith.constant 0 : i32
      %dma_start3A_29 = tpu.memref_slice %arg2[%dma_start3A, %dma_start3A_28] : memref<10000x32xf32, #tpu.memory_space<hbm>> -> memref<10000x32xf32, #tpu.memory_space<hbm>>
      tpu.enqueue_indirect_dma source(%dma_start3A_29 : memref<10000x32xf32, #tpu.memory_space<hbm>>) target(%arg24 : memref<128x32xf32, #tpu.memory_space<vmem>>) offsets(%arg8 : memref<128xi32, #tpu.memory_space<vmem>>) semaphore(%arg32 : memref<!tpu.dma_semaphore, #tpu.memory_space<semaphore_mem>>)
      %add3A_30 = arith.constant 128 : i32
      %add3A_31 = arith.addi %add3A_25, %add3A_30 : i32
      "tpu.region"() ({
        %run_scoped3A = tpu.sem_alloc : memref<!tpu.dma_semaphore, #tpu.memory_space<semaphore_mem>>
        %dma_start3A_136 = tpu.memref_slice %arg3[%add3A_31] : memref<163840xi32, #tpu.memory_space<hbm>> -> memref<128xi32, #tpu.memory_space<hbm>>
        %dma_start3A_137 = tpu.memref_slice %arg3[%add3A_31] : memref<163840xi32, #tpu.memory_space<hbm>> -> memref<128xi32, #tpu.memory_space<hbm>>
        tpu.enqueue_dma source(%dma_start3A_137 : memref<128xi32, #tpu.memory_space<hbm>>) target(%arg9 : memref<128xi32, #tpu.memory_space<vmem>>) target_semaphore(%run_scoped3A : memref<!tpu.dma_semaphore, #tpu.memory_space<semaphore_mem>>)
        %dma_wait3A_138 = tpu.memref_slice %arg3[%add3A_31] : memref<163840xi32, #tpu.memory_space<hbm>> -> memref<128xi32, #tpu.memory_space<hbm>>
        %dma_wait3A_139 = tpu.memref_slice %arg3[%add3A_31] : memref<163840xi32, #tpu.memory_space<hbm>> -> memref<128xi32, #tpu.memory_space<hbm>>
        tpu.wait_dma2 semaphore(%run_scoped3A : memref<!tpu.dma_semaphore, #tpu.memory_space<semaphore_mem>>) src(%dma_wait3A_139 : memref<128xi32, #tpu.memory_space<hbm>>) dst(%arg9 : memref<128xi32, #tpu.memory_space<vmem>>)
        tpu.yield
      }) : () -> ()
      "tpu.region"() ({
        %run_scoped3A = tpu.sem_alloc : memref<!tpu.dma_semaphore, #tpu.memory_space<semaphore_mem>>
        %dma_start3A_136 = tpu.memref_slice %arg4[%add3A_31] : memref<163840xi32, #tpu.memory_space<hbm>> -> memref<128xi32, #tpu.memory_space<hbm>>
        %dma_start3A_137 = tpu.memref_slice %arg4[%add3A_31] : memref<163840xi32, #tpu.memory_space<hbm>> -> memref<128xi32, #tpu.memory_space<hbm>>
        tpu.enqueue_dma source(%dma_start3A_137 : memref<128xi32, #tpu.memory_space<hbm>>) target(%arg17 : memref<128xi32, #tpu.memory_space<vmem>>) target_semaphore(%run_scoped3A : memref<!tpu.dma_semaphore, #tpu.memory_space<semaphore_mem>>)
        %dma_wait3A_138 = tpu.memref_slice %arg4[%add3A_31] : memref<163840xi32, #tpu.memory_space<hbm>> -> memref<128xi32, #tpu.memory_space<hbm>>
        %dma_wait3A_139 = tpu.memref_slice %arg4[%add3A_31] : memref<163840xi32, #tpu.memory_space<hbm>> -> memref<128xi32, #tpu.memory_space<hbm>>
        tpu.wait_dma2 semaphore(%run_scoped3A : memref<!tpu.dma_semaphore, #tpu.memory_space<semaphore_mem>>) src(%dma_wait3A_139 : memref<128xi32, #tpu.memory_space<hbm>>) dst(%arg17 : memref<128xi32, #tpu.memory_space<vmem>>)
        tpu.yield
      }) : () -> ()
      %dma_start3A_32 = arith.constant 0 : i32
      %dma_start3A_33 = arith.constant 0 : i32
      %dma_start3A_34 = tpu.memref_slice %arg2[%dma_start3A_32, %dma_start3A_33] : memref<10000x32xf32, #tpu.memory_space<hbm>> -> memref<10000x32xf32, #tpu.memory_space<hbm>>
      tpu.enqueue_indirect_dma source(%dma_start3A_34 : memref<10000x32xf32, #tpu.memory_space<hbm>>) target(%arg25 : memref<128x32xf32, #tpu.memory_space<vmem>>) offsets(%arg9 : memref<128xi32, #tpu.memory_space<vmem>>) semaphore(%arg33 : memref<!tpu.dma_semaphore, #tpu.memory_space<semaphore_mem>>)
      %add3A_35 = arith.constant 256 : i32
      %add3A_36 = arith.addi %add3A_25, %add3A_35 : i32
      "tpu.region"() ({
        %run_scoped3A = tpu.sem_alloc : memref<!tpu.dma_semaphore, #tpu.memory_space<semaphore_mem>>
        %dma_start3A_136 = tpu.memref_slice %arg3[%add3A_36] : memref<163840xi32, #tpu.memory_space<hbm>> -> memref<128xi32, #tpu.memory_space<hbm>>
        %dma_start3A_137 = tpu.memref_slice %arg3[%add3A_36] : memref<163840xi32, #tpu.memory_space<hbm>> -> memref<128xi32, #tpu.memory_space<hbm>>
        tpu.enqueue_dma source(%dma_start3A_137 : memref<128xi32, #tpu.memory_space<hbm>>) target(%arg10 : memref<128xi32, #tpu.memory_space<vmem>>) target_semaphore(%run_scoped3A : memref<!tpu.dma_semaphore, #tpu.memory_space<semaphore_mem>>)
        %dma_wait3A_138 = tpu.memref_slice %arg3[%add3A_36] : memref<163840xi32, #tpu.memory_space<hbm>> -> memref<128xi32, #tpu.memory_space<hbm>>
        %dma_wait3A_139 = tpu.memref_slice %arg3[%add3A_36] : memref<163840xi32, #tpu.memory_space<hbm>> -> memref<128xi32, #tpu.memory_space<hbm>>
        tpu.wait_dma2 semaphore(%run_scoped3A : memref<!tpu.dma_semaphore, #tpu.memory_space<semaphore_mem>>) src(%dma_wait3A_139 : memref<128xi32, #tpu.memory_space<hbm>>) dst(%arg10 : memref<128xi32, #tpu.memory_space<vmem>>)
        tpu.yield
      }) : () -> ()
      "tpu.region"() ({
        %run_scoped3A = tpu.sem_alloc : memref<!tpu.dma_semaphore, #tpu.memory_space<semaphore_mem>>
        %dma_start3A_136 = tpu.memref_slice %arg4[%add3A_36] : memref<163840xi32, #tpu.memory_space<hbm>> -> memref<128xi32, #tpu.memory_space<hbm>>
        %dma_start3A_137 = tpu.memref_slice %arg4[%add3A_36] : memref<163840xi32, #tpu.memory_space<hbm>> -> memref<128xi32, #tpu.memory_space<hbm>>
        tpu.enqueue_dma source(%dma_start3A_137 : memref<128xi32, #tpu.memory_space<hbm>>) target(%arg18 : memref<128xi32, #tpu.memory_space<vmem>>) target_semaphore(%run_scoped3A : memref<!tpu.dma_semaphore, #tpu.memory_space<semaphore_mem>>)
        %dma_wait3A_138 = tpu.memref_slice %arg4[%add3A_36] : memref<163840xi32, #tpu.memory_space<hbm>> -> memref<128xi32, #tpu.memory_space<hbm>>
        %dma_wait3A_139 = tpu.memref_slice %arg4[%add3A_36] : memref<163840xi32, #tpu.memory_space<hbm>> -> memref<128xi32, #tpu.memory_space<hbm>>
        tpu.wait_dma2 semaphore(%run_scoped3A : memref<!tpu.dma_semaphore, #tpu.memory_space<semaphore_mem>>) src(%dma_wait3A_139 : memref<128xi32, #tpu.memory_space<hbm>>) dst(%arg18 : memref<128xi32, #tpu.memory_space<vmem>>)
        tpu.yield
      }) : () -> ()
      %dma_start3A_37 = arith.constant 0 : i32
      %dma_start3A_38 = arith.constant 0 : i32
      %dma_start3A_39 = tpu.memref_slice %arg2[%dma_start3A_37, %dma_start3A_38] : memref<10000x32xf32, #tpu.memory_space<hbm>> -> memref<10000x32xf32, #tpu.memory_space<hbm>>
      tpu.enqueue_indirect_dma source(%dma_start3A_39 : memref<10000x32xf32, #tpu.memory_space<hbm>>) target(%arg26 : memref<128x32xf32, #tpu.memory_space<vmem>>) offsets(%arg10 : memref<128xi32, #tpu.memory_space<vmem>>) semaphore(%arg34 : memref<!tpu.dma_semaphore, #tpu.memory_space<semaphore_mem>>)
      %add3A_40 = arith.constant 384 : i32
      %add3A_41 = arith.addi %add3A_25, %add3A_40 : i32
      "tpu.region"() ({
        %run_scoped3A = tpu.sem_alloc : memref<!tpu.dma_semaphore, #tpu.memory_space<semaphore_mem>>
        %dma_start3A_136 = tpu.memref_slice %arg3[%add3A_41] : memref<163840xi32, #tpu.memory_space<hbm>> -> memref<128xi32, #tpu.memory_space<hbm>>
        %dma_start3A_137 = tpu.memref_slice %arg3[%add3A_41] : memref<163840xi32, #tpu.memory_space<hbm>> -> memref<128xi32, #tpu.memory_space<hbm>>
        tpu.enqueue_dma source(%dma_start3A_137 : memref<128xi32, #tpu.memory_space<hbm>>) target(%arg11 : memref<128xi32, #tpu.memory_space<vmem>>) target_semaphore(%run_scoped3A : memref<!tpu.dma_semaphore, #tpu.memory_space<semaphore_mem>>)
        %dma_wait3A_138 = tpu.memref_slice %arg3[%add3A_41] : memref<163840xi32, #tpu.memory_space<hbm>> -> memref<128xi32, #tpu.memory_space<hbm>>
        %dma_wait3A_139 = tpu.memref_slice %arg3[%add3A_41] : memref<163840xi32, #tpu.memory_space<hbm>> -> memref<128xi32, #tpu.memory_space<hbm>>
        tpu.wait_dma2 semaphore(%run_scoped3A : memref<!tpu.dma_semaphore, #tpu.memory_space<semaphore_mem>>) src(%dma_wait3A_139 : memref<128xi32, #tpu.memory_space<hbm>>) dst(%arg11 : memref<128xi32, #tpu.memory_space<vmem>>)
        tpu.yield
      }) : () -> ()
      "tpu.region"() ({
        %run_scoped3A = tpu.sem_alloc : memref<!tpu.dma_semaphore, #tpu.memory_space<semaphore_mem>>
        %dma_start3A_136 = tpu.memref_slice %arg4[%add3A_41] : memref<163840xi32, #tpu.memory_space<hbm>> -> memref<128xi32, #tpu.memory_space<hbm>>
        %dma_start3A_137 = tpu.memref_slice %arg4[%add3A_41] : memref<163840xi32, #tpu.memory_space<hbm>> -> memref<128xi32, #tpu.memory_space<hbm>>
        tpu.enqueue_dma source(%dma_start3A_137 : memref<128xi32, #tpu.memory_space<hbm>>) target(%arg19 : memref<128xi32, #tpu.memory_space<vmem>>) target_semaphore(%run_scoped3A : memref<!tpu.dma_semaphore, #tpu.memory_space<semaphore_mem>>)
        %dma_wait3A_138 = tpu.memref_slice %arg4[%add3A_41] : memref<163840xi32, #tpu.memory_space<hbm>> -> memref<128xi32, #tpu.memory_space<hbm>>
        %dma_wait3A_139 = tpu.memref_slice %arg4[%add3A_41] : memref<163840xi32, #tpu.memory_space<hbm>> -> memref<128xi32, #tpu.memory_space<hbm>>
        tpu.wait_dma2 semaphore(%run_scoped3A : memref<!tpu.dma_semaphore, #tpu.memory_space<semaphore_mem>>) src(%dma_wait3A_139 : memref<128xi32, #tpu.memory_space<hbm>>) dst(%arg19 : memref<128xi32, #tpu.memory_space<vmem>>)
        tpu.yield
      }) : () -> ()
      %dma_start3A_42 = arith.constant 0 : i32
      %dma_start3A_43 = arith.constant 0 : i32
      %dma_start3A_44 = tpu.memref_slice %arg2[%dma_start3A_42, %dma_start3A_43] : memref<10000x32xf32, #tpu.memory_space<hbm>> -> memref<10000x32xf32, #tpu.memory_space<hbm>>
      tpu.enqueue_indirect_dma source(%dma_start3A_44 : memref<10000x32xf32, #tpu.memory_space<hbm>>) target(%arg27 : memref<128x32xf32, #tpu.memory_space<vmem>>) offsets(%arg11 : memref<128xi32, #tpu.memory_space<vmem>>) semaphore(%arg35 : memref<!tpu.dma_semaphore, #tpu.memory_space<semaphore_mem>>)
      %add3A_45 = arith.constant 512 : i32
      %add3A_46 = arith.addi %add3A_25, %add3A_45 : i32
      "tpu.region"() ({
        %run_scoped3A = tpu.sem_alloc : memref<!tpu.dma_semaphore, #tpu.memory_space<semaphore_mem>>
        %dma_start3A_136 = tpu.memref_slice %arg3[%add3A_46] : memref<163840xi32, #tpu.memory_space<hbm>> -> memref<128xi32, #tpu.memory_space<hbm>>
        %dma_start3A_137 = tpu.memref_slice %arg3[%add3A_46] : memref<163840xi32, #tpu.memory_space<hbm>> -> memref<128xi32, #tpu.memory_space<hbm>>
        tpu.enqueue_dma source(%dma_start3A_137 : memref<128xi32, #tpu.memory_space<hbm>>) target(%arg12 : memref<128xi32, #tpu.memory_space<vmem>>) target_semaphore(%run_scoped3A : memref<!tpu.dma_semaphore, #tpu.memory_space<semaphore_mem>>)
        %dma_wait3A_138 = tpu.memref_slice %arg3[%add3A_46] : memref<163840xi32, #tpu.memory_space<hbm>> -> memref<128xi32, #tpu.memory_space<hbm>>
        %dma_wait3A_139 = tpu.memref_slice %arg3[%add3A_46] : memref<163840xi32, #tpu.memory_space<hbm>> -> memref<128xi32, #tpu.memory_space<hbm>>
        tpu.wait_dma2 semaphore(%run_scoped3A : memref<!tpu.dma_semaphore, #tpu.memory_space<semaphore_mem>>) src(%dma_wait3A_139 : memref<128xi32, #tpu.memory_space<hbm>>) dst(%arg12 : memref<128xi32, #tpu.memory_space<vmem>>)
        tpu.yield
      }) : () -> ()
      "tpu.region"() ({
        %run_scoped3A = tpu.sem_alloc : memref<!tpu.dma_semaphore, #tpu.memory_space<semaphore_mem>>
        %dma_start3A_136 = tpu.memref_slice %arg4[%add3A_46] : memref<163840xi32, #tpu.memory_space<hbm>> -> memref<128xi32, #tpu.memory_space<hbm>>
        %dma_start3A_137 = tpu.memref_slice %arg4[%add3A_46] : memref<163840xi32, #tpu.memory_space<hbm>> -> memref<128xi32, #tpu.memory_space<hbm>>
        tpu.enqueue_dma source(%dma_start3A_137 : memref<128xi32, #tpu.memory_space<hbm>>) target(%arg20 : memref<128xi32, #tpu.memory_space<vmem>>) target_semaphore(%run_scoped3A : memref<!tpu.dma_semaphore, #tpu.memory_space<semaphore_mem>>)
        %dma_wait3A_138 = tpu.memref_slice %arg4[%add3A_46] : memref<163840xi32, #tpu.memory_space<hbm>> -> memref<128xi32, #tpu.memory_space<hbm>>
        %dma_wait3A_139 = tpu.memref_slice %arg4[%add3A_46] : memref<163840xi32, #tpu.memory_space<hbm>> -> memref<128xi32, #tpu.memory_space<hbm>>
        tpu.wait_dma2 semaphore(%run_scoped3A : memref<!tpu.dma_semaphore, #tpu.memory_space<semaphore_mem>>) src(%dma_wait3A_139 : memref<128xi32, #tpu.memory_space<hbm>>) dst(%arg20 : memref<128xi32, #tpu.memory_space<vmem>>)
        tpu.yield
      }) : () -> ()
      %dma_start3A_47 = arith.constant 0 : i32
      %dma_start3A_48 = arith.constant 0 : i32
      %dma_start3A_49 = tpu.memref_slice %arg2[%dma_start3A_47, %dma_start3A_48] : memref<10000x32xf32, #tpu.memory_space<hbm>> -> memref<10000x32xf32, #tpu.memory_space<hbm>>
      tpu.enqueue_indirect_dma source(%dma_start3A_49 : memref<10000x32xf32, #tpu.memory_space<hbm>>) target(%arg28 : memref<128x32xf32, #tpu.memory_space<vmem>>) offsets(%arg12 : memref<128xi32, #tpu.memory_space<vmem>>) semaphore(%arg36 : memref<!tpu.dma_semaphore, #tpu.memory_space<semaphore_mem>>)
      %add3A_50 = arith.constant 640 : i32
      %add3A_51 = arith.addi %add3A_25, %add3A_50 : i32
      "tpu.region"() ({
        %run_scoped3A = tpu.sem_alloc : memref<!tpu.dma_semaphore, #tpu.memory_space<semaphore_mem>>
        %dma_start3A_136 = tpu.memref_slice %arg3[%add3A_51] : memref<163840xi32, #tpu.memory_space<hbm>> -> memref<128xi32, #tpu.memory_space<hbm>>
        %dma_start3A_137 = tpu.memref_slice %arg3[%add3A_51] : memref<163840xi32, #tpu.memory_space<hbm>> -> memref<128xi32, #tpu.memory_space<hbm>>
        tpu.enqueue_dma source(%dma_start3A_137 : memref<128xi32, #tpu.memory_space<hbm>>) target(%arg13 : memref<128xi32, #tpu.memory_space<vmem>>) target_semaphore(%run_scoped3A : memref<!tpu.dma_semaphore, #tpu.memory_space<semaphore_mem>>)
        %dma_wait3A_138 = tpu.memref_slice %arg3[%add3A_51] : memref<163840xi32, #tpu.memory_space<hbm>> -> memref<128xi32, #tpu.memory_space<hbm>>
        %dma_wait3A_139 = tpu.memref_slice %arg3[%add3A_51] : memref<163840xi32, #tpu.memory_space<hbm>> -> memref<128xi32, #tpu.memory_space<hbm>>
        tpu.wait_dma2 semaphore(%run_scoped3A : memref<!tpu.dma_semaphore, #tpu.memory_space<semaphore_mem>>) src(%dma_wait3A_139 : memref<128xi32, #tpu.memory_space<hbm>>) dst(%arg13 : memref<128xi32, #tpu.memory_space<vmem>>)
        tpu.yield
      }) : () -> ()
      "tpu.region"() ({
        %run_scoped3A = tpu.sem_alloc : memref<!tpu.dma_semaphore, #tpu.memory_space<semaphore_mem>>
        %dma_start3A_136 = tpu.memref_slice %arg4[%add3A_51] : memref<163840xi32, #tpu.memory_space<hbm>> -> memref<128xi32, #tpu.memory_space<hbm>>
        %dma_start3A_137 = tpu.memref_slice %arg4[%add3A_51] : memref<163840xi32, #tpu.memory_space<hbm>> -> memref<128xi32, #tpu.memory_space<hbm>>
        tpu.enqueue_dma source(%dma_start3A_137 : memref<128xi32, #tpu.memory_space<hbm>>) target(%arg21 : memref<128xi32, #tpu.memory_space<vmem>>) target_semaphore(%run_scoped3A : memref<!tpu.dma_semaphore, #tpu.memory_space<semaphore_mem>>)
        %dma_wait3A_138 = tpu.memref_slice %arg4[%add3A_51] : memref<163840xi32, #tpu.memory_space<hbm>> -> memref<128xi32, #tpu.memory_space<hbm>>
        %dma_wait3A_139 = tpu.memref_slice %arg4[%add3A_51] : memref<163840xi32, #tpu.memory_space<hbm>> -> memref<128xi32, #tpu.memory_space<hbm>>
        tpu.wait_dma2 semaphore(%run_scoped3A : memref<!tpu.dma_semaphore, #tpu.memory_space<semaphore_mem>>) src(%dma_wait3A_139 : memref<128xi32, #tpu.memory_space<hbm>>) dst(%arg21 : memref<128xi32, #tpu.memory_space<vmem>>)
        tpu.yield
      }) : () -> ()
      %dma_start3A_52 = arith.constant 0 : i32
      %dma_start3A_53 = arith.constant 0 : i32
      %dma_start3A_54 = tpu.memref_slice %arg2[%dma_start3A_52, %dma_start3A_53] : memref<10000x32xf32, #tpu.memory_space<hbm>> -> memref<10000x32xf32, #tpu.memory_space<hbm>>
      tpu.enqueue_indirect_dma source(%dma_start3A_54 : memref<10000x32xf32, #tpu.memory_space<hbm>>) target(%arg29 : memref<128x32xf32, #tpu.memory_space<vmem>>) offsets(%arg13 : memref<128xi32, #tpu.memory_space<vmem>>) semaphore(%arg37 : memref<!tpu.dma_semaphore, #tpu.memory_space<semaphore_mem>>)
      %add3A_55 = arith.constant 768 : i32
      %add3A_56 = arith.addi %add3A_25, %add3A_55 : i32
      "tpu.region"() ({
        %run_scoped3A = tpu.sem_alloc : memref<!tpu.dma_semaphore, #tpu.memory_space<semaphore_mem>>
        %dma_start3A_136 = tpu.memref_slice %arg3[%add3A_56] : memref<163840xi32, #tpu.memory_space<hbm>> -> memref<128xi32, #tpu.memory_space<hbm>>
        %dma_start3A_137 = tpu.memref_slice %arg3[%add3A_56] : memref<163840xi32, #tpu.memory_space<hbm>> -> memref<128xi32, #tpu.memory_space<hbm>>
        tpu.enqueue_dma source(%dma_start3A_137 : memref<128xi32, #tpu.memory_space<hbm>>) target(%arg14 : memref<128xi32, #tpu.memory_space<vmem>>) target_semaphore(%run_scoped3A : memref<!tpu.dma_semaphore, #tpu.memory_space<semaphore_mem>>)
        %dma_wait3A_138 = tpu.memref_slice %arg3[%add3A_56] : memref<163840xi32, #tpu.memory_space<hbm>> -> memref<128xi32, #tpu.memory_space<hbm>>
        %dma_wait3A_139 = tpu.memref_slice %arg3[%add3A_56] : memref<163840xi32, #tpu.memory_space<hbm>> -> memref<128xi32, #tpu.memory_space<hbm>>
        tpu.wait_dma2 semaphore(%run_scoped3A : memref<!tpu.dma_semaphore, #tpu.memory_space<semaphore_mem>>) src(%dma_wait3A_139 : memref<128xi32, #tpu.memory_space<hbm>>) dst(%arg14 : memref<128xi32, #tpu.memory_space<vmem>>)
        tpu.yield
      }) : () -> ()
      "tpu.region"() ({
        %run_scoped3A = tpu.sem_alloc : memref<!tpu.dma_semaphore, #tpu.memory_space<semaphore_mem>>
        %dma_start3A_136 = tpu.memref_slice %arg4[%add3A_56] : memref<163840xi32, #tpu.memory_space<hbm>> -> memref<128xi32, #tpu.memory_space<hbm>>
        %dma_start3A_137 = tpu.memref_slice %arg4[%add3A_56] : memref<163840xi32, #tpu.memory_space<hbm>> -> memref<128xi32, #tpu.memory_space<hbm>>
        tpu.enqueue_dma source(%dma_start3A_137 : memref<128xi32, #tpu.memory_space<hbm>>) target(%arg22 : memref<128xi32, #tpu.memory_space<vmem>>) target_semaphore(%run_scoped3A : memref<!tpu.dma_semaphore, #tpu.memory_space<semaphore_mem>>)
        %dma_wait3A_138 = tpu.memref_slice %arg4[%add3A_56] : memref<163840xi32, #tpu.memory_space<hbm>> -> memref<128xi32, #tpu.memory_space<hbm>>
        %dma_wait3A_139 = tpu.memref_slice %arg4[%add3A_56] : memref<163840xi32, #tpu.memory_space<hbm>> -> memref<128xi32, #tpu.memory_space<hbm>>
        tpu.wait_dma2 semaphore(%run_scoped3A : memref<!tpu.dma_semaphore, #tpu.memory_space<semaphore_mem>>) src(%dma_wait3A_139 : memref<128xi32, #tpu.memory_space<hbm>>) dst(%arg22 : memref<128xi32, #tpu.memory_space<vmem>>)
        tpu.yield
      }) : () -> ()
      %dma_start3A_57 = arith.constant 0 : i32
      %dma_start3A_58 = arith.constant 0 : i32
      %dma_start3A_59 = tpu.memref_slice %arg2[%dma_start3A_57, %dma_start3A_58] : memref<10000x32xf32, #tpu.memory_space<hbm>> -> memref<10000x32xf32, #tpu.memory_space<hbm>>
      tpu.enqueue_indirect_dma source(%dma_start3A_59 : memref<10000x32xf32, #tpu.memory_space<hbm>>) target(%arg30 : memref<128x32xf32, #tpu.memory_space<vmem>>) offsets(%arg14 : memref<128xi32, #tpu.memory_space<vmem>>) semaphore(%arg38 : memref<!tpu.dma_semaphore, #tpu.memory_space<semaphore_mem>>)
      %add3A_60 = arith.constant 896 : i32
      %add3A_61 = arith.addi %add3A_25, %add3A_60 : i32
      "tpu.region"() ({
        %run_scoped3A = tpu.sem_alloc : memref<!tpu.dma_semaphore, #tpu.memory_space<semaphore_mem>>
        %dma_start3A_136 = tpu.memref_slice %arg3[%add3A_61] : memref<163840xi32, #tpu.memory_space<hbm>> -> memref<128xi32, #tpu.memory_space<hbm>>
        %dma_start3A_137 = tpu.memref_slice %arg3[%add3A_61] : memref<163840xi32, #tpu.memory_space<hbm>> -> memref<128xi32, #tpu.memory_space<hbm>>
        tpu.enqueue_dma source(%dma_start3A_137 : memref<128xi32, #tpu.memory_space<hbm>>) target(%arg15 : memref<128xi32, #tpu.memory_space<vmem>>) target_semaphore(%run_scoped3A : memref<!tpu.dma_semaphore, #tpu.memory_space<semaphore_mem>>)
        %dma_wait3A_138 = tpu.memref_slice %arg3[%add3A_61] : memref<163840xi32, #tpu.memory_space<hbm>> -> memref<128xi32, #tpu.memory_space<hbm>>
        %dma_wait3A_139 = tpu.memref_slice %arg3[%add3A_61] : memref<163840xi32, #tpu.memory_space<hbm>> -> memref<128xi32, #tpu.memory_space<hbm>>
        tpu.wait_dma2 semaphore(%run_scoped3A : memref<!tpu.dma_semaphore, #tpu.memory_space<semaphore_mem>>) src(%dma_wait3A_139 : memref<128xi32, #tpu.memory_space<hbm>>) dst(%arg15 : memref<128xi32, #tpu.memory_space<vmem>>)
        tpu.yield
      }) : () -> ()
      "tpu.region"() ({
        %run_scoped3A = tpu.sem_alloc : memref<!tpu.dma_semaphore, #tpu.memory_space<semaphore_mem>>
        %dma_start3A_136 = tpu.memref_slice %arg4[%add3A_61] : memref<163840xi32, #tpu.memory_space<hbm>> -> memref<128xi32, #tpu.memory_space<hbm>>
        %dma_start3A_137 = tpu.memref_slice %arg4[%add3A_61] : memref<163840xi32, #tpu.memory_space<hbm>> -> memref<128xi32, #tpu.memory_space<hbm>>
        tpu.enqueue_dma source(%dma_start3A_137 : memref<128xi32, #tpu.memory_space<hbm>>) target(%arg23 : memref<128xi32, #tpu.memory_space<vmem>>) target_semaphore(%run_scoped3A : memref<!tpu.dma_semaphore, #tpu.memory_space<semaphore_mem>>)
        %dma_wait3A_138 = tpu.memref_slice %arg4[%add3A_61] : memref<163840xi32, #tpu.memory_space<hbm>> -> memref<128xi32, #tpu.memory_space<hbm>>
        %dma_wait3A_139 = tpu.memref_slice %arg4[%add3A_61] : memref<163840xi32, #tpu.memory_space<hbm>> -> memref<128xi32, #tpu.memory_space<hbm>>
        tpu.wait_dma2 semaphore(%run_scoped3A : memref<!tpu.dma_semaphore, #tpu.memory_space<semaphore_mem>>) src(%dma_wait3A_139 : memref<128xi32, #tpu.memory_space<hbm>>) dst(%arg23 : memref<128xi32, #tpu.memory_space<vmem>>)
        tpu.yield
      }) : () -> ()
      %dma_start3A_62 = arith.constant 0 : i32
      %dma_start3A_63 = arith.constant 0 : i32
      %dma_start3A_64 = tpu.memref_slice %arg2[%dma_start3A_62, %dma_start3A_63] : memref<10000x32xf32, #tpu.memory_space<hbm>> -> memref<10000x32xf32, #tpu.memory_space<hbm>>
      tpu.enqueue_indirect_dma source(%dma_start3A_64 : memref<10000x32xf32, #tpu.memory_space<hbm>>) target(%arg31 : memref<128x32xf32, #tpu.memory_space<vmem>>) offsets(%arg15 : memref<128xi32, #tpu.memory_space<vmem>>) semaphore(%arg39 : memref<!tpu.dma_semaphore, #tpu.memory_space<semaphore_mem>>)
      %dma_wait3A = arith.constant 0 : i32
      %dma_wait3A_65 = arith.constant 0 : i32
      %dma_wait3A_66 = tpu.memref_slice %arg2[%dma_wait3A, %dma_wait3A_65] : memref<10000x32xf32, #tpu.memory_space<hbm>> -> memref<10000x32xf32, #tpu.memory_space<hbm>>
      tpu.wait_indirect_dma semaphore(%arg32 : memref<!tpu.dma_semaphore, #tpu.memory_space<semaphore_mem>>) src(%dma_wait3A_66 : memref<10000x32xf32, #tpu.memory_space<hbm>>) dst(%arg24 : memref<128x32xf32, #tpu.memory_space<vmem>>)
      %dma_start3A_67 = arith.constant 0 : i32
      %dma_start3A_68 = arith.constant 0 : i32
      %dma_start3A_69 = tpu.memref_slice %arg7[%dma_start3A_67, %dma_start3A_68] : memref<10240x32xf32, #tpu.memory_space<vmem_shared>> -> memref<10240x32xf32, #tpu.memory_space<vmem_shared>>
      tpu.enqueue_indirect_dma source(%arg24 : memref<128x32xf32, #tpu.memory_space<vmem>>) target(%dma_start3A_69 : memref<10240x32xf32, #tpu.memory_space<vmem_shared>>) offsets(%arg16 : memref<128xi32, #tpu.memory_space<vmem>>) semaphore(%arg40 : memref<!tpu.dma_semaphore, #tpu.memory_space<semaphore_mem>>) {add = true}
      %dma_wait3A_70 = arith.constant 0 : i32
      %dma_wait3A_71 = arith.constant 0 : i32
      %dma_wait3A_72 = tpu.memref_slice %arg2[%dma_wait3A_70, %dma_wait3A_71] : memref<10000x32xf32, #tpu.memory_space<hbm>> -> memref<10000x32xf32, #tpu.memory_space<hbm>>
      tpu.wait_indirect_dma semaphore(%arg33 : memref<!tpu.dma_semaphore, #tpu.memory_space<semaphore_mem>>) src(%dma_wait3A_72 : memref<10000x32xf32, #tpu.memory_space<hbm>>) dst(%arg25 : memref<128x32xf32, #tpu.memory_space<vmem>>)
      %dma_start3A_73 = arith.constant 0 : i32
      %dma_start3A_74 = arith.constant 0 : i32
      %dma_start3A_75 = tpu.memref_slice %arg7[%dma_start3A_73, %dma_start3A_74] : memref<10240x32xf32, #tpu.memory_space<vmem_shared>> -> memref<10240x32xf32, #tpu.memory_space<vmem_shared>>
      tpu.enqueue_indirect_dma source(%arg25 : memref<128x32xf32, #tpu.memory_space<vmem>>) target(%dma_start3A_75 : memref<10240x32xf32, #tpu.memory_space<vmem_shared>>) offsets(%arg17 : memref<128xi32, #tpu.memory_space<vmem>>) semaphore(%arg41 : memref<!tpu.dma_semaphore, #tpu.memory_space<semaphore_mem>>) {add = true}
      %dma_wait3A_76 = arith.constant 0 : i32
      %dma_wait3A_77 = arith.constant 0 : i32
      %dma_wait3A_78 = tpu.memref_slice %arg2[%dma_wait3A_76, %dma_wait3A_77] : memref<10000x32xf32, #tpu.memory_space<hbm>> -> memref<10000x32xf32, #tpu.memory_space<hbm>>
      tpu.wait_indirect_dma semaphore(%arg34 : memref<!tpu.dma_semaphore, #tpu.memory_space<semaphore_mem>>) src(%dma_wait3A_78 : memref<10000x32xf32, #tpu.memory_space<hbm>>) dst(%arg26 : memref<128x32xf32, #tpu.memory_space<vmem>>)
      %dma_start3A_79 = arith.constant 0 : i32
      %dma_start3A_80 = arith.constant 0 : i32
      %dma_start3A_81 = tpu.memref_slice %arg7[%dma_start3A_79, %dma_start3A_80] : memref<10240x32xf32, #tpu.memory_space<vmem_shared>> -> memref<10240x32xf32, #tpu.memory_space<vmem_shared>>
      tpu.enqueue_indirect_dma source(%arg26 : memref<128x32xf32, #tpu.memory_space<vmem>>) target(%dma_start3A_81 : memref<10240x32xf32, #tpu.memory_space<vmem_shared>>) offsets(%arg18 : memref<128xi32, #tpu.memory_space<vmem>>) semaphore(%arg42 : memref<!tpu.dma_semaphore, #tpu.memory_space<semaphore_mem>>) {add = true}
      %dma_wait3A_82 = arith.constant 0 : i32
      %dma_wait3A_83 = arith.constant 0 : i32
      %dma_wait3A_84 = tpu.memref_slice %arg2[%dma_wait3A_82, %dma_wait3A_83] : memref<10000x32xf32, #tpu.memory_space<hbm>> -> memref<10000x32xf32, #tpu.memory_space<hbm>>
      tpu.wait_indirect_dma semaphore(%arg35 : memref<!tpu.dma_semaphore, #tpu.memory_space<semaphore_mem>>) src(%dma_wait3A_84 : memref<10000x32xf32, #tpu.memory_space<hbm>>) dst(%arg27 : memref<128x32xf32, #tpu.memory_space<vmem>>)
      %dma_start3A_85 = arith.constant 0 : i32
      %dma_start3A_86 = arith.constant 0 : i32
      %dma_start3A_87 = tpu.memref_slice %arg7[%dma_start3A_85, %dma_start3A_86] : memref<10240x32xf32, #tpu.memory_space<vmem_shared>> -> memref<10240x32xf32, #tpu.memory_space<vmem_shared>>
      tpu.enqueue_indirect_dma source(%arg27 : memref<128x32xf32, #tpu.memory_space<vmem>>) target(%dma_start3A_87 : memref<10240x32xf32, #tpu.memory_space<vmem_shared>>) offsets(%arg19 : memref<128xi32, #tpu.memory_space<vmem>>) semaphore(%arg43 : memref<!tpu.dma_semaphore, #tpu.memory_space<semaphore_mem>>) {add = true}
      %dma_wait3A_88 = arith.constant 0 : i32
      %dma_wait3A_89 = arith.constant 0 : i32
      %dma_wait3A_90 = tpu.memref_slice %arg2[%dma_wait3A_88, %dma_wait3A_89] : memref<10000x32xf32, #tpu.memory_space<hbm>> -> memref<10000x32xf32, #tpu.memory_space<hbm>>
      tpu.wait_indirect_dma semaphore(%arg36 : memref<!tpu.dma_semaphore, #tpu.memory_space<semaphore_mem>>) src(%dma_wait3A_90 : memref<10000x32xf32, #tpu.memory_space<hbm>>) dst(%arg28 : memref<128x32xf32, #tpu.memory_space<vmem>>)
      %dma_start3A_91 = arith.constant 0 : i32
      %dma_start3A_92 = arith.constant 0 : i32
      %dma_start3A_93 = tpu.memref_slice %arg7[%dma_start3A_91, %dma_start3A_92] : memref<10240x32xf32, #tpu.memory_space<vmem_shared>> -> memref<10240x32xf32, #tpu.memory_space<vmem_shared>>
      tpu.enqueue_indirect_dma source(%arg28 : memref<128x32xf32, #tpu.memory_space<vmem>>) target(%dma_start3A_93 : memref<10240x32xf32, #tpu.memory_space<vmem_shared>>) offsets(%arg20 : memref<128xi32, #tpu.memory_space<vmem>>) semaphore(%arg44 : memref<!tpu.dma_semaphore, #tpu.memory_space<semaphore_mem>>) {add = true}
      %dma_wait3A_94 = arith.constant 0 : i32
      %dma_wait3A_95 = arith.constant 0 : i32
      %dma_wait3A_96 = tpu.memref_slice %arg2[%dma_wait3A_94, %dma_wait3A_95] : memref<10000x32xf32, #tpu.memory_space<hbm>> -> memref<10000x32xf32, #tpu.memory_space<hbm>>
      tpu.wait_indirect_dma semaphore(%arg37 : memref<!tpu.dma_semaphore, #tpu.memory_space<semaphore_mem>>) src(%dma_wait3A_96 : memref<10000x32xf32, #tpu.memory_space<hbm>>) dst(%arg29 : memref<128x32xf32, #tpu.memory_space<vmem>>)
      %dma_start3A_97 = arith.constant 0 : i32
      %dma_start3A_98 = arith.constant 0 : i32
      %dma_start3A_99 = tpu.memref_slice %arg7[%dma_start3A_97, %dma_start3A_98] : memref<10240x32xf32, #tpu.memory_space<vmem_shared>> -> memref<10240x32xf32, #tpu.memory_space<vmem_shared>>
      tpu.enqueue_indirect_dma source(%arg29 : memref<128x32xf32, #tpu.memory_space<vmem>>) target(%dma_start3A_99 : memref<10240x32xf32, #tpu.memory_space<vmem_shared>>) offsets(%arg21 : memref<128xi32, #tpu.memory_space<vmem>>) semaphore(%arg45 : memref<!tpu.dma_semaphore, #tpu.memory_space<semaphore_mem>>) {add = true}
      %dma_wait3A_100 = arith.constant 0 : i32
      %dma_wait3A_101 = arith.constant 0 : i32
      %dma_wait3A_102 = tpu.memref_slice %arg2[%dma_wait3A_100, %dma_wait3A_101] : memref<10000x32xf32, #tpu.memory_space<hbm>> -> memref<10000x32xf32, #tpu.memory_space<hbm>>
      tpu.wait_indirect_dma semaphore(%arg38 : memref<!tpu.dma_semaphore, #tpu.memory_space<semaphore_mem>>) src(%dma_wait3A_102 : memref<10000x32xf32, #tpu.memory_space<hbm>>) dst(%arg30 : memref<128x32xf32, #tpu.memory_space<vmem>>)
      %dma_start3A_103 = arith.constant 0 : i32
      %dma_start3A_104 = arith.constant 0 : i32
      %dma_start3A_105 = tpu.memref_slice %arg7[%dma_start3A_103, %dma_start3A_104] : memref<10240x32xf32, #tpu.memory_space<vmem_shared>> -> memref<10240x32xf32, #tpu.memory_space<vmem_shared>>
      tpu.enqueue_indirect_dma source(%arg30 : memref<128x32xf32, #tpu.memory_space<vmem>>) target(%dma_start3A_105 : memref<10240x32xf32, #tpu.memory_space<vmem_shared>>) offsets(%arg22 : memref<128xi32, #tpu.memory_space<vmem>>) semaphore(%arg46 : memref<!tpu.dma_semaphore, #tpu.memory_space<semaphore_mem>>) {add = true}
      %dma_wait3A_106 = arith.constant 0 : i32
      %dma_wait3A_107 = arith.constant 0 : i32
      %dma_wait3A_108 = tpu.memref_slice %arg2[%dma_wait3A_106, %dma_wait3A_107] : memref<10000x32xf32, #tpu.memory_space<hbm>> -> memref<10000x32xf32, #tpu.memory_space<hbm>>
      tpu.wait_indirect_dma semaphore(%arg39 : memref<!tpu.dma_semaphore, #tpu.memory_space<semaphore_mem>>) src(%dma_wait3A_108 : memref<10000x32xf32, #tpu.memory_space<hbm>>) dst(%arg31 : memref<128x32xf32, #tpu.memory_space<vmem>>)
      %dma_start3A_109 = arith.constant 0 : i32
      %dma_start3A_110 = arith.constant 0 : i32
      %dma_start3A_111 = tpu.memref_slice %arg7[%dma_start3A_109, %dma_start3A_110] : memref<10240x32xf32, #tpu.memory_space<vmem_shared>> -> memref<10240x32xf32, #tpu.memory_space<vmem_shared>>
      tpu.enqueue_indirect_dma source(%arg31 : memref<128x32xf32, #tpu.memory_space<vmem>>) target(%dma_start3A_111 : memref<10240x32xf32, #tpu.memory_space<vmem_shared>>) offsets(%arg23 : memref<128xi32, #tpu.memory_space<vmem>>) semaphore(%arg47 : memref<!tpu.dma_semaphore, #tpu.memory_space<semaphore_mem>>) {add = true}
      %dma_wait3A_112 = arith.constant 0 : i32
      %dma_wait3A_113 = arith.constant 0 : i32
      %dma_wait3A_114 = tpu.memref_slice %arg7[%dma_wait3A_112, %dma_wait3A_113] : memref<10240x32xf32, #tpu.memory_space<vmem_shared>> -> memref<10240x32xf32, #tpu.memory_space<vmem_shared>>
      tpu.wait_indirect_dma semaphore(%arg40 : memref<!tpu.dma_semaphore, #tpu.memory_space<semaphore_mem>>) src(%arg24 : memref<128x32xf32, #tpu.memory_space<vmem>>) dst(%dma_wait3A_114 : memref<10240x32xf32, #tpu.memory_space<vmem_shared>>)
      %dma_wait3A_115 = arith.constant 0 : i32
      %dma_wait3A_116 = arith.constant 0 : i32
      %dma_wait3A_117 = tpu.memref_slice %arg7[%dma_wait3A_115, %dma_wait3A_116] : memref<10240x32xf32, #tpu.memory_space<vmem_shared>> -> memref<10240x32xf32, #tpu.memory_space<vmem_shared>>
      tpu.wait_indirect_dma semaphore(%arg41 : memref<!tpu.dma_semaphore, #tpu.memory_space<semaphore_mem>>) src(%arg25 : memref<128x32xf32, #tpu.memory_space<vmem>>) dst(%dma_wait3A_117 : memref<10240x32xf32, #tpu.memory_space<vmem_shared>>)
      %dma_wait3A_118 = arith.constant 0 : i32
      %dma_wait3A_119 = arith.constant 0 : i32
      %dma_wait3A_120 = tpu.memref_slice %arg7[%dma_wait3A_118, %dma_wait3A_119] : memref<10240x32xf32, #tpu.memory_space<vmem_shared>> -> memref<10240x32xf32, #tpu.memory_space<vmem_shared>>
      tpu.wait_indirect_dma semaphore(%arg42 : memref<!tpu.dma_semaphore, #tpu.memory_space<semaphore_mem>>) src(%arg26 : memref<128x32xf32, #tpu.memory_space<vmem>>) dst(%dma_wait3A_120 : memref<10240x32xf32, #tpu.memory_space<vmem_shared>>)
      %dma_wait3A_121 = arith.constant 0 : i32
      %dma_wait3A_122 = arith.constant 0 : i32
      %dma_wait3A_123 = tpu.memref_slice %arg7[%dma_wait3A_121, %dma_wait3A_122] : memref<10240x32xf32, #tpu.memory_space<vmem_shared>> -> memref<10240x32xf32, #tpu.memory_space<vmem_shared>>
      tpu.wait_indirect_dma semaphore(%arg43 : memref<!tpu.dma_semaphore, #tpu.memory_space<semaphore_mem>>) src(%arg27 : memref<128x32xf32, #tpu.memory_space<vmem>>) dst(%dma_wait3A_123 : memref<10240x32xf32, #tpu.memory_space<vmem_shared>>)
      %dma_wait3A_124 = arith.constant 0 : i32
      %dma_wait3A_125 = arith.constant 0 : i32
      %dma_wait3A_126 = tpu.memref_slice %arg7[%dma_wait3A_124, %dma_wait3A_125] : memref<10240x32xf32, #tpu.memory_space<vmem_shared>> -> memref<10240x32xf32, #tpu.memory_space<vmem_shared>>
      tpu.wait_indirect_dma semaphore(%arg44 : memref<!tpu.dma_semaphore, #tpu.memory_space<semaphore_mem>>) src(%arg28 : memref<128x32xf32, #tpu.memory_space<vmem>>) dst(%dma_wait3A_126 : memref<10240x32xf32, #tpu.memory_space<vmem_shared>>)
      %dma_wait3A_127 = arith.constant 0 : i32
      %dma_wait3A_128 = arith.constant 0 : i32
      %dma_wait3A_129 = tpu.memref_slice %arg7[%dma_wait3A_127, %dma_wait3A_128] : memref<10240x32xf32, #tpu.memory_space<vmem_shared>> -> memref<10240x32xf32, #tpu.memory_space<vmem_shared>>
      tpu.wait_indirect_dma semaphore(%arg45 : memref<!tpu.dma_semaphore, #tpu.memory_space<semaphore_mem>>) src(%arg29 : memref<128x32xf32, #tpu.memory_space<vmem>>) dst(%dma_wait3A_129 : memref<10240x32xf32, #tpu.memory_space<vmem_shared>>)
      %dma_wait3A_130 = arith.constant 0 : i32
      %dma_wait3A_131 = arith.constant 0 : i32
      %dma_wait3A_132 = tpu.memref_slice %arg7[%dma_wait3A_130, %dma_wait3A_131] : memref<10240x32xf32, #tpu.memory_space<vmem_shared>> -> memref<10240x32xf32, #tpu.memory_space<vmem_shared>>
      tpu.wait_indirect_dma semaphore(%arg46 : memref<!tpu.dma_semaphore, #tpu.memory_space<semaphore_mem>>) src(%arg30 : memref<128x32xf32, #tpu.memory_space<vmem>>) dst(%dma_wait3A_132 : memref<10240x32xf32, #tpu.memory_space<vmem_shared>>)
      %dma_wait3A_133 = arith.constant 0 : i32
      %dma_wait3A_134 = arith.constant 0 : i32
      %dma_wait3A_135 = tpu.memref_slice %arg7[%dma_wait3A_133, %dma_wait3A_134] : memref<10240x32xf32, #tpu.memory_space<vmem_shared>> -> memref<10240x32xf32, #tpu.memory_space<vmem_shared>>
      tpu.wait_indirect_dma semaphore(%arg47 : memref<!tpu.dma_semaphore, #tpu.memory_space<semaphore_mem>>) src(%arg31 : memref<128x32xf32, #tpu.memory_space<vmem>>) dst(%dma_wait3A_135 : memref<10240x32xf32, #tpu.memory_space<vmem_shared>>)
    }
    %scan3A_11 = arith.constant 5 : i32
    %barrier3A_12 = arith.constant 0 : index
    tpu.barrier barrier_id(%barrier3A_12)
    %mul3A_13 = arith.constant 640 : i32
    %mul3A_14 = arith.muli %arg1, %mul3A_13 : i32
    %mul3A_15 = arith.constant 10240 : i32
    %mul3A_16 = arith.muli %arg0, %mul3A_15 : i32
    %mul3A_17 = arith.constant 640 : i32
    %mul3A_18 = arith.muli %arg1, %mul3A_17 : i32
    %add3A_19 = arith.addi %mul3A_16, %mul3A_18 : i32
    "tpu.region"() ({
      %run_scoped3A = tpu.sem_alloc : memref<!tpu.dma_semaphore, #tpu.memory_space<semaphore_mem>>
      %dma_start3A = arith.constant 0 : i32
      %dma_start3A_20 = tpu.memref_slice %arg6[%add3A_19, %dma_start3A] : memref<20480x32xf32, #tpu.memory_space<hbm>> -> memref<640x32xf32, #tpu.memory_space<hbm>>
      %dma_start3A_21 = arith.constant 0 : i32
      %dma_start3A_22 = tpu.memref_slice %arg7[%mul3A_14, %dma_start3A_21] : memref<10240x32xf32, #tpu.memory_space<vmem_shared>> -> memref<640x32xf32, #tpu.memory_space<vmem_shared>>
      tpu.enqueue_dma source(%dma_start3A_22 : memref<640x32xf32, #tpu.memory_space<vmem_shared>>) target(%dma_start3A_20 : memref<640x32xf32, #tpu.memory_space<hbm>>) target_semaphore(%run_scoped3A : memref<!tpu.dma_semaphore, #tpu.memory_space<semaphore_mem>>)
      %dma_wait3A = arith.constant 0 : i32
      %dma_wait3A_23 = tpu.memref_slice %arg6[%add3A_19, %dma_wait3A] : memref<20480x32xf32, #tpu.memory_space<hbm>> -> memref<640x32xf32, #tpu.memory_space<hbm>>
      %dma_wait3A_24 = arith.constant 0 : i32
      %dma_wait3A_25 = tpu.memref_slice %arg7[%mul3A_14, %dma_wait3A_24] : memref<10240x32xf32, #tpu.memory_space<vmem_shared>> -> memref<640x32xf32, #tpu.memory_space<vmem_shared>>
      tpu.wait_dma2 semaphore(%run_scoped3A : memref<!tpu.dma_semaphore, #tpu.memory_space<semaphore_mem>>) src(%dma_wait3A_25 : memref<640x32xf32, #tpu.memory_space<vmem_shared>>) dst(%dma_wait3A_23 : memref<640x32xf32, #tpu.memory_space<hbm>>)
      tpu.yield
    }) : () -> ()
    return
  }
}

#map = affine_map<(d0, d1) -> (0, 0)>
#map1 = affine_map<(d0, d1) -> (0)>
module attributes {stable_mosaic.version = 14 : i64} {
  func.func @k(%arg0: i32, %arg1: i32, %arg2: memref<20000x176xf32, #tpu.memory_space<hbm>>, %arg3: memref<327680xi32, #tpu.memory_space<hbm>>, %arg4: memref<327680xi32, #tpu.memory_space<hbm>>, %arg5: memref<10112x176xf32, #tpu.memory_space<hbm>>, %arg6: memref<20224x176xf32, #tpu.memory_space<hbm>>, %arg7: memref<10112x176xf32, #tpu.memory_space<vmem_shared>>, %arg8: memref<40xi32, #tpu.memory_space<vmem>>, %arg9: memref<40xi32, #tpu.memory_space<vmem>>, %arg10: memref<40xi32, #tpu.memory_space<vmem>>, %arg11: memref<40xi32, #tpu.memory_space<vmem>>, %arg12: memref<40x176xf32, #tpu.memory_space<vmem>>, %arg13: memref<40x176xf32, #tpu.memory_space<vmem>>, %arg14: memref<!tpu.dma_semaphore, #tpu.memory_space<semaphore_mem>>, %arg15: memref<!tpu.dma_semaphore, #tpu.memory_space<semaphore_mem>>, %arg16: memref<!tpu.dma_semaphore, #tpu.memory_space<semaphore_mem>>, %arg17: memref<!tpu.dma_semaphore, #tpu.memory_space<semaphore_mem>>) attributes {dimension_semantics = [#tpu.dimension_semantics<core_parallel>, #tpu.dimension_semantics<subcore_parallel>], iteration_bounds = array<i64: 2, 16>, scalar_prefetch = 0 : i64, scratch_operands = 11 : i64, tpu.core_type = #tpu.core_type<sc_vector_subcore>, window_params = [{transform_indices = #map}, {transform_indices = #map1}, {transform_indices = #map1}, {transform_indices = #map}, {transform_indices = #map}]} {
    %mul3A = arith.constant 632 : i32
    %mul3A_0 = arith.muli %arg1, %mul3A : i32
    %mul3A_1 = arith.constant 632 : i32
    %mul3A_2 = arith.muli %arg1, %mul3A_1 : i32
    "tpu.region"() ({
      %run_scoped3A = tpu.sem_alloc : memref<!tpu.dma_semaphore, #tpu.memory_space<semaphore_mem>>
      %dma_start3A = arith.constant 0 : i32
      %dma_start3A_20 = tpu.memref_slice %arg7[%mul3A_2, %dma_start3A] : memref<10112x176xf32, #tpu.memory_space<vmem_shared>> -> memref<632x176xf32, #tpu.memory_space<vmem_shared>>
      %dma_start3A_21 = arith.constant 0 : i32
      %dma_start3A_22 = tpu.memref_slice %arg5[%mul3A_0, %dma_start3A_21] : memref<10112x176xf32, #tpu.memory_space<hbm>> -> memref<632x176xf32, #tpu.memory_space<hbm>>
      tpu.enqueue_dma source(%dma_start3A_22 : memref<632x176xf32, #tpu.memory_space<hbm>>) target(%dma_start3A_20 : memref<632x176xf32, #tpu.memory_space<vmem_shared>>) target_semaphore(%run_scoped3A : memref<!tpu.dma_semaphore, #tpu.memory_space<semaphore_mem>>)
      %dma_wait3A = arith.constant 0 : i32
      %dma_wait3A_23 = tpu.memref_slice %arg7[%mul3A_2, %dma_wait3A] : memref<10112x176xf32, #tpu.memory_space<vmem_shared>> -> memref<632x176xf32, #tpu.memory_space<vmem_shared>>
      %dma_wait3A_24 = arith.constant 0 : i32
      %dma_wait3A_25 = tpu.memref_slice %arg5[%mul3A_0, %dma_wait3A_24] : memref<10112x176xf32, #tpu.memory_space<hbm>> -> memref<632x176xf32, #tpu.memory_space<hbm>>
      tpu.wait_dma2 semaphore(%run_scoped3A : memref<!tpu.dma_semaphore, #tpu.memory_space<semaphore_mem>>) src(%dma_wait3A_25 : memref<632x176xf32, #tpu.memory_space<hbm>>) dst(%dma_wait3A_23 : memref<632x176xf32, #tpu.memory_space<vmem_shared>>)
      tpu.yield
    }) : () -> ()
    %barrier3A = arith.constant 0 : index
    tpu.barrier barrier_id(%barrier3A)
    %mul3A_3 = arith.constant 163840 : i32
    %mul3A_4 = arith.muli %arg0, %mul3A_3 : i32
    %mul3A_5 = arith.constant 10240 : i32
    %mul3A_6 = arith.muli %arg1, %mul3A_5 : i32
    %add3A = arith.addi %mul3A_4, %mul3A_6 : i32
    %scan3A = arith.constant 0 : i32
    %scan3A_7 = arith.constant 0 : i32
    %scan3A_8 = arith.constant 128 : i32
    %scan3A_9 = arith.addi %scan3A_7, %scan3A_8 : i32
    %scan3A_10 = arith.constant 1 : i32
    scf.for %scan3A_20 = %scan3A_7 to %scan3A_9 step %scan3A_10  : i32 {
      %mul3A_21 = arith.constant 2 : i32
      %mul3A_22 = arith.muli %mul3A_21, %scan3A_20 : i32
      %mul3A_23 = arith.constant 40 : i32
      %mul3A_24 = arith.muli %mul3A_22, %mul3A_23 : i32
      %add3A_25 = arith.addi %add3A, %mul3A_24 : i32
      %add3A_26 = arith.constant 40 : i32
      %add3A_27 = arith.addi %add3A_25, %add3A_26 : i32
      "tpu.region"() ({
        %run_scoped3A = tpu.sem_alloc : memref<!tpu.dma_semaphore, #tpu.memory_space<semaphore_mem>>
        %dma_start3A_50 = tpu.memref_slice %arg3[%add3A_25] : memref<327680xi32, #tpu.memory_space<hbm>> -> memref<40xi32, #tpu.memory_space<hbm>>
        %dma_start3A_51 = tpu.memref_slice %arg3[%add3A_25] : memref<327680xi32, #tpu.memory_space<hbm>> -> memref<40xi32, #tpu.memory_space<hbm>>
        tpu.enqueue_dma source(%dma_start3A_51 : memref<40xi32, #tpu.memory_space<hbm>>) target(%arg8 : memref<40xi32, #tpu.memory_space<vmem>>) target_semaphore(%run_scoped3A : memref<!tpu.dma_semaphore, #tpu.memory_space<semaphore_mem>>)
        %dma_wait3A_52 = tpu.memref_slice %arg3[%add3A_25] : memref<327680xi32, #tpu.memory_space<hbm>> -> memref<40xi32, #tpu.memory_space<hbm>>
        %dma_wait3A_53 = tpu.memref_slice %arg3[%add3A_25] : memref<327680xi32, #tpu.memory_space<hbm>> -> memref<40xi32, #tpu.memory_space<hbm>>
        tpu.wait_dma2 semaphore(%run_scoped3A : memref<!tpu.dma_semaphore, #tpu.memory_space<semaphore_mem>>) src(%dma_wait3A_53 : memref<40xi32, #tpu.memory_space<hbm>>) dst(%arg8 : memref<40xi32, #tpu.memory_space<vmem>>)
        tpu.yield
      }) : () -> ()
      "tpu.region"() ({
        %run_scoped3A = tpu.sem_alloc : memref<!tpu.dma_semaphore, #tpu.memory_space<semaphore_mem>>
        %dma_start3A_50 = tpu.memref_slice %arg4[%add3A_25] : memref<327680xi32, #tpu.memory_space<hbm>> -> memref<40xi32, #tpu.memory_space<hbm>>
        %dma_start3A_51 = tpu.memref_slice %arg4[%add3A_25] : memref<327680xi32, #tpu.memory_space<hbm>> -> memref<40xi32, #tpu.memory_space<hbm>>
        tpu.enqueue_dma source(%dma_start3A_51 : memref<40xi32, #tpu.memory_space<hbm>>) target(%arg10 : memref<40xi32, #tpu.memory_space<vmem>>) target_semaphore(%run_scoped3A : memref<!tpu.dma_semaphore, #tpu.memory_space<semaphore_mem>>)
        %dma_wait3A_52 = tpu.memref_slice %arg4[%add3A_25] : memref<327680xi32, #tpu.memory_space<hbm>> -> memref<40xi32, #tpu.memory_space<hbm>>
        %dma_wait3A_53 = tpu.memref_slice %arg4[%add3A_25] : memref<327680xi32, #tpu.memory_space<hbm>> -> memref<40xi32, #tpu.memory_space<hbm>>
        tpu.wait_dma2 semaphore(%run_scoped3A : memref<!tpu.dma_semaphore, #tpu.memory_space<semaphore_mem>>) src(%dma_wait3A_53 : memref<40xi32, #tpu.memory_space<hbm>>) dst(%arg10 : memref<40xi32, #tpu.memory_space<vmem>>)
        tpu.yield
      }) : () -> ()
      %dma_start3A = arith.constant 0 : i32
      %dma_start3A_28 = arith.constant 0 : i32
      %dma_start3A_29 = tpu.memref_slice %arg2[%dma_start3A, %dma_start3A_28] : memref<20000x176xf32, #tpu.memory_space<hbm>> -> memref<20000x176xf32, #tpu.memory_space<hbm>>
      tpu.enqueue_indirect_dma source(%dma_start3A_29 : memref<20000x176xf32, #tpu.memory_space<hbm>>) target(%arg12 : memref<40x176xf32, #tpu.memory_space<vmem>>) offsets(%arg8 : memref<40xi32, #tpu.memory_space<vmem>>) semaphore(%arg14 : memref<!tpu.dma_semaphore, #tpu.memory_space<semaphore_mem>>)
      "tpu.region"() ({
        %run_scoped3A = tpu.sem_alloc : memref<!tpu.dma_semaphore, #tpu.memory_space<semaphore_mem>>
        %dma_start3A_50 = tpu.memref_slice %arg3[%add3A_27] : memref<327680xi32, #tpu.memory_space<hbm>> -> memref<40xi32, #tpu.memory_space<hbm>>
        %dma_start3A_51 = tpu.memref_slice %arg3[%add3A_27] : memref<327680xi32, #tpu.memory_space<hbm>> -> memref<40xi32, #tpu.memory_space<hbm>>
        tpu.enqueue_dma source(%dma_start3A_51 : memref<40xi32, #tpu.memory_space<hbm>>) target(%arg9 : memref<40xi32, #tpu.memory_space<vmem>>) target_semaphore(%run_scoped3A : memref<!tpu.dma_semaphore, #tpu.memory_space<semaphore_mem>>)
        %dma_wait3A_52 = tpu.memref_slice %arg3[%add3A_27] : memref<327680xi32, #tpu.memory_space<hbm>> -> memref<40xi32, #tpu.memory_space<hbm>>
        %dma_wait3A_53 = tpu.memref_slice %arg3[%add3A_27] : memref<327680xi32, #tpu.memory_space<hbm>> -> memref<40xi32, #tpu.memory_space<hbm>>
        tpu.wait_dma2 semaphore(%run_scoped3A : memref<!tpu.dma_semaphore, #tpu.memory_space<semaphore_mem>>) src(%dma_wait3A_53 : memref<40xi32, #tpu.memory_space<hbm>>) dst(%arg9 : memref<40xi32, #tpu.memory_space<vmem>>)
        tpu.yield
      }) : () -> ()
      "tpu.region"() ({
        %run_scoped3A = tpu.sem_alloc : memref<!tpu.dma_semaphore, #tpu.memory_space<semaphore_mem>>
        %dma_start3A_50 = tpu.memref_slice %arg4[%add3A_27] : memref<327680xi32, #tpu.memory_space<hbm>> -> memref<40xi32, #tpu.memory_space<hbm>>
        %dma_start3A_51 = tpu.memref_slice %arg4[%add3A_27] : memref<327680xi32, #tpu.memory_space<hbm>> -> memref<40xi32, #tpu.memory_space<hbm>>
        tpu.enqueue_dma source(%dma_start3A_51 : memref<40xi32, #tpu.memory_space<hbm>>) target(%arg11 : memref<40xi32, #tpu.memory_space<vmem>>) target_semaphore(%run_scoped3A : memref<!tpu.dma_semaphore, #tpu.memory_space<semaphore_mem>>)
        %dma_wait3A_52 = tpu.memref_slice %arg4[%add3A_27] : memref<327680xi32, #tpu.memory_space<hbm>> -> memref<40xi32, #tpu.memory_space<hbm>>
        %dma_wait3A_53 = tpu.memref_slice %arg4[%add3A_27] : memref<327680xi32, #tpu.memory_space<hbm>> -> memref<40xi32, #tpu.memory_space<hbm>>
        tpu.wait_dma2 semaphore(%run_scoped3A : memref<!tpu.dma_semaphore, #tpu.memory_space<semaphore_mem>>) src(%dma_wait3A_53 : memref<40xi32, #tpu.memory_space<hbm>>) dst(%arg11 : memref<40xi32, #tpu.memory_space<vmem>>)
        tpu.yield
      }) : () -> ()
      %dma_start3A_30 = arith.constant 0 : i32
      %dma_start3A_31 = arith.constant 0 : i32
      %dma_start3A_32 = tpu.memref_slice %arg2[%dma_start3A_30, %dma_start3A_31] : memref<20000x176xf32, #tpu.memory_space<hbm>> -> memref<20000x176xf32, #tpu.memory_space<hbm>>
      tpu.enqueue_indirect_dma source(%dma_start3A_32 : memref<20000x176xf32, #tpu.memory_space<hbm>>) target(%arg13 : memref<40x176xf32, #tpu.memory_space<vmem>>) offsets(%arg9 : memref<40xi32, #tpu.memory_space<vmem>>) semaphore(%arg15 : memref<!tpu.dma_semaphore, #tpu.memory_space<semaphore_mem>>)
      %dma_wait3A = arith.constant 0 : i32
      %dma_wait3A_33 = arith.constant 0 : i32
      %dma_wait3A_34 = tpu.memref_slice %arg2[%dma_wait3A, %dma_wait3A_33] : memref<20000x176xf32, #tpu.memory_space<hbm>> -> memref<20000x176xf32, #tpu.memory_space<hbm>>
      tpu.wait_indirect_dma semaphore(%arg14 : memref<!tpu.dma_semaphore, #tpu.memory_space<semaphore_mem>>) src(%dma_wait3A_34 : memref<20000x176xf32, #tpu.memory_space<hbm>>) dst(%arg12 : memref<40x176xf32, #tpu.memory_space<vmem>>)
      %dma_start3A_35 = arith.constant 0 : i32
      %dma_start3A_36 = arith.constant 0 : i32
      %dma_start3A_37 = tpu.memref_slice %arg7[%dma_start3A_35, %dma_start3A_36] : memref<10112x176xf32, #tpu.memory_space<vmem_shared>> -> memref<10112x176xf32, #tpu.memory_space<vmem_shared>>
      tpu.enqueue_indirect_dma source(%arg12 : memref<40x176xf32, #tpu.memory_space<vmem>>) target(%dma_start3A_37 : memref<10112x176xf32, #tpu.memory_space<vmem_shared>>) offsets(%arg10 : memref<40xi32, #tpu.memory_space<vmem>>) semaphore(%arg16 : memref<!tpu.dma_semaphore, #tpu.memory_space<semaphore_mem>>) {add = true}
      %dma_wait3A_38 = arith.constant 0 : i32
      %dma_wait3A_39 = arith.constant 0 : i32
      %dma_wait3A_40 = tpu.memref_slice %arg2[%dma_wait3A_38, %dma_wait3A_39] : memref<20000x176xf32, #tpu.memory_space<hbm>> -> memref<20000x176xf32, #tpu.memory_space<hbm>>
      tpu.wait_indirect_dma semaphore(%arg15 : memref<!tpu.dma_semaphore, #tpu.memory_space<semaphore_mem>>) src(%dma_wait3A_40 : memref<20000x176xf32, #tpu.memory_space<hbm>>) dst(%arg13 : memref<40x176xf32, #tpu.memory_space<vmem>>)
      %dma_start3A_41 = arith.constant 0 : i32
      %dma_start3A_42 = arith.constant 0 : i32
      %dma_start3A_43 = tpu.memref_slice %arg7[%dma_start3A_41, %dma_start3A_42] : memref<10112x176xf32, #tpu.memory_space<vmem_shared>> -> memref<10112x176xf32, #tpu.memory_space<vmem_shared>>
      tpu.enqueue_indirect_dma source(%arg13 : memref<40x176xf32, #tpu.memory_space<vmem>>) target(%dma_start3A_43 : memref<10112x176xf32, #tpu.memory_space<vmem_shared>>) offsets(%arg11 : memref<40xi32, #tpu.memory_space<vmem>>) semaphore(%arg17 : memref<!tpu.dma_semaphore, #tpu.memory_space<semaphore_mem>>) {add = true}
      %dma_wait3A_44 = arith.constant 0 : i32
      %dma_wait3A_45 = arith.constant 0 : i32
      %dma_wait3A_46 = tpu.memref_slice %arg7[%dma_wait3A_44, %dma_wait3A_45] : memref<10112x176xf32, #tpu.memory_space<vmem_shared>> -> memref<10112x176xf32, #tpu.memory_space<vmem_shared>>
      tpu.wait_indirect_dma semaphore(%arg16 : memref<!tpu.dma_semaphore, #tpu.memory_space<semaphore_mem>>) src(%arg12 : memref<40x176xf32, #tpu.memory_space<vmem>>) dst(%dma_wait3A_46 : memref<10112x176xf32, #tpu.memory_space<vmem_shared>>)
      %dma_wait3A_47 = arith.constant 0 : i32
      %dma_wait3A_48 = arith.constant 0 : i32
      %dma_wait3A_49 = tpu.memref_slice %arg7[%dma_wait3A_47, %dma_wait3A_48] : memref<10112x176xf32, #tpu.memory_space<vmem_shared>> -> memref<10112x176xf32, #tpu.memory_space<vmem_shared>>
      tpu.wait_indirect_dma semaphore(%arg17 : memref<!tpu.dma_semaphore, #tpu.memory_space<semaphore_mem>>) src(%arg13 : memref<40x176xf32, #tpu.memory_space<vmem>>) dst(%dma_wait3A_49 : memref<10112x176xf32, #tpu.memory_space<vmem_shared>>)
    }
    %scan3A_11 = arith.constant 128 : i32
    %barrier3A_12 = arith.constant 0 : index
    tpu.barrier barrier_id(%barrier3A_12)
    %mul3A_13 = arith.constant 632 : i32
    %mul3A_14 = arith.muli %arg1, %mul3A_13 : i32
    %mul3A_15 = arith.constant 10112 : i32
    %mul3A_16 = arith.muli %arg0, %mul3A_15 : i32
    %mul3A_17 = arith.constant 632 : i32
    %mul3A_18 = arith.muli %arg1, %mul3A_17 : i32
    %add3A_19 = arith.addi %mul3A_16, %mul3A_18 : i32
    "tpu.region"() ({
      %run_scoped3A = tpu.sem_alloc : memref<!tpu.dma_semaphore, #tpu.memory_space<semaphore_mem>>
      %dma_start3A = arith.constant 0 : i32
      %dma_start3A_20 = tpu.memref_slice %arg6[%add3A_19, %dma_start3A] : memref<20224x176xf32, #tpu.memory_space<hbm>> -> memref<632x176xf32, #tpu.memory_space<hbm>>
      %dma_start3A_21 = arith.constant 0 : i32
      %dma_start3A_22 = tpu.memref_slice %arg7[%mul3A_14, %dma_start3A_21] : memref<10112x176xf32, #tpu.memory_space<vmem_shared>> -> memref<632x176xf32, #tpu.memory_space<vmem_shared>>
      tpu.enqueue_dma source(%dma_start3A_22 : memref<632x176xf32, #tpu.memory_space<vmem_shared>>) target(%dma_start3A_20 : memref<632x176xf32, #tpu.memory_space<hbm>>) target_semaphore(%run_scoped3A : memref<!tpu.dma_semaphore, #tpu.memory_space<semaphore_mem>>)
      %dma_wait3A = arith.constant 0 : i32
      %dma_wait3A_23 = tpu.memref_slice %arg6[%add3A_19, %dma_wait3A] : memref<20224x176xf32, #tpu.memory_space<hbm>> -> memref<632x176xf32, #tpu.memory_space<hbm>>
      %dma_wait3A_24 = arith.constant 0 : i32
      %dma_wait3A_25 = tpu.memref_slice %arg7[%mul3A_14, %dma_wait3A_24] : memref<10112x176xf32, #tpu.memory_space<vmem_shared>> -> memref<632x176xf32, #tpu.memory_space<vmem_shared>>
      tpu.wait_dma2 semaphore(%run_scoped3A : memref<!tpu.dma_semaphore, #tpu.memory_space<semaphore_mem>>) src(%dma_wait3A_25 : memref<632x176xf32, #tpu.memory_space<vmem_shared>>) dst(%dma_wait3A_23 : memref<632x176xf32, #tpu.memory_space<hbm>>)
      tpu.yield
    }) : () -> ()
    return
  }
}

#map = affine_map<(d0, d1) -> (0, 0)>
#map1 = affine_map<(d0, d1) -> (0)>
module attributes {stable_mosaic.version = 14 : i64} {
  func.func @k(%arg0: i32, %arg1: i32, %arg2: memref<10000x32xf32, #tpu.memory_space<hbm>>, %arg3: memref<163840xi32, #tpu.memory_space<hbm>>, %arg4: memref<163840xi32, #tpu.memory_space<hbm>>, %arg5: memref<10240x32xf32, #tpu.memory_space<hbm>>, %arg6: memref<20480x32xf32, #tpu.memory_space<hbm>>, %arg7: memref<10240x32xf32, #tpu.memory_space<vmem_shared>>, %arg8: memref<128xi32, #tpu.memory_space<vmem>>, %arg9: memref<128xi32, #tpu.memory_space<vmem>>, %arg10: memref<128xi32, #tpu.memory_space<vmem>>, %arg11: memref<128xi32, #tpu.memory_space<vmem>>, %arg12: memref<128xi32, #tpu.memory_space<vmem>>, %arg13: memref<128xi32, #tpu.memory_space<vmem>>, %arg14: memref<128xi32, #tpu.memory_space<vmem>>, %arg15: memref<128xi32, #tpu.memory_space<vmem>>, %arg16: memref<128xi32, #tpu.memory_space<vmem>>, %arg17: memref<128xi32, #tpu.memory_space<vmem>>, %arg18: memref<128xi32, #tpu.memory_space<vmem>>, %arg19: memref<128xi32, #tpu.memory_space<vmem>>, %arg20: memref<128xi32, #tpu.memory_space<vmem>>, %arg21: memref<128xi32, #tpu.memory_space<vmem>>, %arg22: memref<128xi32, #tpu.memory_space<vmem>>, %arg23: memref<128xi32, #tpu.memory_space<vmem>>, %arg24: memref<128x32xf32, #tpu.memory_space<vmem>>, %arg25: memref<128x32xf32, #tpu.memory_space<vmem>>, %arg26: memref<128x32xf32, #tpu.memory_space<vmem>>, %arg27: memref<128x32xf32, #tpu.memory_space<vmem>>, %arg28: memref<128x32xf32, #tpu.memory_space<vmem>>, %arg29: memref<128x32xf32, #tpu.memory_space<vmem>>, %arg30: memref<128x32xf32, #tpu.memory_space<vmem>>, %arg31: memref<128x32xf32, #tpu.memory_space<vmem>>, %arg32: memref<!tpu.dma_semaphore, #tpu.memory_space<semaphore_mem>>, %arg33: memref<!tpu.dma_semaphore, #tpu.memory_space<semaphore_mem>>, %arg34: memref<!tpu.dma_semaphore, #tpu.memory_space<semaphore_mem>>, %arg35: memref<!tpu.dma_semaphore, #tpu.memory_space<semaphore_mem>>, %arg36: memref<!tpu.dma_semaphore, #tpu.memory_space<semaphore_mem>>, %arg37: memref<!tpu.dma_semaphore, #tpu.memory_space<semaphore_mem>>, %arg38: memref<!tpu.dma_semaphore, #tpu.memory_space<semaphore_mem>>, %arg39: memref<!tpu.dma_semaphore, #tpu.memory_space<semaphore_mem>>, %arg40: memref<!tpu.dma_semaphore, #tpu.memory_space<semaphore_mem>>, %arg41: memref<!tpu.dma_semaphore, #tpu.memory_space<semaphore_mem>>, %arg42: memref<!tpu.dma_semaphore, #tpu.memory_space<semaphore_mem>>, %arg43: memref<!tpu.dma_semaphore, #tpu.memory_space<semaphore_mem>>, %arg44: memref<!tpu.dma_semaphore, #tpu.memory_space<semaphore_mem>>, %arg45: memref<!tpu.dma_semaphore, #tpu.memory_space<semaphore_mem>>, %arg46: memref<!tpu.dma_semaphore, #tpu.memory_space<semaphore_mem>>, %arg47: memref<!tpu.dma_semaphore, #tpu.memory_space<semaphore_mem>>) attributes {dimension_semantics = [#tpu.dimension_semantics<core_parallel>, #tpu.dimension_semantics<subcore_parallel>], iteration_bounds = array<i64: 2, 16>, scalar_prefetch = 0 : i64, scratch_operands = 41 : i64, tpu.core_type = #tpu.core_type<sc_vector_subcore>, window_params = [{transform_indices = #map}, {transform_indices = #map1}, {transform_indices = #map1}, {transform_indices = #map}, {transform_indices = #map}]} {
    %mul3A = arith.constant 16 : i32
    %mul3A_0 = arith.muli %arg0, %mul3A : i32
    %add3A = arith.addi %mul3A_0, %arg1 : i32
    %mul3A_1 = arith.constant 640 : i32
    %mul3A_2 = arith.muli %arg1, %mul3A_1 : i32
    %mul3A_3 = arith.constant 640 : i32
    %mul3A_4 = arith.muli %arg1, %mul3A_3 : i32
    "tpu.region"() ({
      %run_scoped3A = tpu.sem_alloc : memref<!tpu.dma_semaphore, #tpu.memory_space<semaphore_mem>>
      %dma_start3A = arith.constant 0 : i32
      %dma_start3A_20 = tpu.memref_slice %arg7[%mul3A_4, %dma_start3A] : memref<10240x32xf32, #tpu.memory_space<vmem_shared>> -> memref<640x32xf32, #tpu.memory_space<vmem_shared>>
      %dma_start3A_21 = arith.constant 0 : i32
      %dma_start3A_22 = tpu.memref_slice %arg5[%mul3A_2, %dma_start3A_21] : memref<10240x32xf32, #tpu.memory_space<hbm>> -> memref<640x32xf32, #tpu.memory_space<hbm>>
      tpu.enqueue_dma source(%dma_start3A_22 : memref<640x32xf32, #tpu.memory_space<hbm>>) target(%dma_start3A_20 : memref<640x32xf32, #tpu.memory_space<vmem_shared>>) target_semaphore(%run_scoped3A : memref<!tpu.dma_semaphore, #tpu.memory_space<semaphore_mem>>)
      %dma_wait3A = arith.constant 0 : i32
      %dma_wait3A_23 = tpu.memref_slice %arg7[%mul3A_4, %dma_wait3A] : memref<10240x32xf32, #tpu.memory_space<vmem_shared>> -> memref<640x32xf32, #tpu.memory_space<vmem_shared>>
      %dma_wait3A_24 = arith.constant 0 : i32
      %dma_wait3A_25 = tpu.memref_slice %arg5[%mul3A_2, %dma_wait3A_24] : memref<10240x32xf32, #tpu.memory_space<hbm>> -> memref<640x32xf32, #tpu.memory_space<hbm>>
      tpu.wait_dma2 semaphore(%run_scoped3A : memref<!tpu.dma_semaphore, #tpu.memory_space<semaphore_mem>>) src(%dma_wait3A_25 : memref<640x32xf32, #tpu.memory_space<hbm>>) dst(%dma_wait3A_23 : memref<640x32xf32, #tpu.memory_space<vmem_shared>>)
      tpu.yield
    }) : () -> ()
    %barrier3A = arith.constant 0 : index
    tpu.barrier barrier_id(%barrier3A)
    %mul3A_5 = arith.constant 5120 : i32
    %mul3A_6 = arith.muli %add3A, %mul3A_5 : i32
    %scan3A = arith.constant 0 : i32
    %scan3A_7 = arith.constant 0 : i32
    %scan3A_8 = arith.constant 5 : i32
    %scan3A_9 = arith.addi %scan3A_7, %scan3A_8 : i32
    %scan3A_10 = arith.constant 1 : i32
    scf.for %scan3A_20 = %scan3A_7 to %scan3A_9 step %scan3A_10  : i32 {
      %mul3A_21 = arith.constant 8 : i32
      %mul3A_22 = arith.muli %mul3A_21, %scan3A_20 : i32
      %mul3A_23 = arith.constant 128 : i32
      %mul3A_24 = arith.muli %mul3A_22, %mul3A_23 : i32
      %add3A_25 = arith.addi %mul3A_6, %mul3A_24 : i32
      %add3A_26 = arith.constant 0 : i32
      %add3A_27 = arith.addi %add3A_25, %add3A_26 : i32
      "tpu.region"() ({
        %run_scoped3A = tpu.sem_alloc : memref<!tpu.dma_semaphore, #tpu.memory_space<semaphore_mem>>
        %dma_start3A_136 = tpu.memref_slice %arg3[%add3A_27] : memref<163840xi32, #tpu.memory_space<hbm>> -> memref<128xi32, #tpu.memory_space<hbm>>
        %dma_start3A_137 = tpu.memref_slice %arg3[%add3A_27] : memref<163840xi32, #tpu.memory_space<hbm>> -> memref<128xi32, #tpu.memory_space<hbm>>
        tpu.enqueue_dma source(%dma_start3A_137 : memref<128xi32, #tpu.memory_space<hbm>>) target(%arg8 : memref<128xi32, #tpu.memory_space<vmem>>) target_semaphore(%run_scoped3A : memref<!tpu.dma_semaphore, #tpu.memory_space<semaphore_mem>>)
        %dma_wait3A_138 = tpu.memref_slice %arg3[%add3A_27] : memref<163840xi32, #tpu.memory_space<hbm>> -> memref<128xi32, #tpu.memory_space<hbm>>
        %dma_wait3A_139 = tpu.memref_slice %arg3[%add3A_27] : memref<163840xi32, #tpu.memory_space<hbm>> -> memref<128xi32, #tpu.memory_space<hbm>>
        tpu.wait_dma2 semaphore(%run_scoped3A : memref<!tpu.dma_semaphore, #tpu.memory_space<semaphore_mem>>) src(%dma_wait3A_139 : memref<128xi32, #tpu.memory_space<hbm>>) dst(%arg8 : memref<128xi32, #tpu.memory_space<vmem>>)
        tpu.yield
      }) : () -> ()
      "tpu.region"() ({
        %run_scoped3A = tpu.sem_alloc : memref<!tpu.dma_semaphore, #tpu.memory_space<semaphore_mem>>
        %dma_start3A_136 = tpu.memref_slice %arg4[%add3A_27] : memref<163840xi32, #tpu.memory_space<hbm>> -> memref<128xi32, #tpu.memory_space<hbm>>
        %dma_start3A_137 = tpu.memref_slice %arg4[%add3A_27] : memref<163840xi32, #tpu.memory_space<hbm>> -> memref<128xi32, #tpu.memory_space<hbm>>
        tpu.enqueue_dma source(%dma_start3A_137 : memref<128xi32, #tpu.memory_space<hbm>>) target(%arg16 : memref<128xi32, #tpu.memory_space<vmem>>) target_semaphore(%run_scoped3A : memref<!tpu.dma_semaphore, #tpu.memory_space<semaphore_mem>>)
        %dma_wait3A_138 = tpu.memref_slice %arg4[%add3A_27] : memref<163840xi32, #tpu.memory_space<hbm>> -> memref<128xi32, #tpu.memory_space<hbm>>
        %dma_wait3A_139 = tpu.memref_slice %arg4[%add3A_27] : memref<163840xi32, #tpu.memory_space<hbm>> -> memref<128xi32, #tpu.memory_space<hbm>>
        tpu.wait_dma2 semaphore(%run_scoped3A : memref<!tpu.dma_semaphore, #tpu.memory_space<semaphore_mem>>) src(%dma_wait3A_139 : memref<128xi32, #tpu.memory_space<hbm>>) dst(%arg16 : memref<128xi32, #tpu.memory_space<vmem>>)
        tpu.yield
      }) : () -> ()
      %dma_start3A = arith.constant 0 : i32
      %dma_start3A_28 = arith.constant 0 : i32
      %dma_start3A_29 = tpu.memref_slice %arg2[%dma_start3A, %dma_start3A_28] : memref<10000x32xf32, #tpu.memory_space<hbm>> -> memref<10000x32xf32, #tpu.memory_space<hbm>>
      tpu.enqueue_indirect_dma source(%dma_start3A_29 : memref<10000x32xf32, #tpu.memory_space<hbm>>) target(%arg24 : memref<128x32xf32, #tpu.memory_space<vmem>>) offsets(%arg8 : memref<128xi32, #tpu.memory_space<vmem>>) semaphore(%arg32 : memref<!tpu.dma_semaphore, #tpu.memory_space<semaphore_mem>>)
      %add3A_30 = arith.constant 128 : i32
      %add3A_31 = arith.addi %add3A_25, %add3A_30 : i32
      "tpu.region"() ({
        %run_scoped3A = tpu.sem_alloc : memref<!tpu.dma_semaphore, #tpu.memory_space<semaphore_mem>>
        %dma_start3A_136 = tpu.memref_slice %arg3[%add3A_31] : memref<163840xi32, #tpu.memory_space<hbm>> -> memref<128xi32, #tpu.memory_space<hbm>>
        %dma_start3A_137 = tpu.memref_slice %arg3[%add3A_31] : memref<163840xi32, #tpu.memory_space<hbm>> -> memref<128xi32, #tpu.memory_space<hbm>>
        tpu.enqueue_dma source(%dma_start3A_137 : memref<128xi32, #tpu.memory_space<hbm>>) target(%arg9 : memref<128xi32, #tpu.memory_space<vmem>>) target_semaphore(%run_scoped3A : memref<!tpu.dma_semaphore, #tpu.memory_space<semaphore_mem>>)
        %dma_wait3A_138 = tpu.memref_slice %arg3[%add3A_31] : memref<163840xi32, #tpu.memory_space<hbm>> -> memref<128xi32, #tpu.memory_space<hbm>>
        %dma_wait3A_139 = tpu.memref_slice %arg3[%add3A_31] : memref<163840xi32, #tpu.memory_space<hbm>> -> memref<128xi32, #tpu.memory_space<hbm>>
        tpu.wait_dma2 semaphore(%run_scoped3A : memref<!tpu.dma_semaphore, #tpu.memory_space<semaphore_mem>>) src(%dma_wait3A_139 : memref<128xi32, #tpu.memory_space<hbm>>) dst(%arg9 : memref<128xi32, #tpu.memory_space<vmem>>)
        tpu.yield
      }) : () -> ()
      "tpu.region"() ({
        %run_scoped3A = tpu.sem_alloc : memref<!tpu.dma_semaphore, #tpu.memory_space<semaphore_mem>>
        %dma_start3A_136 = tpu.memref_slice %arg4[%add3A_31] : memref<163840xi32, #tpu.memory_space<hbm>> -> memref<128xi32, #tpu.memory_space<hbm>>
        %dma_start3A_137 = tpu.memref_slice %arg4[%add3A_31] : memref<163840xi32, #tpu.memory_space<hbm>> -> memref<128xi32, #tpu.memory_space<hbm>>
        tpu.enqueue_dma source(%dma_start3A_137 : memref<128xi32, #tpu.memory_space<hbm>>) target(%arg17 : memref<128xi32, #tpu.memory_space<vmem>>) target_semaphore(%run_scoped3A : memref<!tpu.dma_semaphore, #tpu.memory_space<semaphore_mem>>)
        %dma_wait3A_138 = tpu.memref_slice %arg4[%add3A_31] : memref<163840xi32, #tpu.memory_space<hbm>> -> memref<128xi32, #tpu.memory_space<hbm>>
        %dma_wait3A_139 = tpu.memref_slice %arg4[%add3A_31] : memref<163840xi32, #tpu.memory_space<hbm>> -> memref<128xi32, #tpu.memory_space<hbm>>
        tpu.wait_dma2 semaphore(%run_scoped3A : memref<!tpu.dma_semaphore, #tpu.memory_space<semaphore_mem>>) src(%dma_wait3A_139 : memref<128xi32, #tpu.memory_space<hbm>>) dst(%arg17 : memref<128xi32, #tpu.memory_space<vmem>>)
        tpu.yield
      }) : () -> ()
      %dma_start3A_32 = arith.constant 0 : i32
      %dma_start3A_33 = arith.constant 0 : i32
      %dma_start3A_34 = tpu.memref_slice %arg2[%dma_start3A_32, %dma_start3A_33] : memref<10000x32xf32, #tpu.memory_space<hbm>> -> memref<10000x32xf32, #tpu.memory_space<hbm>>
      tpu.enqueue_indirect_dma source(%dma_start3A_34 : memref<10000x32xf32, #tpu.memory_space<hbm>>) target(%arg25 : memref<128x32xf32, #tpu.memory_space<vmem>>) offsets(%arg9 : memref<128xi32, #tpu.memory_space<vmem>>) semaphore(%arg33 : memref<!tpu.dma_semaphore, #tpu.memory_space<semaphore_mem>>)
      %add3A_35 = arith.constant 256 : i32
      %add3A_36 = arith.addi %add3A_25, %add3A_35 : i32
      "tpu.region"() ({
        %run_scoped3A = tpu.sem_alloc : memref<!tpu.dma_semaphore, #tpu.memory_space<semaphore_mem>>
        %dma_start3A_136 = tpu.memref_slice %arg3[%add3A_36] : memref<163840xi32, #tpu.memory_space<hbm>> -> memref<128xi32, #tpu.memory_space<hbm>>
        %dma_start3A_137 = tpu.memref_slice %arg3[%add3A_36] : memref<163840xi32, #tpu.memory_space<hbm>> -> memref<128xi32, #tpu.memory_space<hbm>>
        tpu.enqueue_dma source(%dma_start3A_137 : memref<128xi32, #tpu.memory_space<hbm>>) target(%arg10 : memref<128xi32, #tpu.memory_space<vmem>>) target_semaphore(%run_scoped3A : memref<!tpu.dma_semaphore, #tpu.memory_space<semaphore_mem>>)
        %dma_wait3A_138 = tpu.memref_slice %arg3[%add3A_36] : memref<163840xi32, #tpu.memory_space<hbm>> -> memref<128xi32, #tpu.memory_space<hbm>>
        %dma_wait3A_139 = tpu.memref_slice %arg3[%add3A_36] : memref<163840xi32, #tpu.memory_space<hbm>> -> memref<128xi32, #tpu.memory_space<hbm>>
        tpu.wait_dma2 semaphore(%run_scoped3A : memref<!tpu.dma_semaphore, #tpu.memory_space<semaphore_mem>>) src(%dma_wait3A_139 : memref<128xi32, #tpu.memory_space<hbm>>) dst(%arg10 : memref<128xi32, #tpu.memory_space<vmem>>)
        tpu.yield
      }) : () -> ()
      "tpu.region"() ({
        %run_scoped3A = tpu.sem_alloc : memref<!tpu.dma_semaphore, #tpu.memory_space<semaphore_mem>>
        %dma_start3A_136 = tpu.memref_slice %arg4[%add3A_36] : memref<163840xi32, #tpu.memory_space<hbm>> -> memref<128xi32, #tpu.memory_space<hbm>>
        %dma_start3A_137 = tpu.memref_slice %arg4[%add3A_36] : memref<163840xi32, #tpu.memory_space<hbm>> -> memref<128xi32, #tpu.memory_space<hbm>>
        tpu.enqueue_dma source(%dma_start3A_137 : memref<128xi32, #tpu.memory_space<hbm>>) target(%arg18 : memref<128xi32, #tpu.memory_space<vmem>>) target_semaphore(%run_scoped3A : memref<!tpu.dma_semaphore, #tpu.memory_space<semaphore_mem>>)
        %dma_wait3A_138 = tpu.memref_slice %arg4[%add3A_36] : memref<163840xi32, #tpu.memory_space<hbm>> -> memref<128xi32, #tpu.memory_space<hbm>>
        %dma_wait3A_139 = tpu.memref_slice %arg4[%add3A_36] : memref<163840xi32, #tpu.memory_space<hbm>> -> memref<128xi32, #tpu.memory_space<hbm>>
        tpu.wait_dma2 semaphore(%run_scoped3A : memref<!tpu.dma_semaphore, #tpu.memory_space<semaphore_mem>>) src(%dma_wait3A_139 : memref<128xi32, #tpu.memory_space<hbm>>) dst(%arg18 : memref<128xi32, #tpu.memory_space<vmem>>)
        tpu.yield
      }) : () -> ()
      %dma_start3A_37 = arith.constant 0 : i32
      %dma_start3A_38 = arith.constant 0 : i32
      %dma_start3A_39 = tpu.memref_slice %arg2[%dma_start3A_37, %dma_start3A_38] : memref<10000x32xf32, #tpu.memory_space<hbm>> -> memref<10000x32xf32, #tpu.memory_space<hbm>>
      tpu.enqueue_indirect_dma source(%dma_start3A_39 : memref<10000x32xf32, #tpu.memory_space<hbm>>) target(%arg26 : memref<128x32xf32, #tpu.memory_space<vmem>>) offsets(%arg10 : memref<128xi32, #tpu.memory_space<vmem>>) semaphore(%arg34 : memref<!tpu.dma_semaphore, #tpu.memory_space<semaphore_mem>>)
      %add3A_40 = arith.constant 384 : i32
      %add3A_41 = arith.addi %add3A_25, %add3A_40 : i32
      "tpu.region"() ({
        %run_scoped3A = tpu.sem_alloc : memref<!tpu.dma_semaphore, #tpu.memory_space<semaphore_mem>>
        %dma_start3A_136 = tpu.memref_slice %arg3[%add3A_41] : memref<163840xi32, #tpu.memory_space<hbm>> -> memref<128xi32, #tpu.memory_space<hbm>>
        %dma_start3A_137 = tpu.memref_slice %arg3[%add3A_41] : memref<163840xi32, #tpu.memory_space<hbm>> -> memref<128xi32, #tpu.memory_space<hbm>>
        tpu.enqueue_dma source(%dma_start3A_137 : memref<128xi32, #tpu.memory_space<hbm>>) target(%arg11 : memref<128xi32, #tpu.memory_space<vmem>>) target_semaphore(%run_scoped3A : memref<!tpu.dma_semaphore, #tpu.memory_space<semaphore_mem>>)
        %dma_wait3A_138 = tpu.memref_slice %arg3[%add3A_41] : memref<163840xi32, #tpu.memory_space<hbm>> -> memref<128xi32, #tpu.memory_space<hbm>>
        %dma_wait3A_139 = tpu.memref_slice %arg3[%add3A_41] : memref<163840xi32, #tpu.memory_space<hbm>> -> memref<128xi32, #tpu.memory_space<hbm>>
        tpu.wait_dma2 semaphore(%run_scoped3A : memref<!tpu.dma_semaphore, #tpu.memory_space<semaphore_mem>>) src(%dma_wait3A_139 : memref<128xi32, #tpu.memory_space<hbm>>) dst(%arg11 : memref<128xi32, #tpu.memory_space<vmem>>)
        tpu.yield
      }) : () -> ()
      "tpu.region"() ({
        %run_scoped3A = tpu.sem_alloc : memref<!tpu.dma_semaphore, #tpu.memory_space<semaphore_mem>>
        %dma_start3A_136 = tpu.memref_slice %arg4[%add3A_41] : memref<163840xi32, #tpu.memory_space<hbm>> -> memref<128xi32, #tpu.memory_space<hbm>>
        %dma_start3A_137 = tpu.memref_slice %arg4[%add3A_41] : memref<163840xi32, #tpu.memory_space<hbm>> -> memref<128xi32, #tpu.memory_space<hbm>>
        tpu.enqueue_dma source(%dma_start3A_137 : memref<128xi32, #tpu.memory_space<hbm>>) target(%arg19 : memref<128xi32, #tpu.memory_space<vmem>>) target_semaphore(%run_scoped3A : memref<!tpu.dma_semaphore, #tpu.memory_space<semaphore_mem>>)
        %dma_wait3A_138 = tpu.memref_slice %arg4[%add3A_41] : memref<163840xi32, #tpu.memory_space<hbm>> -> memref<128xi32, #tpu.memory_space<hbm>>
        %dma_wait3A_139 = tpu.memref_slice %arg4[%add3A_41] : memref<163840xi32, #tpu.memory_space<hbm>> -> memref<128xi32, #tpu.memory_space<hbm>>
        tpu.wait_dma2 semaphore(%run_scoped3A : memref<!tpu.dma_semaphore, #tpu.memory_space<semaphore_mem>>) src(%dma_wait3A_139 : memref<128xi32, #tpu.memory_space<hbm>>) dst(%arg19 : memref<128xi32, #tpu.memory_space<vmem>>)
        tpu.yield
      }) : () -> ()
      %dma_start3A_42 = arith.constant 0 : i32
      %dma_start3A_43 = arith.constant 0 : i32
      %dma_start3A_44 = tpu.memref_slice %arg2[%dma_start3A_42, %dma_start3A_43] : memref<10000x32xf32, #tpu.memory_space<hbm>> -> memref<10000x32xf32, #tpu.memory_space<hbm>>
      tpu.enqueue_indirect_dma source(%dma_start3A_44 : memref<10000x32xf32, #tpu.memory_space<hbm>>) target(%arg27 : memref<128x32xf32, #tpu.memory_space<vmem>>) offsets(%arg11 : memref<128xi32, #tpu.memory_space<vmem>>) semaphore(%arg35 : memref<!tpu.dma_semaphore, #tpu.memory_space<semaphore_mem>>)
      %add3A_45 = arith.constant 512 : i32
      %add3A_46 = arith.addi %add3A_25, %add3A_45 : i32
      "tpu.region"() ({
        %run_scoped3A = tpu.sem_alloc : memref<!tpu.dma_semaphore, #tpu.memory_space<semaphore_mem>>
        %dma_start3A_136 = tpu.memref_slice %arg3[%add3A_46] : memref<163840xi32, #tpu.memory_space<hbm>> -> memref<128xi32, #tpu.memory_space<hbm>>
        %dma_start3A_137 = tpu.memref_slice %arg3[%add3A_46] : memref<163840xi32, #tpu.memory_space<hbm>> -> memref<128xi32, #tpu.memory_space<hbm>>
        tpu.enqueue_dma source(%dma_start3A_137 : memref<128xi32, #tpu.memory_space<hbm>>) target(%arg12 : memref<128xi32, #tpu.memory_space<vmem>>) target_semaphore(%run_scoped3A : memref<!tpu.dma_semaphore, #tpu.memory_space<semaphore_mem>>)
        %dma_wait3A_138 = tpu.memref_slice %arg3[%add3A_46] : memref<163840xi32, #tpu.memory_space<hbm>> -> memref<128xi32, #tpu.memory_space<hbm>>
        %dma_wait3A_139 = tpu.memref_slice %arg3[%add3A_46] : memref<163840xi32, #tpu.memory_space<hbm>> -> memref<128xi32, #tpu.memory_space<hbm>>
        tpu.wait_dma2 semaphore(%run_scoped3A : memref<!tpu.dma_semaphore, #tpu.memory_space<semaphore_mem>>) src(%dma_wait3A_139 : memref<128xi32, #tpu.memory_space<hbm>>) dst(%arg12 : memref<128xi32, #tpu.memory_space<vmem>>)
        tpu.yield
      }) : () -> ()
      "tpu.region"() ({
        %run_scoped3A = tpu.sem_alloc : memref<!tpu.dma_semaphore, #tpu.memory_space<semaphore_mem>>
        %dma_start3A_136 = tpu.memref_slice %arg4[%add3A_46] : memref<163840xi32, #tpu.memory_space<hbm>> -> memref<128xi32, #tpu.memory_space<hbm>>
        %dma_start3A_137 = tpu.memref_slice %arg4[%add3A_46] : memref<163840xi32, #tpu.memory_space<hbm>> -> memref<128xi32, #tpu.memory_space<hbm>>
        tpu.enqueue_dma source(%dma_start3A_137 : memref<128xi32, #tpu.memory_space<hbm>>) target(%arg20 : memref<128xi32, #tpu.memory_space<vmem>>) target_semaphore(%run_scoped3A : memref<!tpu.dma_semaphore, #tpu.memory_space<semaphore_mem>>)
        %dma_wait3A_138 = tpu.memref_slice %arg4[%add3A_46] : memref<163840xi32, #tpu.memory_space<hbm>> -> memref<128xi32, #tpu.memory_space<hbm>>
        %dma_wait3A_139 = tpu.memref_slice %arg4[%add3A_46] : memref<163840xi32, #tpu.memory_space<hbm>> -> memref<128xi32, #tpu.memory_space<hbm>>
        tpu.wait_dma2 semaphore(%run_scoped3A : memref<!tpu.dma_semaphore, #tpu.memory_space<semaphore_mem>>) src(%dma_wait3A_139 : memref<128xi32, #tpu.memory_space<hbm>>) dst(%arg20 : memref<128xi32, #tpu.memory_space<vmem>>)
        tpu.yield
      }) : () -> ()
      %dma_start3A_47 = arith.constant 0 : i32
      %dma_start3A_48 = arith.constant 0 : i32
      %dma_start3A_49 = tpu.memref_slice %arg2[%dma_start3A_47, %dma_start3A_48] : memref<10000x32xf32, #tpu.memory_space<hbm>> -> memref<10000x32xf32, #tpu.memory_space<hbm>>
      tpu.enqueue_indirect_dma source(%dma_start3A_49 : memref<10000x32xf32, #tpu.memory_space<hbm>>) target(%arg28 : memref<128x32xf32, #tpu.memory_space<vmem>>) offsets(%arg12 : memref<128xi32, #tpu.memory_space<vmem>>) semaphore(%arg36 : memref<!tpu.dma_semaphore, #tpu.memory_space<semaphore_mem>>)
      %add3A_50 = arith.constant 640 : i32
      %add3A_51 = arith.addi %add3A_25, %add3A_50 : i32
      "tpu.region"() ({
        %run_scoped3A = tpu.sem_alloc : memref<!tpu.dma_semaphore, #tpu.memory_space<semaphore_mem>>
        %dma_start3A_136 = tpu.memref_slice %arg3[%add3A_51] : memref<163840xi32, #tpu.memory_space<hbm>> -> memref<128xi32, #tpu.memory_space<hbm>>
        %dma_start3A_137 = tpu.memref_slice %arg3[%add3A_51] : memref<163840xi32, #tpu.memory_space<hbm>> -> memref<128xi32, #tpu.memory_space<hbm>>
        tpu.enqueue_dma source(%dma_start3A_137 : memref<128xi32, #tpu.memory_space<hbm>>) target(%arg13 : memref<128xi32, #tpu.memory_space<vmem>>) target_semaphore(%run_scoped3A : memref<!tpu.dma_semaphore, #tpu.memory_space<semaphore_mem>>)
        %dma_wait3A_138 = tpu.memref_slice %arg3[%add3A_51] : memref<163840xi32, #tpu.memory_space<hbm>> -> memref<128xi32, #tpu.memory_space<hbm>>
        %dma_wait3A_139 = tpu.memref_slice %arg3[%add3A_51] : memref<163840xi32, #tpu.memory_space<hbm>> -> memref<128xi32, #tpu.memory_space<hbm>>
        tpu.wait_dma2 semaphore(%run_scoped3A : memref<!tpu.dma_semaphore, #tpu.memory_space<semaphore_mem>>) src(%dma_wait3A_139 : memref<128xi32, #tpu.memory_space<hbm>>) dst(%arg13 : memref<128xi32, #tpu.memory_space<vmem>>)
        tpu.yield
      }) : () -> ()
      "tpu.region"() ({
        %run_scoped3A = tpu.sem_alloc : memref<!tpu.dma_semaphore, #tpu.memory_space<semaphore_mem>>
        %dma_start3A_136 = tpu.memref_slice %arg4[%add3A_51] : memref<163840xi32, #tpu.memory_space<hbm>> -> memref<128xi32, #tpu.memory_space<hbm>>
        %dma_start3A_137 = tpu.memref_slice %arg4[%add3A_51] : memref<163840xi32, #tpu.memory_space<hbm>> -> memref<128xi32, #tpu.memory_space<hbm>>
        tpu.enqueue_dma source(%dma_start3A_137 : memref<128xi32, #tpu.memory_space<hbm>>) target(%arg21 : memref<128xi32, #tpu.memory_space<vmem>>) target_semaphore(%run_scoped3A : memref<!tpu.dma_semaphore, #tpu.memory_space<semaphore_mem>>)
        %dma_wait3A_138 = tpu.memref_slice %arg4[%add3A_51] : memref<163840xi32, #tpu.memory_space<hbm>> -> memref<128xi32, #tpu.memory_space<hbm>>
        %dma_wait3A_139 = tpu.memref_slice %arg4[%add3A_51] : memref<163840xi32, #tpu.memory_space<hbm>> -> memref<128xi32, #tpu.memory_space<hbm>>
        tpu.wait_dma2 semaphore(%run_scoped3A : memref<!tpu.dma_semaphore, #tpu.memory_space<semaphore_mem>>) src(%dma_wait3A_139 : memref<128xi32, #tpu.memory_space<hbm>>) dst(%arg21 : memref<128xi32, #tpu.memory_space<vmem>>)
        tpu.yield
      }) : () -> ()
      %dma_start3A_52 = arith.constant 0 : i32
      %dma_start3A_53 = arith.constant 0 : i32
      %dma_start3A_54 = tpu.memref_slice %arg2[%dma_start3A_52, %dma_start3A_53] : memref<10000x32xf32, #tpu.memory_space<hbm>> -> memref<10000x32xf32, #tpu.memory_space<hbm>>
      tpu.enqueue_indirect_dma source(%dma_start3A_54 : memref<10000x32xf32, #tpu.memory_space<hbm>>) target(%arg29 : memref<128x32xf32, #tpu.memory_space<vmem>>) offsets(%arg13 : memref<128xi32, #tpu.memory_space<vmem>>) semaphore(%arg37 : memref<!tpu.dma_semaphore, #tpu.memory_space<semaphore_mem>>)
      %add3A_55 = arith.constant 768 : i32
      %add3A_56 = arith.addi %add3A_25, %add3A_55 : i32
      "tpu.region"() ({
        %run_scoped3A = tpu.sem_alloc : memref<!tpu.dma_semaphore, #tpu.memory_space<semaphore_mem>>
        %dma_start3A_136 = tpu.memref_slice %arg3[%add3A_56] : memref<163840xi32, #tpu.memory_space<hbm>> -> memref<128xi32, #tpu.memory_space<hbm>>
        %dma_start3A_137 = tpu.memref_slice %arg3[%add3A_56] : memref<163840xi32, #tpu.memory_space<hbm>> -> memref<128xi32, #tpu.memory_space<hbm>>
        tpu.enqueue_dma source(%dma_start3A_137 : memref<128xi32, #tpu.memory_space<hbm>>) target(%arg14 : memref<128xi32, #tpu.memory_space<vmem>>) target_semaphore(%run_scoped3A : memref<!tpu.dma_semaphore, #tpu.memory_space<semaphore_mem>>)
        %dma_wait3A_138 = tpu.memref_slice %arg3[%add3A_56] : memref<163840xi32, #tpu.memory_space<hbm>> -> memref<128xi32, #tpu.memory_space<hbm>>
        %dma_wait3A_139 = tpu.memref_slice %arg3[%add3A_56] : memref<163840xi32, #tpu.memory_space<hbm>> -> memref<128xi32, #tpu.memory_space<hbm>>
        tpu.wait_dma2 semaphore(%run_scoped3A : memref<!tpu.dma_semaphore, #tpu.memory_space<semaphore_mem>>) src(%dma_wait3A_139 : memref<128xi32, #tpu.memory_space<hbm>>) dst(%arg14 : memref<128xi32, #tpu.memory_space<vmem>>)
        tpu.yield
      }) : () -> ()
      "tpu.region"() ({
        %run_scoped3A = tpu.sem_alloc : memref<!tpu.dma_semaphore, #tpu.memory_space<semaphore_mem>>
        %dma_start3A_136 = tpu.memref_slice %arg4[%add3A_56] : memref<163840xi32, #tpu.memory_space<hbm>> -> memref<128xi32, #tpu.memory_space<hbm>>
        %dma_start3A_137 = tpu.memref_slice %arg4[%add3A_56] : memref<163840xi32, #tpu.memory_space<hbm>> -> memref<128xi32, #tpu.memory_space<hbm>>
        tpu.enqueue_dma source(%dma_start3A_137 : memref<128xi32, #tpu.memory_space<hbm>>) target(%arg22 : memref<128xi32, #tpu.memory_space<vmem>>) target_semaphore(%run_scoped3A : memref<!tpu.dma_semaphore, #tpu.memory_space<semaphore_mem>>)
        %dma_wait3A_138 = tpu.memref_slice %arg4[%add3A_56] : memref<163840xi32, #tpu.memory_space<hbm>> -> memref<128xi32, #tpu.memory_space<hbm>>
        %dma_wait3A_139 = tpu.memref_slice %arg4[%add3A_56] : memref<163840xi32, #tpu.memory_space<hbm>> -> memref<128xi32, #tpu.memory_space<hbm>>
        tpu.wait_dma2 semaphore(%run_scoped3A : memref<!tpu.dma_semaphore, #tpu.memory_space<semaphore_mem>>) src(%dma_wait3A_139 : memref<128xi32, #tpu.memory_space<hbm>>) dst(%arg22 : memref<128xi32, #tpu.memory_space<vmem>>)
        tpu.yield
      }) : () -> ()
      %dma_start3A_57 = arith.constant 0 : i32
      %dma_start3A_58 = arith.constant 0 : i32
      %dma_start3A_59 = tpu.memref_slice %arg2[%dma_start3A_57, %dma_start3A_58] : memref<10000x32xf32, #tpu.memory_space<hbm>> -> memref<10000x32xf32, #tpu.memory_space<hbm>>
      tpu.enqueue_indirect_dma source(%dma_start3A_59 : memref<10000x32xf32, #tpu.memory_space<hbm>>) target(%arg30 : memref<128x32xf32, #tpu.memory_space<vmem>>) offsets(%arg14 : memref<128xi32, #tpu.memory_space<vmem>>) semaphore(%arg38 : memref<!tpu.dma_semaphore, #tpu.memory_space<semaphore_mem>>)
      %add3A_60 = arith.constant 896 : i32
      %add3A_61 = arith.addi %add3A_25, %add3A_60 : i32
      "tpu.region"() ({
        %run_scoped3A = tpu.sem_alloc : memref<!tpu.dma_semaphore, #tpu.memory_space<semaphore_mem>>
        %dma_start3A_136 = tpu.memref_slice %arg3[%add3A_61] : memref<163840xi32, #tpu.memory_space<hbm>> -> memref<128xi32, #tpu.memory_space<hbm>>
        %dma_start3A_137 = tpu.memref_slice %arg3[%add3A_61] : memref<163840xi32, #tpu.memory_space<hbm>> -> memref<128xi32, #tpu.memory_space<hbm>>
        tpu.enqueue_dma source(%dma_start3A_137 : memref<128xi32, #tpu.memory_space<hbm>>) target(%arg15 : memref<128xi32, #tpu.memory_space<vmem>>) target_semaphore(%run_scoped3A : memref<!tpu.dma_semaphore, #tpu.memory_space<semaphore_mem>>)
        %dma_wait3A_138 = tpu.memref_slice %arg3[%add3A_61] : memref<163840xi32, #tpu.memory_space<hbm>> -> memref<128xi32, #tpu.memory_space<hbm>>
        %dma_wait3A_139 = tpu.memref_slice %arg3[%add3A_61] : memref<163840xi32, #tpu.memory_space<hbm>> -> memref<128xi32, #tpu.memory_space<hbm>>
        tpu.wait_dma2 semaphore(%run_scoped3A : memref<!tpu.dma_semaphore, #tpu.memory_space<semaphore_mem>>) src(%dma_wait3A_139 : memref<128xi32, #tpu.memory_space<hbm>>) dst(%arg15 : memref<128xi32, #tpu.memory_space<vmem>>)
        tpu.yield
      }) : () -> ()
      "tpu.region"() ({
        %run_scoped3A = tpu.sem_alloc : memref<!tpu.dma_semaphore, #tpu.memory_space<semaphore_mem>>
        %dma_start3A_136 = tpu.memref_slice %arg4[%add3A_61] : memref<163840xi32, #tpu.memory_space<hbm>> -> memref<128xi32, #tpu.memory_space<hbm>>
        %dma_start3A_137 = tpu.memref_slice %arg4[%add3A_61] : memref<163840xi32, #tpu.memory_space<hbm>> -> memref<128xi32, #tpu.memory_space<hbm>>
        tpu.enqueue_dma source(%dma_start3A_137 : memref<128xi32, #tpu.memory_space<hbm>>) target(%arg23 : memref<128xi32, #tpu.memory_space<vmem>>) target_semaphore(%run_scoped3A : memref<!tpu.dma_semaphore, #tpu.memory_space<semaphore_mem>>)
        %dma_wait3A_138 = tpu.memref_slice %arg4[%add3A_61] : memref<163840xi32, #tpu.memory_space<hbm>> -> memref<128xi32, #tpu.memory_space<hbm>>
        %dma_wait3A_139 = tpu.memref_slice %arg4[%add3A_61] : memref<163840xi32, #tpu.memory_space<hbm>> -> memref<128xi32, #tpu.memory_space<hbm>>
        tpu.wait_dma2 semaphore(%run_scoped3A : memref<!tpu.dma_semaphore, #tpu.memory_space<semaphore_mem>>) src(%dma_wait3A_139 : memref<128xi32, #tpu.memory_space<hbm>>) dst(%arg23 : memref<128xi32, #tpu.memory_space<vmem>>)
        tpu.yield
      }) : () -> ()
      %dma_start3A_62 = arith.constant 0 : i32
      %dma_start3A_63 = arith.constant 0 : i32
      %dma_start3A_64 = tpu.memref_slice %arg2[%dma_start3A_62, %dma_start3A_63] : memref<10000x32xf32, #tpu.memory_space<hbm>> -> memref<10000x32xf32, #tpu.memory_space<hbm>>
      tpu.enqueue_indirect_dma source(%dma_start3A_64 : memref<10000x32xf32, #tpu.memory_space<hbm>>) target(%arg31 : memref<128x32xf32, #tpu.memory_space<vmem>>) offsets(%arg15 : memref<128xi32, #tpu.memory_space<vmem>>) semaphore(%arg39 : memref<!tpu.dma_semaphore, #tpu.memory_space<semaphore_mem>>)
      %dma_wait3A = arith.constant 0 : i32
      %dma_wait3A_65 = arith.constant 0 : i32
      %dma_wait3A_66 = tpu.memref_slice %arg2[%dma_wait3A, %dma_wait3A_65] : memref<10000x32xf32, #tpu.memory_space<hbm>> -> memref<10000x32xf32, #tpu.memory_space<hbm>>
      tpu.wait_indirect_dma semaphore(%arg32 : memref<!tpu.dma_semaphore, #tpu.memory_space<semaphore_mem>>) src(%dma_wait3A_66 : memref<10000x32xf32, #tpu.memory_space<hbm>>) dst(%arg24 : memref<128x32xf32, #tpu.memory_space<vmem>>)
      %dma_start3A_67 = arith.constant 0 : i32
      %dma_start3A_68 = arith.constant 0 : i32
      %dma_start3A_69 = tpu.memref_slice %arg7[%dma_start3A_67, %dma_start3A_68] : memref<10240x32xf32, #tpu.memory_space<vmem_shared>> -> memref<10240x32xf32, #tpu.memory_space<vmem_shared>>
      tpu.enqueue_indirect_dma source(%arg24 : memref<128x32xf32, #tpu.memory_space<vmem>>) target(%dma_start3A_69 : memref<10240x32xf32, #tpu.memory_space<vmem_shared>>) offsets(%arg16 : memref<128xi32, #tpu.memory_space<vmem>>) semaphore(%arg40 : memref<!tpu.dma_semaphore, #tpu.memory_space<semaphore_mem>>) {add = true}
      %dma_wait3A_70 = arith.constant 0 : i32
      %dma_wait3A_71 = arith.constant 0 : i32
      %dma_wait3A_72 = tpu.memref_slice %arg2[%dma_wait3A_70, %dma_wait3A_71] : memref<10000x32xf32, #tpu.memory_space<hbm>> -> memref<10000x32xf32, #tpu.memory_space<hbm>>
      tpu.wait_indirect_dma semaphore(%arg33 : memref<!tpu.dma_semaphore, #tpu.memory_space<semaphore_mem>>) src(%dma_wait3A_72 : memref<10000x32xf32, #tpu.memory_space<hbm>>) dst(%arg25 : memref<128x32xf32, #tpu.memory_space<vmem>>)
      %dma_start3A_73 = arith.constant 0 : i32
      %dma_start3A_74 = arith.constant 0 : i32
      %dma_start3A_75 = tpu.memref_slice %arg7[%dma_start3A_73, %dma_start3A_74] : memref<10240x32xf32, #tpu.memory_space<vmem_shared>> -> memref<10240x32xf32, #tpu.memory_space<vmem_shared>>
      tpu.enqueue_indirect_dma source(%arg25 : memref<128x32xf32, #tpu.memory_space<vmem>>) target(%dma_start3A_75 : memref<10240x32xf32, #tpu.memory_space<vmem_shared>>) offsets(%arg17 : memref<128xi32, #tpu.memory_space<vmem>>) semaphore(%arg41 : memref<!tpu.dma_semaphore, #tpu.memory_space<semaphore_mem>>) {add = true}
      %dma_wait3A_76 = arith.constant 0 : i32
      %dma_wait3A_77 = arith.constant 0 : i32
      %dma_wait3A_78 = tpu.memref_slice %arg2[%dma_wait3A_76, %dma_wait3A_77] : memref<10000x32xf32, #tpu.memory_space<hbm>> -> memref<10000x32xf32, #tpu.memory_space<hbm>>
      tpu.wait_indirect_dma semaphore(%arg34 : memref<!tpu.dma_semaphore, #tpu.memory_space<semaphore_mem>>) src(%dma_wait3A_78 : memref<10000x32xf32, #tpu.memory_space<hbm>>) dst(%arg26 : memref<128x32xf32, #tpu.memory_space<vmem>>)
      %dma_start3A_79 = arith.constant 0 : i32
      %dma_start3A_80 = arith.constant 0 : i32
      %dma_start3A_81 = tpu.memref_slice %arg7[%dma_start3A_79, %dma_start3A_80] : memref<10240x32xf32, #tpu.memory_space<vmem_shared>> -> memref<10240x32xf32, #tpu.memory_space<vmem_shared>>
      tpu.enqueue_indirect_dma source(%arg26 : memref<128x32xf32, #tpu.memory_space<vmem>>) target(%dma_start3A_81 : memref<10240x32xf32, #tpu.memory_space<vmem_shared>>) offsets(%arg18 : memref<128xi32, #tpu.memory_space<vmem>>) semaphore(%arg42 : memref<!tpu.dma_semaphore, #tpu.memory_space<semaphore_mem>>) {add = true}
      %dma_wait3A_82 = arith.constant 0 : i32
      %dma_wait3A_83 = arith.constant 0 : i32
      %dma_wait3A_84 = tpu.memref_slice %arg2[%dma_wait3A_82, %dma_wait3A_83] : memref<10000x32xf32, #tpu.memory_space<hbm>> -> memref<10000x32xf32, #tpu.memory_space<hbm>>
      tpu.wait_indirect_dma semaphore(%arg35 : memref<!tpu.dma_semaphore, #tpu.memory_space<semaphore_mem>>) src(%dma_wait3A_84 : memref<10000x32xf32, #tpu.memory_space<hbm>>) dst(%arg27 : memref<128x32xf32, #tpu.memory_space<vmem>>)
      %dma_start3A_85 = arith.constant 0 : i32
      %dma_start3A_86 = arith.constant 0 : i32
      %dma_start3A_87 = tpu.memref_slice %arg7[%dma_start3A_85, %dma_start3A_86] : memref<10240x32xf32, #tpu.memory_space<vmem_shared>> -> memref<10240x32xf32, #tpu.memory_space<vmem_shared>>
      tpu.enqueue_indirect_dma source(%arg27 : memref<128x32xf32, #tpu.memory_space<vmem>>) target(%dma_start3A_87 : memref<10240x32xf32, #tpu.memory_space<vmem_shared>>) offsets(%arg19 : memref<128xi32, #tpu.memory_space<vmem>>) semaphore(%arg43 : memref<!tpu.dma_semaphore, #tpu.memory_space<semaphore_mem>>) {add = true}
      %dma_wait3A_88 = arith.constant 0 : i32
      %dma_wait3A_89 = arith.constant 0 : i32
      %dma_wait3A_90 = tpu.memref_slice %arg2[%dma_wait3A_88, %dma_wait3A_89] : memref<10000x32xf32, #tpu.memory_space<hbm>> -> memref<10000x32xf32, #tpu.memory_space<hbm>>
      tpu.wait_indirect_dma semaphore(%arg36 : memref<!tpu.dma_semaphore, #tpu.memory_space<semaphore_mem>>) src(%dma_wait3A_90 : memref<10000x32xf32, #tpu.memory_space<hbm>>) dst(%arg28 : memref<128x32xf32, #tpu.memory_space<vmem>>)
      %dma_start3A_91 = arith.constant 0 : i32
      %dma_start3A_92 = arith.constant 0 : i32
      %dma_start3A_93 = tpu.memref_slice %arg7[%dma_start3A_91, %dma_start3A_92] : memref<10240x32xf32, #tpu.memory_space<vmem_shared>> -> memref<10240x32xf32, #tpu.memory_space<vmem_shared>>
      tpu.enqueue_indirect_dma source(%arg28 : memref<128x32xf32, #tpu.memory_space<vmem>>) target(%dma_start3A_93 : memref<10240x32xf32, #tpu.memory_space<vmem_shared>>) offsets(%arg20 : memref<128xi32, #tpu.memory_space<vmem>>) semaphore(%arg44 : memref<!tpu.dma_semaphore, #tpu.memory_space<semaphore_mem>>) {add = true}
      %dma_wait3A_94 = arith.constant 0 : i32
      %dma_wait3A_95 = arith.constant 0 : i32
      %dma_wait3A_96 = tpu.memref_slice %arg2[%dma_wait3A_94, %dma_wait3A_95] : memref<10000x32xf32, #tpu.memory_space<hbm>> -> memref<10000x32xf32, #tpu.memory_space<hbm>>
      tpu.wait_indirect_dma semaphore(%arg37 : memref<!tpu.dma_semaphore, #tpu.memory_space<semaphore_mem>>) src(%dma_wait3A_96 : memref<10000x32xf32, #tpu.memory_space<hbm>>) dst(%arg29 : memref<128x32xf32, #tpu.memory_space<vmem>>)
      %dma_start3A_97 = arith.constant 0 : i32
      %dma_start3A_98 = arith.constant 0 : i32
      %dma_start3A_99 = tpu.memref_slice %arg7[%dma_start3A_97, %dma_start3A_98] : memref<10240x32xf32, #tpu.memory_space<vmem_shared>> -> memref<10240x32xf32, #tpu.memory_space<vmem_shared>>
      tpu.enqueue_indirect_dma source(%arg29 : memref<128x32xf32, #tpu.memory_space<vmem>>) target(%dma_start3A_99 : memref<10240x32xf32, #tpu.memory_space<vmem_shared>>) offsets(%arg21 : memref<128xi32, #tpu.memory_space<vmem>>) semaphore(%arg45 : memref<!tpu.dma_semaphore, #tpu.memory_space<semaphore_mem>>) {add = true}
      %dma_wait3A_100 = arith.constant 0 : i32
      %dma_wait3A_101 = arith.constant 0 : i32
      %dma_wait3A_102 = tpu.memref_slice %arg2[%dma_wait3A_100, %dma_wait3A_101] : memref<10000x32xf32, #tpu.memory_space<hbm>> -> memref<10000x32xf32, #tpu.memory_space<hbm>>
      tpu.wait_indirect_dma semaphore(%arg38 : memref<!tpu.dma_semaphore, #tpu.memory_space<semaphore_mem>>) src(%dma_wait3A_102 : memref<10000x32xf32, #tpu.memory_space<hbm>>) dst(%arg30 : memref<128x32xf32, #tpu.memory_space<vmem>>)
      %dma_start3A_103 = arith.constant 0 : i32
      %dma_start3A_104 = arith.constant 0 : i32
      %dma_start3A_105 = tpu.memref_slice %arg7[%dma_start3A_103, %dma_start3A_104] : memref<10240x32xf32, #tpu.memory_space<vmem_shared>> -> memref<10240x32xf32, #tpu.memory_space<vmem_shared>>
      tpu.enqueue_indirect_dma source(%arg30 : memref<128x32xf32, #tpu.memory_space<vmem>>) target(%dma_start3A_105 : memref<10240x32xf32, #tpu.memory_space<vmem_shared>>) offsets(%arg22 : memref<128xi32, #tpu.memory_space<vmem>>) semaphore(%arg46 : memref<!tpu.dma_semaphore, #tpu.memory_space<semaphore_mem>>) {add = true}
      %dma_wait3A_106 = arith.constant 0 : i32
      %dma_wait3A_107 = arith.constant 0 : i32
      %dma_wait3A_108 = tpu.memref_slice %arg2[%dma_wait3A_106, %dma_wait3A_107] : memref<10000x32xf32, #tpu.memory_space<hbm>> -> memref<10000x32xf32, #tpu.memory_space<hbm>>
      tpu.wait_indirect_dma semaphore(%arg39 : memref<!tpu.dma_semaphore, #tpu.memory_space<semaphore_mem>>) src(%dma_wait3A_108 : memref<10000x32xf32, #tpu.memory_space<hbm>>) dst(%arg31 : memref<128x32xf32, #tpu.memory_space<vmem>>)
      %dma_start3A_109 = arith.constant 0 : i32
      %dma_start3A_110 = arith.constant 0 : i32
      %dma_start3A_111 = tpu.memref_slice %arg7[%dma_start3A_109, %dma_start3A_110] : memref<10240x32xf32, #tpu.memory_space<vmem_shared>> -> memref<10240x32xf32, #tpu.memory_space<vmem_shared>>
      tpu.enqueue_indirect_dma source(%arg31 : memref<128x32xf32, #tpu.memory_space<vmem>>) target(%dma_start3A_111 : memref<10240x32xf32, #tpu.memory_space<vmem_shared>>) offsets(%arg23 : memref<128xi32, #tpu.memory_space<vmem>>) semaphore(%arg47 : memref<!tpu.dma_semaphore, #tpu.memory_space<semaphore_mem>>) {add = true}
      %dma_wait3A_112 = arith.constant 0 : i32
      %dma_wait3A_113 = arith.constant 0 : i32
      %dma_wait3A_114 = tpu.memref_slice %arg7[%dma_wait3A_112, %dma_wait3A_113] : memref<10240x32xf32, #tpu.memory_space<vmem_shared>> -> memref<10240x32xf32, #tpu.memory_space<vmem_shared>>
      tpu.wait_indirect_dma semaphore(%arg40 : memref<!tpu.dma_semaphore, #tpu.memory_space<semaphore_mem>>) src(%arg24 : memref<128x32xf32, #tpu.memory_space<vmem>>) dst(%dma_wait3A_114 : memref<10240x32xf32, #tpu.memory_space<vmem_shared>>)
      %dma_wait3A_115 = arith.constant 0 : i32
      %dma_wait3A_116 = arith.constant 0 : i32
      %dma_wait3A_117 = tpu.memref_slice %arg7[%dma_wait3A_115, %dma_wait3A_116] : memref<10240x32xf32, #tpu.memory_space<vmem_shared>> -> memref<10240x32xf32, #tpu.memory_space<vmem_shared>>
      tpu.wait_indirect_dma semaphore(%arg41 : memref<!tpu.dma_semaphore, #tpu.memory_space<semaphore_mem>>) src(%arg25 : memref<128x32xf32, #tpu.memory_space<vmem>>) dst(%dma_wait3A_117 : memref<10240x32xf32, #tpu.memory_space<vmem_shared>>)
      %dma_wait3A_118 = arith.constant 0 : i32
      %dma_wait3A_119 = arith.constant 0 : i32
      %dma_wait3A_120 = tpu.memref_slice %arg7[%dma_wait3A_118, %dma_wait3A_119] : memref<10240x32xf32, #tpu.memory_space<vmem_shared>> -> memref<10240x32xf32, #tpu.memory_space<vmem_shared>>
      tpu.wait_indirect_dma semaphore(%arg42 : memref<!tpu.dma_semaphore, #tpu.memory_space<semaphore_mem>>) src(%arg26 : memref<128x32xf32, #tpu.memory_space<vmem>>) dst(%dma_wait3A_120 : memref<10240x32xf32, #tpu.memory_space<vmem_shared>>)
      %dma_wait3A_121 = arith.constant 0 : i32
      %dma_wait3A_122 = arith.constant 0 : i32
      %dma_wait3A_123 = tpu.memref_slice %arg7[%dma_wait3A_121, %dma_wait3A_122] : memref<10240x32xf32, #tpu.memory_space<vmem_shared>> -> memref<10240x32xf32, #tpu.memory_space<vmem_shared>>
      tpu.wait_indirect_dma semaphore(%arg43 : memref<!tpu.dma_semaphore, #tpu.memory_space<semaphore_mem>>) src(%arg27 : memref<128x32xf32, #tpu.memory_space<vmem>>) dst(%dma_wait3A_123 : memref<10240x32xf32, #tpu.memory_space<vmem_shared>>)
      %dma_wait3A_124 = arith.constant 0 : i32
      %dma_wait3A_125 = arith.constant 0 : i32
      %dma_wait3A_126 = tpu.memref_slice %arg7[%dma_wait3A_124, %dma_wait3A_125] : memref<10240x32xf32, #tpu.memory_space<vmem_shared>> -> memref<10240x32xf32, #tpu.memory_space<vmem_shared>>
      tpu.wait_indirect_dma semaphore(%arg44 : memref<!tpu.dma_semaphore, #tpu.memory_space<semaphore_mem>>) src(%arg28 : memref<128x32xf32, #tpu.memory_space<vmem>>) dst(%dma_wait3A_126 : memref<10240x32xf32, #tpu.memory_space<vmem_shared>>)
      %dma_wait3A_127 = arith.constant 0 : i32
      %dma_wait3A_128 = arith.constant 0 : i32
      %dma_wait3A_129 = tpu.memref_slice %arg7[%dma_wait3A_127, %dma_wait3A_128] : memref<10240x32xf32, #tpu.memory_space<vmem_shared>> -> memref<10240x32xf32, #tpu.memory_space<vmem_shared>>
      tpu.wait_indirect_dma semaphore(%arg45 : memref<!tpu.dma_semaphore, #tpu.memory_space<semaphore_mem>>) src(%arg29 : memref<128x32xf32, #tpu.memory_space<vmem>>) dst(%dma_wait3A_129 : memref<10240x32xf32, #tpu.memory_space<vmem_shared>>)
      %dma_wait3A_130 = arith.constant 0 : i32
      %dma_wait3A_131 = arith.constant 0 : i32
      %dma_wait3A_132 = tpu.memref_slice %arg7[%dma_wait3A_130, %dma_wait3A_131] : memref<10240x32xf32, #tpu.memory_space<vmem_shared>> -> memref<10240x32xf32, #tpu.memory_space<vmem_shared>>
      tpu.wait_indirect_dma semaphore(%arg46 : memref<!tpu.dma_semaphore, #tpu.memory_space<semaphore_mem>>) src(%arg30 : memref<128x32xf32, #tpu.memory_space<vmem>>) dst(%dma_wait3A_132 : memref<10240x32xf32, #tpu.memory_space<vmem_shared>>)
      %dma_wait3A_133 = arith.constant 0 : i32
      %dma_wait3A_134 = arith.constant 0 : i32
      %dma_wait3A_135 = tpu.memref_slice %arg7[%dma_wait3A_133, %dma_wait3A_134] : memref<10240x32xf32, #tpu.memory_space<vmem_shared>> -> memref<10240x32xf32, #tpu.memory_space<vmem_shared>>
      tpu.wait_indirect_dma semaphore(%arg47 : memref<!tpu.dma_semaphore, #tpu.memory_space<semaphore_mem>>) src(%arg31 : memref<128x32xf32, #tpu.memory_space<vmem>>) dst(%dma_wait3A_135 : memref<10240x32xf32, #tpu.memory_space<vmem_shared>>)
    }
    %scan3A_11 = arith.constant 5 : i32
    %barrier3A_12 = arith.constant 0 : index
    tpu.barrier barrier_id(%barrier3A_12)
    %mul3A_13 = arith.constant 640 : i32
    %mul3A_14 = arith.muli %arg1, %mul3A_13 : i32
    %mul3A_15 = arith.constant 10240 : i32
    %mul3A_16 = arith.muli %arg0, %mul3A_15 : i32
    %mul3A_17 = arith.constant 640 : i32
    %mul3A_18 = arith.muli %arg1, %mul3A_17 : i32
    %add3A_19 = arith.addi %mul3A_16, %mul3A_18 : i32
    "tpu.region"() ({
      %run_scoped3A = tpu.sem_alloc : memref<!tpu.dma_semaphore, #tpu.memory_space<semaphore_mem>>
      %dma_start3A = arith.constant 0 : i32
      %dma_start3A_20 = tpu.memref_slice %arg6[%add3A_19, %dma_start3A] : memref<20480x32xf32, #tpu.memory_space<hbm>> -> memref<640x32xf32, #tpu.memory_space<hbm>>
      %dma_start3A_21 = arith.constant 0 : i32
      %dma_start3A_22 = tpu.memref_slice %arg7[%mul3A_14, %dma_start3A_21] : memref<10240x32xf32, #tpu.memory_space<vmem_shared>> -> memref<640x32xf32, #tpu.memory_space<vmem_shared>>
      tpu.enqueue_dma source(%dma_start3A_22 : memref<640x32xf32, #tpu.memory_space<vmem_shared>>) target(%dma_start3A_20 : memref<640x32xf32, #tpu.memory_space<hbm>>) target_semaphore(%run_scoped3A : memref<!tpu.dma_semaphore, #tpu.memory_space<semaphore_mem>>)
      %dma_wait3A = arith.constant 0 : i32
      %dma_wait3A_23 = tpu.memref_slice %arg6[%add3A_19, %dma_wait3A] : memref<20480x32xf32, #tpu.memory_space<hbm>> -> memref<640x32xf32, #tpu.memory_space<hbm>>
      %dma_wait3A_24 = arith.constant 0 : i32
      %dma_wait3A_25 = tpu.memref_slice %arg7[%mul3A_14, %dma_wait3A_24] : memref<10240x32xf32, #tpu.memory_space<vmem_shared>> -> memref<640x32xf32, #tpu.memory_space<vmem_shared>>
      tpu.wait_dma2 semaphore(%run_scoped3A : memref<!tpu.dma_semaphore, #tpu.memory_space<semaphore_mem>>) src(%dma_wait3A_25 : memref<640x32xf32, #tpu.memory_space<vmem_shared>>) dst(%dma_wait3A_23 : memref<640x32xf32, #tpu.memory_space<hbm>>)
      tpu.yield
    }) : () -> ()
    return
  }
}

#map = affine_map<(d0, d1) -> (0, 0)>
#map1 = affine_map<(d0, d1) -> (0)>
module attributes {stable_mosaic.version = 14 : i64} {
  func.func @k(%arg0: i32, %arg1: i32, %arg2: memref<10000x32xf32, #tpu.memory_space<hbm>>, %arg3: memref<163840xi32, #tpu.memory_space<hbm>>, %arg4: memref<163840xi32, #tpu.memory_space<hbm>>, %arg5: memref<10240x32xf32, #tpu.memory_space<hbm>>, %arg6: memref<20480x32xf32, #tpu.memory_space<hbm>>, %arg7: memref<10240x32xf32, #tpu.memory_space<vmem_shared>>, %arg8: memref<128xi32, #tpu.memory_space<vmem>>, %arg9: memref<128xi32, #tpu.memory_space<vmem>>, %arg10: memref<128xi32, #tpu.memory_space<vmem>>, %arg11: memref<128xi32, #tpu.memory_space<vmem>>, %arg12: memref<128xi32, #tpu.memory_space<vmem>>, %arg13: memref<128xi32, #tpu.memory_space<vmem>>, %arg14: memref<128xi32, #tpu.memory_space<vmem>>, %arg15: memref<128xi32, #tpu.memory_space<vmem>>, %arg16: memref<128xi32, #tpu.memory_space<vmem>>, %arg17: memref<128xi32, #tpu.memory_space<vmem>>, %arg18: memref<128xi32, #tpu.memory_space<vmem>>, %arg19: memref<128xi32, #tpu.memory_space<vmem>>, %arg20: memref<128xi32, #tpu.memory_space<vmem>>, %arg21: memref<128xi32, #tpu.memory_space<vmem>>, %arg22: memref<128xi32, #tpu.memory_space<vmem>>, %arg23: memref<128xi32, #tpu.memory_space<vmem>>, %arg24: memref<128x32xf32, #tpu.memory_space<vmem>>, %arg25: memref<128x32xf32, #tpu.memory_space<vmem>>, %arg26: memref<128x32xf32, #tpu.memory_space<vmem>>, %arg27: memref<128x32xf32, #tpu.memory_space<vmem>>, %arg28: memref<128x32xf32, #tpu.memory_space<vmem>>, %arg29: memref<128x32xf32, #tpu.memory_space<vmem>>, %arg30: memref<128x32xf32, #tpu.memory_space<vmem>>, %arg31: memref<128x32xf32, #tpu.memory_space<vmem>>, %arg32: memref<!tpu.dma_semaphore, #tpu.memory_space<semaphore_mem>>, %arg33: memref<!tpu.dma_semaphore, #tpu.memory_space<semaphore_mem>>, %arg34: memref<!tpu.dma_semaphore, #tpu.memory_space<semaphore_mem>>, %arg35: memref<!tpu.dma_semaphore, #tpu.memory_space<semaphore_mem>>, %arg36: memref<!tpu.dma_semaphore, #tpu.memory_space<semaphore_mem>>, %arg37: memref<!tpu.dma_semaphore, #tpu.memory_space<semaphore_mem>>, %arg38: memref<!tpu.dma_semaphore, #tpu.memory_space<semaphore_mem>>, %arg39: memref<!tpu.dma_semaphore, #tpu.memory_space<semaphore_mem>>, %arg40: memref<!tpu.dma_semaphore, #tpu.memory_space<semaphore_mem>>, %arg41: memref<!tpu.dma_semaphore, #tpu.memory_space<semaphore_mem>>, %arg42: memref<!tpu.dma_semaphore, #tpu.memory_space<semaphore_mem>>, %arg43: memref<!tpu.dma_semaphore, #tpu.memory_space<semaphore_mem>>, %arg44: memref<!tpu.dma_semaphore, #tpu.memory_space<semaphore_mem>>, %arg45: memref<!tpu.dma_semaphore, #tpu.memory_space<semaphore_mem>>, %arg46: memref<!tpu.dma_semaphore, #tpu.memory_space<semaphore_mem>>, %arg47: memref<!tpu.dma_semaphore, #tpu.memory_space<semaphore_mem>>) attributes {dimension_semantics = [#tpu.dimension_semantics<core_parallel>, #tpu.dimension_semantics<subcore_parallel>], iteration_bounds = array<i64: 2, 16>, scalar_prefetch = 0 : i64, scratch_operands = 41 : i64, tpu.core_type = #tpu.core_type<sc_vector_subcore>, window_params = [{transform_indices = #map}, {transform_indices = #map1}, {transform_indices = #map1}, {transform_indices = #map}, {transform_indices = #map}]} {
    %mul3A = arith.constant 16 : i32
    %mul3A_0 = arith.muli %arg0, %mul3A : i32
    %add3A = arith.addi %mul3A_0, %arg1 : i32
    %mul3A_1 = arith.constant 640 : i32
    %mul3A_2 = arith.muli %arg1, %mul3A_1 : i32
    %mul3A_3 = arith.constant 640 : i32
    %mul3A_4 = arith.muli %arg1, %mul3A_3 : i32
    "tpu.region"() ({
      %run_scoped3A = tpu.sem_alloc : memref<!tpu.dma_semaphore, #tpu.memory_space<semaphore_mem>>
      %dma_start3A = arith.constant 0 : i32
      %dma_start3A_20 = tpu.memref_slice %arg7[%mul3A_4, %dma_start3A] : memref<10240x32xf32, #tpu.memory_space<vmem_shared>> -> memref<640x32xf32, #tpu.memory_space<vmem_shared>>
      %dma_start3A_21 = arith.constant 0 : i32
      %dma_start3A_22 = tpu.memref_slice %arg5[%mul3A_2, %dma_start3A_21] : memref<10240x32xf32, #tpu.memory_space<hbm>> -> memref<640x32xf32, #tpu.memory_space<hbm>>
      tpu.enqueue_dma source(%dma_start3A_22 : memref<640x32xf32, #tpu.memory_space<hbm>>) target(%dma_start3A_20 : memref<640x32xf32, #tpu.memory_space<vmem_shared>>) target_semaphore(%run_scoped3A : memref<!tpu.dma_semaphore, #tpu.memory_space<semaphore_mem>>)
      %dma_wait3A = arith.constant 0 : i32
      %dma_wait3A_23 = tpu.memref_slice %arg7[%mul3A_4, %dma_wait3A] : memref<10240x32xf32, #tpu.memory_space<vmem_shared>> -> memref<640x32xf32, #tpu.memory_space<vmem_shared>>
      %dma_wait3A_24 = arith.constant 0 : i32
      %dma_wait3A_25 = tpu.memref_slice %arg5[%mul3A_2, %dma_wait3A_24] : memref<10240x32xf32, #tpu.memory_space<hbm>> -> memref<640x32xf32, #tpu.memory_space<hbm>>
      tpu.wait_dma2 semaphore(%run_scoped3A : memref<!tpu.dma_semaphore, #tpu.memory_space<semaphore_mem>>) src(%dma_wait3A_25 : memref<640x32xf32, #tpu.memory_space<hbm>>) dst(%dma_wait3A_23 : memref<640x32xf32, #tpu.memory_space<vmem_shared>>)
      tpu.yield
    }) : () -> ()
    %barrier3A = arith.constant 0 : index
    tpu.barrier barrier_id(%barrier3A)
    %mul3A_5 = arith.constant 5120 : i32
    %mul3A_6 = arith.muli %add3A, %mul3A_5 : i32
    %scan3A = arith.constant 0 : i32
    %scan3A_7 = arith.constant 0 : i32
    %scan3A_8 = arith.constant 5 : i32
    %scan3A_9 = arith.addi %scan3A_7, %scan3A_8 : i32
    %scan3A_10 = arith.constant 1 : i32
    scf.for %scan3A_20 = %scan3A_7 to %scan3A_9 step %scan3A_10  : i32 {
      %mul3A_21 = arith.constant 8 : i32
      %mul3A_22 = arith.muli %mul3A_21, %scan3A_20 : i32
      %mul3A_23 = arith.constant 128 : i32
      %mul3A_24 = arith.muli %mul3A_22, %mul3A_23 : i32
      %add3A_25 = arith.addi %mul3A_6, %mul3A_24 : i32
      %add3A_26 = arith.constant 0 : i32
      %add3A_27 = arith.addi %add3A_25, %add3A_26 : i32
      "tpu.region"() ({
        %run_scoped3A = tpu.sem_alloc : memref<!tpu.dma_semaphore, #tpu.memory_space<semaphore_mem>>
        %dma_start3A_136 = tpu.memref_slice %arg3[%add3A_27] : memref<163840xi32, #tpu.memory_space<hbm>> -> memref<128xi32, #tpu.memory_space<hbm>>
        %dma_start3A_137 = tpu.memref_slice %arg3[%add3A_27] : memref<163840xi32, #tpu.memory_space<hbm>> -> memref<128xi32, #tpu.memory_space<hbm>>
        tpu.enqueue_dma source(%dma_start3A_137 : memref<128xi32, #tpu.memory_space<hbm>>) target(%arg8 : memref<128xi32, #tpu.memory_space<vmem>>) target_semaphore(%run_scoped3A : memref<!tpu.dma_semaphore, #tpu.memory_space<semaphore_mem>>)
        %dma_wait3A_138 = tpu.memref_slice %arg3[%add3A_27] : memref<163840xi32, #tpu.memory_space<hbm>> -> memref<128xi32, #tpu.memory_space<hbm>>
        %dma_wait3A_139 = tpu.memref_slice %arg3[%add3A_27] : memref<163840xi32, #tpu.memory_space<hbm>> -> memref<128xi32, #tpu.memory_space<hbm>>
        tpu.wait_dma2 semaphore(%run_scoped3A : memref<!tpu.dma_semaphore, #tpu.memory_space<semaphore_mem>>) src(%dma_wait3A_139 : memref<128xi32, #tpu.memory_space<hbm>>) dst(%arg8 : memref<128xi32, #tpu.memory_space<vmem>>)
        tpu.yield
      }) : () -> ()
      "tpu.region"() ({
        %run_scoped3A = tpu.sem_alloc : memref<!tpu.dma_semaphore, #tpu.memory_space<semaphore_mem>>
        %dma_start3A_136 = tpu.memref_slice %arg4[%add3A_27] : memref<163840xi32, #tpu.memory_space<hbm>> -> memref<128xi32, #tpu.memory_space<hbm>>
        %dma_start3A_137 = tpu.memref_slice %arg4[%add3A_27] : memref<163840xi32, #tpu.memory_space<hbm>> -> memref<128xi32, #tpu.memory_space<hbm>>
        tpu.enqueue_dma source(%dma_start3A_137 : memref<128xi32, #tpu.memory_space<hbm>>) target(%arg16 : memref<128xi32, #tpu.memory_space<vmem>>) target_semaphore(%run_scoped3A : memref<!tpu.dma_semaphore, #tpu.memory_space<semaphore_mem>>)
        %dma_wait3A_138 = tpu.memref_slice %arg4[%add3A_27] : memref<163840xi32, #tpu.memory_space<hbm>> -> memref<128xi32, #tpu.memory_space<hbm>>
        %dma_wait3A_139 = tpu.memref_slice %arg4[%add3A_27] : memref<163840xi32, #tpu.memory_space<hbm>> -> memref<128xi32, #tpu.memory_space<hbm>>
        tpu.wait_dma2 semaphore(%run_scoped3A : memref<!tpu.dma_semaphore, #tpu.memory_space<semaphore_mem>>) src(%dma_wait3A_139 : memref<128xi32, #tpu.memory_space<hbm>>) dst(%arg16 : memref<128xi32, #tpu.memory_space<vmem>>)
        tpu.yield
      }) : () -> ()
      %dma_start3A = arith.constant 0 : i32
      %dma_start3A_28 = arith.constant 0 : i32
      %dma_start3A_29 = tpu.memref_slice %arg2[%dma_start3A, %dma_start3A_28] : memref<10000x32xf32, #tpu.memory_space<hbm>> -> memref<10000x32xf32, #tpu.memory_space<hbm>>
      tpu.enqueue_indirect_dma source(%dma_start3A_29 : memref<10000x32xf32, #tpu.memory_space<hbm>>) target(%arg24 : memref<128x32xf32, #tpu.memory_space<vmem>>) offsets(%arg8 : memref<128xi32, #tpu.memory_space<vmem>>) semaphore(%arg32 : memref<!tpu.dma_semaphore, #tpu.memory_space<semaphore_mem>>)
      %add3A_30 = arith.constant 128 : i32
      %add3A_31 = arith.addi %add3A_25, %add3A_30 : i32
      "tpu.region"() ({
        %run_scoped3A = tpu.sem_alloc : memref<!tpu.dma_semaphore, #tpu.memory_space<semaphore_mem>>
        %dma_start3A_136 = tpu.memref_slice %arg3[%add3A_31] : memref<163840xi32, #tpu.memory_space<hbm>> -> memref<128xi32, #tpu.memory_space<hbm>>
        %dma_start3A_137 = tpu.memref_slice %arg3[%add3A_31] : memref<163840xi32, #tpu.memory_space<hbm>> -> memref<128xi32, #tpu.memory_space<hbm>>
        tpu.enqueue_dma source(%dma_start3A_137 : memref<128xi32, #tpu.memory_space<hbm>>) target(%arg9 : memref<128xi32, #tpu.memory_space<vmem>>) target_semaphore(%run_scoped3A : memref<!tpu.dma_semaphore, #tpu.memory_space<semaphore_mem>>)
        %dma_wait3A_138 = tpu.memref_slice %arg3[%add3A_31] : memref<163840xi32, #tpu.memory_space<hbm>> -> memref<128xi32, #tpu.memory_space<hbm>>
        %dma_wait3A_139 = tpu.memref_slice %arg3[%add3A_31] : memref<163840xi32, #tpu.memory_space<hbm>> -> memref<128xi32, #tpu.memory_space<hbm>>
        tpu.wait_dma2 semaphore(%run_scoped3A : memref<!tpu.dma_semaphore, #tpu.memory_space<semaphore_mem>>) src(%dma_wait3A_139 : memref<128xi32, #tpu.memory_space<hbm>>) dst(%arg9 : memref<128xi32, #tpu.memory_space<vmem>>)
        tpu.yield
      }) : () -> ()
      "tpu.region"() ({
        %run_scoped3A = tpu.sem_alloc : memref<!tpu.dma_semaphore, #tpu.memory_space<semaphore_mem>>
        %dma_start3A_136 = tpu.memref_slice %arg4[%add3A_31] : memref<163840xi32, #tpu.memory_space<hbm>> -> memref<128xi32, #tpu.memory_space<hbm>>
        %dma_start3A_137 = tpu.memref_slice %arg4[%add3A_31] : memref<163840xi32, #tpu.memory_space<hbm>> -> memref<128xi32, #tpu.memory_space<hbm>>
        tpu.enqueue_dma source(%dma_start3A_137 : memref<128xi32, #tpu.memory_space<hbm>>) target(%arg17 : memref<128xi32, #tpu.memory_space<vmem>>) target_semaphore(%run_scoped3A : memref<!tpu.dma_semaphore, #tpu.memory_space<semaphore_mem>>)
        %dma_wait3A_138 = tpu.memref_slice %arg4[%add3A_31] : memref<163840xi32, #tpu.memory_space<hbm>> -> memref<128xi32, #tpu.memory_space<hbm>>
        %dma_wait3A_139 = tpu.memref_slice %arg4[%add3A_31] : memref<163840xi32, #tpu.memory_space<hbm>> -> memref<128xi32, #tpu.memory_space<hbm>>
        tpu.wait_dma2 semaphore(%run_scoped3A : memref<!tpu.dma_semaphore, #tpu.memory_space<semaphore_mem>>) src(%dma_wait3A_139 : memref<128xi32, #tpu.memory_space<hbm>>) dst(%arg17 : memref<128xi32, #tpu.memory_space<vmem>>)
        tpu.yield
      }) : () -> ()
      %dma_start3A_32 = arith.constant 0 : i32
      %dma_start3A_33 = arith.constant 0 : i32
      %dma_start3A_34 = tpu.memref_slice %arg2[%dma_start3A_32, %dma_start3A_33] : memref<10000x32xf32, #tpu.memory_space<hbm>> -> memref<10000x32xf32, #tpu.memory_space<hbm>>
      tpu.enqueue_indirect_dma source(%dma_start3A_34 : memref<10000x32xf32, #tpu.memory_space<hbm>>) target(%arg25 : memref<128x32xf32, #tpu.memory_space<vmem>>) offsets(%arg9 : memref<128xi32, #tpu.memory_space<vmem>>) semaphore(%arg33 : memref<!tpu.dma_semaphore, #tpu.memory_space<semaphore_mem>>)
      %add3A_35 = arith.constant 256 : i32
      %add3A_36 = arith.addi %add3A_25, %add3A_35 : i32
      "tpu.region"() ({
        %run_scoped3A = tpu.sem_alloc : memref<!tpu.dma_semaphore, #tpu.memory_space<semaphore_mem>>
        %dma_start3A_136 = tpu.memref_slice %arg3[%add3A_36] : memref<163840xi32, #tpu.memory_space<hbm>> -> memref<128xi32, #tpu.memory_space<hbm>>
        %dma_start3A_137 = tpu.memref_slice %arg3[%add3A_36] : memref<163840xi32, #tpu.memory_space<hbm>> -> memref<128xi32, #tpu.memory_space<hbm>>
        tpu.enqueue_dma source(%dma_start3A_137 : memref<128xi32, #tpu.memory_space<hbm>>) target(%arg10 : memref<128xi32, #tpu.memory_space<vmem>>) target_semaphore(%run_scoped3A : memref<!tpu.dma_semaphore, #tpu.memory_space<semaphore_mem>>)
        %dma_wait3A_138 = tpu.memref_slice %arg3[%add3A_36] : memref<163840xi32, #tpu.memory_space<hbm>> -> memref<128xi32, #tpu.memory_space<hbm>>
        %dma_wait3A_139 = tpu.memref_slice %arg3[%add3A_36] : memref<163840xi32, #tpu.memory_space<hbm>> -> memref<128xi32, #tpu.memory_space<hbm>>
        tpu.wait_dma2 semaphore(%run_scoped3A : memref<!tpu.dma_semaphore, #tpu.memory_space<semaphore_mem>>) src(%dma_wait3A_139 : memref<128xi32, #tpu.memory_space<hbm>>) dst(%arg10 : memref<128xi32, #tpu.memory_space<vmem>>)
        tpu.yield
      }) : () -> ()
      "tpu.region"() ({
        %run_scoped3A = tpu.sem_alloc : memref<!tpu.dma_semaphore, #tpu.memory_space<semaphore_mem>>
        %dma_start3A_136 = tpu.memref_slice %arg4[%add3A_36] : memref<163840xi32, #tpu.memory_space<hbm>> -> memref<128xi32, #tpu.memory_space<hbm>>
        %dma_start3A_137 = tpu.memref_slice %arg4[%add3A_36] : memref<163840xi32, #tpu.memory_space<hbm>> -> memref<128xi32, #tpu.memory_space<hbm>>
        tpu.enqueue_dma source(%dma_start3A_137 : memref<128xi32, #tpu.memory_space<hbm>>) target(%arg18 : memref<128xi32, #tpu.memory_space<vmem>>) target_semaphore(%run_scoped3A : memref<!tpu.dma_semaphore, #tpu.memory_space<semaphore_mem>>)
        %dma_wait3A_138 = tpu.memref_slice %arg4[%add3A_36] : memref<163840xi32, #tpu.memory_space<hbm>> -> memref<128xi32, #tpu.memory_space<hbm>>
        %dma_wait3A_139 = tpu.memref_slice %arg4[%add3A_36] : memref<163840xi32, #tpu.memory_space<hbm>> -> memref<128xi32, #tpu.memory_space<hbm>>
        tpu.wait_dma2 semaphore(%run_scoped3A : memref<!tpu.dma_semaphore, #tpu.memory_space<semaphore_mem>>) src(%dma_wait3A_139 : memref<128xi32, #tpu.memory_space<hbm>>) dst(%arg18 : memref<128xi32, #tpu.memory_space<vmem>>)
        tpu.yield
      }) : () -> ()
      %dma_start3A_37 = arith.constant 0 : i32
      %dma_start3A_38 = arith.constant 0 : i32
      %dma_start3A_39 = tpu.memref_slice %arg2[%dma_start3A_37, %dma_start3A_38] : memref<10000x32xf32, #tpu.memory_space<hbm>> -> memref<10000x32xf32, #tpu.memory_space<hbm>>
      tpu.enqueue_indirect_dma source(%dma_start3A_39 : memref<10000x32xf32, #tpu.memory_space<hbm>>) target(%arg26 : memref<128x32xf32, #tpu.memory_space<vmem>>) offsets(%arg10 : memref<128xi32, #tpu.memory_space<vmem>>) semaphore(%arg34 : memref<!tpu.dma_semaphore, #tpu.memory_space<semaphore_mem>>)
      %add3A_40 = arith.constant 384 : i32
      %add3A_41 = arith.addi %add3A_25, %add3A_40 : i32
      "tpu.region"() ({
        %run_scoped3A = tpu.sem_alloc : memref<!tpu.dma_semaphore, #tpu.memory_space<semaphore_mem>>
        %dma_start3A_136 = tpu.memref_slice %arg3[%add3A_41] : memref<163840xi32, #tpu.memory_space<hbm>> -> memref<128xi32, #tpu.memory_space<hbm>>
        %dma_start3A_137 = tpu.memref_slice %arg3[%add3A_41] : memref<163840xi32, #tpu.memory_space<hbm>> -> memref<128xi32, #tpu.memory_space<hbm>>
        tpu.enqueue_dma source(%dma_start3A_137 : memref<128xi32, #tpu.memory_space<hbm>>) target(%arg11 : memref<128xi32, #tpu.memory_space<vmem>>) target_semaphore(%run_scoped3A : memref<!tpu.dma_semaphore, #tpu.memory_space<semaphore_mem>>)
        %dma_wait3A_138 = tpu.memref_slice %arg3[%add3A_41] : memref<163840xi32, #tpu.memory_space<hbm>> -> memref<128xi32, #tpu.memory_space<hbm>>
        %dma_wait3A_139 = tpu.memref_slice %arg3[%add3A_41] : memref<163840xi32, #tpu.memory_space<hbm>> -> memref<128xi32, #tpu.memory_space<hbm>>
        tpu.wait_dma2 semaphore(%run_scoped3A : memref<!tpu.dma_semaphore, #tpu.memory_space<semaphore_mem>>) src(%dma_wait3A_139 : memref<128xi32, #tpu.memory_space<hbm>>) dst(%arg11 : memref<128xi32, #tpu.memory_space<vmem>>)
        tpu.yield
      }) : () -> ()
      "tpu.region"() ({
        %run_scoped3A = tpu.sem_alloc : memref<!tpu.dma_semaphore, #tpu.memory_space<semaphore_mem>>
        %dma_start3A_136 = tpu.memref_slice %arg4[%add3A_41] : memref<163840xi32, #tpu.memory_space<hbm>> -> memref<128xi32, #tpu.memory_space<hbm>>
        %dma_start3A_137 = tpu.memref_slice %arg4[%add3A_41] : memref<163840xi32, #tpu.memory_space<hbm>> -> memref<128xi32, #tpu.memory_space<hbm>>
        tpu.enqueue_dma source(%dma_start3A_137 : memref<128xi32, #tpu.memory_space<hbm>>) target(%arg19 : memref<128xi32, #tpu.memory_space<vmem>>) target_semaphore(%run_scoped3A : memref<!tpu.dma_semaphore, #tpu.memory_space<semaphore_mem>>)
        %dma_wait3A_138 = tpu.memref_slice %arg4[%add3A_41] : memref<163840xi32, #tpu.memory_space<hbm>> -> memref<128xi32, #tpu.memory_space<hbm>>
        %dma_wait3A_139 = tpu.memref_slice %arg4[%add3A_41] : memref<163840xi32, #tpu.memory_space<hbm>> -> memref<128xi32, #tpu.memory_space<hbm>>
        tpu.wait_dma2 semaphore(%run_scoped3A : memref<!tpu.dma_semaphore, #tpu.memory_space<semaphore_mem>>) src(%dma_wait3A_139 : memref<128xi32, #tpu.memory_space<hbm>>) dst(%arg19 : memref<128xi32, #tpu.memory_space<vmem>>)
        tpu.yield
      }) : () -> ()
      %dma_start3A_42 = arith.constant 0 : i32
      %dma_start3A_43 = arith.constant 0 : i32
      %dma_start3A_44 = tpu.memref_slice %arg2[%dma_start3A_42, %dma_start3A_43] : memref<10000x32xf32, #tpu.memory_space<hbm>> -> memref<10000x32xf32, #tpu.memory_space<hbm>>
      tpu.enqueue_indirect_dma source(%dma_start3A_44 : memref<10000x32xf32, #tpu.memory_space<hbm>>) target(%arg27 : memref<128x32xf32, #tpu.memory_space<vmem>>) offsets(%arg11 : memref<128xi32, #tpu.memory_space<vmem>>) semaphore(%arg35 : memref<!tpu.dma_semaphore, #tpu.memory_space<semaphore_mem>>)
      %add3A_45 = arith.constant 512 : i32
      %add3A_46 = arith.addi %add3A_25, %add3A_45 : i32
      "tpu.region"() ({
        %run_scoped3A = tpu.sem_alloc : memref<!tpu.dma_semaphore, #tpu.memory_space<semaphore_mem>>
        %dma_start3A_136 = tpu.memref_slice %arg3[%add3A_46] : memref<163840xi32, #tpu.memory_space<hbm>> -> memref<128xi32, #tpu.memory_space<hbm>>
        %dma_start3A_137 = tpu.memref_slice %arg3[%add3A_46] : memref<163840xi32, #tpu.memory_space<hbm>> -> memref<128xi32, #tpu.memory_space<hbm>>
        tpu.enqueue_dma source(%dma_start3A_137 : memref<128xi32, #tpu.memory_space<hbm>>) target(%arg12 : memref<128xi32, #tpu.memory_space<vmem>>) target_semaphore(%run_scoped3A : memref<!tpu.dma_semaphore, #tpu.memory_space<semaphore_mem>>)
        %dma_wait3A_138 = tpu.memref_slice %arg3[%add3A_46] : memref<163840xi32, #tpu.memory_space<hbm>> -> memref<128xi32, #tpu.memory_space<hbm>>
        %dma_wait3A_139 = tpu.memref_slice %arg3[%add3A_46] : memref<163840xi32, #tpu.memory_space<hbm>> -> memref<128xi32, #tpu.memory_space<hbm>>
        tpu.wait_dma2 semaphore(%run_scoped3A : memref<!tpu.dma_semaphore, #tpu.memory_space<semaphore_mem>>) src(%dma_wait3A_139 : memref<128xi32, #tpu.memory_space<hbm>>) dst(%arg12 : memref<128xi32, #tpu.memory_space<vmem>>)
        tpu.yield
      }) : () -> ()
      "tpu.region"() ({
        %run_scoped3A = tpu.sem_alloc : memref<!tpu.dma_semaphore, #tpu.memory_space<semaphore_mem>>
        %dma_start3A_136 = tpu.memref_slice %arg4[%add3A_46] : memref<163840xi32, #tpu.memory_space<hbm>> -> memref<128xi32, #tpu.memory_space<hbm>>
        %dma_start3A_137 = tpu.memref_slice %arg4[%add3A_46] : memref<163840xi32, #tpu.memory_space<hbm>> -> memref<128xi32, #tpu.memory_space<hbm>>
        tpu.enqueue_dma source(%dma_start3A_137 : memref<128xi32, #tpu.memory_space<hbm>>) target(%arg20 : memref<128xi32, #tpu.memory_space<vmem>>) target_semaphore(%run_scoped3A : memref<!tpu.dma_semaphore, #tpu.memory_space<semaphore_mem>>)
        %dma_wait3A_138 = tpu.memref_slice %arg4[%add3A_46] : memref<163840xi32, #tpu.memory_space<hbm>> -> memref<128xi32, #tpu.memory_space<hbm>>
        %dma_wait3A_139 = tpu.memref_slice %arg4[%add3A_46] : memref<163840xi32, #tpu.memory_space<hbm>> -> memref<128xi32, #tpu.memory_space<hbm>>
        tpu.wait_dma2 semaphore(%run_scoped3A : memref<!tpu.dma_semaphore, #tpu.memory_space<semaphore_mem>>) src(%dma_wait3A_139 : memref<128xi32, #tpu.memory_space<hbm>>) dst(%arg20 : memref<128xi32, #tpu.memory_space<vmem>>)
        tpu.yield
      }) : () -> ()
      %dma_start3A_47 = arith.constant 0 : i32
      %dma_start3A_48 = arith.constant 0 : i32
      %dma_start3A_49 = tpu.memref_slice %arg2[%dma_start3A_47, %dma_start3A_48] : memref<10000x32xf32, #tpu.memory_space<hbm>> -> memref<10000x32xf32, #tpu.memory_space<hbm>>
      tpu.enqueue_indirect_dma source(%dma_start3A_49 : memref<10000x32xf32, #tpu.memory_space<hbm>>) target(%arg28 : memref<128x32xf32, #tpu.memory_space<vmem>>) offsets(%arg12 : memref<128xi32, #tpu.memory_space<vmem>>) semaphore(%arg36 : memref<!tpu.dma_semaphore, #tpu.memory_space<semaphore_mem>>)
      %add3A_50 = arith.constant 640 : i32
      %add3A_51 = arith.addi %add3A_25, %add3A_50 : i32
      "tpu.region"() ({
        %run_scoped3A = tpu.sem_alloc : memref<!tpu.dma_semaphore, #tpu.memory_space<semaphore_mem>>
        %dma_start3A_136 = tpu.memref_slice %arg3[%add3A_51] : memref<163840xi32, #tpu.memory_space<hbm>> -> memref<128xi32, #tpu.memory_space<hbm>>
        %dma_start3A_137 = tpu.memref_slice %arg3[%add3A_51] : memref<163840xi32, #tpu.memory_space<hbm>> -> memref<128xi32, #tpu.memory_space<hbm>>
        tpu.enqueue_dma source(%dma_start3A_137 : memref<128xi32, #tpu.memory_space<hbm>>) target(%arg13 : memref<128xi32, #tpu.memory_space<vmem>>) target_semaphore(%run_scoped3A : memref<!tpu.dma_semaphore, #tpu.memory_space<semaphore_mem>>)
        %dma_wait3A_138 = tpu.memref_slice %arg3[%add3A_51] : memref<163840xi32, #tpu.memory_space<hbm>> -> memref<128xi32, #tpu.memory_space<hbm>>
        %dma_wait3A_139 = tpu.memref_slice %arg3[%add3A_51] : memref<163840xi32, #tpu.memory_space<hbm>> -> memref<128xi32, #tpu.memory_space<hbm>>
        tpu.wait_dma2 semaphore(%run_scoped3A : memref<!tpu.dma_semaphore, #tpu.memory_space<semaphore_mem>>) src(%dma_wait3A_139 : memref<128xi32, #tpu.memory_space<hbm>>) dst(%arg13 : memref<128xi32, #tpu.memory_space<vmem>>)
        tpu.yield
      }) : () -> ()
      "tpu.region"() ({
        %run_scoped3A = tpu.sem_alloc : memref<!tpu.dma_semaphore, #tpu.memory_space<semaphore_mem>>
        %dma_start3A_136 = tpu.memref_slice %arg4[%add3A_51] : memref<163840xi32, #tpu.memory_space<hbm>> -> memref<128xi32, #tpu.memory_space<hbm>>
        %dma_start3A_137 = tpu.memref_slice %arg4[%add3A_51] : memref<163840xi32, #tpu.memory_space<hbm>> -> memref<128xi32, #tpu.memory_space<hbm>>
        tpu.enqueue_dma source(%dma_start3A_137 : memref<128xi32, #tpu.memory_space<hbm>>) target(%arg21 : memref<128xi32, #tpu.memory_space<vmem>>) target_semaphore(%run_scoped3A : memref<!tpu.dma_semaphore, #tpu.memory_space<semaphore_mem>>)
        %dma_wait3A_138 = tpu.memref_slice %arg4[%add3A_51] : memref<163840xi32, #tpu.memory_space<hbm>> -> memref<128xi32, #tpu.memory_space<hbm>>
        %dma_wait3A_139 = tpu.memref_slice %arg4[%add3A_51] : memref<163840xi32, #tpu.memory_space<hbm>> -> memref<128xi32, #tpu.memory_space<hbm>>
        tpu.wait_dma2 semaphore(%run_scoped3A : memref<!tpu.dma_semaphore, #tpu.memory_space<semaphore_mem>>) src(%dma_wait3A_139 : memref<128xi32, #tpu.memory_space<hbm>>) dst(%arg21 : memref<128xi32, #tpu.memory_space<vmem>>)
        tpu.yield
      }) : () -> ()
      %dma_start3A_52 = arith.constant 0 : i32
      %dma_start3A_53 = arith.constant 0 : i32
      %dma_start3A_54 = tpu.memref_slice %arg2[%dma_start3A_52, %dma_start3A_53] : memref<10000x32xf32, #tpu.memory_space<hbm>> -> memref<10000x32xf32, #tpu.memory_space<hbm>>
      tpu.enqueue_indirect_dma source(%dma_start3A_54 : memref<10000x32xf32, #tpu.memory_space<hbm>>) target(%arg29 : memref<128x32xf32, #tpu.memory_space<vmem>>) offsets(%arg13 : memref<128xi32, #tpu.memory_space<vmem>>) semaphore(%arg37 : memref<!tpu.dma_semaphore, #tpu.memory_space<semaphore_mem>>)
      %add3A_55 = arith.constant 768 : i32
      %add3A_56 = arith.addi %add3A_25, %add3A_55 : i32
      "tpu.region"() ({
        %run_scoped3A = tpu.sem_alloc : memref<!tpu.dma_semaphore, #tpu.memory_space<semaphore_mem>>
        %dma_start3A_136 = tpu.memref_slice %arg3[%add3A_56] : memref<163840xi32, #tpu.memory_space<hbm>> -> memref<128xi32, #tpu.memory_space<hbm>>
        %dma_start3A_137 = tpu.memref_slice %arg3[%add3A_56] : memref<163840xi32, #tpu.memory_space<hbm>> -> memref<128xi32, #tpu.memory_space<hbm>>
        tpu.enqueue_dma source(%dma_start3A_137 : memref<128xi32, #tpu.memory_space<hbm>>) target(%arg14 : memref<128xi32, #tpu.memory_space<vmem>>) target_semaphore(%run_scoped3A : memref<!tpu.dma_semaphore, #tpu.memory_space<semaphore_mem>>)
        %dma_wait3A_138 = tpu.memref_slice %arg3[%add3A_56] : memref<163840xi32, #tpu.memory_space<hbm>> -> memref<128xi32, #tpu.memory_space<hbm>>
        %dma_wait3A_139 = tpu.memref_slice %arg3[%add3A_56] : memref<163840xi32, #tpu.memory_space<hbm>> -> memref<128xi32, #tpu.memory_space<hbm>>
        tpu.wait_dma2 semaphore(%run_scoped3A : memref<!tpu.dma_semaphore, #tpu.memory_space<semaphore_mem>>) src(%dma_wait3A_139 : memref<128xi32, #tpu.memory_space<hbm>>) dst(%arg14 : memref<128xi32, #tpu.memory_space<vmem>>)
        tpu.yield
      }) : () -> ()
      "tpu.region"() ({
        %run_scoped3A = tpu.sem_alloc : memref<!tpu.dma_semaphore, #tpu.memory_space<semaphore_mem>>
        %dma_start3A_136 = tpu.memref_slice %arg4[%add3A_56] : memref<163840xi32, #tpu.memory_space<hbm>> -> memref<128xi32, #tpu.memory_space<hbm>>
        %dma_start3A_137 = tpu.memref_slice %arg4[%add3A_56] : memref<163840xi32, #tpu.memory_space<hbm>> -> memref<128xi32, #tpu.memory_space<hbm>>
        tpu.enqueue_dma source(%dma_start3A_137 : memref<128xi32, #tpu.memory_space<hbm>>) target(%arg22 : memref<128xi32, #tpu.memory_space<vmem>>) target_semaphore(%run_scoped3A : memref<!tpu.dma_semaphore, #tpu.memory_space<semaphore_mem>>)
        %dma_wait3A_138 = tpu.memref_slice %arg4[%add3A_56] : memref<163840xi32, #tpu.memory_space<hbm>> -> memref<128xi32, #tpu.memory_space<hbm>>
        %dma_wait3A_139 = tpu.memref_slice %arg4[%add3A_56] : memref<163840xi32, #tpu.memory_space<hbm>> -> memref<128xi32, #tpu.memory_space<hbm>>
        tpu.wait_dma2 semaphore(%run_scoped3A : memref<!tpu.dma_semaphore, #tpu.memory_space<semaphore_mem>>) src(%dma_wait3A_139 : memref<128xi32, #tpu.memory_space<hbm>>) dst(%arg22 : memref<128xi32, #tpu.memory_space<vmem>>)
        tpu.yield
      }) : () -> ()
      %dma_start3A_57 = arith.constant 0 : i32
      %dma_start3A_58 = arith.constant 0 : i32
      %dma_start3A_59 = tpu.memref_slice %arg2[%dma_start3A_57, %dma_start3A_58] : memref<10000x32xf32, #tpu.memory_space<hbm>> -> memref<10000x32xf32, #tpu.memory_space<hbm>>
      tpu.enqueue_indirect_dma source(%dma_start3A_59 : memref<10000x32xf32, #tpu.memory_space<hbm>>) target(%arg30 : memref<128x32xf32, #tpu.memory_space<vmem>>) offsets(%arg14 : memref<128xi32, #tpu.memory_space<vmem>>) semaphore(%arg38 : memref<!tpu.dma_semaphore, #tpu.memory_space<semaphore_mem>>)
      %add3A_60 = arith.constant 896 : i32
      %add3A_61 = arith.addi %add3A_25, %add3A_60 : i32
      "tpu.region"() ({
        %run_scoped3A = tpu.sem_alloc : memref<!tpu.dma_semaphore, #tpu.memory_space<semaphore_mem>>
        %dma_start3A_136 = tpu.memref_slice %arg3[%add3A_61] : memref<163840xi32, #tpu.memory_space<hbm>> -> memref<128xi32, #tpu.memory_space<hbm>>
        %dma_start3A_137 = tpu.memref_slice %arg3[%add3A_61] : memref<163840xi32, #tpu.memory_space<hbm>> -> memref<128xi32, #tpu.memory_space<hbm>>
        tpu.enqueue_dma source(%dma_start3A_137 : memref<128xi32, #tpu.memory_space<hbm>>) target(%arg15 : memref<128xi32, #tpu.memory_space<vmem>>) target_semaphore(%run_scoped3A : memref<!tpu.dma_semaphore, #tpu.memory_space<semaphore_mem>>)
        %dma_wait3A_138 = tpu.memref_slice %arg3[%add3A_61] : memref<163840xi32, #tpu.memory_space<hbm>> -> memref<128xi32, #tpu.memory_space<hbm>>
        %dma_wait3A_139 = tpu.memref_slice %arg3[%add3A_61] : memref<163840xi32, #tpu.memory_space<hbm>> -> memref<128xi32, #tpu.memory_space<hbm>>
        tpu.wait_dma2 semaphore(%run_scoped3A : memref<!tpu.dma_semaphore, #tpu.memory_space<semaphore_mem>>) src(%dma_wait3A_139 : memref<128xi32, #tpu.memory_space<hbm>>) dst(%arg15 : memref<128xi32, #tpu.memory_space<vmem>>)
        tpu.yield
      }) : () -> ()
      "tpu.region"() ({
        %run_scoped3A = tpu.sem_alloc : memref<!tpu.dma_semaphore, #tpu.memory_space<semaphore_mem>>
        %dma_start3A_136 = tpu.memref_slice %arg4[%add3A_61] : memref<163840xi32, #tpu.memory_space<hbm>> -> memref<128xi32, #tpu.memory_space<hbm>>
        %dma_start3A_137 = tpu.memref_slice %arg4[%add3A_61] : memref<163840xi32, #tpu.memory_space<hbm>> -> memref<128xi32, #tpu.memory_space<hbm>>
        tpu.enqueue_dma source(%dma_start3A_137 : memref<128xi32, #tpu.memory_space<hbm>>) target(%arg23 : memref<128xi32, #tpu.memory_space<vmem>>) target_semaphore(%run_scoped3A : memref<!tpu.dma_semaphore, #tpu.memory_space<semaphore_mem>>)
        %dma_wait3A_138 = tpu.memref_slice %arg4[%add3A_61] : memref<163840xi32, #tpu.memory_space<hbm>> -> memref<128xi32, #tpu.memory_space<hbm>>
        %dma_wait3A_139 = tpu.memref_slice %arg4[%add3A_61] : memref<163840xi32, #tpu.memory_space<hbm>> -> memref<128xi32, #tpu.memory_space<hbm>>
        tpu.wait_dma2 semaphore(%run_scoped3A : memref<!tpu.dma_semaphore, #tpu.memory_space<semaphore_mem>>) src(%dma_wait3A_139 : memref<128xi32, #tpu.memory_space<hbm>>) dst(%arg23 : memref<128xi32, #tpu.memory_space<vmem>>)
        tpu.yield
      }) : () -> ()
      %dma_start3A_62 = arith.constant 0 : i32
      %dma_start3A_63 = arith.constant 0 : i32
      %dma_start3A_64 = tpu.memref_slice %arg2[%dma_start3A_62, %dma_start3A_63] : memref<10000x32xf32, #tpu.memory_space<hbm>> -> memref<10000x32xf32, #tpu.memory_space<hbm>>
      tpu.enqueue_indirect_dma source(%dma_start3A_64 : memref<10000x32xf32, #tpu.memory_space<hbm>>) target(%arg31 : memref<128x32xf32, #tpu.memory_space<vmem>>) offsets(%arg15 : memref<128xi32, #tpu.memory_space<vmem>>) semaphore(%arg39 : memref<!tpu.dma_semaphore, #tpu.memory_space<semaphore_mem>>)
      %dma_wait3A = arith.constant 0 : i32
      %dma_wait3A_65 = arith.constant 0 : i32
      %dma_wait3A_66 = tpu.memref_slice %arg2[%dma_wait3A, %dma_wait3A_65] : memref<10000x32xf32, #tpu.memory_space<hbm>> -> memref<10000x32xf32, #tpu.memory_space<hbm>>
      tpu.wait_indirect_dma semaphore(%arg32 : memref<!tpu.dma_semaphore, #tpu.memory_space<semaphore_mem>>) src(%dma_wait3A_66 : memref<10000x32xf32, #tpu.memory_space<hbm>>) dst(%arg24 : memref<128x32xf32, #tpu.memory_space<vmem>>)
      %dma_start3A_67 = arith.constant 0 : i32
      %dma_start3A_68 = arith.constant 0 : i32
      %dma_start3A_69 = tpu.memref_slice %arg7[%dma_start3A_67, %dma_start3A_68] : memref<10240x32xf32, #tpu.memory_space<vmem_shared>> -> memref<10240x32xf32, #tpu.memory_space<vmem_shared>>
      tpu.enqueue_indirect_dma source(%arg24 : memref<128x32xf32, #tpu.memory_space<vmem>>) target(%dma_start3A_69 : memref<10240x32xf32, #tpu.memory_space<vmem_shared>>) offsets(%arg16 : memref<128xi32, #tpu.memory_space<vmem>>) semaphore(%arg40 : memref<!tpu.dma_semaphore, #tpu.memory_space<semaphore_mem>>) {add = true}
      %dma_wait3A_70 = arith.constant 0 : i32
      %dma_wait3A_71 = arith.constant 0 : i32
      %dma_wait3A_72 = tpu.memref_slice %arg2[%dma_wait3A_70, %dma_wait3A_71] : memref<10000x32xf32, #tpu.memory_space<hbm>> -> memref<10000x32xf32, #tpu.memory_space<hbm>>
      tpu.wait_indirect_dma semaphore(%arg33 : memref<!tpu.dma_semaphore, #tpu.memory_space<semaphore_mem>>) src(%dma_wait3A_72 : memref<10000x32xf32, #tpu.memory_space<hbm>>) dst(%arg25 : memref<128x32xf32, #tpu.memory_space<vmem>>)
      %dma_start3A_73 = arith.constant 0 : i32
      %dma_start3A_74 = arith.constant 0 : i32
      %dma_start3A_75 = tpu.memref_slice %arg7[%dma_start3A_73, %dma_start3A_74] : memref<10240x32xf32, #tpu.memory_space<vmem_shared>> -> memref<10240x32xf32, #tpu.memory_space<vmem_shared>>
      tpu.enqueue_indirect_dma source(%arg25 : memref<128x32xf32, #tpu.memory_space<vmem>>) target(%dma_start3A_75 : memref<10240x32xf32, #tpu.memory_space<vmem_shared>>) offsets(%arg17 : memref<128xi32, #tpu.memory_space<vmem>>) semaphore(%arg41 : memref<!tpu.dma_semaphore, #tpu.memory_space<semaphore_mem>>) {add = true}
      %dma_wait3A_76 = arith.constant 0 : i32
      %dma_wait3A_77 = arith.constant 0 : i32
      %dma_wait3A_78 = tpu.memref_slice %arg2[%dma_wait3A_76, %dma_wait3A_77] : memref<10000x32xf32, #tpu.memory_space<hbm>> -> memref<10000x32xf32, #tpu.memory_space<hbm>>
      tpu.wait_indirect_dma semaphore(%arg34 : memref<!tpu.dma_semaphore, #tpu.memory_space<semaphore_mem>>) src(%dma_wait3A_78 : memref<10000x32xf32, #tpu.memory_space<hbm>>) dst(%arg26 : memref<128x32xf32, #tpu.memory_space<vmem>>)
      %dma_start3A_79 = arith.constant 0 : i32
      %dma_start3A_80 = arith.constant 0 : i32
      %dma_start3A_81 = tpu.memref_slice %arg7[%dma_start3A_79, %dma_start3A_80] : memref<10240x32xf32, #tpu.memory_space<vmem_shared>> -> memref<10240x32xf32, #tpu.memory_space<vmem_shared>>
      tpu.enqueue_indirect_dma source(%arg26 : memref<128x32xf32, #tpu.memory_space<vmem>>) target(%dma_start3A_81 : memref<10240x32xf32, #tpu.memory_space<vmem_shared>>) offsets(%arg18 : memref<128xi32, #tpu.memory_space<vmem>>) semaphore(%arg42 : memref<!tpu.dma_semaphore, #tpu.memory_space<semaphore_mem>>) {add = true}
      %dma_wait3A_82 = arith.constant 0 : i32
      %dma_wait3A_83 = arith.constant 0 : i32
      %dma_wait3A_84 = tpu.memref_slice %arg2[%dma_wait3A_82, %dma_wait3A_83] : memref<10000x32xf32, #tpu.memory_space<hbm>> -> memref<10000x32xf32, #tpu.memory_space<hbm>>
      tpu.wait_indirect_dma semaphore(%arg35 : memref<!tpu.dma_semaphore, #tpu.memory_space<semaphore_mem>>) src(%dma_wait3A_84 : memref<10000x32xf32, #tpu.memory_space<hbm>>) dst(%arg27 : memref<128x32xf32, #tpu.memory_space<vmem>>)
      %dma_start3A_85 = arith.constant 0 : i32
      %dma_start3A_86 = arith.constant 0 : i32
      %dma_start3A_87 = tpu.memref_slice %arg7[%dma_start3A_85, %dma_start3A_86] : memref<10240x32xf32, #tpu.memory_space<vmem_shared>> -> memref<10240x32xf32, #tpu.memory_space<vmem_shared>>
      tpu.enqueue_indirect_dma source(%arg27 : memref<128x32xf32, #tpu.memory_space<vmem>>) target(%dma_start3A_87 : memref<10240x32xf32, #tpu.memory_space<vmem_shared>>) offsets(%arg19 : memref<128xi32, #tpu.memory_space<vmem>>) semaphore(%arg43 : memref<!tpu.dma_semaphore, #tpu.memory_space<semaphore_mem>>) {add = true}
      %dma_wait3A_88 = arith.constant 0 : i32
      %dma_wait3A_89 = arith.constant 0 : i32
      %dma_wait3A_90 = tpu.memref_slice %arg2[%dma_wait3A_88, %dma_wait3A_89] : memref<10000x32xf32, #tpu.memory_space<hbm>> -> memref<10000x32xf32, #tpu.memory_space<hbm>>
      tpu.wait_indirect_dma semaphore(%arg36 : memref<!tpu.dma_semaphore, #tpu.memory_space<semaphore_mem>>) src(%dma_wait3A_90 : memref<10000x32xf32, #tpu.memory_space<hbm>>) dst(%arg28 : memref<128x32xf32, #tpu.memory_space<vmem>>)
      %dma_start3A_91 = arith.constant 0 : i32
      %dma_start3A_92 = arith.constant 0 : i32
      %dma_start3A_93 = tpu.memref_slice %arg7[%dma_start3A_91, %dma_start3A_92] : memref<10240x32xf32, #tpu.memory_space<vmem_shared>> -> memref<10240x32xf32, #tpu.memory_space<vmem_shared>>
      tpu.enqueue_indirect_dma source(%arg28 : memref<128x32xf32, #tpu.memory_space<vmem>>) target(%dma_start3A_93 : memref<10240x32xf32, #tpu.memory_space<vmem_shared>>) offsets(%arg20 : memref<128xi32, #tpu.memory_space<vmem>>) semaphore(%arg44 : memref<!tpu.dma_semaphore, #tpu.memory_space<semaphore_mem>>) {add = true}
      %dma_wait3A_94 = arith.constant 0 : i32
      %dma_wait3A_95 = arith.constant 0 : i32
      %dma_wait3A_96 = tpu.memref_slice %arg2[%dma_wait3A_94, %dma_wait3A_95] : memref<10000x32xf32, #tpu.memory_space<hbm>> -> memref<10000x32xf32, #tpu.memory_space<hbm>>
      tpu.wait_indirect_dma semaphore(%arg37 : memref<!tpu.dma_semaphore, #tpu.memory_space<semaphore_mem>>) src(%dma_wait3A_96 : memref<10000x32xf32, #tpu.memory_space<hbm>>) dst(%arg29 : memref<128x32xf32, #tpu.memory_space<vmem>>)
      %dma_start3A_97 = arith.constant 0 : i32
      %dma_start3A_98 = arith.constant 0 : i32
      %dma_start3A_99 = tpu.memref_slice %arg7[%dma_start3A_97, %dma_start3A_98] : memref<10240x32xf32, #tpu.memory_space<vmem_shared>> -> memref<10240x32xf32, #tpu.memory_space<vmem_shared>>
      tpu.enqueue_indirect_dma source(%arg29 : memref<128x32xf32, #tpu.memory_space<vmem>>) target(%dma_start3A_99 : memref<10240x32xf32, #tpu.memory_space<vmem_shared>>) offsets(%arg21 : memref<128xi32, #tpu.memory_space<vmem>>) semaphore(%arg45 : memref<!tpu.dma_semaphore, #tpu.memory_space<semaphore_mem>>) {add = true}
      %dma_wait3A_100 = arith.constant 0 : i32
      %dma_wait3A_101 = arith.constant 0 : i32
      %dma_wait3A_102 = tpu.memref_slice %arg2[%dma_wait3A_100, %dma_wait3A_101] : memref<10000x32xf32, #tpu.memory_space<hbm>> -> memref<10000x32xf32, #tpu.memory_space<hbm>>
      tpu.wait_indirect_dma semaphore(%arg38 : memref<!tpu.dma_semaphore, #tpu.memory_space<semaphore_mem>>) src(%dma_wait3A_102 : memref<10000x32xf32, #tpu.memory_space<hbm>>) dst(%arg30 : memref<128x32xf32, #tpu.memory_space<vmem>>)
      %dma_start3A_103 = arith.constant 0 : i32
      %dma_start3A_104 = arith.constant 0 : i32
      %dma_start3A_105 = tpu.memref_slice %arg7[%dma_start3A_103, %dma_start3A_104] : memref<10240x32xf32, #tpu.memory_space<vmem_shared>> -> memref<10240x32xf32, #tpu.memory_space<vmem_shared>>
      tpu.enqueue_indirect_dma source(%arg30 : memref<128x32xf32, #tpu.memory_space<vmem>>) target(%dma_start3A_105 : memref<10240x32xf32, #tpu.memory_space<vmem_shared>>) offsets(%arg22 : memref<128xi32, #tpu.memory_space<vmem>>) semaphore(%arg46 : memref<!tpu.dma_semaphore, #tpu.memory_space<semaphore_mem>>) {add = true}
      %dma_wait3A_106 = arith.constant 0 : i32
      %dma_wait3A_107 = arith.constant 0 : i32
      %dma_wait3A_108 = tpu.memref_slice %arg2[%dma_wait3A_106, %dma_wait3A_107] : memref<10000x32xf32, #tpu.memory_space<hbm>> -> memref<10000x32xf32, #tpu.memory_space<hbm>>
      tpu.wait_indirect_dma semaphore(%arg39 : memref<!tpu.dma_semaphore, #tpu.memory_space<semaphore_mem>>) src(%dma_wait3A_108 : memref<10000x32xf32, #tpu.memory_space<hbm>>) dst(%arg31 : memref<128x32xf32, #tpu.memory_space<vmem>>)
      %dma_start3A_109 = arith.constant 0 : i32
      %dma_start3A_110 = arith.constant 0 : i32
      %dma_start3A_111 = tpu.memref_slice %arg7[%dma_start3A_109, %dma_start3A_110] : memref<10240x32xf32, #tpu.memory_space<vmem_shared>> -> memref<10240x32xf32, #tpu.memory_space<vmem_shared>>
      tpu.enqueue_indirect_dma source(%arg31 : memref<128x32xf32, #tpu.memory_space<vmem>>) target(%dma_start3A_111 : memref<10240x32xf32, #tpu.memory_space<vmem_shared>>) offsets(%arg23 : memref<128xi32, #tpu.memory_space<vmem>>) semaphore(%arg47 : memref<!tpu.dma_semaphore, #tpu.memory_space<semaphore_mem>>) {add = true}
      %dma_wait3A_112 = arith.constant 0 : i32
      %dma_wait3A_113 = arith.constant 0 : i32
      %dma_wait3A_114 = tpu.memref_slice %arg7[%dma_wait3A_112, %dma_wait3A_113] : memref<10240x32xf32, #tpu.memory_space<vmem_shared>> -> memref<10240x32xf32, #tpu.memory_space<vmem_shared>>
      tpu.wait_indirect_dma semaphore(%arg40 : memref<!tpu.dma_semaphore, #tpu.memory_space<semaphore_mem>>) src(%arg24 : memref<128x32xf32, #tpu.memory_space<vmem>>) dst(%dma_wait3A_114 : memref<10240x32xf32, #tpu.memory_space<vmem_shared>>)
      %dma_wait3A_115 = arith.constant 0 : i32
      %dma_wait3A_116 = arith.constant 0 : i32
      %dma_wait3A_117 = tpu.memref_slice %arg7[%dma_wait3A_115, %dma_wait3A_116] : memref<10240x32xf32, #tpu.memory_space<vmem_shared>> -> memref<10240x32xf32, #tpu.memory_space<vmem_shared>>
      tpu.wait_indirect_dma semaphore(%arg41 : memref<!tpu.dma_semaphore, #tpu.memory_space<semaphore_mem>>) src(%arg25 : memref<128x32xf32, #tpu.memory_space<vmem>>) dst(%dma_wait3A_117 : memref<10240x32xf32, #tpu.memory_space<vmem_shared>>)
      %dma_wait3A_118 = arith.constant 0 : i32
      %dma_wait3A_119 = arith.constant 0 : i32
      %dma_wait3A_120 = tpu.memref_slice %arg7[%dma_wait3A_118, %dma_wait3A_119] : memref<10240x32xf32, #tpu.memory_space<vmem_shared>> -> memref<10240x32xf32, #tpu.memory_space<vmem_shared>>
      tpu.wait_indirect_dma semaphore(%arg42 : memref<!tpu.dma_semaphore, #tpu.memory_space<semaphore_mem>>) src(%arg26 : memref<128x32xf32, #tpu.memory_space<vmem>>) dst(%dma_wait3A_120 : memref<10240x32xf32, #tpu.memory_space<vmem_shared>>)
      %dma_wait3A_121 = arith.constant 0 : i32
      %dma_wait3A_122 = arith.constant 0 : i32
      %dma_wait3A_123 = tpu.memref_slice %arg7[%dma_wait3A_121, %dma_wait3A_122] : memref<10240x32xf32, #tpu.memory_space<vmem_shared>> -> memref<10240x32xf32, #tpu.memory_space<vmem_shared>>
      tpu.wait_indirect_dma semaphore(%arg43 : memref<!tpu.dma_semaphore, #tpu.memory_space<semaphore_mem>>) src(%arg27 : memref<128x32xf32, #tpu.memory_space<vmem>>) dst(%dma_wait3A_123 : memref<10240x32xf32, #tpu.memory_space<vmem_shared>>)
      %dma_wait3A_124 = arith.constant 0 : i32
      %dma_wait3A_125 = arith.constant 0 : i32
      %dma_wait3A_126 = tpu.memref_slice %arg7[%dma_wait3A_124, %dma_wait3A_125] : memref<10240x32xf32, #tpu.memory_space<vmem_shared>> -> memref<10240x32xf32, #tpu.memory_space<vmem_shared>>
      tpu.wait_indirect_dma semaphore(%arg44 : memref<!tpu.dma_semaphore, #tpu.memory_space<semaphore_mem>>) src(%arg28 : memref<128x32xf32, #tpu.memory_space<vmem>>) dst(%dma_wait3A_126 : memref<10240x32xf32, #tpu.memory_space<vmem_shared>>)
      %dma_wait3A_127 = arith.constant 0 : i32
      %dma_wait3A_128 = arith.constant 0 : i32
      %dma_wait3A_129 = tpu.memref_slice %arg7[%dma_wait3A_127, %dma_wait3A_128] : memref<10240x32xf32, #tpu.memory_space<vmem_shared>> -> memref<10240x32xf32, #tpu.memory_space<vmem_shared>>
      tpu.wait_indirect_dma semaphore(%arg45 : memref<!tpu.dma_semaphore, #tpu.memory_space<semaphore_mem>>) src(%arg29 : memref<128x32xf32, #tpu.memory_space<vmem>>) dst(%dma_wait3A_129 : memref<10240x32xf32, #tpu.memory_space<vmem_shared>>)
      %dma_wait3A_130 = arith.constant 0 : i32
      %dma_wait3A_131 = arith.constant 0 : i32
      %dma_wait3A_132 = tpu.memref_slice %arg7[%dma_wait3A_130, %dma_wait3A_131] : memref<10240x32xf32, #tpu.memory_space<vmem_shared>> -> memref<10240x32xf32, #tpu.memory_space<vmem_shared>>
      tpu.wait_indirect_dma semaphore(%arg46 : memref<!tpu.dma_semaphore, #tpu.memory_space<semaphore_mem>>) src(%arg30 : memref<128x32xf32, #tpu.memory_space<vmem>>) dst(%dma_wait3A_132 : memref<10240x32xf32, #tpu.memory_space<vmem_shared>>)
      %dma_wait3A_133 = arith.constant 0 : i32
      %dma_wait3A_134 = arith.constant 0 : i32
      %dma_wait3A_135 = tpu.memref_slice %arg7[%dma_wait3A_133, %dma_wait3A_134] : memref<10240x32xf32, #tpu.memory_space<vmem_shared>> -> memref<10240x32xf32, #tpu.memory_space<vmem_shared>>
      tpu.wait_indirect_dma semaphore(%arg47 : memref<!tpu.dma_semaphore, #tpu.memory_space<semaphore_mem>>) src(%arg31 : memref<128x32xf32, #tpu.memory_space<vmem>>) dst(%dma_wait3A_135 : memref<10240x32xf32, #tpu.memory_space<vmem_shared>>)
    }
    %scan3A_11 = arith.constant 5 : i32
    %barrier3A_12 = arith.constant 0 : index
    tpu.barrier barrier_id(%barrier3A_12)
    %mul3A_13 = arith.constant 640 : i32
    %mul3A_14 = arith.muli %arg1, %mul3A_13 : i32
    %mul3A_15 = arith.constant 10240 : i32
    %mul3A_16 = arith.muli %arg0, %mul3A_15 : i32
    %mul3A_17 = arith.constant 640 : i32
    %mul3A_18 = arith.muli %arg1, %mul3A_17 : i32
    %add3A_19 = arith.addi %mul3A_16, %mul3A_18 : i32
    "tpu.region"() ({
      %run_scoped3A = tpu.sem_alloc : memref<!tpu.dma_semaphore, #tpu.memory_space<semaphore_mem>>
      %dma_start3A = arith.constant 0 : i32
      %dma_start3A_20 = tpu.memref_slice %arg6[%add3A_19, %dma_start3A] : memref<20480x32xf32, #tpu.memory_space<hbm>> -> memref<640x32xf32, #tpu.memory_space<hbm>>
      %dma_start3A_21 = arith.constant 0 : i32
      %dma_start3A_22 = tpu.memref_slice %arg7[%mul3A_14, %dma_start3A_21] : memref<10240x32xf32, #tpu.memory_space<vmem_shared>> -> memref<640x32xf32, #tpu.memory_space<vmem_shared>>
      tpu.enqueue_dma source(%dma_start3A_22 : memref<640x32xf32, #tpu.memory_space<vmem_shared>>) target(%dma_start3A_20 : memref<640x32xf32, #tpu.memory_space<hbm>>) target_semaphore(%run_scoped3A : memref<!tpu.dma_semaphore, #tpu.memory_space<semaphore_mem>>)
      %dma_wait3A = arith.constant 0 : i32
      %dma_wait3A_23 = tpu.memref_slice %arg6[%add3A_19, %dma_wait3A] : memref<20480x32xf32, #tpu.memory_space<hbm>> -> memref<640x32xf32, #tpu.memory_space<hbm>>
      %dma_wait3A_24 = arith.constant 0 : i32
      %dma_wait3A_25 = tpu.memref_slice %arg7[%mul3A_14, %dma_wait3A_24] : memref<10240x32xf32, #tpu.memory_space<vmem_shared>> -> memref<640x32xf32, #tpu.memory_space<vmem_shared>>
      tpu.wait_dma2 semaphore(%run_scoped3A : memref<!tpu.dma_semaphore, #tpu.memory_space<semaphore_mem>>) src(%dma_wait3A_25 : memref<640x32xf32, #tpu.memory_space<vmem_shared>>) dst(%dma_wait3A_23 : memref<640x32xf32, #tpu.memory_space<hbm>>)
      tpu.yield
    }) : () -> ()
    return
  }
}

module attributes {stable_mosaic.version = 14 : i64} {
  func.func @body(%arg0: memref<10000x352xf32, #tpu.memory_space<vmem>>, %arg1: memref<20224x176xf32, #tpu.memory_space<vmem>>, %arg2: memref<352x32xf32, #tpu.memory_space<vmem>>, %arg3: memref<1x32xf32, #tpu.memory_space<vmem>>, %arg4: memref<32x32xf32, #tpu.memory_space<vmem>>, %arg5: memref<1x32xf32, #tpu.memory_space<vmem>>, %arg6: memref<1x32xf32, #tpu.memory_space<vmem>>, %arg7: memref<1x32xf32, #tpu.memory_space<vmem>>, %arg8: memref<10000x32xf32, #tpu.memory_space<vmem>>) attributes {dimension_semantics = [], scalar_prefetch = 0 : i64, scratch_operands = 0 : i64, tpu.core_type = #tpu.core_type<tc>} {
    %get3A = arith.constant 0 : index
    %get3A_0 = arith.constant 0 : index
    %get3A_1 = vector.load %arg0[%get3A, %get3A_0] : memref<10000x352xf32, #tpu.memory_space<vmem>>, vector<10000x352xf32>
    %get3A_2 = arith.constant 0 : index
    %get3A_3 = arith.constant 0 : index
    %get3A_4 = vector.load %arg1[%get3A_2, %get3A_3] : memref<20224x176xf32, #tpu.memory_space<vmem>>, vector<10000x176xf32>
    %get3A_5 = arith.constant 10112 : index
    %get3A_6 = arith.constant 0 : index
    %get3A_7 = vector.load %arg1[%get3A_5, %get3A_6] : memref<20224x176xf32, #tpu.memory_space<vmem>>, vector<10000x176xf32>
    %concatenate3A = tpu.concatenate %get3A_4, %get3A_7 in 1 : vector<10000x176xf32>, vector<10000x176xf32> -> vector<10000x352xf32>
    %add3A = arith.addf %get3A_1, %concatenate3A : vector<10000x352xf32>
    %get3A_8 = arith.constant 0 : index
    %get3A_9 = arith.constant 0 : index
    %get3A_10 = vector.load %arg2[%get3A_8, %get3A_9] : memref<352x32xf32, #tpu.memory_space<vmem>>, vector<352x32xf32>
    %dot_general3A = arith.constant dense<0.000000e+00> : vector<10000x32xf32>
    %dot_general3A_11 = tpu.matmul %add3A, %get3A_10, %dot_general3A {dimension_numbers = #tpu.dot_dimension_numbers<[1], [0], [0], [1], [0, 0, 1, 1], [], []>, transpose_lhs_hint = false} : vector<10000x352xf32>, vector<352x32xf32>, vector<10000x32xf32> -> vector<10000x32xf32>
    %get3A_12 = arith.constant 0 : index
    %get3A_13 = arith.constant 0 : index
    %get3A_14 = vector.load %arg3[%get3A_12, %get3A_13] : memref<1x32xf32, #tpu.memory_space<vmem>>, vector<1x32xf32>
    %add3A_15 = vector.broadcast %get3A_14 : vector<1x32xf32> to vector<10000x32xf32>
    %add3A_16 = arith.addf %dot_general3A_11, %add3A_15 : vector<10000x32xf32>
    %max3A = arith.constant 0.000000e+00 : f32
    %max3A_17 = vector.broadcast %max3A : f32 to vector<10000x32xf32>
    %max3A_18 = arith.maximumf %add3A_16, %max3A_17 : vector<10000x32xf32>
    %get3A_19 = arith.constant 0 : index
    %get3A_20 = arith.constant 0 : index
    %get3A_21 = vector.load %arg4[%get3A_19, %get3A_20] : memref<32x32xf32, #tpu.memory_space<vmem>>, vector<32x32xf32>
    %dot_general3A_22 = arith.constant dense<0.000000e+00> : vector<10000x32xf32>
    %dot_general3A_23 = tpu.matmul %max3A_18, %get3A_21, %dot_general3A_22 {dimension_numbers = #tpu.dot_dimension_numbers<[1], [0], [0], [1], [0, 0, 1, 1], [], []>, transpose_lhs_hint = false} : vector<10000x32xf32>, vector<32x32xf32>, vector<10000x32xf32> -> vector<10000x32xf32>
    %get3A_24 = arith.constant 0 : index
    %get3A_25 = arith.constant 0 : index
    %get3A_26 = vector.load %arg5[%get3A_24, %get3A_25] : memref<1x32xf32, #tpu.memory_space<vmem>>, vector<1x32xf32>
    %add3A_27 = vector.broadcast %get3A_26 : vector<1x32xf32> to vector<10000x32xf32>
    %add3A_28 = arith.addf %dot_general3A_23, %add3A_27 : vector<10000x32xf32>
    %max3A_29 = arith.constant 0.000000e+00 : f32
    %max3A_30 = vector.broadcast %max3A_29 : f32 to vector<10000x32xf32>
    %max3A_31 = arith.maximumf %add3A_28, %max3A_30 : vector<10000x32xf32>
    %reduce_sum3A = arith.constant dense<0.000000e+00> : vector<32xf32>
    %reduce_sum3A_32 = vector.multi_reduction <add>, %max3A_31, %reduce_sum3A [0] : vector<10000x32xf32> to vector<32xf32>
    %broadcast_in_dim3A = vector.shape_cast %reduce_sum3A_32 : vector<32xf32> to vector<1x32xf32>
    %div3A = arith.constant 1.000000e+04 : f32
    %div3A_33 = vector.broadcast %div3A : f32 to vector<1x32xf32>
    %div3A_34 = arith.divf %broadcast_in_dim3A, %div3A_33 : vector<1x32xf32>
    %sub3A = vector.broadcast %div3A_34 : vector<1x32xf32> to vector<10000x32xf32>
    %sub3A_35 = arith.subf %max3A_31, %sub3A : vector<10000x32xf32>
    %sub3A_36 = vector.broadcast %div3A_34 : vector<1x32xf32> to vector<10000x32xf32>
    %sub3A_37 = arith.subf %max3A_31, %sub3A_36 : vector<10000x32xf32>
    %mul3A = arith.mulf %sub3A_35, %sub3A_37 : vector<10000x32xf32>
    %reduce_sum3A_38 = arith.constant dense<0.000000e+00> : vector<32xf32>
    %reduce_sum3A_39 = vector.multi_reduction <add>, %mul3A, %reduce_sum3A_38 [0] : vector<10000x32xf32> to vector<32xf32>
    %broadcast_in_dim3A_40 = vector.shape_cast %reduce_sum3A_39 : vector<32xf32> to vector<1x32xf32>
    %div3A_41 = arith.constant 1.000000e+04 : f32
    %div3A_42 = vector.broadcast %div3A_41 : f32 to vector<1x32xf32>
    %div3A_43 = arith.divf %broadcast_in_dim3A_40, %div3A_42 : vector<1x32xf32>
    %sub3A_44 = vector.broadcast %div3A_34 : vector<1x32xf32> to vector<10000x32xf32>
    %sub3A_45 = arith.subf %max3A_31, %sub3A_44 : vector<10000x32xf32>
    %add3A_46 = arith.constant 9.99999974E-6 : f32
    %add3A_47 = vector.broadcast %add3A_46 : f32 to vector<1x32xf32>
    %add3A_48 = arith.addf %div3A_43, %add3A_47 : vector<1x32xf32>
    %sqrt3A = math.sqrt %add3A_48 : vector<1x32xf32>
    %div3A_49 = vector.broadcast %sqrt3A : vector<1x32xf32> to vector<10000x32xf32>
    %div3A_50 = arith.divf %sub3A_45, %div3A_49 : vector<10000x32xf32>
    %get3A_51 = arith.constant 0 : index
    %get3A_52 = arith.constant 0 : index
    %get3A_53 = vector.load %arg6[%get3A_51, %get3A_52] : memref<1x32xf32, #tpu.memory_space<vmem>>, vector<1x32xf32>
    %mul3A_54 = vector.broadcast %get3A_53 : vector<1x32xf32> to vector<10000x32xf32>
    %mul3A_55 = arith.mulf %div3A_50, %mul3A_54 : vector<10000x32xf32>
    %get3A_56 = arith.constant 0 : index
    %get3A_57 = arith.constant 0 : index
    %get3A_58 = vector.load %arg7[%get3A_56, %get3A_57] : memref<1x32xf32, #tpu.memory_space<vmem>>, vector<1x32xf32>
    %add3A_59 = vector.broadcast %get3A_58 : vector<1x32xf32> to vector<10000x32xf32>
    %add3A_60 = arith.addf %mul3A_55, %add3A_59 : vector<10000x32xf32>
    %swap3A = arith.constant 0 : index
    %swap3A_61 = arith.constant 0 : index
    %swap3A_62 = vector.load %arg8[%swap3A, %swap3A_61] : memref<10000x32xf32, #tpu.memory_space<vmem>>, vector<10000x32xf32>
    tpu.vector_store %arg8[%swap3A, %swap3A_61], %add3A_60 {strides = array<i32>} : memref<10000x32xf32, #tpu.memory_space<vmem>>, vector<10000x32xf32>,
    return
  }
}

module attributes {stable_mosaic.version = 14 : i64} {
  func.func @body(%arg0: memref<10000x32xf32, #tpu.memory_space<vmem>>, %arg1: memref<20480x32xf32, #tpu.memory_space<vmem>>, %arg2: memref<32x32xf32, #tpu.memory_space<vmem>>, %arg3: memref<1x32xf32, #tpu.memory_space<vmem>>, %arg4: memref<32x32xf32, #tpu.memory_space<vmem>>, %arg5: memref<1x32xf32, #tpu.memory_space<vmem>>, %arg6: memref<1x32xf32, #tpu.memory_space<vmem>>, %arg7: memref<1x32xf32, #tpu.memory_space<vmem>>, %arg8: memref<10000x32xf32, #tpu.memory_space<vmem>>) attributes {dimension_semantics = [], scalar_prefetch = 0 : i64, scratch_operands = 0 : i64, tpu.core_type = #tpu.core_type<tc>} {
    %get3A = arith.constant 0 : index
    %get3A_0 = arith.constant 0 : index
    %get3A_1 = vector.load %arg0[%get3A, %get3A_0] : memref<10000x32xf32, #tpu.memory_space<vmem>>, vector<10000x32xf32>
    %get3A_2 = arith.constant 0 : index
    %get3A_3 = arith.constant 0 : index
    %get3A_4 = vector.load %arg1[%get3A_2, %get3A_3] : memref<20480x32xf32, #tpu.memory_space<vmem>>, vector<10000x32xf32>
    %add3A = arith.addf %get3A_1, %get3A_4 : vector<10000x32xf32>
    %get3A_5 = arith.constant 10240 : index
    %get3A_6 = arith.constant 0 : index
    %get3A_7 = vector.load %arg1[%get3A_5, %get3A_6] : memref<20480x32xf32, #tpu.memory_space<vmem>>, vector<10000x32xf32>
    %add3A_8 = arith.addf %add3A, %get3A_7 : vector<10000x32xf32>
    %get3A_9 = arith.constant 0 : index
    %get3A_10 = arith.constant 0 : index
    %get3A_11 = vector.load %arg2[%get3A_9, %get3A_10] : memref<32x32xf32, #tpu.memory_space<vmem>>, vector<32x32xf32>
    %dot_general3A = arith.constant dense<0.000000e+00> : vector<10000x32xf32>
    %dot_general3A_12 = tpu.matmul %add3A_8, %get3A_11, %dot_general3A {dimension_numbers = #tpu.dot_dimension_numbers<[1], [0], [0], [1], [0, 0, 1, 1], [], []>, transpose_lhs_hint = false} : vector<10000x32xf32>, vector<32x32xf32>, vector<10000x32xf32> -> vector<10000x32xf32>
    %get3A_13 = arith.constant 0 : index
    %get3A_14 = arith.constant 0 : index
    %get3A_15 = vector.load %arg3[%get3A_13, %get3A_14] : memref<1x32xf32, #tpu.memory_space<vmem>>, vector<1x32xf32>
    %add3A_16 = vector.broadcast %get3A_15 : vector<1x32xf32> to vector<10000x32xf32>
    %add3A_17 = arith.addf %dot_general3A_12, %add3A_16 : vector<10000x32xf32>
    %max3A = arith.constant 0.000000e+00 : f32
    %max3A_18 = vector.broadcast %max3A : f32 to vector<10000x32xf32>
    %max3A_19 = arith.maximumf %add3A_17, %max3A_18 : vector<10000x32xf32>
    %get3A_20 = arith.constant 0 : index
    %get3A_21 = arith.constant 0 : index
    %get3A_22 = vector.load %arg4[%get3A_20, %get3A_21] : memref<32x32xf32, #tpu.memory_space<vmem>>, vector<32x32xf32>
    %dot_general3A_23 = arith.constant dense<0.000000e+00> : vector<10000x32xf32>
    %dot_general3A_24 = tpu.matmul %max3A_19, %get3A_22, %dot_general3A_23 {dimension_numbers = #tpu.dot_dimension_numbers<[1], [0], [0], [1], [0, 0, 1, 1], [], []>, transpose_lhs_hint = false} : vector<10000x32xf32>, vector<32x32xf32>, vector<10000x32xf32> -> vector<10000x32xf32>
    %get3A_25 = arith.constant 0 : index
    %get3A_26 = arith.constant 0 : index
    %get3A_27 = vector.load %arg5[%get3A_25, %get3A_26] : memref<1x32xf32, #tpu.memory_space<vmem>>, vector<1x32xf32>
    %add3A_28 = vector.broadcast %get3A_27 : vector<1x32xf32> to vector<10000x32xf32>
    %add3A_29 = arith.addf %dot_general3A_24, %add3A_28 : vector<10000x32xf32>
    %max3A_30 = arith.constant 0.000000e+00 : f32
    %max3A_31 = vector.broadcast %max3A_30 : f32 to vector<10000x32xf32>
    %max3A_32 = arith.maximumf %add3A_29, %max3A_31 : vector<10000x32xf32>
    %reduce_sum3A = arith.constant dense<0.000000e+00> : vector<32xf32>
    %reduce_sum3A_33 = vector.multi_reduction <add>, %max3A_32, %reduce_sum3A [0] : vector<10000x32xf32> to vector<32xf32>
    %broadcast_in_dim3A = vector.shape_cast %reduce_sum3A_33 : vector<32xf32> to vector<1x32xf32>
    %div3A = arith.constant 1.000000e+04 : f32
    %div3A_34 = vector.broadcast %div3A : f32 to vector<1x32xf32>
    %div3A_35 = arith.divf %broadcast_in_dim3A, %div3A_34 : vector<1x32xf32>
    %sub3A = vector.broadcast %div3A_35 : vector<1x32xf32> to vector<10000x32xf32>
    %sub3A_36 = arith.subf %max3A_32, %sub3A : vector<10000x32xf32>
    %sub3A_37 = vector.broadcast %div3A_35 : vector<1x32xf32> to vector<10000x32xf32>
    %sub3A_38 = arith.subf %max3A_32, %sub3A_37 : vector<10000x32xf32>
    %mul3A = arith.mulf %sub3A_36, %sub3A_38 : vector<10000x32xf32>
    %reduce_sum3A_39 = arith.constant dense<0.000000e+00> : vector<32xf32>
    %reduce_sum3A_40 = vector.multi_reduction <add>, %mul3A, %reduce_sum3A_39 [0] : vector<10000x32xf32> to vector<32xf32>
    %broadcast_in_dim3A_41 = vector.shape_cast %reduce_sum3A_40 : vector<32xf32> to vector<1x32xf32>
    %div3A_42 = arith.constant 1.000000e+04 : f32
    %div3A_43 = vector.broadcast %div3A_42 : f32 to vector<1x32xf32>
    %div3A_44 = arith.divf %broadcast_in_dim3A_41, %div3A_43 : vector<1x32xf32>
    %sub3A_45 = vector.broadcast %div3A_35 : vector<1x32xf32> to vector<10000x32xf32>
    %sub3A_46 = arith.subf %max3A_32, %sub3A_45 : vector<10000x32xf32>
    %add3A_47 = arith.constant 9.99999974E-6 : f32
    %add3A_48 = vector.broadcast %add3A_47 : f32 to vector<1x32xf32>
    %add3A_49 = arith.addf %div3A_44, %add3A_48 : vector<1x32xf32>
    %sqrt3A = math.sqrt %add3A_49 : vector<1x32xf32>
    %div3A_50 = vector.broadcast %sqrt3A : vector<1x32xf32> to vector<10000x32xf32>
    %div3A_51 = arith.divf %sub3A_46, %div3A_50 : vector<10000x32xf32>
    %get3A_52 = arith.constant 0 : index
    %get3A_53 = arith.constant 0 : index
    %get3A_54 = vector.load %arg6[%get3A_52, %get3A_53] : memref<1x32xf32, #tpu.memory_space<vmem>>, vector<1x32xf32>
    %mul3A_55 = vector.broadcast %get3A_54 : vector<1x32xf32> to vector<10000x32xf32>
    %mul3A_56 = arith.mulf %div3A_51, %mul3A_55 : vector<10000x32xf32>
    %get3A_57 = arith.constant 0 : index
    %get3A_58 = arith.constant 0 : index
    %get3A_59 = vector.load %arg7[%get3A_57, %get3A_58] : memref<1x32xf32, #tpu.memory_space<vmem>>, vector<1x32xf32>
    %add3A_60 = vector.broadcast %get3A_59 : vector<1x32xf32> to vector<10000x32xf32>
    %add3A_61 = arith.addf %mul3A_56, %add3A_60 : vector<10000x32xf32>
    %swap3A = arith.constant 0 : index
    %swap3A_62 = arith.constant 0 : index
    %swap3A_63 = vector.load %arg8[%swap3A, %swap3A_62] : memref<10000x32xf32, #tpu.memory_space<vmem>>, vector<10000x32xf32>
    tpu.vector_store %arg8[%swap3A, %swap3A_62], %add3A_61 {strides = array<i32>} : memref<10000x32xf32, #tpu.memory_space<vmem>>, vector<10000x32xf32>,
    return
  }
}

module attributes {stable_mosaic.version = 14 : i64} {
  func.func @body(%arg0: i32, %arg1: memref<1x1x13132xf32, #tpu.memory_space<vmem>>, %arg2: memref<8x32xf32, #tpu.memory_space<vmem>>, %arg3: memref<1x32xf32, #tpu.memory_space<vmem>>, %arg4: memref<256x64xf32, #tpu.memory_space<vmem>>, %arg5: memref<1x64xf32, #tpu.memory_space<vmem>>, %arg6: memref<512x128xf32, #tpu.memory_space<vmem>>, %arg7: memref<1x128xf32, #tpu.memory_space<vmem>>, %arg8: memref<1x128x483xf32, #tpu.memory_space<vmem>>, %arg9: memref<13125x32xf32, #tpu.memory_space<vmem>>, %arg10: memref<4368x64xf32, #tpu.memory_space<vmem>>, %arg11: memref<1449x128xf32, #tpu.memory_space<vmem>>) attributes {dimension_semantics = [#tpu.dimension_semantics<arbitrary>], iteration_bounds = array<i64: 32>, scalar_prefetch = 0 : i64, scratch_operands = 3 : i64, tpu.core_type = #tpu.core_type<tc>, window_params = [{transform_indices = @transform_0, window_bounds = array<i64: 1, 1, 13132>}, {pipeline_mode = #tpu.pipeline_mode<synchronous>, transform_indices = @transform_1, window_bounds = array<i64: 8, 32>}, {pipeline_mode = #tpu.pipeline_mode<synchronous>, transform_indices = @transform_2, window_bounds = array<i64: 1, 32>}, {pipeline_mode = #tpu.pipeline_mode<synchronous>, transform_indices = @transform_3, window_bounds = array<i64: 256, 64>}, {pipeline_mode = #tpu.pipeline_mode<synchronous>, transform_indices = @transform_4, window_bounds = array<i64: 1, 64>}, {pipeline_mode = #tpu.pipeline_mode<synchronous>, transform_indices = @transform_5, window_bounds = array<i64: 512, 128>}, {pipeline_mode = #tpu.pipeline_mode<synchronous>, transform_indices = @transform_6, window_bounds = array<i64: 1, 128>}, {transform_indices = @transform_7, window_bounds = array<i64: 1, 128, 483>}]} {
    %get3A = arith.constant 0 : index
    %get3A_0 = arith.constant 0 : index
    %get3A_1 = arith.constant 0 : index
    %get3A_2 = vector.load %arg1[%get3A, %get3A_0, %get3A_1] : memref<1x1x13132xf32, #tpu.memory_space<vmem>>, vector<1x1x13132xf32>
    %get3A_3 = vector.shape_cast %get3A_2 : vector<1x1x13132xf32> to vector<1x13132xf32>
    %slice3A = vector.extract_strided_slice %get3A_3 {offsets = [0, 0], sizes = [1, 13125], strides = [1, 1]} : vector<1x13132xf32> to vector<1x13125xf32>
    %slice3A_4 = vector.extract_strided_slice %get3A_3 {offsets = [0, 1], sizes = [1, 13125], strides = [1, 1]} : vector<1x13132xf32> to vector<1x13125xf32>
    %slice3A_5 = vector.extract_strided_slice %get3A_3 {offsets = [0, 2], sizes = [1, 13125], strides = [1, 1]} : vector<1x13132xf32> to vector<1x13125xf32>
    %slice3A_6 = vector.extract_strided_slice %get3A_3 {offsets = [0, 3], sizes = [1, 13125], strides = [1, 1]} : vector<1x13132xf32> to vector<1x13125xf32>
    %slice3A_7 = vector.extract_strided_slice %get3A_3 {offsets = [0, 4], sizes = [1, 13125], strides = [1, 1]} : vector<1x13132xf32> to vector<1x13125xf32>
    %slice3A_8 = vector.extract_strided_slice %get3A_3 {offsets = [0, 5], sizes = [1, 13125], strides = [1, 1]} : vector<1x13132xf32> to vector<1x13125xf32>
    %slice3A_9 = vector.extract_strided_slice %get3A_3 {offsets = [0, 6], sizes = [1, 13125], strides = [1, 1]} : vector<1x13132xf32> to vector<1x13125xf32>
    %slice3A_10 = vector.extract_strided_slice %get3A_3 {offsets = [0, 7], sizes = [1, 13125], strides = [1, 1]} : vector<1x13132xf32> to vector<1x13125xf32>
    %concatenate3A = tpu.concatenate %slice3A, %slice3A_4, %slice3A_5, %slice3A_6, %slice3A_7, %slice3A_8, %slice3A_9, %slice3A_10 in 0 : vector<1x13125xf32>, vector<1x13125xf32>, vector<1x13125xf32>, vector<1x13125xf32>, vector<1x13125xf32>, vector<1x13125xf32>, vector<1x13125xf32>, vector<1x13125xf32> -> vector<8x13125xf32>
    %transpose3A = tpu.transpose %concatenate3A, [1, 0] : vector<8x13125xf32> -> vector<13125x8xf32>
    %get3A_11 = arith.constant 0 : index
    %get3A_12 = arith.constant 0 : index
    %get3A_13 = vector.load %arg2[%get3A_11, %get3A_12] : memref<8x32xf32, #tpu.memory_space<vmem>>, vector<8x32xf32>
    %dot_general3A = arith.constant dense<0.000000e+00> : vector<13125x32xf32>
    %dot_general3A_14 = tpu.matmul %transpose3A, %get3A_13, %dot_general3A {dimension_numbers = #tpu.dot_dimension_numbers<[1], [0], [0], [1], [0, 0, 1, 1], [], []>, transpose_lhs_hint = false} : vector<13125x8xf32>, vector<8x32xf32>, vector<13125x32xf32> -> vector<13125x32xf32>
    %get3A_15 = arith.constant 0 : index
    %get3A_16 = arith.constant 0 : index
    %get3A_17 = vector.load %arg3[%get3A_15, %get3A_16] : memref<1x32xf32, #tpu.memory_space<vmem>>, vector<1x32xf32>
    %add3A = vector.broadcast %get3A_17 : vector<1x32xf32> to vector<13125x32xf32>
    %add3A_18 = arith.addf %dot_general3A_14, %add3A : vector<13125x32xf32>
    %max3A = arith.constant 0.000000e+00 : f32
    %max3A_19 = vector.broadcast %max3A : f32 to vector<13125x32xf32>
    %max3A_20 = arith.maximumf %add3A_18, %max3A_19 : vector<13125x32xf32>
    %swap3A = arith.constant 0 : index
    %swap3A_21 = arith.constant 0 : index
    %swap3A_22 = vector.load %arg9[%swap3A, %swap3A_21] : memref<13125x32xf32, #tpu.memory_space<vmem>>, vector<13125x32xf32>
    tpu.vector_store %arg9[%swap3A, %swap3A_21], %max3A_20 {strides = array<i32>} : memref<13125x32xf32, #tpu.memory_space<vmem>>, vector<13125x32xf32>,
    %get3A_23 = arith.constant 0 : index
    %get3A_24 = arith.constant 0 : index
    %get3A_25 = tpu.strided_load %arg9[%get3A_23, %get3A_24] {strides = array<i32: 3, 1>} : memref<13125x32xf32, #tpu.memory_space<vmem>>, vector<4375x32xf32>
    %get3A_26 = arith.constant 1 : index
    %get3A_27 = arith.constant 0 : index
    %get3A_28 = tpu.strided_load %arg9[%get3A_26, %get3A_27] {strides = array<i32: 3, 1>} : memref<13125x32xf32, #tpu.memory_space<vmem>>, vector<4375x32xf32>
    %max3A_29 = arith.maximumf %get3A_25, %get3A_28 : vector<4375x32xf32>
    %get3A_30 = arith.constant 2 : index
    %get3A_31 = arith.constant 0 : index
    %get3A_32 = tpu.strided_load %arg9[%get3A_30, %get3A_31] {strides = array<i32: 3, 1>} : memref<13125x32xf32, #tpu.memory_space<vmem>>, vector<4375x32xf32>
    %max3A_33 = arith.maximumf %max3A_29, %get3A_32 : vector<4375x32xf32>
    %slice3A_34 = vector.extract_strided_slice %max3A_33 {offsets = [0, 0], sizes = [4368, 32], strides = [1, 1]} : vector<4375x32xf32> to vector<4368x32xf32>
    %slice3A_35 = vector.extract_strided_slice %max3A_33 {offsets = [1, 0], sizes = [4368, 32], strides = [1, 1]} : vector<4375x32xf32> to vector<4368x32xf32>
    %slice3A_36 = vector.extract_strided_slice %max3A_33 {offsets = [2, 0], sizes = [4368, 32], strides = [1, 1]} : vector<4375x32xf32> to vector<4368x32xf32>
    %slice3A_37 = vector.extract_strided_slice %max3A_33 {offsets = [3, 0], sizes = [4368, 32], strides = [1, 1]} : vector<4375x32xf32> to vector<4368x32xf32>
    %slice3A_38 = vector.extract_strided_slice %max3A_33 {offsets = [4, 0], sizes = [4368, 32], strides = [1, 1]} : vector<4375x32xf32> to vector<4368x32xf32>
    %slice3A_39 = vector.extract_strided_slice %max3A_33 {offsets = [5, 0], sizes = [4368, 32], strides = [1, 1]} : vector<4375x32xf32> to vector<4368x32xf32>
    %slice3A_40 = vector.extract_strided_slice %max3A_33 {offsets = [6, 0], sizes = [4368, 32], strides = [1, 1]} : vector<4375x32xf32> to vector<4368x32xf32>
    %slice3A_41 = vector.extract_strided_slice %max3A_33 {offsets = [7, 0], sizes = [4368, 32], strides = [1, 1]} : vector<4375x32xf32> to vector<4368x32xf32>
    %concatenate3A_42 = tpu.concatenate %slice3A_34, %slice3A_35, %slice3A_36, %slice3A_37, %slice3A_38, %slice3A_39, %slice3A_40, %slice3A_41 in 1 : vector<4368x32xf32>, vector<4368x32xf32>, vector<4368x32xf32>, vector<4368x32xf32>, vector<4368x32xf32>, vector<4368x32xf32>, vector<4368x32xf32>, vector<4368x32xf32> -> vector<4368x256xf32>
    %get3A_43 = arith.constant 0 : index
    %get3A_44 = arith.constant 0 : index
    %get3A_45 = vector.load %arg4[%get3A_43, %get3A_44] : memref<256x64xf32, #tpu.memory_space<vmem>>, vector<256x64xf32>
    %dot_general3A_46 = arith.constant dense<0.000000e+00> : vector<4368x64xf32>
    %dot_general3A_47 = tpu.matmul %concatenate3A_42, %get3A_45, %dot_general3A_46 {dimension_numbers = #tpu.dot_dimension_numbers<[1], [0], [0], [1], [0, 0, 1, 1], [], []>, transpose_lhs_hint = false} : vector<4368x256xf32>, vector<256x64xf32>, vector<4368x64xf32> -> vector<4368x64xf32>
    %get3A_48 = arith.constant 0 : index
    %get3A_49 = arith.constant 0 : index
    %get3A_50 = vector.load %arg5[%get3A_48, %get3A_49] : memref<1x64xf32, #tpu.memory_space<vmem>>, vector<1x64xf32>
    %add3A_51 = vector.broadcast %get3A_50 : vector<1x64xf32> to vector<4368x64xf32>
    %add3A_52 = arith.addf %dot_general3A_47, %add3A_51 : vector<4368x64xf32>
    %max3A_53 = arith.constant 0.000000e+00 : f32
    %max3A_54 = vector.broadcast %max3A_53 : f32 to vector<4368x64xf32>
    %max3A_55 = arith.maximumf %add3A_52, %max3A_54 : vector<4368x64xf32>
    %swap3A_56 = arith.constant 0 : index
    %swap3A_57 = arith.constant 0 : index
    %swap3A_58 = vector.load %arg10[%swap3A_56, %swap3A_57] : memref<4368x64xf32, #tpu.memory_space<vmem>>, vector<4368x64xf32>
    tpu.vector_store %arg10[%swap3A_56, %swap3A_57], %max3A_55 {strides = array<i32>} : memref<4368x64xf32, #tpu.memory_space<vmem>>, vector<4368x64xf32>,
    %get3A_59 = arith.constant 0 : index
    %get3A_60 = arith.constant 0 : index
    %get3A_61 = tpu.strided_load %arg10[%get3A_59, %get3A_60] {strides = array<i32: 3, 1>} : memref<4368x64xf32, #tpu.memory_space<vmem>>, vector<1456x64xf32>
    %get3A_62 = arith.constant 1 : index
    %get3A_63 = arith.constant 0 : index
    %get3A_64 = tpu.strided_load %arg10[%get3A_62, %get3A_63] {strides = array<i32: 3, 1>} : memref<4368x64xf32, #tpu.memory_space<vmem>>, vector<1456x64xf32>
    %max3A_65 = arith.maximumf %get3A_61, %get3A_64 : vector<1456x64xf32>
    %get3A_66 = arith.constant 2 : index
    %get3A_67 = arith.constant 0 : index
    %get3A_68 = tpu.strided_load %arg10[%get3A_66, %get3A_67] {strides = array<i32: 3, 1>} : memref<4368x64xf32, #tpu.memory_space<vmem>>, vector<1456x64xf32>
    %max3A_69 = arith.maximumf %max3A_65, %get3A_68 : vector<1456x64xf32>
    %slice3A_70 = vector.extract_strided_slice %max3A_69 {offsets = [0, 0], sizes = [1449, 64], strides = [1, 1]} : vector<1456x64xf32> to vector<1449x64xf32>
    %slice3A_71 = vector.extract_strided_slice %max3A_69 {offsets = [1, 0], sizes = [1449, 64], strides = [1, 1]} : vector<1456x64xf32> to vector<1449x64xf32>
    %slice3A_72 = vector.extract_strided_slice %max3A_69 {offsets = [2, 0], sizes = [1449, 64], strides = [1, 1]} : vector<1456x64xf32> to vector<1449x64xf32>
    %slice3A_73 = vector.extract_strided_slice %max3A_69 {offsets = [3, 0], sizes = [1449, 64], strides = [1, 1]} : vector<1456x64xf32> to vector<1449x64xf32>
    %slice3A_74 = vector.extract_strided_slice %max3A_69 {offsets = [4, 0], sizes = [1449, 64], strides = [1, 1]} : vector<1456x64xf32> to vector<1449x64xf32>
    %slice3A_75 = vector.extract_strided_slice %max3A_69 {offsets = [5, 0], sizes = [1449, 64], strides = [1, 1]} : vector<1456x64xf32> to vector<1449x64xf32>
    %slice3A_76 = vector.extract_strided_slice %max3A_69 {offsets = [6, 0], sizes = [1449, 64], strides = [1, 1]} : vector<1456x64xf32> to vector<1449x64xf32>
    %slice3A_77 = vector.extract_strided_slice %max3A_69 {offsets = [7, 0], sizes = [1449, 64], strides = [1, 1]} : vector<1456x64xf32> to vector<1449x64xf32>
    %concatenate3A_78 = tpu.concatenate %slice3A_70, %slice3A_71, %slice3A_72, %slice3A_73, %slice3A_74, %slice3A_75, %slice3A_76, %slice3A_77 in 1 : vector<1449x64xf32>, vector<1449x64xf32>, vector<1449x64xf32>, vector<1449x64xf32>, vector<1449x64xf32>, vector<1449x64xf32>, vector<1449x64xf32>, vector<1449x64xf32> -> vector<1449x512xf32>
    %get3A_79 = arith.constant 0 : index
    %get3A_80 = arith.constant 0 : index
    %get3A_81 = vector.load %arg6[%get3A_79, %get3A_80] : memref<512x128xf32, #tpu.memory_space<vmem>>, vector<512x128xf32>
    %dot_general3A_82 = arith.constant dense<0.000000e+00> : vector<1449x128xf32>
    %dot_general3A_83 = tpu.matmul %concatenate3A_78, %get3A_81, %dot_general3A_82 {dimension_numbers = #tpu.dot_dimension_numbers<[1], [0], [0], [1], [0, 0, 1, 1], [], []>, transpose_lhs_hint = false} : vector<1449x512xf32>, vector<512x128xf32>, vector<1449x128xf32> -> vector<1449x128xf32>
    %get3A_84 = arith.constant 0 : index
    %get3A_85 = arith.constant 0 : index
    %get3A_86 = vector.load %arg7[%get3A_84, %get3A_85] : memref<1x128xf32, #tpu.memory_space<vmem>>, vector<1x128xf32>
    %add3A_87 = vector.broadcast %get3A_86 : vector<1x128xf32> to vector<1449x128xf32>
    %add3A_88 = arith.addf %dot_general3A_83, %add3A_87 : vector<1449x128xf32>
    %max3A_89 = arith.constant 0.000000e+00 : f32
    %max3A_90 = vector.broadcast %max3A_89 : f32 to vector<1449x128xf32>
    %max3A_91 = arith.maximumf %add3A_88, %max3A_90 : vector<1449x128xf32>
    %swap3A_92 = arith.constant 0 : index
    %swap3A_93 = arith.constant 0 : index
    %swap3A_94 = vector.load %arg11[%swap3A_92, %swap3A_93] : memref<1449x128xf32, #tpu.memory_space<vmem>>, vector<1449x128xf32>
    tpu.vector_store %arg11[%swap3A_92, %swap3A_93], %max3A_91 {strides = array<i32>} : memref<1449x128xf32, #tpu.memory_space<vmem>>, vector<1449x128xf32>,
    %get3A_95 = arith.constant 0 : index
    %get3A_96 = arith.constant 0 : index
    %get3A_97 = tpu.strided_load %arg11[%get3A_95, %get3A_96] {strides = array<i32: 3, 1>} : memref<1449x128xf32, #tpu.memory_space<vmem>>, vector<483x128xf32>
    %get3A_98 = arith.constant 1 : index
    %get3A_99 = arith.constant 0 : index
    %get3A_100 = tpu.strided_load %arg11[%get3A_98, %get3A_99] {strides = array<i32: 3, 1>} : memref<1449x128xf32, #tpu.memory_space<vmem>>, vector<483x128xf32>
    %max3A_101 = arith.maximumf %get3A_97, %get3A_100 : vector<483x128xf32>
    %get3A_102 = arith.constant 2 : index
    %get3A_103 = arith.constant 0 : index
    %get3A_104 = tpu.strided_load %arg11[%get3A_102, %get3A_103] {strides = array<i32: 3, 1>} : memref<1449x128xf32, #tpu.memory_space<vmem>>, vector<483x128xf32>
    %max3A_105 = arith.maximumf %max3A_101, %get3A_104 : vector<483x128xf32>
    %transpose3A_106 = tpu.transpose %max3A_105, [1, 0] : vector<483x128xf32> -> vector<128x483xf32>
    %reshape3A = vector.shape_cast %transpose3A_106 : vector<128x483xf32> to vector<1x128x483xf32>
    %swap3A_107 = arith.constant 0 : index
    %swap3A_108 = arith.constant 0 : index
    %swap3A_109 = arith.constant 0 : index
    %swap3A_110 = vector.load %arg8[%swap3A_107, %swap3A_108, %swap3A_109] : memref<1x128x483xf32, #tpu.memory_space<vmem>>, vector<1x128x483xf32>
    tpu.vector_store %arg8[%swap3A_107, %swap3A_108, %swap3A_109], %reshape3A {strides = array<i32>} : memref<1x128x483xf32, #tpu.memory_space<vmem>>, vector<1x128x483xf32>,
    return
  }
  func.func @transform_0(%arg0: i32) -> (i32, i32, i32) {
    %c0_i32 = arith.constant 0 : i32
    %c0_i32_0 = arith.constant 0 : i32
    %c0_i32_1 = arith.constant 0 : i32
    return %arg0, %c0_i32, %c0_i32_0 : i32, i32, i32
  }
  func.func @transform_1(%arg0: i32) -> (i32, i32) {
    %c0_i32 = arith.constant 0 : i32
    %c0_i32_0 = arith.constant 0 : i32
    %c0_i32_1 = arith.constant 0 : i32
    return %c0_i32, %c0_i32_0 : i32, i32
  }
  func.func @transform_2(%arg0: i32) -> (i32, i32) {
    %c0_i32 = arith.constant 0 : i32
    %c0_i32_0 = arith.constant 0 : i32
    %c0_i32_1 = arith.constant 0 : i32
    return %c0_i32, %c0_i32_0 : i32, i32
  }
  func.func @transform_3(%arg0: i32) -> (i32, i32) {
    %c0_i32 = arith.constant 0 : i32
    %c0_i32_0 = arith.constant 0 : i32
    %c0_i32_1 = arith.constant 0 : i32
    return %c0_i32, %c0_i32_0 : i32, i32
  }
  func.func @transform_4(%arg0: i32) -> (i32, i32) {
    %c0_i32 = arith.constant 0 : i32
    %c0_i32_0 = arith.constant 0 : i32
    %c0_i32_1 = arith.constant 0 : i32
    return %c0_i32, %c0_i32_0 : i32, i32
  }
  func.func @transform_5(%arg0: i32) -> (i32, i32) {
    %c0_i32 = arith.constant 0 : i32
    %c0_i32_0 = arith.constant 0 : i32
    %c0_i32_1 = arith.constant 0 : i32
    return %c0_i32, %c0_i32_0 : i32, i32
  }
  func.func @transform_6(%arg0: i32) -> (i32, i32) {
    %c0_i32 = arith.constant 0 : i32
    %c0_i32_0 = arith.constant 0 : i32
    %c0_i32_1 = arith.constant 0 : i32
    return %c0_i32, %c0_i32_0 : i32, i32
  }
  func.func @transform_7(%arg0: i32) -> (i32, i32, i32) {
    %c0_i32 = arith.constant 0 : i32
    %c0_i32_0 = arith.constant 0 : i32
    %c0_i32_1 = arith.constant 0 : i32
    return %arg0, %c0_i32, %c0_i32_0 : i32, i32, i32
  }
}

module attributes {stable_mosaic.version = 14 : i64} {
  func.func @body(%arg0: i32, %arg1: memref<32x8832xf32, #tpu.memory_space<vmem>>, %arg2: memref<8832x128xf32, #tpu.memory_space<vmem>>, %arg3: memref<1x128xf32, #tpu.memory_space<vmem>>, %arg4: memref<32x128xf32, #tpu.memory_space<vmem>>) attributes {dimension_semantics = [#tpu.dimension_semantics<arbitrary>], iteration_bounds = array<i64: 7>, scalar_prefetch = 0 : i64, scratch_operands = 0 : i64, tpu.core_type = #tpu.core_type<tc>, window_params = [{transform_indices = @transform_0, window_bounds = array<i64: 32, 8832>}, {transform_indices = @transform_1, window_bounds = array<i64: 8832, 128>}, {pipeline_mode = #tpu.pipeline_mode<synchronous>, transform_indices = @transform_2, window_bounds = array<i64: 1, 128>}, {pipeline_mode = #tpu.pipeline_mode<synchronous>, transform_indices = @transform_3, window_bounds = array<i64: 32, 128>}]} {
    %eq3A = arith.constant 0 : i32
    %eq3A_0 = arith.cmpi eq, %arg0, %eq3A : i32
    %convert_element_type3A = arith.extui %eq3A_0 : i1 to i32
    %cond3A = arith.constant 0 : i32
    %cond3A_1 = arith.cmpi ne, %convert_element_type3A, %cond3A : i32
    scf.if %cond3A_1 {
      %get3A_13 = arith.constant 0 : index
      %get3A_14 = arith.constant 0 : index
      %get3A_15 = vector.load %arg3[%get3A_13, %get3A_14] : memref<1x128xf32, #tpu.memory_space<vmem>>, vector<1x128xf32>
      %broadcast_in_dim3A = vector.shape_cast %get3A_15 : vector<1x128xf32> to vector<1x128xf32>
      %broadcast_in_dim3A_16 = vector.broadcast %broadcast_in_dim3A : vector<1x128xf32> to vector<32x128xf32>
      %swap3A_17 = arith.constant 0 : index
      %swap3A_18 = arith.constant 0 : index
      %swap3A_19 = vector.load %arg4[%swap3A_17, %swap3A_18] : memref<32x128xf32, #tpu.memory_space<vmem>>, vector<32x128xf32>
      tpu.vector_store %arg4[%swap3A_17, %swap3A_18], %broadcast_in_dim3A_16 {strides = array<i32>} : memref<32x128xf32, #tpu.memory_space<vmem>>, vector<32x128xf32>,
    } else {
    }
    %get3A = arith.constant 0 : index
    %get3A_2 = arith.constant 0 : index
    %get3A_3 = vector.load %arg4[%get3A, %get3A_2] : memref<32x128xf32, #tpu.memory_space<vmem>>, vector<32x128xf32>
    %get3A_4 = arith.constant 0 : index
    %get3A_5 = arith.constant 0 : index
    %get3A_6 = vector.load %arg1[%get3A_4, %get3A_5] : memref<32x8832xf32, #tpu.memory_space<vmem>>, vector<32x8832xf32>
    %get3A_7 = arith.constant 0 : index
    %get3A_8 = arith.constant 0 : index
    %get3A_9 = vector.load %arg2[%get3A_7, %get3A_8] : memref<8832x128xf32, #tpu.memory_space<vmem>>, vector<8832x128xf32>
    %dot_general3A = arith.constant dense<0.000000e+00> : vector<32x128xf32>
    %dot_general3A_10 = tpu.matmul %get3A_6, %get3A_9, %dot_general3A {dimension_numbers = #tpu.dot_dimension_numbers<[1], [0], [0], [1], [0, 0, 1, 1], [], []>, transpose_lhs_hint = false} : vector<32x8832xf32>, vector<8832x128xf32>, vector<32x128xf32> -> vector<32x128xf32>
    %add3A = arith.addf %get3A_3, %dot_general3A_10 : vector<32x128xf32>
    %swap3A = arith.constant 0 : index
    %swap3A_11 = arith.constant 0 : index
    %swap3A_12 = vector.load %arg4[%swap3A, %swap3A_11] : memref<32x128xf32, #tpu.memory_space<vmem>>, vector<32x128xf32>
    tpu.vector_store %arg4[%swap3A, %swap3A_11], %add3A {strides = array<i32>} : memref<32x128xf32, #tpu.memory_space<vmem>>, vector<32x128xf32>,
    return
  }
  func.func @transform_0(%arg0: i32) -> (i32, i32) {
    %c0_i32 = arith.constant 0 : i32
    %c0_i32_0 = arith.constant 0 : i32
    return %c0_i32, %arg0 : i32, i32
  }
  func.func @transform_1(%arg0: i32) -> (i32, i32) {
    %c0_i32 = arith.constant 0 : i32
    %c0_i32_0 = arith.constant 0 : i32
    return %arg0, %c0_i32 : i32, i32
  }
  func.func @transform_2(%arg0: i32) -> (i32, i32) {
    %c0_i32 = arith.constant 0 : i32
    %c0_i32_0 = arith.constant 0 : i32
    %c0_i32_1 = arith.constant 0 : i32
    return %c0_i32, %c0_i32_0 : i32, i32
  }
  func.func @transform_3(%arg0: i32) -> (i32, i32) {
    %c0_i32 = arith.constant 0 : i32
    %c0_i32_0 = arith.constant 0 : i32
    %c0_i32_1 = arith.constant 0 : i32
    return %c0_i32, %c0_i32_0 : i32, i32
  }
}

module attributes {stable_mosaic.version = 14 : i64} {
  func.func @body(%arg0: memref<10000x32xf32, #tpu.memory_space<vmem>>, %arg1: memref<20480x32xf32, #tpu.memory_space<vmem>>, %arg2: memref<32x32xf32, #tpu.memory_space<vmem>>, %arg3: memref<1x32xf32, #tpu.memory_space<vmem>>, %arg4: memref<32x32xf32, #tpu.memory_space<vmem>>, %arg5: memref<1x32xf32, #tpu.memory_space<vmem>>, %arg6: memref<1x32xf32, #tpu.memory_space<vmem>>, %arg7: memref<1x32xf32, #tpu.memory_space<vmem>>, %arg8: memref<10000x1xi32, #tpu.memory_space<vmem>>, %arg9: memref<32x128xf32, #tpu.memory_space<vmem>>, %arg10: memref<1x128xf32, #tpu.memory_space<vmem>>, %arg11: memref<32x128xf32, #tpu.memory_space<vmem>>) attributes {dimension_semantics = [], scalar_prefetch = 0 : i64, scratch_operands = 0 : i64, tpu.core_type = #tpu.core_type<tc>} {
    %get3A = arith.constant 0 : index
    %get3A_0 = arith.constant 0 : index
    %get3A_1 = vector.load %arg0[%get3A, %get3A_0] : memref<10000x32xf32, #tpu.memory_space<vmem>>, vector<10000x32xf32>
    %get3A_2 = arith.constant 0 : index
    %get3A_3 = arith.constant 0 : index
    %get3A_4 = vector.load %arg1[%get3A_2, %get3A_3] : memref<20480x32xf32, #tpu.memory_space<vmem>>, vector<10000x32xf32>
    %add3A = arith.addf %get3A_1, %get3A_4 : vector<10000x32xf32>
    %get3A_5 = arith.constant 10240 : index
    %get3A_6 = arith.constant 0 : index
    %get3A_7 = vector.load %arg1[%get3A_5, %get3A_6] : memref<20480x32xf32, #tpu.memory_space<vmem>>, vector<10000x32xf32>
    %add3A_8 = arith.addf %add3A, %get3A_7 : vector<10000x32xf32>
    %get3A_9 = arith.constant 0 : index
    %get3A_10 = arith.constant 0 : index
    %get3A_11 = vector.load %arg2[%get3A_9, %get3A_10] : memref<32x32xf32, #tpu.memory_space<vmem>>, vector<32x32xf32>
    %dot_general3A = arith.constant dense<0.000000e+00> : vector<10000x32xf32>
    %dot_general3A_12 = tpu.matmul %add3A_8, %get3A_11, %dot_general3A {dimension_numbers = #tpu.dot_dimension_numbers<[1], [0], [0], [1], [0, 0, 1, 1], [], []>, transpose_lhs_hint = false} : vector<10000x32xf32>, vector<32x32xf32>, vector<10000x32xf32> -> vector<10000x32xf32>
    %get3A_13 = arith.constant 0 : index
    %get3A_14 = arith.constant 0 : index
    %get3A_15 = vector.load %arg3[%get3A_13, %get3A_14] : memref<1x32xf32, #tpu.memory_space<vmem>>, vector<1x32xf32>
    %add3A_16 = vector.broadcast %get3A_15 : vector<1x32xf32> to vector<10000x32xf32>
    %add3A_17 = arith.addf %dot_general3A_12, %add3A_16 : vector<10000x32xf32>
    %max3A = arith.constant 0.000000e+00 : f32
    %max3A_18 = vector.broadcast %max3A : f32 to vector<10000x32xf32>
    %max3A_19 = arith.maximumf %add3A_17, %max3A_18 : vector<10000x32xf32>
    %get3A_20 = arith.constant 0 : index
    %get3A_21 = arith.constant 0 : index
    %get3A_22 = vector.load %arg4[%get3A_20, %get3A_21] : memref<32x32xf32, #tpu.memory_space<vmem>>, vector<32x32xf32>
    %dot_general3A_23 = arith.constant dense<0.000000e+00> : vector<10000x32xf32>
    %dot_general3A_24 = tpu.matmul %max3A_19, %get3A_22, %dot_general3A_23 {dimension_numbers = #tpu.dot_dimension_numbers<[1], [0], [0], [1], [0, 0, 1, 1], [], []>, transpose_lhs_hint = false} : vector<10000x32xf32>, vector<32x32xf32>, vector<10000x32xf32> -> vector<10000x32xf32>
    %get3A_25 = arith.constant 0 : index
    %get3A_26 = arith.constant 0 : index
    %get3A_27 = vector.load %arg5[%get3A_25, %get3A_26] : memref<1x32xf32, #tpu.memory_space<vmem>>, vector<1x32xf32>
    %add3A_28 = vector.broadcast %get3A_27 : vector<1x32xf32> to vector<10000x32xf32>
    %add3A_29 = arith.addf %dot_general3A_24, %add3A_28 : vector<10000x32xf32>
    %max3A_30 = arith.constant 0.000000e+00 : f32
    %max3A_31 = vector.broadcast %max3A_30 : f32 to vector<10000x32xf32>
    %max3A_32 = arith.maximumf %add3A_29, %max3A_31 : vector<10000x32xf32>
    %reduce_sum3A = arith.constant dense<0.000000e+00> : vector<32xf32>
    %reduce_sum3A_33 = vector.multi_reduction <add>, %max3A_32, %reduce_sum3A [0] : vector<10000x32xf32> to vector<32xf32>
    %broadcast_in_dim3A = vector.shape_cast %reduce_sum3A_33 : vector<32xf32> to vector<1x32xf32>
    %div3A = arith.constant 1.000000e+04 : f32
    %div3A_34 = vector.broadcast %div3A : f32 to vector<1x32xf32>
    %div3A_35 = arith.divf %broadcast_in_dim3A, %div3A_34 : vector<1x32xf32>
    %sub3A = vector.broadcast %div3A_35 : vector<1x32xf32> to vector<10000x32xf32>
    %sub3A_36 = arith.subf %max3A_32, %sub3A : vector<10000x32xf32>
    %sub3A_37 = vector.broadcast %div3A_35 : vector<1x32xf32> to vector<10000x32xf32>
    %sub3A_38 = arith.subf %max3A_32, %sub3A_37 : vector<10000x32xf32>
    %mul3A = arith.mulf %sub3A_36, %sub3A_38 : vector<10000x32xf32>
    %reduce_sum3A_39 = arith.constant dense<0.000000e+00> : vector<32xf32>
    %reduce_sum3A_40 = vector.multi_reduction <add>, %mul3A, %reduce_sum3A_39 [0] : vector<10000x32xf32> to vector<32xf32>
    %broadcast_in_dim3A_41 = vector.shape_cast %reduce_sum3A_40 : vector<32xf32> to vector<1x32xf32>
    %div3A_42 = arith.constant 1.000000e+04 : f32
    %div3A_43 = vector.broadcast %div3A_42 : f32 to vector<1x32xf32>
    %div3A_44 = arith.divf %broadcast_in_dim3A_41, %div3A_43 : vector<1x32xf32>
    %sub3A_45 = vector.broadcast %div3A_35 : vector<1x32xf32> to vector<10000x32xf32>
    %sub3A_46 = arith.subf %max3A_32, %sub3A_45 : vector<10000x32xf32>
    %add3A_47 = arith.constant 9.99999974E-6 : f32
    %add3A_48 = vector.broadcast %add3A_47 : f32 to vector<1x32xf32>
    %add3A_49 = arith.addf %div3A_44, %add3A_48 : vector<1x32xf32>
    %sqrt3A = math.sqrt %add3A_49 : vector<1x32xf32>
    %div3A_50 = vector.broadcast %sqrt3A : vector<1x32xf32> to vector<10000x32xf32>
    %div3A_51 = arith.divf %sub3A_46, %div3A_50 : vector<10000x32xf32>
    %get3A_52 = arith.constant 0 : index
    %get3A_53 = arith.constant 0 : index
    %get3A_54 = vector.load %arg6[%get3A_52, %get3A_53] : memref<1x32xf32, #tpu.memory_space<vmem>>, vector<1x32xf32>
    %mul3A_55 = vector.broadcast %get3A_54 : vector<1x32xf32> to vector<10000x32xf32>
    %mul3A_56 = arith.mulf %div3A_51, %mul3A_55 : vector<10000x32xf32>
    %get3A_57 = arith.constant 0 : index
    %get3A_58 = arith.constant 0 : index
    %get3A_59 = vector.load %arg7[%get3A_57, %get3A_58] : memref<1x32xf32, #tpu.memory_space<vmem>>, vector<1x32xf32>
    %add3A_60 = vector.broadcast %get3A_59 : vector<1x32xf32> to vector<10000x32xf32>
    %add3A_61 = arith.addf %mul3A_56, %add3A_60 : vector<10000x32xf32>
    %iota3A = tpu.iota {dimensions = array<i32: 1>} : vector<10000x32xi32>
    %get3A_62 = arith.constant 0 : index
    %get3A_63 = arith.constant 0 : index
    %get3A_64 = vector.load %arg8[%get3A_62, %get3A_63] : memref<10000x1xi32, #tpu.memory_space<vmem>>, vector<10000x1xi32>
    %eq3A = vector.broadcast %get3A_64 : vector<10000x1xi32> to vector<10000x32xi32>
    %eq3A_65 = arith.cmpi eq, %eq3A, %iota3A : vector<10000x32xi32>
    %convert_element_type3A = arith.extui %eq3A_65 : vector<10000x32xi1> to vector<10000x32xi32>
    %convert_element_type3A_66 = arith.sitofp %convert_element_type3A : vector<10000x32xi32> to vector<10000x32xf32>
    %dot_general3A_67 = arith.constant dense<0.000000e+00> : vector<32x32xf32>
    %dot_general3A_68 = tpu.matmul %convert_element_type3A_66, %add3A_61, %dot_general3A_67 {dimension_numbers = #tpu.dot_dimension_numbers<[0], [0], [1], [1], [0, 1, 1, 1], [], []>, precision = #tpu.contract_precision<fp32>, transpose_lhs_hint = false} : vector<10000x32xf32>, vector<10000x32xf32>, vector<32x32xf32> -> vector<32x32xf32>
    %get3A_69 = arith.constant 0 : index
    %get3A_70 = arith.constant 0 : index
    %get3A_71 = vector.load %arg9[%get3A_69, %get3A_70] : memref<32x128xf32, #tpu.memory_space<vmem>>, vector<32x128xf32>
    %dot_general3A_72 = arith.constant dense<0.000000e+00> : vector<32x128xf32>
    %dot_general3A_73 = tpu.matmul %dot_general3A_68, %get3A_71, %dot_general3A_72 {dimension_numbers = #tpu.dot_dimension_numbers<[1], [0], [0], [1], [0, 0, 1, 1], [], []>, transpose_lhs_hint = false} : vector<32x32xf32>, vector<32x128xf32>, vector<32x128xf32> -> vector<32x128xf32>
    %get3A_74 = arith.constant 0 : index
    %get3A_75 = arith.constant 0 : index
    %get3A_76 = vector.load %arg10[%get3A_74, %get3A_75] : memref<1x128xf32, #tpu.memory_space<vmem>>, vector<1x128xf32>
    %add3A_77 = vector.broadcast %get3A_76 : vector<1x128xf32> to vector<32x128xf32>
    %add3A_78 = arith.addf %dot_general3A_73, %add3A_77 : vector<32x128xf32>
    %max3A_79 = arith.constant 0.000000e+00 : f32
    %max3A_80 = vector.broadcast %max3A_79 : f32 to vector<32x128xf32>
    %max3A_81 = arith.maximumf %add3A_78, %max3A_80 : vector<32x128xf32>
    %swap3A = arith.constant 0 : index
    %swap3A_82 = arith.constant 0 : index
    %swap3A_83 = vector.load %arg11[%swap3A, %swap3A_82] : memref<32x128xf32, #tpu.memory_space<vmem>>, vector<32x128xf32>
    tpu.vector_store %arg11[%swap3A, %swap3A_82], %max3A_81 {strides = array<i32>} : memref<32x128xf32, #tpu.memory_space<vmem>>, vector<32x128xf32>,
    return
  }
}

module attributes {stable_mosaic.version = 14 : i64} {
  func.func @body(%arg0: memref<32x128xf32, #tpu.memory_space<vmem>>, %arg1: memref<32x128xf32, #tpu.memory_space<vmem>>, %arg2: memref<256x1024xf32, #tpu.memory_space<vmem>>, %arg3: memref<1x1024xf32, #tpu.memory_space<vmem>>, %arg4: memref<1024x128xf32, #tpu.memory_space<vmem>>, %arg5: memref<1x128xf32, #tpu.memory_space<vmem>>, %arg6: memref<128x1xf32, #tpu.memory_space<vmem>>, %arg7: memref<1x1xf32, #tpu.memory_space<vmem>>, %arg8: memref<32x1xf32, #tpu.memory_space<vmem>>) attributes {dimension_semantics = [], scalar_prefetch = 0 : i64, scratch_operands = 0 : i64, tpu.core_type = #tpu.core_type<tc>} {
    %get3A = arith.constant 0 : index
    %get3A_0 = arith.constant 0 : index
    %get3A_1 = vector.load %arg0[%get3A, %get3A_0] : memref<32x128xf32, #tpu.memory_space<vmem>>, vector<32x128xf32>
    %get3A_2 = arith.constant 0 : index
    %get3A_3 = arith.constant 0 : index
    %get3A_4 = vector.load %arg1[%get3A_2, %get3A_3] : memref<32x128xf32, #tpu.memory_space<vmem>>, vector<32x128xf32>
    %concatenate3A = tpu.concatenate %get3A_1, %get3A_4 in 1 : vector<32x128xf32>, vector<32x128xf32> -> vector<32x256xf32>
    %get3A_5 = arith.constant 0 : index
    %get3A_6 = arith.constant 0 : index
    %get3A_7 = vector.load %arg2[%get3A_5, %get3A_6] : memref<256x1024xf32, #tpu.memory_space<vmem>>, vector<256x1024xf32>
    %dot_general3A = arith.constant dense<0.000000e+00> : vector<32x1024xf32>
    %dot_general3A_8 = tpu.matmul %concatenate3A, %get3A_7, %dot_general3A {dimension_numbers = #tpu.dot_dimension_numbers<[1], [0], [0], [1], [0, 0, 1, 1], [], []>, transpose_lhs_hint = false} : vector<32x256xf32>, vector<256x1024xf32>, vector<32x1024xf32> -> vector<32x1024xf32>
    %get3A_9 = arith.constant 0 : index
    %get3A_10 = arith.constant 0 : index
    %get3A_11 = vector.load %arg3[%get3A_9, %get3A_10] : memref<1x1024xf32, #tpu.memory_space<vmem>>, vector<1x1024xf32>
    %add3A = vector.broadcast %get3A_11 : vector<1x1024xf32> to vector<32x1024xf32>
    %add3A_12 = arith.addf %dot_general3A_8, %add3A : vector<32x1024xf32>
    %max3A = arith.constant 0.000000e+00 : f32
    %max3A_13 = vector.broadcast %max3A : f32 to vector<32x1024xf32>
    %max3A_14 = arith.maximumf %add3A_12, %max3A_13 : vector<32x1024xf32>
    %get3A_15 = arith.constant 0 : index
    %get3A_16 = arith.constant 0 : index
    %get3A_17 = vector.load %arg4[%get3A_15, %get3A_16] : memref<1024x128xf32, #tpu.memory_space<vmem>>, vector<1024x128xf32>
    %dot_general3A_18 = arith.constant dense<0.000000e+00> : vector<32x128xf32>
    %dot_general3A_19 = tpu.matmul %max3A_14, %get3A_17, %dot_general3A_18 {dimension_numbers = #tpu.dot_dimension_numbers<[1], [0], [0], [1], [0, 0, 1, 1], [], []>, transpose_lhs_hint = false} : vector<32x1024xf32>, vector<1024x128xf32>, vector<32x128xf32> -> vector<32x128xf32>
    %get3A_20 = arith.constant 0 : index
    %get3A_21 = arith.constant 0 : index
    %get3A_22 = vector.load %arg5[%get3A_20, %get3A_21] : memref<1x128xf32, #tpu.memory_space<vmem>>, vector<1x128xf32>
    %add3A_23 = vector.broadcast %get3A_22 : vector<1x128xf32> to vector<32x128xf32>
    %add3A_24 = arith.addf %dot_general3A_19, %add3A_23 : vector<32x128xf32>
    %max3A_25 = arith.constant 0.000000e+00 : f32
    %max3A_26 = vector.broadcast %max3A_25 : f32 to vector<32x128xf32>
    %max3A_27 = arith.maximumf %add3A_24, %max3A_26 : vector<32x128xf32>
    %get3A_28 = arith.constant 0 : index
    %get3A_29 = arith.constant 0 : index
    %get3A_30 = vector.load %arg6[%get3A_28, %get3A_29] : memref<128x1xf32, #tpu.memory_space<vmem>>, vector<128x1xf32>
    %dot_general3A_31 = arith.constant dense<0.000000e+00> : vector<32x1xf32>
    %dot_general3A_32 = tpu.matmul %max3A_27, %get3A_30, %dot_general3A_31 {dimension_numbers = #tpu.dot_dimension_numbers<[1], [0], [0], [1], [0, 0, 1, 1], [], []>, transpose_lhs_hint = false} : vector<32x128xf32>, vector<128x1xf32>, vector<32x1xf32> -> vector<32x1xf32>
    %get3A_33 = arith.constant 0 : index
    %get3A_34 = arith.constant 0 : index
    %get3A_35 = vector.load %arg7[%get3A_33, %get3A_34] : memref<1x1xf32, #tpu.memory_space<vmem>>, vector<1x1xf32>
    %add3A_36 = vector.broadcast %get3A_35 : vector<1x1xf32> to vector<32x1xf32>
    %add3A_37 = arith.addf %dot_general3A_32, %add3A_36 : vector<32x1xf32>
    %logistic3A = arith.negf %add3A_37 : vector<32x1xf32>
    %logistic3A_38 = math.exp %logistic3A : vector<32x1xf32>
    %logistic3A_39 = arith.constant 1.000000e+00 : f32
    %logistic3A_40 = vector.broadcast %logistic3A_39 : f32 to vector<32x1xf32>
    %logistic3A_41 = arith.addf %logistic3A_40, %logistic3A_38 : vector<32x1xf32>
    %logistic3A_42 = arith.divf %logistic3A_40, %logistic3A_41 : vector<32x1xf32>
    %swap3A = arith.constant 0 : index
    %swap3A_43 = arith.constant 0 : index
    %swap3A_44 = vector.load %arg8[%swap3A, %swap3A_43] : memref<32x1xf32, #tpu.memory_space<vmem>>, vector<32x1xf32>
    tpu.vector_store %arg8[%swap3A, %swap3A_43], %logistic3A_42 {strides = array<i32>} : memref<32x1xf32, #tpu.memory_space<vmem>>, vector<32x1xf32>,
    return
  }
}

</mosaic_0001>

<sc_bundles>
// kernel: kernel.15.cloned.1.call-start
scs
__scs_entry_jumppad:
0x0: {  	(pc) =	sbr.rel $0x88, $3  }
0x1: {  	(tag) =	ssettag $0x0;
	lr =	simm.s32 $0x1  }
0x2: {  	[smem:$0x3F6F] =	sst lr;
	_ =	strace $0xD0000000  }
0x3: {  	_ = 	snop  }
0x4: {  	_ = 	snop  }
0x5: {  	_ = 	snop  }
0x6: {  	_ = 	snop  }
0x7: {  	_ = 	snop  }
__scs_overlays_trampoline_lowered:
0x8: {  	[smem:$0x3F7E] =	sst s0  }
0x9: {  	[smem:$0x3F7F] =	sst s1  }
0xa: {  	[smem:$0x3F80] =	sst s2  }
0xb: {  	[smem:$0x3F81] =	sst s3  }
0xc: {  	[smem:$0x3F82] =	sst s4  }
0xd: {  	[smem:$0x3F83] =	sst s5  }
0xe: {  	[smem:$0x3F84] =	sst s6  }
0xf: {  	[smem:$0x3F85] =	sst s7  }
0x10: {  	[smem:$0x3F86] =	sst s8  }
0x11: {  	[smem:$0x3F87] =	sst s9;
	s0 =	simm.s32 @!p0 $0x0  }
0x12: {  	s1 =	sld [smem:$0x3F6D];
	s0 =	simm.s32 @p0 $0x1  }
0x13: {  	[smem:$0x3F88] =	sst s0;
	s0 =	simm.s32 @!p1 $0x0  }
0x14: {  	s2 =	sld [smem:$0x3F6C];
	s0 =	simm.s32 @p1 $0x1  }
0x15: {  	[smem:$0x3F89] =	sst s0;
	s0 =	simm.s32 @!p2 $0x0  }
0x16: {  	s3 =	sld [smem:$0x3FDB];
	s0 =	simm.s32 @p2 $0x1  }
0x17: {  	s4 =	simm.s32 $0x1BF5;
	[smem:$0x3F8B] =	sst s0  }
0x18: {  	s0 =	sld [smem:$0x3F6E];
	_ =	swait.ge [sflag:s4], $0x0  }
0x19: {  	s7 =	sld [smem:$0x3F6F]  }
0x1a: {  	s8 =	sadd.s32 $0xFFFFE003, lr  }
0x1b: {  	s9 =	sadd.s32 $0xFFFFFEF7, lr;
	s5 =	simm.s32 $0xFFFFFFFF;
	p2 =	slt.u32 s8, $0xFFFFF086  }
0x1c: {  	p1 =	slt.u32 s9, $0xF7A;
	s5 =	simm.s32 @!p2 $0x0  }
0x1d: {  	s5 =	simm.s32 @p1 $0x1;
	p0 =	seq.s32 s7, s2  }
0x1e: {  	s7 =	smul.u32 @!p0 $0xF7A, s2;
	p2 =	seq.s32 @!p0 s5, $0x0  }
0x1f: {  	s9 =	smul.u32 $0xF7A, s1;
	s8 =	simm.s32 @!p0 $0x1BF5;
	p2 =	por !p2, p0  }
0x20: {  	[sflag:s8] =	ssyncset.s32 @!p0 $0xFFFFF086;
	s6 =	sadd.s32 @!p0 s3, s7;
	s7 =	simm.s32 @!p0 $0x108  }
0x21: {  	s3 =	sadd.s32 s3, s9;
	s6 =	sadd.s32 @!p0 $0x88, s6;
	s7 =	simm.s32 @p2 $0x1082  }
0x22: {  	[simem:s7], [sflag:s8] =	dma.local @!p0 [hbm:s6], $0xF7A  }
0x23: {  	s9 =	sor.u32 $0xD0000000, s2;
	s6 =	simm.s32 $0x108;
	_ =	swait.ge @!p0 [sflag:s8], $0x0  }
0x24: {  	s3 =	sadd.s32 $0x88, s3;
	s6 =	simm.s32 @!p1 $0x1082;
	[sflag:s4] =	ssyncset.s32 $0xFFFFF086  }
0x25: {  	[simem:s6], [sflag:s4] =	dma.local [hbm:s3], $0xF7A  }
0x26: {  	[smem:$0x3F6F] =	sst s1;
	(tag) =	ssettag s2;
	_ =	strace s9  }
0x27: {  	s1 =	sld [smem:$0x3F7F]  }
0x28: {  	s2 =	sld [smem:$0x3F80]  }
0x29: {  	s4 =	sld [smem:$0x3F82]  }
0x2a: {  	p0 =	seq.s32 s5, $0x0;
	s5 =	sld [smem:$0x3F83]  }
0x2b: {  	s6 =	sld [smem:$0x3F84]  }
0x2c: {  	s7 =	sld [smem:$0x3F85]  }
0x2d: {  	s3 =	simm.s32 $0x108;
	s8 =	sld [smem:$0x3F86]  }
0x2e: {  	s3 =	simm.s32 @!p0 $0x1082;
	s9 =	sld [smem:$0x3F87]  }
0x2f: {  	lr =	sadd.s32 s0, s3;
	s0 =	sld [smem:$0x3F7E]  }
0x30: {  	s3 =	sld [smem:$0x3F81]  }
0x31: {  	[smem:$0x3F8A] =	sst s10  }
0x32: {  	s10 =	sld [smem:$0x3F88];
	_ =	sdelay $0x3  }
0x33: {  	p0 =	seq.s32 s10, $0x1;
	s10 =	sld [smem:$0x3F8A];
	_ =	sdelay $0x3  }
0x34: {  	[smem:$0x3F8A] =	sst s10  }
0x35: {  	s10 =	sld [smem:$0x3F89];
	_ =	sdelay $0x3  }
0x36: {  	p1 =	seq.s32 s10, $0x1;
	s10 =	sld [smem:$0x3F8A];
	_ =	sdelay $0x3  }
0x37: {  	[smem:$0x3F8A] =	sst s10  }
0x38: {  	s10 =	sld [smem:$0x3F8B]  }
0x39: {  	_ = 	snop;
	(pc) =	sbr.ind lr, $3  }
0x3a: {  	_ = 	snop  }
0x3b: {  	_ = 	snop  }
0x3c: {  	p2 =	seq.s32 s10, $0x1;
	s10 =	sld [smem:$0x3F8A]  }
0x3d: {  	_ =	shalt  }
0x3e: {  	_ =	shalt  }
0x3f: {  	_ =	shalt  }
0x40: {  	_ =	shalt  }
0x41: {  	_ =	shalt  }
0x42: {  	_ =	shalt  }
0x43: {  	_ =	shalt  }
0x44: {  	_ =	shalt  }
0x45: {  	_ =	shalt  }
0x46: {  	_ =	shalt  }
0x47: {  	_ =	shalt  }
0x48: {  	_ =	shalt  }
0x49: {  	_ =	shalt  }
0x4a: {  	_ =	shalt  }
0x4b: {  	_ =	shalt  }
0x4c: {  	_ =	shalt  }
0x4d: {  	_ =	shalt  }
0x4e: {  	_ =	shalt  }
0x4f: {  	_ =	shalt  }
0x50: {  	_ =	shalt  }
0x51: {  	_ =	shalt  }
0x52: {  	_ =	shalt  }
0x53: {  	_ =	shalt  }
0x54: {  	_ =	shalt  }
0x55: {  	_ =	shalt  }
0x56: {  	_ =	shalt  }
0x57: {  	_ =	shalt  }
0x58: {  	_ =	shalt  }
0x59: {  	_ =	shalt  }
0x5a: {  	_ =	shalt  }
0x5b: {  	_ =	shalt  }
0x5c: {  	_ =	shalt  }
0x5d: {  	_ =	shalt  }
0x5e: {  	_ =	shalt  }
0x5f: {  	_ =	shalt  }
0x60: {  	_ =	shalt  }
0x61: {  	_ =	shalt  }
0x62: {  	_ =	shalt  }
0x63: {  	_ =	shalt  }
0x64: {  	_ =	shalt  }
0x65: {  	_ =	shalt  }
0x66: {  	_ =	shalt  }
0x67: {  	_ =	shalt  }
0x68: {  	_ =	shalt  }
0x69: {  	_ =	shalt  }
0x6a: {  	_ =	shalt  }
0x6b: {  	_ =	shalt  }
0x6c: {  	_ =	shalt  }
0x6d: {  	_ =	shalt  }
0x6e: {  	_ =	shalt  }
0x6f: {  	_ =	shalt  }
0x70: {  	_ =	shalt  }
0x71: {  	_ =	shalt  }
0x72: {  	_ =	shalt  }
0x73: {  	_ =	shalt  }
0x74: {  	_ =	shalt  }
0x75: {  	_ =	shalt  }
0x76: {  	_ =	shalt  }
0x77: {  	_ =	shalt  }
0x78: {  	_ =	shalt  }
0x79: {  	_ =	shalt  }
0x7a: {  	_ =	shalt  }
0x7b: {  	_ =	shalt  }
0x7c: {  	_ =	shalt  }
0x7d: {  	_ =	shalt  }
0x7e: {  	_ =	shalt  }
0x7f: {  	_ =	shalt  }
0x80: {  	_ =	shalt  }
0x81: {  	_ =	shalt  }
0x82: {  	_ =	shalt  }
0x83: {  	_ =	shalt  }
0x84: {  	_ =	shalt  }
0x85: {  	_ =	shalt  }
0x86: {  	_ =	shalt  }
0x87: {  	_ =	shalt  }
.Lfunc_end0:
.L_simem_size_0:
called_computation_lowered:
.L_overlay_start_0:
0x88: {  	s2 =	sld [smem:$0x3FD9]  }
0x89: {  	s3 =	sld [smem:$0x3FFE];
	_ =	sdelay $0x1  }
0x8a: {  	s1 =	srdreg.scid  }
0x8b: {  	s0 =	sand.u32 $0x1, s1  }
0x8c: {  	s16 =	sshll.u32 s0, $0xA;
	s2 =	sadd.s32 s3, s2  }
0x8d: {  	s2 =	sadd.s32 s2, s16  }
0x8e: {  	[smem:$0x3F96] =	sst s2  }
0x8f: {  	_ = 	snop  }
0x90: {  	(tm) =	ssettm $0x1  }
0x91: {  	s17 =	sld [smem:$0x3FFB];
	_ =	sdelay $0x3  }
0x92: {  	_ =	strace s17  }
0x93: {  	s2 =	sld [smem:$0x3FFC];
	_ =	sdelay $0x3  }
0x94: {  	_ =	strace s2  }
0x95: {  	s2 =	sld [smem:$0x3FFD];
	_ =	sdelay $0x3  }
0x96: {  	_ =	strace s2  }
0x97: {  	_ =	strace $0x8FFFFFFF  }
0x98: {  	s18 =	sld [smem:$0x3FDB];
	_ =	sdelay $0x1  }
0x99: {  	s19 =	simm.s32 $_scs_section_size  }
0x9a: {  	s4 =	simm.s32 $_size__tile_overlayer_lowered;
	s5 =	simm.s32 $_tile_overlayer_lowered  }
0x9b: {  	s22 =	simm.s32 $0x1BFF;
	s21 =	sshll.u32 s5, $0x1;
	s2 =	sadd.s32 s19, s18  }
0x9c: {  	s6 =	simm.s32 $0x0;
	s20 =	sshll.u32 s4, $0x1;
	s4 =	sadd.s32 s21, s2  }
0x9d: {  	[timem:s6], [sflag:s22] =	dma.local [hbm:s4], s20  }
0x9e: {  	_ =	swait.ge [sflag:s22], s20  }
0x9f: {  	s3 =	ssub.s32 $0x0, s20;
	[sflag:s22] =	ssyncset.done $0x0  }
0xa0: {  	[sflag:s22] =	ssyncadd.s32 s3;
	_ =	sdelay $0x1  }
0xa1: {  	s23 =	simm.s32 $0x1B8B  }
0xa2: {  	_ =	swait.ge [sflag:s23], $0x1  }
0xa3: {  	[sflag:s23] =	ssyncset.done $0x0  }
0xa4: {  	s25 =	simm.s32 $0x1B8E;
	s24 =	sld [smem:$0x3FFE];
	[sflag:s23] =	ssyncadd.s32 $0xFFFFFFFF  }
0xa5: {  	s26 =	simm.s32 $execute0_lowered;
	[smem:$0x3FD2] =	sst s25  }
0xa6: {  	s4 =	sshll.u32 s26, $0x1;
	_ =	strace $0x80000046;
	[dreg:$0x1] =	wrdreg $0xFFFFFFFF  }
0xa7: {  	s28 =	simm.s32 $_size_execute0_lowered;
	s2 =	sadd.s32 s2, s4;
	[dreg:$0x0] =	wrdreg $0x0  }
0xa8: {  	s4 =	sshll.u32 s28, $0x1;
	[dreg:$0x2] =	wrdreg s2  }
0xa9: {  	[dreg:$0x3] =	wrdreg s4  }
0xaa: {  	[dreg:$0x4] =	wrdreg $0xC0  }
0xab: {  	_ =	task [dreg:s6], $0x5FFFF  }
0xac: {  	[dreg:$0x1] =	wrdreg $0xFFFFFFFF  }
0xad: {  	[dreg:$0x0] =	wrdreg $0x60  }
0xae: {  	[dreg:$0x2] =	wrdreg s24  }
0xaf: {  	[dreg:$0x3] =	wrdreg $0x0  }
0xb0: {  	[dreg:$0x4] =	wrdreg $0x9  }
0xb1: {  	_ =	task.clear_ibuf [dreg:s6], $0x5FFFF;
	_ =	strace $0x90000046  }
0xb2: {  	s29 =	simm.s32 $0x9;
	_ =	strace $0x80000048  }
0xb3: {  	_ =	swait.ge [sflag:s29], $0x1  }
0xb4: {  	[sflag:s29] =	ssyncadd.s32 $0xFFFFFFFF  }
0xb5: {  	_ =	strace $0x90000048  }
0xb6: {  	_ =	sfence  }
0xb7: {  	s30 =	sld [smem:$0x0];
	_ =	sdelay $0x2  }
0xb8: {  	s31 =	sshll.u32 s1, $0xD;
	s1 =	sshrl.u32 s1, $0x2  }
0xb9: {  	s3 =	sand.u32 $0x4000, s31;
	s1 =	sadd.s32 s1, s30  }
0xba: {  	s0 =	sor.u32 s3, s0;
	s1 =	sshll.u32 s1, $0x11  }
0xbb: {  	s0 =	sor.u32 s1, s0  }
0xbc: {  	s0 =	sadd.s32 $0x8F2B, s0  }
0xbd: {  	[sflag:s0] =	ssyncadd.remote.s32 $0x1  }
0xbe: {  	_ =	sfence.sel $0xFFFF  }
0xbf: {  	[dreg:$0x0] =	wrdreg $0xFFFFFFFF;
	(pc) =	sbr.abs _section_cstart, $3  }
0xc0: {  	[dreg:$0x1] =	wrdreg $0xFFFFFFFF  }
0xc1: {  	_ =	task.clear_ibuf [dreg:s6], $0x2FFFF;
	_ =	strace $0x9FFFFFFF  }
0xc2: {  	(tm) =	ssettm $0x7FFFFFFF  }
0xc3: {  	_ =	shalt  }
tec
execute0_lowered:
.L_overlay_start_1:
0x0: {  	(tag) =	ssettag $0x1  }
0x1: {  	s5 =	rddreg [dreg:$0x0]  }
0x2: {  	s1 =	rddreg [dreg:$0x1];
	s3 =	simm.s32 $0x0  }
0x3: {  	s2 =	stileid.u32;
	s7 =	srdreg.scid;
	s15 =	simm.s32 $0x1B280  }
0x4: {  	s16 =	simm.s32 $0x1B2D0;
	s17 =	simm.s32 $0x28;
	s18 =	simm.s32 $0x1B320  }
0x5: {  	s19 =	simm.s32 $0x1B2A8;
	s20 =	simm.s32 $0x1B2F8;
	s21 =	simm.s32 $0x1CEA0  }
0x6: {  	s22 =	simm.s32 $0x1;
	s23 =	simm.s32 $0x2;
	s24 =	simm.s32 $0x3  }
0x7: {  	s25 =	simm.s32 $0x4;
	[smem:$0x7FF] =	sst s3;
	s6 =	smul.u32 $0x1B280, s2  }
0x8: {  	s4 =	sadd.s32 $0xF1800, s5;
	s12 =	sadd.s32 $0xC200, s5;
	s8 =	smul.u32 $0x3650, s2  }
0x9: {  	s7 =	sand.u32 $0x1, s7;
	s11 =	sadd.s32 $0x16200, s5;
	s14 =	smul.u32 $0x2800, s2  }
0xa: {  	s29 =	sshll.u32 s2, $0x6;
	_ =	strace $0x80000047;
	s10 =	smul.u32 $0x36500, s7  }
0xb: {  	s13 =	ssub.s32 $0x2, s7;
	s7 =	smul.u32 $0x28000, s7;
	s9 =	sshrl.u32 s6, $0x3  }
0xc: {  	s26 =	sshrl.u32 s13, $0x1;
	s28 =	sadd.s32 s6, s1;
	s6 =	sor.u32 $0x1C05, s29  }
0xd: {  	s9 =	sadd.s32 s9, s5;
	s8 =	sadd.s32 s8, s10;
	s10 =	ssub.s32 s13, s26  }
0xe: {  	s30 =	sadd.s32 s14, s7;
	s13 =	sshrl.u32 s28, $0x3;
	s26 =	simm.s32 $0x0  }
0xf: {  	s8 =	sadd.s32 s8, s5;
	s5 =	sadd.s32 $0x20200, s9;
	s14 =	sor.u32 $0x28, s30  }
0x10: {  	s31 =	sshrl.u32 s30, $0x3;
	s7 =	sadd.s32 $0x56800, s8;
	s8 =	smax.u32 s10, $0x1  }
0x11: {  	s14 =	sshrl.u32 s14, $0x3;
	s9 =	sadd.s32 s31, s11;
	s10 =	sadd.s32 s31, s12  }
0x12: {  	s11 =	sadd.s32 s14, s11;
	s12 =	sadd.s32 s14, s12;
	s14 =	simm.s32 $0x5  }
.LBB2_1:
0x13: {  	[spmem:s13], [sflag:s6] =	dma.local [hbm:s5], $0x3650  }
0x14: {  	_ =	swait.ge [sflag:s14], $0x3650  }
0x15: {  	[sflag:s14] =	ssyncset.done $0x0  }
0x16: {  	[sflag:s14] =	ssyncadd.s32 $0xFFFFC9B0  }
0x17: {  	s28 =	sadd.s32 $0x0, s10;
	[bflag:$0x0] =	sbarrier.arrive $0xFFFF  }
0x18: {  	[tilespmem:s15], [sflag:$0x5] =	stream.linear.gather [hbm4b:s28+s3], $0x28, $0x38;
	[tilespmem:$0x1EA20] =	vst v63  }
0x19: {  	_ =	swait.ge [sflag:s14], $0x28  }
0x1a: {  	[sflag:s14] =	ssyncset.done $0x0  }
0x1b: {  	s28 =	sadd.s32 $0x0, s9;
	[sflag:s14] =	ssyncadd.s32 $0xFFFFFFD8  }
0x1c: {  	[tilespmem:s16], [sflag:$0x5] =	stream.linear.gather [hbm4b:s28+s3], $0x28, $0x38;
	[tilespmem:$0x1EA20] =	vst v63  }
0x1d: {  	_ =	swait.ge [sflag:s14], $0x28  }
0x1e: {  	[sflag:s14] =	ssyncset.done $0x0  }
0x1f: {  	[sflag:s14] =	ssyncadd.s32 $0xFFFFFFD8  }
0x20: {  	[tilespmem:s18], [sflag:$0x1] =	stream.indirect.gather [hbm4b:s4+s17], $0xB0, s15, s17, $0xb8;
	[tilespmem:$0x1EA20] =	vst v63  }
0x21: {  	s28 =	sadd.s32 $0x0, s12  }
0x22: {  	[tilespmem:s19], [sflag:$0x5] =	stream.linear.gather [hbm4b:s28+s3], $0x28, $0x38;
	[tilespmem:$0x1EA20] =	vst v63  }
0x23: {  	_ =	swait.ge [sflag:s14], $0x28  }
0x24: {  	[sflag:s14] =	ssyncset.done $0x0  }
0x25: {  	s28 =	sadd.s32 $0x0, s11;
	[sflag:s14] =	ssyncadd.s32 $0xFFFFFFD8  }
0x26: {  	[tilespmem:s20], [sflag:$0x5] =	stream.linear.gather [hbm4b:s28+s3], $0x28, $0x38;
	[tilespmem:$0x1EA20] =	vst v63  }
0x27: {  	_ =	swait.ge [sflag:s14], $0x28  }
0x28: {  	[sflag:s14] =	ssyncset.done $0x0  }
0x29: {  	[sflag:s14] =	ssyncadd.s32 $0xFFFFFFD8  }
0x2a: {  	[tilespmem:s21], [sflag:$0x2] =	stream.indirect.gather [hbm4b:s4+s17], $0xB0, s19, s17, $0xb8;
	[tilespmem:$0x1EA20] =	vst v63  }
0x2b: {  	_ =	swait.ge [sflag:s22], $0x1B80  }
0x2c: {  	[sflag:s22] =	ssyncset.done $0x0  }
0x2d: {  	[sflag:s22] =	ssyncadd.s32 $0xFFFFE480  }
0x2e: {  	[spmem:s1] =	stream.indirect.scatter.add.f32 [tilespmem:s18], [sflag:$0x3], $0xB0, s16, s17, $0xb8;
	[tilespmem:$0x1EA20] =	vst v63  }
0x2f: {  	_ =	swait.ge [sflag:s23], $0x1B80  }
0x30: {  	[sflag:s23] =	ssyncset.done $0x0  }
0x31: {  	[sflag:s23] =	ssyncadd.s32 $0xFFFFE480  }
0x32: {  	[spmem:s1] =	stream.indirect.scatter.add.f32 [tilespmem:s21], [sflag:$0x4], $0xB0, s20, s17, $0xb8;
	[tilespmem:$0x1EA20] =	vst v63  }
0x33: {  	_ =	swait.ge [sflag:s24], $0x1B80  }
0x34: {  	[sflag:s24] =	ssyncset.done $0x0  }
0x35: {  	[sflag:s24] =	ssyncadd.s32 $0xFFFFE480  }
0x36: {  	_ =	swait.ge [sflag:s25], $0x1B80  }
0x37: {  	s30 =	simm.s32 $0x14;
	s28 =	simm.s32 $0xA;
	[sflag:s25] =	ssyncset.done $0x0  }
.LBB2_2:
0x38: {  	s31 =	sadd.s32 s28, s10  }
0x39: {  	[sflag:s25] =	ssyncadd.s32 $0xFFFFE480;
	s0 =	smov.u32 s30;
	s29 =	sadd.s32 $0xA, s30  }
0x3a: {  	[tilespmem:s15], [sflag:$0x5] =	stream.linear.gather [hbm4b:s31+s3], $0x28, $0x38;
	[tilespmem:$0x1EA20] =	vst v63  }
0x3b: {  	p0 =	sne.s32 s30, $0x4F6;
	_ =	swait.ge [sflag:s14], $0x28  }
0x3c: {  	[sflag:s14] =	ssyncset.done $0x0  }
0x3d: {  	s30 =	sadd.s32 s28, s9;
	[sflag:s14] =	ssyncadd.s32 $0xFFFFFFD8  }
0x3e: {  	[tilespmem:s16], [sflag:$0x5] =	stream.linear.gather [hbm4b:s30+s3], $0x28, $0x38;
	[tilespmem:$0x1EA20] =	vst v63  }
0x3f: {  	_ =	swait.ge [sflag:s14], $0x28  }
0x40: {  	[sflag:s14] =	ssyncset.done $0x0  }
0x41: {  	[sflag:s14] =	ssyncadd.s32 $0xFFFFFFD8  }
0x42: {  	[tilespmem:s18], [sflag:$0x1] =	stream.indirect.gather [hbm4b:s4+s17], $0xB0, s15, s17, $0xb8;
	[tilespmem:$0x1EA20] =	vst v63  }
0x43: {  	s30 =	sadd.s32 s28, s12  }
0x44: {  	[tilespmem:s19], [sflag:$0x5] =	stream.linear.gather [hbm4b:s30+s3], $0x28, $0x38;
	[tilespmem:$0x1EA20] =	vst v63  }
0x45: {  	_ =	swait.ge [sflag:s14], $0x28  }
0x46: {  	[sflag:s14] =	ssyncset.done $0x0  }
0x47: {  	s30 =	sadd.s32 s28, s11;
	s28 =	smov.u32 s0;
	[sflag:s14] =	ssyncadd.s32 $0xFFFFFFD8  }
0x48: {  	[tilespmem:s20], [sflag:$0x5] =	stream.linear.gather [hbm4b:s30+s3], $0x28, $0x38;
	[tilespmem:$0x1EA20] =	vst v63  }
0x49: {  	_ =	swait.ge [sflag:s14], $0x28  }
0x4a: {  	[sflag:s14] =	ssyncset.done $0x0  }
0x4b: {  	[sflag:s14] =	ssyncadd.s32 $0xFFFFFFD8  }
0x4c: {  	[tilespmem:s21], [sflag:$0x2] =	stream.indirect.gather [hbm4b:s4+s17], $0xB0, s19, s17, $0xb8;
	[tilespmem:$0x1EA20] =	vst v63  }
0x4d: {  	_ =	swait.ge [sflag:s22], $0x1B80  }
0x4e: {  	[sflag:s22] =	ssyncset.done $0x0  }
0x4f: {  	[sflag:s22] =	ssyncadd.s32 $0xFFFFE480  }
0x50: {  	[spmem:s1] =	stream.indirect.scatter.add.f32 [tilespmem:s18], [sflag:$0x3], $0xB0, s16, s17, $0xb8;
	[tilespmem:$0x1EA20] =	vst v63  }
0x51: {  	_ =	swait.ge [sflag:s23], $0x1B80  }
0x52: {  	[sflag:s23] =	ssyncset.done $0x0  }
0x53: {  	[sflag:s23] =	ssyncadd.s32 $0xFFFFE480  }
0x54: {  	[spmem:s1] =	stream.indirect.scatter.add.f32 [tilespmem:s21], [sflag:$0x4], $0xB0, s20, s17, $0xb8;
	[tilespmem:$0x1EA20] =	vst v63  }
.Ltmp0:
0x55: {  	_ =	swait.ge [sflag:s24], $0x1B80;
	(pc) =	sbr.rel @p0 .LBB2_2-.Ltmp0, $4  }
0x56: {  	[sflag:s24] =	ssyncset.done $0x0  }
0x57: {  	[sflag:s24] =	ssyncadd.s32 $0xFFFFE480  }
0x58: {  	_ =	swait.ge [sflag:s25], $0x1B80  }
0x59: {  	s30 =	smov.u32 s29;
	[sflag:s25] =	ssyncset.done $0x0  }
0x5a: {  	s0 =	sadd.s32 s28, s10;
	[sflag:s25] =	ssyncadd.s32 $0xFFFFE480  }
0x5b: {  	[tilespmem:s15], [sflag:$0x5] =	stream.linear.gather [hbm4b:s0+s3], $0x28, $0x38;
	[tilespmem:$0x1EA20] =	vst v63  }
0x5c: {  	_ =	swait.ge [sflag:s14], $0x28  }
0x5d: {  	[sflag:s14] =	ssyncset.done $0x0  }
0x5e: {  	s29 =	sadd.s32 s28, s9;
	[sflag:s14] =	ssyncadd.s32 $0xFFFFFFD8  }
0x5f: {  	[tilespmem:s16], [sflag:$0x5] =	stream.linear.gather [hbm4b:s29+s3], $0x28, $0x38;
	[tilespmem:$0x1EA20] =	vst v63  }
0x60: {  	_ =	swait.ge [sflag:s14], $0x28  }
0x61: {  	[sflag:s14] =	ssyncset.done $0x0  }
0x62: {  	[sflag:s14] =	ssyncadd.s32 $0xFFFFFFD8  }
0x63: {  	[tilespmem:s18], [sflag:$0x1] =	stream.indirect.gather [hbm4b:s4+s17], $0xB0, s15, s17, $0xb8;
	[tilespmem:$0x1EA20] =	vst v63  }
0x64: {  	s30 =	sadd.s32 s28, s12  }
0x65: {  	[tilespmem:s19], [sflag:$0x5] =	stream.linear.gather [hbm4b:s30+s3], $0x28, $0x38;
	[tilespmem:$0x1EA20] =	vst v63  }
0x66: {  	_ =	swait.ge [sflag:s14], $0x28  }
0x67: {  	[sflag:s14] =	ssyncset.done $0x0  }
0x68: {  	s31 =	sadd.s32 s28, s11;
	[sflag:s14] =	ssyncadd.s32 $0xFFFFFFD8  }
0x69: {  	[tilespmem:s20], [sflag:$0x5] =	stream.linear.gather [hbm4b:s31+s3], $0x28, $0x38;
	[tilespmem:$0x1EA20] =	vst v63  }
0x6a: {  	_ =	swait.ge [sflag:s14], $0x28  }
0x6b: {  	[sflag:s14] =	ssyncset.done $0x0  }
0x6c: {  	[sflag:s14] =	ssyncadd.s32 $0xFFFFFFD8  }
0x6d: {  	[tilespmem:s21], [sflag:$0x2] =	stream.indirect.gather [hbm4b:s4+s17], $0xB0, s19, s17, $0xb8;
	[tilespmem:$0x1EA20] =	vst v63  }
0x6e: {  	_ =	swait.ge [sflag:s22], $0x1B80  }
0x6f: {  	[sflag:s22] =	ssyncset.done $0x0  }
0x70: {  	[sflag:s22] =	ssyncadd.s32 $0xFFFFE480  }
0x71: {  	[spmem:s1] =	stream.indirect.scatter.add.f32 [tilespmem:s18], [sflag:$0x3], $0xB0, s16, s17, $0xb8;
	[tilespmem:$0x1EA20] =	vst v63  }
0x72: {  	_ =	swait.ge [sflag:s23], $0x1B80  }
0x73: {  	[sflag:s23] =	ssyncset.done $0x0  }
0x74: {  	[sflag:s23] =	ssyncadd.s32 $0xFFFFE480  }
0x75: {  	[spmem:s1] =	stream.indirect.scatter.add.f32 [tilespmem:s21], [sflag:$0x4], $0xB0, s20, s17, $0xb8;
	[tilespmem:$0x1EA20] =	vst v63  }
0x76: {  	_ =	swait.ge [sflag:s24], $0x1B80  }
0x77: {  	[sflag:s24] =	ssyncset.done $0x0  }
0x78: {  	[sflag:s24] =	ssyncadd.s32 $0xFFFFE480  }
0x79: {  	_ =	swait.ge [sflag:s25], $0x1B80  }
0x7a: {  	s26 =	sadd.s32 $0x1, s26;
	[sflag:s25] =	ssyncset.done $0x0  }
0x7b: {  	p0 =	sne.s32 s26, s8;
	[sflag:s25] =	ssyncadd.s32 $0xFFFFE480  }
.Ltmp1:
0x7c: {  	[bflag:$0x0] =	sbarrier.arrive $0xFFFF;
	(pc) =	sbr.rel @p0 .LBB2_1-.Ltmp1, $4  }
0x7d: {  	[hbm:s7], [sflag:s6] =	dma.local [spmem:s13], $0x3650  }
0x7e: {  	_ =	swait.ge [sflag:s14], $0x3650  }
0x7f: {  	[sflag:s14] =	ssyncset.done $0x0  }
0x80: {  	[sflag:s14] =	ssyncadd.s32 $0xFFFFC9B0  }
0x81: {  	_ =	sfence.sel $0x180000  }
0x82: {  	[bflag:$0x0] =	sbarrier.arrive $0xFFFF  }
0x83: {  	_ =	strace $0x90000047  }
0x84: {  	[bflag:$0x2] =	sbarrier.arrive $0xFFFF  }
0x85: {  	p0 =	sne.s32 s2, $0x0;
	s0 =	rddreg [dreg:$0x2]  }
0x86: {  	s0 =	sadd.s32 @!p0 $0x100000, s0  }
0x87: {  	[sflag:s0] =	ssyncadd.tile.s32 @!p0 $0x1;
	_ =	shalt  }
.Lfunc_end2:
_tile_overlayer_lowered:
.L_overlay_start_2:
0x88: {  	(tag) =	ssettag $0x2  }
0x89: {  	s0 =	rddreg [dreg:$0x0];
	s2 =	stileid.u32  }
0x8a: {  	s1 =	rddreg [dreg:$0x1];
	p0 =	sne.s32 s2, $0x0  }
0x8b: {  	s3 =	rddreg [dreg:$0x2];
	[bflag:$0x3] =	sbarrier.arrive $0xFFFF;
	s2 =	simm.s32 @!p0 $0x1C05  }
0x8c: {  	[timem:s3], [sflag:s2] =	dma.local @!p0 [hbm:s0], s1  }
0x8d: {  	s0 =	simm.s32 @!p0 $0x5  }
0x8e: {  	_ =	swait.ge @!p0 [sflag:s0], s1  }
0x8f: {  	s1 =	ssub.s32 @!p0 $0x0, s1;
	[sflag:s0] =	ssyncset.done @!p0 $0x0  }
0x90: {  	[sflag:s0] =	ssyncadd.s32 @!p0 s1  }
0x91: {  	[bflag:$0x3] =	sbarrier.arrive $0xFFFF  }
0x92: {  	_ =	shalt  }

// kernel: kernel.18.cloned.1.call-start
scs
__scs_entry_jumppad:
0x0: {  	(pc) =	sbr.rel $0x88, $3  }
0x1: {  	(tag) =	ssettag $0x0;
	lr =	simm.s32 $0x1  }
0x2: {  	[smem:$0x3F6F] =	sst lr;
	_ =	strace $0xD0000000  }
0x3: {  	_ = 	snop  }
0x4: {  	_ = 	snop  }
0x5: {  	_ = 	snop  }
0x6: {  	_ = 	snop  }
0x7: {  	_ = 	snop  }
__scs_overlays_trampoline_lowered:
0x8: {  	[smem:$0x3F7E] =	sst s0  }
0x9: {  	[smem:$0x3F7F] =	sst s1  }
0xa: {  	[smem:$0x3F80] =	sst s2  }
0xb: {  	[smem:$0x3F81] =	sst s3  }
0xc: {  	[smem:$0x3F82] =	sst s4  }
0xd: {  	[smem:$0x3F83] =	sst s5  }
0xe: {  	[smem:$0x3F84] =	sst s6  }
0xf: {  	[smem:$0x3F85] =	sst s7  }
0x10: {  	[smem:$0x3F86] =	sst s8  }
0x11: {  	[smem:$0x3F87] =	sst s9;
	s0 =	simm.s32 @!p0 $0x0  }
0x12: {  	s1 =	sld [smem:$0x3F6D];
	s0 =	simm.s32 @p0 $0x1  }
0x13: {  	[smem:$0x3F88] =	sst s0;
	s0 =	simm.s32 @!p1 $0x0  }
0x14: {  	s2 =	sld [smem:$0x3F6C];
	s0 =	simm.s32 @p1 $0x1  }
0x15: {  	[smem:$0x3F89] =	sst s0;
	s0 =	simm.s32 @!p2 $0x0  }
0x16: {  	s3 =	sld [smem:$0x3FDB];
	s0 =	simm.s32 @p2 $0x1  }
0x17: {  	s4 =	simm.s32 $0x1BF5;
	[smem:$0x3F8B] =	sst s0  }
0x18: {  	s0 =	sld [smem:$0x3F6E];
	_ =	swait.ge [sflag:s4], $0x0  }
0x19: {  	s7 =	sld [smem:$0x3F6F]  }
0x1a: {  	s8 =	sadd.s32 $0xFFFFE003, lr  }
0x1b: {  	s9 =	sadd.s32 $0xFFFFFEF7, lr;
	s5 =	simm.s32 $0xFFFFFFFF;
	p2 =	slt.u32 s8, $0xFFFFF086  }
0x1c: {  	p1 =	slt.u32 s9, $0xF7A;
	s5 =	simm.s32 @!p2 $0x0  }
0x1d: {  	s5 =	simm.s32 @p1 $0x1;
	p0 =	seq.s32 s7, s2  }
0x1e: {  	s7 =	smul.u32 @!p0 $0xF7A, s2;
	p2 =	seq.s32 @!p0 s5, $0x0  }
0x1f: {  	s9 =	smul.u32 $0xF7A, s1;
	s8 =	simm.s32 @!p0 $0x1BF5;
	p2 =	por !p2, p0  }
0x20: {  	[sflag:s8] =	ssyncset.s32 @!p0 $0xFFFFF086;
	s6 =	sadd.s32 @!p0 s3, s7;
	s7 =	simm.s32 @!p0 $0x108  }
0x21: {  	s3 =	sadd.s32 s3, s9;
	s6 =	sadd.s32 @!p0 $0x88, s6;
	s7 =	simm.s32 @p2 $0x1082  }
0x22: {  	[simem:s7], [sflag:s8] =	dma.local @!p0 [hbm:s6], $0xF7A  }
0x23: {  	s9 =	sor.u32 $0xD0000000, s2;
	s6 =	simm.s32 $0x108;
	_ =	swait.ge @!p0 [sflag:s8], $0x0  }
0x24: {  	s3 =	sadd.s32 $0x88, s3;
	s6 =	simm.s32 @!p1 $0x1082;
	[sflag:s4] =	ssyncset.s32 $0xFFFFF086  }
0x25: {  	[simem:s6], [sflag:s4] =	dma.local [hbm:s3], $0xF7A  }
0x26: {  	[smem:$0x3F6F] =	sst s1;
	(tag) =	ssettag s2;
	_ =	strace s9  }
0x27: {  	s1 =	sld [smem:$0x3F7F]  }
0x28: {  	s2 =	sld [smem:$0x3F80]  }
0x29: {  	s4 =	sld [smem:$0x3F82]  }
0x2a: {  	p0 =	seq.s32 s5, $0x0;
	s5 =	sld [smem:$0x3F83]  }
0x2b: {  	s6 =	sld [smem:$0x3F84]  }
0x2c: {  	s7 =	sld [smem:$0x3F85]  }
0x2d: {  	s3 =	simm.s32 $0x108;
	s8 =	sld [smem:$0x3F86]  }
0x2e: {  	s3 =	simm.s32 @!p0 $0x1082;
	s9 =	sld [smem:$0x3F87]  }
0x2f: {  	lr =	sadd.s32 s0, s3;
	s0 =	sld [smem:$0x3F7E]  }
0x30: {  	s3 =	sld [smem:$0x3F81]  }
0x31: {  	[smem:$0x3F8A] =	sst s10  }
0x32: {  	s10 =	sld [smem:$0x3F88];
	_ =	sdelay $0x3  }
0x33: {  	p0 =	seq.s32 s10, $0x1;
	s10 =	sld [smem:$0x3F8A];
	_ =	sdelay $0x3  }
0x34: {  	[smem:$0x3F8A] =	sst s10  }
0x35: {  	s10 =	sld [smem:$0x3F89];
	_ =	sdelay $0x3  }
0x36: {  	p1 =	seq.s32 s10, $0x1;
	s10 =	sld [smem:$0x3F8A];
	_ =	sdelay $0x3  }
0x37: {  	[smem:$0x3F8A] =	sst s10  }
0x38: {  	s10 =	sld [smem:$0x3F8B]  }
0x39: {  	_ = 	snop;
	(pc) =	sbr.ind lr, $3  }
0x3a: {  	_ = 	snop  }
0x3b: {  	_ = 	snop  }
0x3c: {  	p2 =	seq.s32 s10, $0x1;
	s10 =	sld [smem:$0x3F8A]  }
0x3d: {  	_ =	shalt  }
0x3e: {  	_ =	shalt  }
0x3f: {  	_ =	shalt  }
0x40: {  	_ =	shalt  }
0x41: {  	_ =	shalt  }
0x42: {  	_ =	shalt  }
0x43: {  	_ =	shalt  }
0x44: {  	_ =	shalt  }
0x45: {  	_ =	shalt  }
0x46: {  	_ =	shalt  }
0x47: {  	_ =	shalt  }
0x48: {  	_ =	shalt  }
0x49: {  	_ =	shalt  }
0x4a: {  	_ =	shalt  }
0x4b: {  	_ =	shalt  }
0x4c: {  	_ =	shalt  }
0x4d: {  	_ =	shalt  }
0x4e: {  	_ =	shalt  }
0x4f: {  	_ =	shalt  }
0x50: {  	_ =	shalt  }
0x51: {  	_ =	shalt  }
0x52: {  	_ =	shalt  }
0x53: {  	_ =	shalt  }
0x54: {  	_ =	shalt  }
0x55: {  	_ =	shalt  }
0x56: {  	_ =	shalt  }
0x57: {  	_ =	shalt  }
0x58: {  	_ =	shalt  }
0x59: {  	_ =	shalt  }
0x5a: {  	_ =	shalt  }
0x5b: {  	_ =	shalt  }
0x5c: {  	_ =	shalt  }
0x5d: {  	_ =	shalt  }
0x5e: {  	_ =	shalt  }
0x5f: {  	_ =	shalt  }
0x60: {  	_ =	shalt  }
0x61: {  	_ =	shalt  }
0x62: {  	_ =	shalt  }
0x63: {  	_ =	shalt  }
0x64: {  	_ =	shalt  }
0x65: {  	_ =	shalt  }
0x66: {  	_ =	shalt  }
0x67: {  	_ =	shalt  }
0x68: {  	_ =	shalt  }
0x69: {  	_ =	shalt  }
0x6a: {  	_ =	shalt  }
0x6b: {  	_ =	shalt  }
0x6c: {  	_ =	shalt  }
0x6d: {  	_ =	shalt  }
0x6e: {  	_ =	shalt  }
0x6f: {  	_ =	shalt  }
0x70: {  	_ =	shalt  }
0x71: {  	_ =	shalt  }
0x72: {  	_ =	shalt  }
0x73: {  	_ =	shalt  }
0x74: {  	_ =	shalt  }
0x75: {  	_ =	shalt  }
0x76: {  	_ =	shalt  }
0x77: {  	_ =	shalt  }
0x78: {  	_ =	shalt  }
0x79: {  	_ =	shalt  }
0x7a: {  	_ =	shalt  }
0x7b: {  	_ =	shalt  }
0x7c: {  	_ =	shalt  }
0x7d: {  	_ =	shalt  }
0x7e: {  	_ =	shalt  }
0x7f: {  	_ =	shalt  }
0x80: {  	_ =	shalt  }
0x81: {  	_ =	shalt  }
0x82: {  	_ =	shalt  }
0x83: {  	_ =	shalt  }
0x84: {  	_ =	shalt  }
0x85: {  	_ =	shalt  }
0x86: {  	_ =	shalt  }
0x87: {  	_ =	shalt  }
.Lfunc_end0:
.L_simem_size_0:
called_computation.1_lowered:
.L_overlay_start_0:
0x88: {  	s2 =	sld [smem:$0x3FD9]  }
0x89: {  	s3 =	sld [smem:$0x3FFE];
	_ =	sdelay $0x1  }
0x8a: {  	s1 =	srdreg.scid  }
0x8b: {  	s0 =	sand.u32 $0x1, s1  }
0x8c: {  	s16 =	sshll.u32 s0, $0xA;
	s2 =	sadd.s32 s3, s2  }
0x8d: {  	s2 =	sadd.s32 s2, s16  }
0x8e: {  	[smem:$0x3F96] =	sst s2  }
0x8f: {  	_ = 	snop  }
0x90: {  	(tm) =	ssettm $0x1  }
0x91: {  	s17 =	sld [smem:$0x3FFB];
	_ =	sdelay $0x3  }
0x92: {  	_ =	strace s17  }
0x93: {  	s2 =	sld [smem:$0x3FFC];
	_ =	sdelay $0x3  }
0x94: {  	_ =	strace s2  }
0x95: {  	s2 =	sld [smem:$0x3FFD];
	_ =	sdelay $0x3  }
0x96: {  	_ =	strace s2  }
0x97: {  	_ =	strace $0x8FFFFFFF  }
0x98: {  	s18 =	sld [smem:$0x3FDB];
	_ =	sdelay $0x1  }
0x99: {  	s19 =	simm.s32 $_scs_section_size  }
0x9a: {  	s4 =	simm.s32 $_size__tile_overlayer_lowered;
	s5 =	simm.s32 $_tile_overlayer_lowered  }
0x9b: {  	s22 =	simm.s32 $0x1BFF;
	s21 =	sshll.u32 s5, $0x1;
	s2 =	sadd.s32 s19, s18  }
0x9c: {  	s6 =	simm.s32 $0x0;
	s20 =	sshll.u32 s4, $0x1;
	s4 =	sadd.s32 s21, s2  }
0x9d: {  	[timem:s6], [sflag:s22] =	dma.local [hbm:s4], s20  }
0x9e: {  	_ =	swait.ge [sflag:s22], s20  }
0x9f: {  	s3 =	ssub.s32 $0x0, s20;
	[sflag:s22] =	ssyncset.done $0x0  }
0xa0: {  	[sflag:s22] =	ssyncadd.s32 s3;
	_ =	sdelay $0x1  }
0xa1: {  	s23 =	simm.s32 $0x1B8B  }
0xa2: {  	_ =	swait.ge [sflag:s23], $0x1  }
0xa3: {  	[sflag:s23] =	ssyncset.done $0x0  }
0xa4: {  	s25 =	simm.s32 $0x1B8E;
	s24 =	sld [smem:$0x3FFE];
	[sflag:s23] =	ssyncadd.s32 $0xFFFFFFFF  }
0xa5: {  	s26 =	simm.s32 $execute0_lowered;
	[smem:$0x3FD2] =	sst s25  }
0xa6: {  	s4 =	sshll.u32 s26, $0x1;
	_ =	strace $0x80000049;
	[dreg:$0x1] =	wrdreg $0xFFFFFFFF  }
0xa7: {  	s28 =	simm.s32 $_size_execute0_lowered;
	s2 =	sadd.s32 s2, s4;
	[dreg:$0x0] =	wrdreg $0x0  }
0xa8: {  	s4 =	sshll.u32 s28, $0x1;
	[dreg:$0x2] =	wrdreg s2  }
0xa9: {  	[dreg:$0x3] =	wrdreg s4  }
0xaa: {  	[dreg:$0x4] =	wrdreg $0xC0  }
0xab: {  	_ =	task [dreg:s6], $0x5FFFF  }
0xac: {  	[dreg:$0x1] =	wrdreg $0xFFFFFFFF  }
0xad: {  	[dreg:$0x0] =	wrdreg $0x60  }
0xae: {  	[dreg:$0x2] =	wrdreg s24  }
0xaf: {  	[dreg:$0x3] =	wrdreg $0x0  }
0xb0: {  	[dreg:$0x4] =	wrdreg $0x9  }
0xb1: {  	_ =	task.clear_ibuf [dreg:s6], $0x5FFFF;
	_ =	strace $0x90000049  }
0xb2: {  	s29 =	simm.s32 $0x9;
	_ =	strace $0x8000004B  }
0xb3: {  	_ =	swait.ge [sflag:s29], $0x1  }
0xb4: {  	[sflag:s29] =	ssyncadd.s32 $0xFFFFFFFF  }
0xb5: {  	_ =	strace $0x9000004B  }
0xb6: {  	_ =	sfence  }
0xb7: {  	s30 =	sld [smem:$0x0];
	_ =	sdelay $0x2  }
0xb8: {  	s31 =	sshll.u32 s1, $0xD;
	s1 =	sshrl.u32 s1, $0x2  }
0xb9: {  	s3 =	sand.u32 $0x4000, s31;
	s1 =	sadd.s32 s1, s30  }
0xba: {  	s0 =	sor.u32 s3, s0;
	s1 =	sshll.u32 s1, $0x11  }
0xbb: {  	s0 =	sor.u32 s1, s0  }
0xbc: {  	s0 =	sadd.s32 $0x8F2B, s0  }
0xbd: {  	[sflag:s0] =	ssyncadd.remote.s32 $0x1  }
0xbe: {  	_ =	sfence.sel $0xFFFF  }
0xbf: {  	[dreg:$0x0] =	wrdreg $0xFFFFFFFF;
	(pc) =	sbr.abs _section_cstart, $3  }
0xc0: {  	[dreg:$0x1] =	wrdreg $0xFFFFFFFF  }
0xc1: {  	_ =	task.clear_ibuf [dreg:s6], $0x2FFFF;
	_ =	strace $0x9FFFFFFF  }
0xc2: {  	(tm) =	ssettm $0x7FFFFFFF  }
0xc3: {  	_ =	shalt  }
tec
execute0_lowered:
.L_overlay_start_1:
0x0: {  	(tag) =	ssettag $0x1  }
0x1: {  	s0 =	srdreg.scid  }
0x2: {  	s1 =	rddreg [dreg:$0x0];
	s10 =	stileid.u32  }
0x3: {  	s2 =	rddreg [dreg:$0x1];
	s3 =	simm.s32 $0x0;
	s5 =	smul.u32 $0x1400, s10  }
0x4: {  	s30 =	simm.s32 $0x5000;
	s31 =	simm.s32 $0x5400;
	s6 =	smul.u32 $0x5000, s10  }
0x5: {  	s13 =	simm.s32 $0x80;
	s0 =	sand.u32 $0x1, s0;
	s20 =	smul.u32 $0xA00, s10  }
0x6: {  	[smem:$0x7FF] =	sst s3;
	s24 =	sshll.u32 s10, $0x6;
	s4 =	smul.u32 $0x14000, s0  }
0x7: {  	s10 =	simm.s32 $0x11;
	_ =	strace $0x8000004A;
	s8 =	smul.u32 $0xA000, s0  }
0x8: {  	s0 =	ssub.s32 $0x2, s0;
	s28 =	sor.u32 $0x1C11, s24;
	s24 =	simm.s32 $0xE  }
0x9: {  	s9 =	sshrl.u32 s6, $0x3;
	s21 =	sshrl.u32 s0, $0x1;
	s22 =	sadd.s32 s6, s2  }
0xa: {  	[dreg:$0x6] =	wrdreg s28;
	s4 =	sadd.s32 s5, s4;
	s5 =	sadd.s32 s20, s8  }
0xb: {  	s9 =	sadd.s32 s9, s1;
	s0 =	ssub.s32 s0, s21;
	s29 =	sshrl.u32 s22, $0x3  }
0xc: {  	s22 =	simm.s32 $0xC;
	s7 =	sshrl.u32 s4, $0x3;
	s4 =	sadd.s32 $0xC200, s1  }
0xd: {  	s23 =	sadd.s32 $0x16000, s9;
	s0 =	smax.u32 s0, $0x1;
	[dreg:$0x9] =	wrdreg s29  }
0xe: {  	s7 =	sadd.s32 s7, s1;
	s1 =	sadd.s32 s5, s1;
	[dreg:$0x5] =	wrdreg s23  }
0xf: {  	s9 =	simm.s32 $0x10;
	[dreg:$0x8] =	wrdreg s0;
	s1 =	sadd.s32 $0x20000, s1  }
0x10: {  	s0 =	simm.s32 $0x0;
	s25 =	sadd.s32 $0x7200, s7;
	[dreg:$0x7] =	wrdreg s1  }
0x11: {  	s23 =	simm.s32 $0xD;
	s26 =	sadd.s32 $0xC3200, s7;
	[dreg:$0x3] =	wrdreg s25  }
0x12: {  	[dreg:$0x4] =	wrdreg s26;
	s1 =	simm.s32 $0x5800;
	s25 =	simm.s32 $0xF  }
.LBB2_1:
0x13: {  	[dreg:$0xa] =	wrdreg s0  }
0x14: {  	s26 =	rddreg [dreg:$0x5]  }
0x15: {  	[spmem:s29], [sflag:s28] =	dma.local [hbm:s26], $0xA00  }
0x16: {  	_ =	swait.ge [sflag:s10], $0xA00  }
0x17: {  	[sflag:s10] =	ssyncset.done $0x0  }
0x18: {  	[sflag:s10] =	ssyncadd.s32 $0xFFFFF600  }
0x19: {  	[bflag:$0x0] =	sbarrier.arrive $0xFFFF  }
0x1a: {  	s29 =	rddreg [dreg:$0x3]  }
0x1b: {  	s26 =	sadd.s32 $0x0, s29  }
0x1c: {  	[tilespmem:s30], [sflag:$0x11] =	stream.linear.gather [hbm4b:s26+s3], $0x80, $0x38;
	[tilespmem:$0xD800] =	vst v63  }
0x1d: {  	_ =	swait.ge [sflag:s10], $0x80  }
0x1e: {  	s0 =	rddreg [dreg:$0x4];
	[sflag:s10] =	ssyncset.done $0x0  }
0x1f: {  	[sflag:s10] =	ssyncadd.s32 $0xFFFFFF80;
	s28 =	sadd.s32 $0x0, s0  }
0x20: {  	[tilespmem:s31], [sflag:$0x11] =	stream.linear.gather [hbm4b:s28+s3], $0x80, $0x38;
	[tilespmem:$0xD800] =	vst v63  }
0x21: {  	_ =	swait.ge [sflag:s10], $0x80  }
0x22: {  	[sflag:s10] =	ssyncset.done $0x0  }
0x23: {  	[sflag:s10] =	ssyncadd.s32 $0xFFFFFF80  }
0x24: {  	[tilespmem:s1], [sflag:$0x1] =	stream.indirect.gather [hbm4b:s4+s13], $0x20, s30, s13, $0xb8;
	[tilespmem:$0xD800] =	vst v63  }
0x25: {  	s6 =	simm.s32 $0x5080;
	s5 =	sadd.s32 $0x10, s26  }
0x26: {  	[tilespmem:s6], [sflag:$0x11] =	stream.linear.gather [hbm4b:s5+s3], $0x80, $0x38;
	[tilespmem:$0xD800] =	vst v63  }
0x27: {  	_ =	swait.ge [sflag:s10], $0x80  }
0x28: {  	[sflag:s10] =	ssyncset.done $0x0  }
0x29: {  	s7 =	sadd.s32 $0x10, s28;
	s5 =	simm.s32 $0x5480;
	[sflag:s10] =	ssyncadd.s32 $0xFFFFFF80  }
0x2a: {  	[tilespmem:s5], [sflag:$0x11] =	stream.linear.gather [hbm4b:s7+s3], $0x80, $0x38;
	[tilespmem:$0xD800] =	vst v63  }
0x2b: {  	_ =	swait.ge [sflag:s10], $0x80  }
0x2c: {  	[sflag:s10] =	ssyncset.done $0x0  }
0x2d: {  	s7 =	simm.s32 $0x6800;
	[sflag:s10] =	ssyncadd.s32 $0xFFFFFF80  }
0x2e: {  	[tilespmem:s7], [sflag:$0x2] =	stream.indirect.gather [hbm4b:s4+s13], $0x20, s6, s13, $0xb8;
	[tilespmem:$0xD800] =	vst v63  }
0x2f: {  	s11 =	simm.s32 $0x5100;
	s8 =	sadd.s32 $0x20, s26  }
0x30: {  	[tilespmem:s11], [sflag:$0x11] =	stream.linear.gather [hbm4b:s8+s3], $0x80, $0x38;
	[tilespmem:$0xD800] =	vst v63  }
0x31: {  	_ =	swait.ge [sflag:s10], $0x80  }
0x32: {  	[sflag:s10] =	ssyncset.done $0x0  }
0x33: {  	s12 =	sadd.s32 $0x20, s28;
	s8 =	simm.s32 $0x5500;
	[sflag:s10] =	ssyncadd.s32 $0xFFFFFF80  }
0x34: {  	[tilespmem:s8], [sflag:$0x11] =	stream.linear.gather [hbm4b:s12+s3], $0x80, $0x38;
	[tilespmem:$0xD800] =	vst v63  }
0x35: {  	_ =	swait.ge [sflag:s10], $0x80  }
0x36: {  	[sflag:s10] =	ssyncset.done $0x0  }
0x37: {  	s6 =	simm.s32 $0x7800;
	[sflag:s10] =	ssyncadd.s32 $0xFFFFFF80  }
0x38: {  	[tilespmem:s6], [sflag:$0x3] =	stream.indirect.gather [hbm4b:s4+s13], $0x20, s11, s13, $0xb8;
	[tilespmem:$0xD800] =	vst v63  }
0x39: {  	s15 =	simm.s32 $0x5180;
	s14 =	sadd.s32 $0x30, s26  }
0x3a: {  	[tilespmem:s15], [sflag:$0x11] =	stream.linear.gather [hbm4b:s14+s3], $0x80, $0x38;
	[tilespmem:$0xD800] =	vst v63  }
0x3b: {  	_ =	swait.ge [sflag:s10], $0x80  }
0x3c: {  	[sflag:s10] =	ssyncset.done $0x0  }
0x3d: {  	s16 =	sadd.s32 $0x30, s28;
	s11 =	simm.s32 $0x5580;
	[sflag:s10] =	ssyncadd.s32 $0xFFFFFF80  }
0x3e: {  	[tilespmem:s11], [sflag:$0x11] =	stream.linear.gather [hbm4b:s16+s3], $0x80, $0x38;
	[tilespmem:$0xD800] =	vst v63  }
0x3f: {  	_ =	swait.ge [sflag:s10], $0x80  }
0x40: {  	[sflag:s10] =	ssyncset.done $0x0  }
0x41: {  	s12 =	simm.s32 $0x8800;
	[sflag:s10] =	ssyncadd.s32 $0xFFFFFF80  }
0x42: {  	[tilespmem:s12], [sflag:$0x4] =	stream.indirect.gather [hbm4b:s4+s13], $0x20, s15, s13, $0xb8;
	[tilespmem:$0xD800] =	vst v63  }
0x43: {  	s18 =	simm.s32 $0x5200;
	s17 =	sadd.s32 $0x40, s26  }
0x44: {  	[tilespmem:s18], [sflag:$0x11] =	stream.linear.gather [hbm4b:s17+s3], $0x80, $0x38;
	[tilespmem:$0xD800] =	vst v63  }
0x45: {  	_ =	swait.ge [sflag:s10], $0x80  }
0x46: {  	[sflag:s10] =	ssyncset.done $0x0  }
0x47: {  	s19 =	sadd.s32 $0x40, s28;
	s14 =	simm.s32 $0x5600;
	[sflag:s10] =	ssyncadd.s32 $0xFFFFFF80  }
0x48: {  	[tilespmem:s14], [sflag:$0x11] =	stream.linear.gather [hbm4b:s19+s3], $0x80, $0x38;
	[tilespmem:$0xD800] =	vst v63  }
0x49: {  	_ =	swait.ge [sflag:s10], $0x80  }
0x4a: {  	[sflag:s10] =	ssyncset.done $0x0  }
0x4b: {  	s15 =	simm.s32 $0x9800;
	[sflag:s10] =	ssyncadd.s32 $0xFFFFFF80  }
0x4c: {  	[tilespmem:s15], [sflag:$0x5] =	stream.indirect.gather [hbm4b:s4+s13], $0x20, s18, s13, $0xb8;
	[tilespmem:$0xD800] =	vst v63  }
0x4d: {  	s21 =	simm.s32 $0x5280;
	s20 =	sadd.s32 $0x50, s26  }
0x4e: {  	[tilespmem:s21], [sflag:$0x11] =	stream.linear.gather [hbm4b:s20+s3], $0x80, $0x38;
	[tilespmem:$0xD800] =	vst v63  }
0x4f: {  	_ =	swait.ge [sflag:s10], $0x80  }
0x50: {  	[sflag:s10] =	ssyncset.done $0x0  }
0x51: {  	s16 =	simm.s32 $0x5680;
	s18 =	sadd.s32 $0x50, s28;
	[sflag:s10] =	ssyncadd.s32 $0xFFFFFF80  }
0x52: {  	[tilespmem:s16], [sflag:$0x11] =	stream.linear.gather [hbm4b:s18+s3], $0x80, $0x38;
	[tilespmem:$0xD800] =	vst v63  }
0x53: {  	_ =	swait.ge [sflag:s10], $0x80  }
0x54: {  	[sflag:s10] =	ssyncset.done $0x0  }
0x55: {  	s17 =	simm.s32 $0xA800;
	[sflag:s10] =	ssyncadd.s32 $0xFFFFFF80  }
0x56: {  	[tilespmem:s17], [sflag:$0x6] =	stream.indirect.gather [hbm4b:s4+s13], $0x20, s21, s13, $0xb8;
	[tilespmem:$0xD800] =	vst v63  }
0x57: {  	s19 =	sadd.s32 $0x60, s26;
	s20 =	simm.s32 $0x5300  }
0x58: {  	[tilespmem:s20], [sflag:$0x11] =	stream.linear.gather [hbm4b:s19+s3], $0x80, $0x38;
	[tilespmem:$0xD800] =	vst v63  }
0x59: {  	_ =	swait.ge [sflag:s10], $0x80  }
0x5a: {  	[sflag:s10] =	ssyncset.done $0x0  }
0x5b: {  	s18 =	simm.s32 $0x5700;
	s21 =	sadd.s32 $0x60, s28;
	[sflag:s10] =	ssyncadd.s32 $0xFFFFFF80  }
0x5c: {  	[tilespmem:s18], [sflag:$0x11] =	stream.linear.gather [hbm4b:s21+s3], $0x80, $0x38;
	[tilespmem:$0xD800] =	vst v63  }
0x5d: {  	_ =	swait.ge [sflag:s10], $0x80  }
0x5e: {  	[sflag:s10] =	ssyncset.done $0x0  }
0x5f: {  	s19 =	simm.s32 $0xB800;
	[sflag:s10] =	ssyncadd.s32 $0xFFFFFF80  }
0x60: {  	[tilespmem:s19], [sflag:$0x7] =	stream.indirect.gather [hbm4b:s4+s13], $0x20, s20, s13, $0xb8;
	[tilespmem:$0xD800] =	vst v63  }
0x61: {  	s29 =	simm.s32 $0x5380;
	s26 =	sadd.s32 $0x70, s26  }
0x62: {  	[tilespmem:s29], [sflag:$0x11] =	stream.linear.gather [hbm4b:s26+s3], $0x80, $0x38;
	[tilespmem:$0xD800] =	vst v63  }
0x63: {  	_ =	swait.ge [sflag:s10], $0x80  }
0x64: {  	[sflag:s10] =	ssyncset.done $0x0  }
0x65: {  	s28 =	sadd.s32 $0x70, s28;
	s20 =	simm.s32 $0x5780;
	[sflag:s10] =	ssyncadd.s32 $0xFFFFFF80  }
0x66: {  	[tilespmem:s20], [sflag:$0x11] =	stream.linear.gather [hbm4b:s28+s3], $0x80, $0x38;
	[tilespmem:$0xD800] =	vst v63  }
0x67: {  	_ =	swait.ge [sflag:s10], $0x80  }
0x68: {  	[sflag:s10] =	ssyncset.done $0x0  }
0x69: {  	s21 =	simm.s32 $0xC800;
	[sflag:s10] =	ssyncadd.s32 $0xFFFFFF80  }
0x6a: {  	[tilespmem:s21], [sflag:$0x8] =	stream.indirect.gather [hbm4b:s4+s13], $0x20, s29, s13, $0xb8;
	[tilespmem:$0xD800] =	vst v63  }
0x6b: {  	s29 =	simm.s32 $0x1  }
0x6c: {  	_ =	swait.ge [sflag:s29], $0x1000  }
0x6d: {  	[sflag:s29] =	ssyncset.done $0x0  }
0x6e: {  	[sflag:s29] =	ssyncadd.s32 $0xFFFFF000  }
0x6f: {  	[spmem:s2] =	stream.indirect.scatter.add.f32 [tilespmem:s1], [sflag:$0x9], $0x20, s31, s13, $0xb8;
	[tilespmem:$0xD800] =	vst v63  }
0x70: {  	s1 =	simm.s32 $0x2  }
0x71: {  	_ =	swait.ge [sflag:s1], $0x1000  }
0x72: {  	[sflag:s1] =	ssyncset.done $0x0  }
0x73: {  	[sflag:s1] =	ssyncadd.s32 $0xFFFFF000  }
0x74: {  	[spmem:s2] =	stream.indirect.scatter.add.f32 [tilespmem:s7], [sflag:$0xA], $0x20, s5, s13, $0xb8;
	[tilespmem:$0xD800] =	vst v63  }
0x75: {  	s7 =	simm.s32 $0x3  }
0x76: {  	_ =	swait.ge [sflag:s7], $0x1000  }
0x77: {  	[sflag:s7] =	ssyncset.done $0x0  }
0x78: {  	[sflag:s7] =	ssyncadd.s32 $0xFFFFF000  }
0x79: {  	[spmem:s2] =	stream.indirect.scatter.add.f32 [tilespmem:s6], [sflag:$0xB], $0x20, s8, s13, $0xb8;
	[tilespmem:$0xD800] =	vst v63  }
0x7a: {  	s8 =	simm.s32 $0x4  }
0x7b: {  	_ =	swait.ge [sflag:s8], $0x1000  }
0x7c: {  	[sflag:s8] =	ssyncset.done $0x0  }
0x7d: {  	[sflag:s8] =	ssyncadd.s32 $0xFFFFF000  }
0x7e: {  	[spmem:s2] =	stream.indirect.scatter.add.f32 [tilespmem:s12], [sflag:$0xC], $0x20, s11, s13, $0xb8;
	[tilespmem:$0xD800] =	vst v63  }
0x7f: {  	s12 =	simm.s32 $0x5  }
0x80: {  	_ =	swait.ge [sflag:s12], $0x1000  }
0x81: {  	[sflag:s12] =	ssyncset.done $0x0  }
0x82: {  	s26 =	simm.s32 $0x6;
	[sflag:s12] =	ssyncadd.s32 $0xFFFFF000  }
0x83: {  	[spmem:s2] =	stream.indirect.scatter.add.f32 [tilespmem:s15], [sflag:$0xD], $0x20, s14, s13, $0xb8;
	[tilespmem:$0xD800] =	vst v63  }
0x84: {  	_ =	swait.ge [sflag:s26], $0x1000  }
0x85: {  	[sflag:s26] =	ssyncset.done $0x0  }
0x86: {  	s28 =	simm.s32 $0x7;
	[sflag:s26] =	ssyncadd.s32 $0xFFFFF000  }
0x87: {  	[spmem:s2] =	stream.indirect.scatter.add.f32 [tilespmem:s17], [sflag:$0xE], $0x20, s16, s13, $0xb8;
	[tilespmem:$0xD800] =	vst v63  }
0x88: {  	_ =	swait.ge [sflag:s28], $0x1000  }
0x89: {  	[sflag:s28] =	ssyncset.done $0x0  }
0x8a: {  	s29 =	simm.s32 $0x8;
	[sflag:s28] =	ssyncadd.s32 $0xFFFFF000  }
0x8b: {  	[spmem:s2] =	stream.indirect.scatter.add.f32 [tilespmem:s19], [sflag:$0xF], $0x20, s18, s13, $0xb8;
	[tilespmem:$0xD800] =	vst v63  }
0x8c: {  	_ =	swait.ge [sflag:s29], $0x1000  }
0x8d: {  	[sflag:s29] =	ssyncset.done $0x0  }
0x8e: {  	s31 =	simm.s32 $0x9;
	[sflag:s29] =	ssyncadd.s32 $0xFFFFF000  }
0x8f: {  	[spmem:s2] =	stream.indirect.scatter.add.f32 [tilespmem:s21], [sflag:$0x10], $0x20, s20, s13, $0xb8;
	[tilespmem:$0xD800] =	vst v63  }
0x90: {  	_ =	swait.ge [sflag:s31], $0x1000  }
0x91: {  	[sflag:s31] =	ssyncset.done $0x0  }
0x92: {  	s20 =	simm.s32 $0xA;
	[sflag:s31] =	ssyncadd.s32 $0xFFFFF000  }
0x93: {  	_ =	swait.ge [sflag:s20], $0x1000  }
0x94: {  	[sflag:s20] =	ssyncset.done $0x0  }
0x95: {  	s21 =	simm.s32 $0xB;
	[sflag:s20] =	ssyncadd.s32 $0xFFFFF000  }
0x96: {  	_ =	swait.ge [sflag:s21], $0x1000  }
0x97: {  	[sflag:s21] =	ssyncset.done $0x0  }
0x98: {  	[sflag:s21] =	ssyncadd.s32 $0xFFFFF000  }
0x99: {  	_ =	swait.ge [sflag:s22], $0x1000  }
0x9a: {  	[sflag:s22] =	ssyncset.done $0x0  }
0x9b: {  	[sflag:s22] =	ssyncadd.s32 $0xFFFFF000  }
0x9c: {  	_ =	swait.ge [sflag:s23], $0x1000  }
0x9d: {  	[sflag:s23] =	ssyncset.done $0x0  }
0x9e: {  	[sflag:s23] =	ssyncadd.s32 $0xFFFFF000  }
0x9f: {  	_ =	swait.ge [sflag:s24], $0x1000  }
0xa0: {  	[sflag:s24] =	ssyncset.done $0x0  }
0xa1: {  	[sflag:s24] =	ssyncadd.s32 $0xFFFFF000  }
0xa2: {  	_ =	swait.ge [sflag:s25], $0x1000  }
0xa3: {  	[sflag:s25] =	ssyncset.done $0x0  }
0xa4: {  	[sflag:s25] =	ssyncadd.s32 $0xFFFFF000  }
0xa5: {  	s26 =	simm.s32 $0x80;
	_ =	swait.ge [sflag:s9], $0x1000  }
.LBB2_2:
0xa6: {  	s9 =	simm.s32 $0x10  }
0xa7: {  	s28 =	rddreg [dreg:$0x3];
	s29 =	smov.u32 s26;
	[sflag:s9] =	ssyncset.done $0x0  }
0xa8: {  	s28 =	sadd.s32 s29, s28;
	[sflag:s9] =	ssyncadd.s32 $0xFFFFF000  }
0xa9: {  	[tilespmem:s30], [sflag:$0x11] =	stream.linear.gather [hbm4b:s28+s3], $0x80, $0x38;
	[tilespmem:$0xD800] =	vst v63  }
0xaa: {  	_ =	swait.ge [sflag:s10], $0x80  }
0xab: {  	s30 =	rddreg [dreg:$0x4];
	[sflag:s10] =	ssyncset.done $0x0  }
0xac: {  	s1 =	simm.s32 $0x5400;
	[sflag:s10] =	ssyncadd.s32 $0xFFFFFF80;
	s29 =	sadd.s32 s29, s30  }
0xad: {  	[tilespmem:s1], [sflag:$0x11] =	stream.linear.gather [hbm4b:s29+s3], $0x80, $0x38;
	[tilespmem:$0xD800] =	vst v63  }
0xae: {  	_ =	swait.ge [sflag:s10], $0x80  }
0xaf: {  	[sflag:s10] =	ssyncset.done $0x0  }
0xb0: {  	s31 =	simm.s32 $0x5000;
	s1 =	simm.s32 $0x5800;
	[sflag:s10] =	ssyncadd.s32 $0xFFFFFF80  }
0xb1: {  	[tilespmem:s1], [sflag:$0x1] =	stream.indirect.gather [hbm4b:s4+s13], $0x20, s31, s13, $0xb8;
	[tilespmem:$0xD800] =	vst v63  }
0xb2: {  	s5 =	simm.s32 $0x5080;
	s30 =	sadd.s32 $0x10, s28  }
0xb3: {  	[tilespmem:s5], [sflag:$0x11] =	stream.linear.gather [hbm4b:s30+s3], $0x80, $0x38;
	[tilespmem:$0xD800] =	vst v63  }
0xb4: {  	_ =	swait.ge [sflag:s10], $0x80  }
0xb5: {  	[sflag:s10] =	ssyncset.done $0x0  }
0xb6: {  	s7 =	simm.s32 $0x5480;
	s30 =	sadd.s32 $0x10, s29;
	[sflag:s10] =	ssyncadd.s32 $0xFFFFFF80  }
0xb7: {  	[tilespmem:s7], [sflag:$0x11] =	stream.linear.gather [hbm4b:s30+s3], $0x80, $0x38;
	[tilespmem:$0xD800] =	vst v63  }
0xb8: {  	_ =	swait.ge [sflag:s10], $0x80  }
0xb9: {  	[sflag:s10] =	ssyncset.done $0x0  }
0xba: {  	s8 =	simm.s32 $0x6800;
	[sflag:s10] =	ssyncadd.s32 $0xFFFFFF80  }
0xbb: {  	[tilespmem:s8], [sflag:$0x2] =	stream.indirect.gather [hbm4b:s4+s13], $0x20, s5, s13, $0xb8;
	[tilespmem:$0xD800] =	vst v63  }
0xbc: {  	s16 =	simm.s32 $0x5100;
	s30 =	sadd.s32 $0x20, s28  }
0xbd: {  	[tilespmem:s16], [sflag:$0x11] =	stream.linear.gather [hbm4b:s30+s3], $0x80, $0x38;
	[tilespmem:$0xD800] =	vst v63  }
0xbe: {  	_ =	swait.ge [sflag:s10], $0x80  }
0xbf: {  	[sflag:s10] =	ssyncset.done $0x0  }
0xc0: {  	s0 =	simm.s32 $0x5500;
	s30 =	sadd.s32 $0x20, s29;
	[sflag:s10] =	ssyncadd.s32 $0xFFFFFF80  }
0xc1: {  	[tilespmem:s0], [sflag:$0x11] =	stream.linear.gather [hbm4b:s30+s3], $0x80, $0x38;
	[tilespmem:$0xD800] =	vst v63  }
0xc2: {  	_ =	swait.ge [sflag:s10], $0x80  }
0xc3: {  	[sflag:s10] =	ssyncset.done $0x0  }
0xc4: {  	s6 =	simm.s32 $0x7800;
	[sflag:s10] =	ssyncadd.s32 $0xFFFFFF80  }
0xc5: {  	[tilespmem:s6], [sflag:$0x3] =	stream.indirect.gather [hbm4b:s4+s13], $0x20, s16, s13, $0xb8;
	[tilespmem:$0xD800] =	vst v63  }
0xc6: {  	s17 =	simm.s32 $0x5180;
	s30 =	sadd.s32 $0x30, s28  }
0xc7: {  	[tilespmem:s17], [sflag:$0x11] =	stream.linear.gather [hbm4b:s30+s3], $0x80, $0x38;
	[tilespmem:$0xD800] =	vst v63  }
0xc8: {  	_ =	swait.ge [sflag:s10], $0x80  }
0xc9: {  	[sflag:s10] =	ssyncset.done $0x0  }
0xca: {  	s11 =	simm.s32 $0x5580;
	s30 =	sadd.s32 $0x30, s29;
	[sflag:s10] =	ssyncadd.s32 $0xFFFFFF80  }
0xcb: {  	[tilespmem:s11], [sflag:$0x11] =	stream.linear.gather [hbm4b:s30+s3], $0x80, $0x38;
	[tilespmem:$0xD800] =	vst v63  }
0xcc: {  	_ =	swait.ge [sflag:s10], $0x80  }
0xcd: {  	[sflag:s10] =	ssyncset.done $0x0  }
0xce: {  	s12 =	simm.s32 $0x8800;
	[sflag:s10] =	ssyncadd.s32 $0xFFFFFF80  }
0xcf: {  	[tilespmem:s12], [sflag:$0x4] =	stream.indirect.gather [hbm4b:s4+s13], $0x20, s17, s13, $0xb8;
	[tilespmem:$0xD800] =	vst v63  }
0xd0: {  	s18 =	simm.s32 $0x5200;
	s30 =	sadd.s32 $0x40, s28  }
0xd1: {  	[tilespmem:s18], [sflag:$0x11] =	stream.linear.gather [hbm4b:s30+s3], $0x80, $0x38;
	[tilespmem:$0xD800] =	vst v63  }
0xd2: {  	_ =	swait.ge [sflag:s10], $0x80  }
0xd3: {  	[sflag:s10] =	ssyncset.done $0x0  }
0xd4: {  	s14 =	simm.s32 $0x5600;
	s30 =	sadd.s32 $0x40, s29;
	[sflag:s10] =	ssyncadd.s32 $0xFFFFFF80  }
0xd5: {  	[tilespmem:s14], [sflag:$0x11] =	stream.linear.gather [hbm4b:s30+s3], $0x80, $0x38;
	[tilespmem:$0xD800] =	vst v63  }
0xd6: {  	_ =	swait.ge [sflag:s10], $0x80  }
0xd7: {  	[sflag:s10] =	ssyncset.done $0x0  }
0xd8: {  	s15 =	simm.s32 $0x9800;
	[sflag:s10] =	ssyncadd.s32 $0xFFFFFF80  }
0xd9: {  	[tilespmem:s15], [sflag:$0x5] =	stream.indirect.gather [hbm4b:s4+s13], $0x20, s18, s13, $0xb8;
	[tilespmem:$0xD800] =	vst v63  }
0xda: {  	s19 =	simm.s32 $0x5280;
	s30 =	sadd.s32 $0x50, s28  }
0xdb: {  	[tilespmem:s19], [sflag:$0x11] =	stream.linear.gather [hbm4b:s30+s3], $0x80, $0x38;
	[tilespmem:$0xD800] =	vst v63  }
0xdc: {  	_ =	swait.ge [sflag:s10], $0x80  }
0xdd: {  	[sflag:s10] =	ssyncset.done $0x0  }
0xde: {  	s16 =	simm.s32 $0x5680;
	s30 =	sadd.s32 $0x50, s29;
	[sflag:s10] =	ssyncadd.s32 $0xFFFFFF80  }
0xdf: {  	[tilespmem:s16], [sflag:$0x11] =	stream.linear.gather [hbm4b:s30+s3], $0x80, $0x38;
	[tilespmem:$0xD800] =	vst v63  }
0xe0: {  	_ =	swait.ge [sflag:s10], $0x80  }
0xe1: {  	[sflag:s10] =	ssyncset.done $0x0  }
0xe2: {  	s17 =	simm.s32 $0xA800;
	[sflag:s10] =	ssyncadd.s32 $0xFFFFFF80  }
0xe3: {  	[tilespmem:s17], [sflag:$0x6] =	stream.indirect.gather [hbm4b:s4+s13], $0x20, s19, s13, $0xb8;
	[tilespmem:$0xD800] =	vst v63  }
0xe4: {  	s5 =	simm.s32 $0x5300;
	s30 =	sadd.s32 $0x60, s28  }
0xe5: {  	[tilespmem:s5], [sflag:$0x11] =	stream.linear.gather [hbm4b:s30+s3], $0x80, $0x38;
	[tilespmem:$0xD800] =	vst v63  }
0xe6: {  	_ =	swait.ge [sflag:s10], $0x80  }
0xe7: {  	[sflag:s10] =	ssyncset.done $0x0  }
0xe8: {  	s18 =	simm.s32 $0x5700;
	s30 =	sadd.s32 $0x60, s29;
	[sflag:s10] =	ssyncadd.s32 $0xFFFFFF80  }
0xe9: {  	[tilespmem:s18], [sflag:$0x11] =	stream.linear.gather [hbm4b:s30+s3], $0x80, $0x38;
	[tilespmem:$0xD800] =	vst v63  }
0xea: {  	_ =	swait.ge [sflag:s10], $0x80  }
0xeb: {  	[sflag:s10] =	ssyncset.done $0x0  }
0xec: {  	s19 =	simm.s32 $0xB800;
	[sflag:s10] =	ssyncadd.s32 $0xFFFFFF80  }
0xed: {  	[tilespmem:s19], [sflag:$0x7] =	stream.indirect.gather [hbm4b:s4+s13], $0x20, s5, s13, $0xb8;
	[tilespmem:$0xD800] =	vst v63  }
0xee: {  	s28 =	sadd.s32 $0x70, s28;
	s5 =	simm.s32 $0x5380  }
0xef: {  	[tilespmem:s5], [sflag:$0x11] =	stream.linear.gather [hbm4b:s28+s3], $0x80, $0x38;
	[tilespmem:$0xD800] =	vst v63  }
0xf0: {  	_ =	swait.ge [sflag:s10], $0x80  }
0xf1: {  	[sflag:s10] =	ssyncset.done $0x0  }
0xf2: {  	s28 =	sadd.s32 $0x70, s29;
	s29 =	simm.s32 $0x5780;
	[sflag:s10] =	ssyncadd.s32 $0xFFFFFF80  }
0xf3: {  	[tilespmem:s29], [sflag:$0x11] =	stream.linear.gather [hbm4b:s28+s3], $0x80, $0x38;
	[tilespmem:$0xD800] =	vst v63  }
0xf4: {  	_ =	swait.ge [sflag:s10], $0x80  }
0xf5: {  	[sflag:s10] =	ssyncset.done $0x0  }
0xf6: {  	s28 =	simm.s32 $0xC800;
	[sflag:s10] =	ssyncadd.s32 $0xFFFFFF80  }
0xf7: {  	[tilespmem:s28], [sflag:$0x8] =	stream.indirect.gather [hbm4b:s4+s13], $0x20, s5, s13, $0xb8;
	[tilespmem:$0xD800] =	vst v63  }
0xf8: {  	s5 =	simm.s32 $0x1  }
0xf9: {  	_ =	swait.ge [sflag:s5], $0x1000  }
0xfa: {  	[sflag:s5] =	ssyncset.done $0x0  }
0xfb: {  	s31 =	simm.s32 $0x5400;
	[sflag:s5] =	ssyncadd.s32 $0xFFFFF000;
	s5 =	simm.s32 $0x2  }
0xfc: {  	[spmem:s2] =	stream.indirect.scatter.add.f32 [tilespmem:s1], [sflag:$0x9], $0x20, s31, s13, $0xb8;
	[tilespmem:$0xD800] =	vst v63  }
0xfd: {  	_ =	swait.ge [sflag:s5], $0x1000  }
0xfe: {  	[sflag:s5] =	ssyncset.done $0x0  }
0xff: {  	[sflag:s5] =	ssyncadd.s32 $0xFFFFF000  }
0x100: {  	[spmem:s2] =	stream.indirect.scatter.add.f32 [tilespmem:s8], [sflag:$0xA], $0x20, s7, s13, $0xb8;
	[tilespmem:$0xD800] =	vst v63  }
0x101: {  	s7 =	simm.s32 $0x3  }
0x102: {  	_ =	swait.ge [sflag:s7], $0x1000  }
0x103: {  	[sflag:s7] =	ssyncset.done $0x0  }
0x104: {  	s8 =	simm.s32 $0x4;
	[sflag:s7] =	ssyncadd.s32 $0xFFFFF000  }
0x105: {  	[spmem:s2] =	stream.indirect.scatter.add.f32 [tilespmem:s6], [sflag:$0xB], $0x20, s0, s13, $0xb8;
	[tilespmem:$0xD800] =	vst v63  }
0x106: {  	_ =	swait.ge [sflag:s8], $0x1000  }
0x107: {  	[sflag:s8] =	ssyncset.done $0x0  }
0x108: {  	[sflag:s8] =	ssyncadd.s32 $0xFFFFF000  }
0x109: {  	[spmem:s2] =	stream.indirect.scatter.add.f32 [tilespmem:s12], [sflag:$0xC], $0x20, s11, s13, $0xb8;
	[tilespmem:$0xD800] =	vst v63  }
0x10a: {  	s12 =	simm.s32 $0x5  }
0x10b: {  	_ =	swait.ge [sflag:s12], $0x1000  }
0x10c: {  	[sflag:s12] =	ssyncset.done $0x0  }
0x10d: {  	[sflag:s12] =	ssyncadd.s32 $0xFFFFF000  }
0x10e: {  	[spmem:s2] =	stream.indirect.scatter.add.f32 [tilespmem:s15], [sflag:$0xD], $0x20, s14, s13, $0xb8;
	[tilespmem:$0xD800] =	vst v63  }
0x10f: {  	s15 =	simm.s32 $0x6  }
0x110: {  	_ =	swait.ge [sflag:s15], $0x1000  }
0x111: {  	[sflag:s15] =	ssyncset.done $0x0  }
0x112: {  	[sflag:s15] =	ssyncadd.s32 $0xFFFFF000  }
0x113: {  	[spmem:s2] =	stream.indirect.scatter.add.f32 [tilespmem:s17], [sflag:$0xE], $0x20, s16, s13, $0xb8;
	[tilespmem:$0xD800] =	vst v63  }
0x114: {  	s17 =	simm.s32 $0x7  }
0x115: {  	_ =	swait.ge [sflag:s17], $0x1000  }
0x116: {  	[sflag:s17] =	ssyncset.done $0x0  }
0x117: {  	[sflag:s17] =	ssyncadd.s32 $0xFFFFF000  }
0x118: {  	[spmem:s2] =	stream.indirect.scatter.add.f32 [tilespmem:s19], [sflag:$0xF], $0x20, s18, s13, $0xb8;
	[tilespmem:$0xD800] =	vst v63  }
0x119: {  	s19 =	simm.s32 $0x8  }
0x11a: {  	_ =	swait.ge [sflag:s19], $0x1000  }
0x11b: {  	[sflag:s19] =	ssyncset.done $0x0  }
0x11c: {  	[sflag:s19] =	ssyncadd.s32 $0xFFFFF000  }
0x11d: {  	[spmem:s2] =	stream.indirect.scatter.add.f32 [tilespmem:s28], [sflag:$0x10], $0x20, s29, s13, $0xb8;
	[tilespmem:$0xD800] =	vst v63  }
0x11e: {  	s29 =	simm.s32 $0x9  }
0x11f: {  	_ =	swait.ge [sflag:s29], $0x1000  }
0x120: {  	[sflag:s29] =	ssyncset.done $0x0  }
0x121: {  	[sflag:s29] =	ssyncadd.s32 $0xFFFFF000  }
0x122: {  	_ =	swait.ge [sflag:s20], $0x1000  }
0x123: {  	[sflag:s20] =	ssyncset.done $0x0  }
0x124: {  	[sflag:s20] =	ssyncadd.s32 $0xFFFFF000  }
0x125: {  	_ =	swait.ge [sflag:s21], $0x1000  }
0x126: {  	[sflag:s21] =	ssyncset.done $0x0  }
0x127: {  	[sflag:s21] =	ssyncadd.s32 $0xFFFFF000  }
0x128: {  	_ =	swait.ge [sflag:s22], $0x1000  }
0x129: {  	[sflag:s22] =	ssyncset.done $0x0  }
0x12a: {  	[sflag:s22] =	ssyncadd.s32 $0xFFFFF000  }
0x12b: {  	_ =	swait.ge [sflag:s23], $0x1000  }
0x12c: {  	[sflag:s23] =	ssyncset.done $0x0  }
0x12d: {  	[sflag:s23] =	ssyncadd.s32 $0xFFFFF000  }
0x12e: {  	_ =	swait.ge [sflag:s24], $0x1000  }
0x12f: {  	p0 =	sne.s32 s26, $0x200;
	[sflag:s24] =	ssyncset.done $0x0  }
.Ltmp0:
0x130: {  	[sflag:s24] =	ssyncadd.s32 $0xFFFFF000;
	(pc) =	sbr.rel @p0 .LBB2_2-.Ltmp0, $4  }
0x131: {  	_ =	swait.ge [sflag:s25], $0x1000  }
0x132: {  	[sflag:s25] =	ssyncset.done $0x0  }
0x133: {  	[sflag:s25] =	ssyncadd.s32 $0xFFFFF000  }
0x134: {  	s26 =	sadd.s32 $0x80, s26;
	s30 =	simm.s32 $0x5000;
	_ =	swait.ge [sflag:s9], $0x1000  }
0x135: {  	s0 =	simm.s32 $0x10  }
0x136: {  	[sflag:s0] =	ssyncset.done $0x0  }
0x137: {  	[sflag:s0] =	ssyncadd.s32 $0xFFFFF000  }
0x138: {  	[bflag:$0x0] =	sbarrier.arrive $0xFFFF  }
0x139: {  	s28 =	rddreg [dreg:$0x6]  }
0x13a: {  	s26 =	rddreg [dreg:$0x7]  }
0x13b: {  	s29 =	rddreg [dreg:$0x9]  }
0x13c: {  	[hbm:s26], [sflag:s28] =	dma.local [spmem:s29], $0xA00  }
0x13d: {  	_ =	swait.ge [sflag:s10], $0xA00  }
0x13e: {  	s20 =	rddreg [dreg:$0xa]  }
0x13f: {  	s21 =	rddreg [dreg:$0x8];
	s0 =	sadd.s32 $0x1, s20  }
0x140: {  	p0 =	sne.s32 s0, s21  }
.Ltmp1:
0x141: {  	_ = 	snop;
	(pc) =	sbr.rel @p0 .LBB2_1-.Ltmp1, $3  }
0x142: {  	_ =	sdelay $0x1  }
0x143: {  	[sflag:s10] =	ssyncset.done $0x0  }
0x144: {  	s9 =	simm.s32 $0x10;
	[sflag:s10] =	ssyncadd.s32 $0xFFFFF600  }
0x145: {  	_ =	sfence.sel $0x180000  }
0x146: {  	[bflag:$0x0] =	sbarrier.arrive $0xFFFF  }
0x147: {  	_ =	strace $0x9000004A  }
0x148: {  	s0 =	stileid.u32;
	[bflag:$0x2] =	sbarrier.arrive $0xFFFF  }
0x149: {  	p0 =	sne.s32 s0, $0x0;
	s0 =	rddreg [dreg:$0x2]  }
0x14a: {  	s0 =	sadd.s32 @!p0 $0x100000, s0  }
0x14b: {  	[sflag:s0] =	ssyncadd.tile.s32 @!p0 $0x1;
	_ =	shalt  }
.Lfunc_end2:
_tile_overlayer_lowered:
.L_overlay_start_2:
0x14c: {  	(tag) =	ssettag $0x2  }
0x14d: {  	s0 =	rddreg [dreg:$0x0];
	s2 =	stileid.u32  }
0x14e: {  	s1 =	rddreg [dreg:$0x1];
	p0 =	sne.s32 s2, $0x0  }
0x14f: {  	s3 =	rddreg [dreg:$0x2];
	[bflag:$0x3] =	sbarrier.arrive $0xFFFF;
	s2 =	simm.s32 @!p0 $0x1C11  }
0x150: {  	[timem:s3], [sflag:s2] =	dma.local @!p0 [hbm:s0], s1  }
0x151: {  	s0 =	simm.s32 @!p0 $0x11  }
0x152: {  	_ =	swait.ge @!p0 [sflag:s0], s1  }
0x153: {  	s1 =	ssub.s32 @!p0 $0x0, s1;
	[sflag:s0] =	ssyncset.done @!p0 $0x0  }
0x154: {  	[sflag:s0] =	ssyncadd.s32 @!p0 s1  }
0x155: {  	[bflag:$0x3] =	sbarrier.arrive $0xFFFF  }
0x156: {  	_ =	shalt  }

// kernel: kernel.21.cloned.1.call-start
scs
__scs_entry_jumppad:
0x0: {  	(pc) =	sbr.rel $0x88, $3  }
0x1: {  	(tag) =	ssettag $0x0;
	lr =	simm.s32 $0x1  }
0x2: {  	[smem:$0x3F6F] =	sst lr;
	_ =	strace $0xD0000000  }
0x3: {  	_ = 	snop  }
0x4: {  	_ = 	snop  }
0x5: {  	_ = 	snop  }
0x6: {  	_ = 	snop  }
0x7: {  	_ = 	snop  }
__scs_overlays_trampoline_lowered:
0x8: {  	[smem:$0x3F7E] =	sst s0  }
0x9: {  	[smem:$0x3F7F] =	sst s1  }
0xa: {  	[smem:$0x3F80] =	sst s2  }
0xb: {  	[smem:$0x3F81] =	sst s3  }
0xc: {  	[smem:$0x3F82] =	sst s4  }
0xd: {  	[smem:$0x3F83] =	sst s5  }
0xe: {  	[smem:$0x3F84] =	sst s6  }
0xf: {  	[smem:$0x3F85] =	sst s7  }
0x10: {  	[smem:$0x3F86] =	sst s8  }
0x11: {  	[smem:$0x3F87] =	sst s9;
	s0 =	simm.s32 @!p0 $0x0  }
0x12: {  	s1 =	sld [smem:$0x3F6D];
	s0 =	simm.s32 @p0 $0x1  }
0x13: {  	[smem:$0x3F88] =	sst s0;
	s0 =	simm.s32 @!p1 $0x0  }
0x14: {  	s2 =	sld [smem:$0x3F6C];
	s0 =	simm.s32 @p1 $0x1  }
0x15: {  	[smem:$0x3F89] =	sst s0;
	s0 =	simm.s32 @!p2 $0x0  }
0x16: {  	s3 =	sld [smem:$0x3FDB];
	s0 =	simm.s32 @p2 $0x1  }
0x17: {  	s4 =	simm.s32 $0x1BF5;
	[smem:$0x3F8B] =	sst s0  }
0x18: {  	s0 =	sld [smem:$0x3F6E];
	_ =	swait.ge [sflag:s4], $0x0  }
0x19: {  	s7 =	sld [smem:$0x3F6F]  }
0x1a: {  	s8 =	sadd.s32 $0xFFFFE003, lr  }
0x1b: {  	s9 =	sadd.s32 $0xFFFFFEF7, lr;
	s5 =	simm.s32 $0xFFFFFFFF;
	p2 =	slt.u32 s8, $0xFFFFF086  }
0x1c: {  	p1 =	slt.u32 s9, $0xF7A;
	s5 =	simm.s32 @!p2 $0x0  }
0x1d: {  	s5 =	simm.s32 @p1 $0x1;
	p0 =	seq.s32 s7, s2  }
0x1e: {  	s7 =	smul.u32 @!p0 $0xF7A, s2;
	p2 =	seq.s32 @!p0 s5, $0x0  }
0x1f: {  	s9 =	smul.u32 $0xF7A, s1;
	s8 =	simm.s32 @!p0 $0x1BF5;
	p2 =	por !p2, p0  }
0x20: {  	[sflag:s8] =	ssyncset.s32 @!p0 $0xFFFFF086;
	s6 =	sadd.s32 @!p0 s3, s7;
	s7 =	simm.s32 @!p0 $0x108  }
0x21: {  	s3 =	sadd.s32 s3, s9;
	s6 =	sadd.s32 @!p0 $0x88, s6;
	s7 =	simm.s32 @p2 $0x1082  }
0x22: {  	[simem:s7], [sflag:s8] =	dma.local @!p0 [hbm:s6], $0xF7A  }
0x23: {  	s9 =	sor.u32 $0xD0000000, s2;
	s6 =	simm.s32 $0x108;
	_ =	swait.ge @!p0 [sflag:s8], $0x0  }
0x24: {  	s3 =	sadd.s32 $0x88, s3;
	s6 =	simm.s32 @!p1 $0x1082;
	[sflag:s4] =	ssyncset.s32 $0xFFFFF086  }
0x25: {  	[simem:s6], [sflag:s4] =	dma.local [hbm:s3], $0xF7A  }
0x26: {  	[smem:$0x3F6F] =	sst s1;
	(tag) =	ssettag s2;
	_ =	strace s9  }
0x27: {  	s1 =	sld [smem:$0x3F7F]  }
0x28: {  	s2 =	sld [smem:$0x3F80]  }
0x29: {  	s4 =	sld [smem:$0x3F82]  }
0x2a: {  	p0 =	seq.s32 s5, $0x0;
	s5 =	sld [smem:$0x3F83]  }
0x2b: {  	s6 =	sld [smem:$0x3F84]  }
0x2c: {  	s7 =	sld [smem:$0x3F85]  }
0x2d: {  	s3 =	simm.s32 $0x108;
	s8 =	sld [smem:$0x3F86]  }
0x2e: {  	s3 =	simm.s32 @!p0 $0x1082;
	s9 =	sld [smem:$0x3F87]  }
0x2f: {  	lr =	sadd.s32 s0, s3;
	s0 =	sld [smem:$0x3F7E]  }
0x30: {  	s3 =	sld [smem:$0x3F81]  }
0x31: {  	[smem:$0x3F8A] =	sst s10  }
0x32: {  	s10 =	sld [smem:$0x3F88];
	_ =	sdelay $0x3  }
0x33: {  	p0 =	seq.s32 s10, $0x1;
	s10 =	sld [smem:$0x3F8A];
	_ =	sdelay $0x3  }
0x34: {  	[smem:$0x3F8A] =	sst s10  }
0x35: {  	s10 =	sld [smem:$0x3F89];
	_ =	sdelay $0x3  }
0x36: {  	p1 =	seq.s32 s10, $0x1;
	s10 =	sld [smem:$0x3F8A];
	_ =	sdelay $0x3  }
0x37: {  	[smem:$0x3F8A] =	sst s10  }
0x38: {  	s10 =	sld [smem:$0x3F8B]  }
0x39: {  	_ = 	snop;
	(pc) =	sbr.ind lr, $3  }
0x3a: {  	_ = 	snop  }
0x3b: {  	_ = 	snop  }
0x3c: {  	p2 =	seq.s32 s10, $0x1;
	s10 =	sld [smem:$0x3F8A]  }
0x3d: {  	_ =	shalt  }
0x3e: {  	_ =	shalt  }
0x3f: {  	_ =	shalt  }
0x40: {  	_ =	shalt  }
0x41: {  	_ =	shalt  }
0x42: {  	_ =	shalt  }
0x43: {  	_ =	shalt  }
0x44: {  	_ =	shalt  }
0x45: {  	_ =	shalt  }
0x46: {  	_ =	shalt  }
0x47: {  	_ =	shalt  }
0x48: {  	_ =	shalt  }
0x49: {  	_ =	shalt  }
0x4a: {  	_ =	shalt  }
0x4b: {  	_ =	shalt  }
0x4c: {  	_ =	shalt  }
0x4d: {  	_ =	shalt  }
0x4e: {  	_ =	shalt  }
0x4f: {  	_ =	shalt  }
0x50: {  	_ =	shalt  }
0x51: {  	_ =	shalt  }
0x52: {  	_ =	shalt  }
0x53: {  	_ =	shalt  }
0x54: {  	_ =	shalt  }
0x55: {  	_ =	shalt  }
0x56: {  	_ =	shalt  }
0x57: {  	_ =	shalt  }
0x58: {  	_ =	shalt  }
0x59: {  	_ =	shalt  }
0x5a: {  	_ =	shalt  }
0x5b: {  	_ =	shalt  }
0x5c: {  	_ =	shalt  }
0x5d: {  	_ =	shalt  }
0x5e: {  	_ =	shalt  }
0x5f: {  	_ =	shalt  }
0x60: {  	_ =	shalt  }
0x61: {  	_ =	shalt  }
0x62: {  	_ =	shalt  }
0x63: {  	_ =	shalt  }
0x64: {  	_ =	shalt  }
0x65: {  	_ =	shalt  }
0x66: {  	_ =	shalt  }
0x67: {  	_ =	shalt  }
0x68: {  	_ =	shalt  }
0x69: {  	_ =	shalt  }
0x6a: {  	_ =	shalt  }
0x6b: {  	_ =	shalt  }
0x6c: {  	_ =	shalt  }
0x6d: {  	_ =	shalt  }
0x6e: {  	_ =	shalt  }
0x6f: {  	_ =	shalt  }
0x70: {  	_ =	shalt  }
0x71: {  	_ =	shalt  }
0x72: {  	_ =	shalt  }
0x73: {  	_ =	shalt  }
0x74: {  	_ =	shalt  }
0x75: {  	_ =	shalt  }
0x76: {  	_ =	shalt  }
0x77: {  	_ =	shalt  }
0x78: {  	_ =	shalt  }
0x79: {  	_ =	shalt  }
0x7a: {  	_ =	shalt  }
0x7b: {  	_ =	shalt  }
0x7c: {  	_ =	shalt  }
0x7d: {  	_ =	shalt  }
0x7e: {  	_ =	shalt  }
0x7f: {  	_ =	shalt  }
0x80: {  	_ =	shalt  }
0x81: {  	_ =	shalt  }
0x82: {  	_ =	shalt  }
0x83: {  	_ =	shalt  }
0x84: {  	_ =	shalt  }
0x85: {  	_ =	shalt  }
0x86: {  	_ =	shalt  }
0x87: {  	_ =	shalt  }
.Lfunc_end0:
.L_simem_size_0:
called_computation.2_lowered:
.L_overlay_start_0:
0x88: {  	s2 =	sld [smem:$0x3FD9]  }
0x89: {  	s3 =	sld [smem:$0x3FFE];
	_ =	sdelay $0x1  }
0x8a: {  	s1 =	srdreg.scid  }
0x8b: {  	s0 =	sand.u32 $0x1, s1  }
0x8c: {  	s16 =	sshll.u32 s0, $0xA;
	s2 =	sadd.s32 s3, s2  }
0x8d: {  	s2 =	sadd.s32 s2, s16  }
0x8e: {  	[smem:$0x3F96] =	sst s2  }
0x8f: {  	_ = 	snop  }
0x90: {  	(tm) =	ssettm $0x1  }
0x91: {  	s17 =	sld [smem:$0x3FFB];
	_ =	sdelay $0x3  }
0x92: {  	_ =	strace s17  }
0x93: {  	s2 =	sld [smem:$0x3FFC];
	_ =	sdelay $0x3  }
0x94: {  	_ =	strace s2  }
0x95: {  	s2 =	sld [smem:$0x3FFD];
	_ =	sdelay $0x3  }
0x96: {  	_ =	strace s2  }
0x97: {  	_ =	strace $0x8FFFFFFF  }
0x98: {  	s18 =	sld [smem:$0x3FDB];
	_ =	sdelay $0x1  }
0x99: {  	s19 =	simm.s32 $_scs_section_size  }
0x9a: {  	s4 =	simm.s32 $_size__tile_overlayer_lowered;
	s5 =	simm.s32 $_tile_overlayer_lowered  }
0x9b: {  	s22 =	simm.s32 $0x1BFF;
	s21 =	sshll.u32 s5, $0x1;
	s2 =	sadd.s32 s19, s18  }
0x9c: {  	s6 =	simm.s32 $0x0;
	s20 =	sshll.u32 s4, $0x1;
	s4 =	sadd.s32 s21, s2  }
0x9d: {  	[timem:s6], [sflag:s22] =	dma.local [hbm:s4], s20  }
0x9e: {  	_ =	swait.ge [sflag:s22], s20  }
0x9f: {  	s3 =	ssub.s32 $0x0, s20;
	[sflag:s22] =	ssyncset.done $0x0  }
0xa0: {  	[sflag:s22] =	ssyncadd.s32 s3;
	_ =	sdelay $0x1  }
0xa1: {  	s23 =	simm.s32 $0x1B8B  }
0xa2: {  	_ =	swait.ge [sflag:s23], $0x1  }
0xa3: {  	[sflag:s23] =	ssyncset.done $0x0  }
0xa4: {  	s25 =	simm.s32 $0x1B8E;
	s24 =	sld [smem:$0x3FFE];
	[sflag:s23] =	ssyncadd.s32 $0xFFFFFFFF  }
0xa5: {  	s26 =	simm.s32 $execute0_lowered;
	[smem:$0x3FD2] =	sst s25  }
0xa6: {  	s4 =	sshll.u32 s26, $0x1;
	_ =	strace $0x8000004C;
	[dreg:$0x1] =	wrdreg $0xFFFFFFFF  }
0xa7: {  	s28 =	simm.s32 $_size_execute0_lowered;
	s2 =	sadd.s32 s2, s4;
	[dreg:$0x0] =	wrdreg $0x0  }
0xa8: {  	s4 =	sshll.u32 s28, $0x1;
	[dreg:$0x2] =	wrdreg s2  }
0xa9: {  	[dreg:$0x3] =	wrdreg s4  }
0xaa: {  	[dreg:$0x4] =	wrdreg $0xC0  }
0xab: {  	_ =	task [dreg:s6], $0x5FFFF  }
0xac: {  	[dreg:$0x1] =	wrdreg $0xFFFFFFFF  }
0xad: {  	[dreg:$0x0] =	wrdreg $0x60  }
0xae: {  	[dreg:$0x2] =	wrdreg s24  }
0xaf: {  	[dreg:$0x3] =	wrdreg $0x0  }
0xb0: {  	[dreg:$0x4] =	wrdreg $0x9  }
0xb1: {  	_ =	task.clear_ibuf [dreg:s6], $0x5FFFF;
	_ =	strace $0x9000004C  }
0xb2: {  	s29 =	simm.s32 $0x9;
	_ =	strace $0x8000004E  }
0xb3: {  	_ =	swait.ge [sflag:s29], $0x1  }
0xb4: {  	[sflag:s29] =	ssyncadd.s32 $0xFFFFFFFF  }
0xb5: {  	_ =	strace $0x9000004E  }
0xb6: {  	_ =	sfence  }
0xb7: {  	s30 =	sld [smem:$0x0];
	_ =	sdelay $0x2  }
0xb8: {  	s31 =	sshll.u32 s1, $0xD;
	s1 =	sshrl.u32 s1, $0x2  }
0xb9: {  	s3 =	sand.u32 $0x4000, s31;
	s1 =	sadd.s32 s1, s30  }
0xba: {  	s0 =	sor.u32 s3, s0;
	s1 =	sshll.u32 s1, $0x11  }
0xbb: {  	s0 =	sor.u32 s1, s0  }
0xbc: {  	s0 =	sadd.s32 $0x8F2B, s0  }
0xbd: {  	[sflag:s0] =	ssyncadd.remote.s32 $0x1  }
0xbe: {  	_ =	sfence.sel $0xFFFF  }
0xbf: {  	[dreg:$0x0] =	wrdreg $0xFFFFFFFF;
	(pc) =	sbr.abs _section_cstart, $3  }
0xc0: {  	[dreg:$0x1] =	wrdreg $0xFFFFFFFF  }
0xc1: {  	_ =	task.clear_ibuf [dreg:s6], $0x2FFFF;
	_ =	strace $0x9FFFFFFF  }
0xc2: {  	(tm) =	ssettm $0x7FFFFFFF  }
0xc3: {  	_ =	shalt  }
tec
execute0_lowered:
.L_overlay_start_1:
0x0: {  	(tag) =	ssettag $0x1  }
0x1: {  	s0 =	srdreg.scid  }
0x2: {  	s1 =	rddreg [dreg:$0x0];
	s10 =	stileid.u32  }
0x3: {  	s2 =	rddreg [dreg:$0x1];
	s3 =	simm.s32 $0x0;
	s5 =	smul.u32 $0x1400, s10  }
0x4: {  	s30 =	simm.s32 $0x5000;
	s31 =	simm.s32 $0x5400;
	s6 =	smul.u32 $0x5000, s10  }
0x5: {  	s13 =	simm.s32 $0x80;
	s0 =	sand.u32 $0x1, s0;
	s20 =	smul.u32 $0xA00, s10  }
0x6: {  	[smem:$0x7FF] =	sst s3;
	s24 =	sshll.u32 s10, $0x6;
	s4 =	smul.u32 $0x14000, s0  }
0x7: {  	s10 =	simm.s32 $0x11;
	_ =	strace $0x8000004D;
	s8 =	smul.u32 $0xA000, s0  }
0x8: {  	s0 =	ssub.s32 $0x2, s0;
	s28 =	sor.u32 $0x1C11, s24;
	s24 =	simm.s32 $0xE  }
0x9: {  	s9 =	sshrl.u32 s6, $0x3;
	s21 =	sshrl.u32 s0, $0x1;
	s22 =	sadd.s32 s6, s2  }
0xa: {  	[dreg:$0x6] =	wrdreg s28;
	s4 =	sadd.s32 s5, s4;
	s5 =	sadd.s32 s20, s8  }
0xb: {  	s9 =	sadd.s32 s9, s1;
	s0 =	ssub.s32 s0, s21;
	s29 =	sshrl.u32 s22, $0x3  }
0xc: {  	s22 =	simm.s32 $0xC;
	s7 =	sshrl.u32 s4, $0x3;
	s4 =	sadd.s32 $0xC200, s1  }
0xd: {  	s23 =	sadd.s32 $0x16000, s9;
	s0 =	smax.u32 s0, $0x1;
	[dreg:$0x9] =	wrdreg s29  }
0xe: {  	s7 =	sadd.s32 s7, s1;
	s1 =	sadd.s32 s5, s1;
	[dreg:$0x5] =	wrdreg s23  }
0xf: {  	s9 =	simm.s32 $0x10;
	[dreg:$0x8] =	wrdreg s0;
	s1 =	sadd.s32 $0x20000, s1  }
0x10: {  	s0 =	simm.s32 $0x0;
	s25 =	sadd.s32 $0x7200, s7;
	[dreg:$0x7] =	wrdreg s1  }
0x11: {  	s23 =	simm.s32 $0xD;
	s26 =	sadd.s32 $0xC3200, s7;
	[dreg:$0x3] =	wrdreg s25  }
0x12: {  	[dreg:$0x4] =	wrdreg s26;
	s1 =	simm.s32 $0x5800;
	s25 =	simm.s32 $0xF  }
.LBB2_1:
0x13: {  	[dreg:$0xa] =	wrdreg s0  }
0x14: {  	s26 =	rddreg [dreg:$0x5]  }
0x15: {  	[spmem:s29], [sflag:s28] =	dma.local [hbm:s26], $0xA00  }
0x16: {  	_ =	swait.ge [sflag:s10], $0xA00  }
0x17: {  	[sflag:s10] =	ssyncset.done $0x0  }
0x18: {  	[sflag:s10] =	ssyncadd.s32 $0xFFFFF600  }
0x19: {  	[bflag:$0x0] =	sbarrier.arrive $0xFFFF  }
0x1a: {  	s29 =	rddreg [dreg:$0x3]  }
0x1b: {  	s26 =	sadd.s32 $0x0, s29  }
0x1c: {  	[tilespmem:s30], [sflag:$0x11] =	stream.linear.gather [hbm4b:s26+s3], $0x80, $0x38;
	[tilespmem:$0xD800] =	vst v63  }
0x1d: {  	_ =	swait.ge [sflag:s10], $0x80  }
0x1e: {  	s0 =	rddreg [dreg:$0x4];
	[sflag:s10] =	ssyncset.done $0x0  }
0x1f: {  	[sflag:s10] =	ssyncadd.s32 $0xFFFFFF80;
	s28 =	sadd.s32 $0x0, s0  }
0x20: {  	[tilespmem:s31], [sflag:$0x11] =	stream.linear.gather [hbm4b:s28+s3], $0x80, $0x38;
	[tilespmem:$0xD800] =	vst v63  }
0x21: {  	_ =	swait.ge [sflag:s10], $0x80  }
0x22: {  	[sflag:s10] =	ssyncset.done $0x0  }
0x23: {  	[sflag:s10] =	ssyncadd.s32 $0xFFFFFF80  }
0x24: {  	[tilespmem:s1], [sflag:$0x1] =	stream.indirect.gather [hbm4b:s4+s13], $0x20, s30, s13, $0xb8;
	[tilespmem:$0xD800] =	vst v63  }
0x25: {  	s6 =	simm.s32 $0x5080;
	s5 =	sadd.s32 $0x10, s26  }
0x26: {  	[tilespmem:s6], [sflag:$0x11] =	stream.linear.gather [hbm4b:s5+s3], $0x80, $0x38;
	[tilespmem:$0xD800] =	vst v63  }
0x27: {  	_ =	swait.ge [sflag:s10], $0x80  }
0x28: {  	[sflag:s10] =	ssyncset.done $0x0  }
0x29: {  	s7 =	sadd.s32 $0x10, s28;
	s5 =	simm.s32 $0x5480;
	[sflag:s10] =	ssyncadd.s32 $0xFFFFFF80  }
0x2a: {  	[tilespmem:s5], [sflag:$0x11] =	stream.linear.gather [hbm4b:s7+s3], $0x80, $0x38;
	[tilespmem:$0xD800] =	vst v63  }
0x2b: {  	_ =	swait.ge [sflag:s10], $0x80  }
0x2c: {  	[sflag:s10] =	ssyncset.done $0x0  }
0x2d: {  	s7 =	simm.s32 $0x6800;
	[sflag:s10] =	ssyncadd.s32 $0xFFFFFF80  }
0x2e: {  	[tilespmem:s7], [sflag:$0x2] =	stream.indirect.gather [hbm4b:s4+s13], $0x20, s6, s13, $0xb8;
	[tilespmem:$0xD800] =	vst v63  }
0x2f: {  	s11 =	simm.s32 $0x5100;
	s8 =	sadd.s32 $0x20, s26  }
0x30: {  	[tilespmem:s11], [sflag:$0x11] =	stream.linear.gather [hbm4b:s8+s3], $0x80, $0x38;
	[tilespmem:$0xD800] =	vst v63  }
0x31: {  	_ =	swait.ge [sflag:s10], $0x80  }
0x32: {  	[sflag:s10] =	ssyncset.done $0x0  }
0x33: {  	s12 =	sadd.s32 $0x20, s28;
	s8 =	simm.s32 $0x5500;
	[sflag:s10] =	ssyncadd.s32 $0xFFFFFF80  }
0x34: {  	[tilespmem:s8], [sflag:$0x11] =	stream.linear.gather [hbm4b:s12+s3], $0x80, $0x38;
	[tilespmem:$0xD800] =	vst v63  }
0x35: {  	_ =	swait.ge [sflag:s10], $0x80  }
0x36: {  	[sflag:s10] =	ssyncset.done $0x0  }
0x37: {  	s6 =	simm.s32 $0x7800;
	[sflag:s10] =	ssyncadd.s32 $0xFFFFFF80  }
0x38: {  	[tilespmem:s6], [sflag:$0x3] =	stream.indirect.gather [hbm4b:s4+s13], $0x20, s11, s13, $0xb8;
	[tilespmem:$0xD800] =	vst v63  }
0x39: {  	s15 =	simm.s32 $0x5180;
	s14 =	sadd.s32 $0x30, s26  }
0x3a: {  	[tilespmem:s15], [sflag:$0x11] =	stream.linear.gather [hbm4b:s14+s3], $0x80, $0x38;
	[tilespmem:$0xD800] =	vst v63  }
0x3b: {  	_ =	swait.ge [sflag:s10], $0x80  }
0x3c: {  	[sflag:s10] =	ssyncset.done $0x0  }
0x3d: {  	s16 =	sadd.s32 $0x30, s28;
	s11 =	simm.s32 $0x5580;
	[sflag:s10] =	ssyncadd.s32 $0xFFFFFF80  }
0x3e: {  	[tilespmem:s11], [sflag:$0x11] =	stream.linear.gather [hbm4b:s16+s3], $0x80, $0x38;
	[tilespmem:$0xD800] =	vst v63  }
0x3f: {  	_ =	swait.ge [sflag:s10], $0x80  }
0x40: {  	[sflag:s10] =	ssyncset.done $0x0  }
0x41: {  	s12 =	simm.s32 $0x8800;
	[sflag:s10] =	ssyncadd.s32 $0xFFFFFF80  }
0x42: {  	[tilespmem:s12], [sflag:$0x4] =	stream.indirect.gather [hbm4b:s4+s13], $0x20, s15, s13, $0xb8;
	[tilespmem:$0xD800] =	vst v63  }
0x43: {  	s18 =	simm.s32 $0x5200;
	s17 =	sadd.s32 $0x40, s26  }
0x44: {  	[tilespmem:s18], [sflag:$0x11] =	stream.linear.gather [hbm4b:s17+s3], $0x80, $0x38;
	[tilespmem:$0xD800] =	vst v63  }
0x45: {  	_ =	swait.ge [sflag:s10], $0x80  }
0x46: {  	[sflag:s10] =	ssyncset.done $0x0  }
0x47: {  	s19 =	sadd.s32 $0x40, s28;
	s14 =	simm.s32 $0x5600;
	[sflag:s10] =	ssyncadd.s32 $0xFFFFFF80  }
0x48: {  	[tilespmem:s14], [sflag:$0x11] =	stream.linear.gather [hbm4b:s19+s3], $0x80, $0x38;
	[tilespmem:$0xD800] =	vst v63  }
0x49: {  	_ =	swait.ge [sflag:s10], $0x80  }
0x4a: {  	[sflag:s10] =	ssyncset.done $0x0  }
0x4b: {  	s15 =	simm.s32 $0x9800;
	[sflag:s10] =	ssyncadd.s32 $0xFFFFFF80  }
0x4c: {  	[tilespmem:s15], [sflag:$0x5] =	stream.indirect.gather [hbm4b:s4+s13], $0x20, s18, s13, $0xb8;
	[tilespmem:$0xD800] =	vst v63  }
0x4d: {  	s21 =	simm.s32 $0x5280;
	s20 =	sadd.s32 $0x50, s26  }
0x4e: {  	[tilespmem:s21], [sflag:$0x11] =	stream.linear.gather [hbm4b:s20+s3], $0x80, $0x38;
	[tilespmem:$0xD800] =	vst v63  }
0x4f: {  	_ =	swait.ge [sflag:s10], $0x80  }
0x50: {  	[sflag:s10] =	ssyncset.done $0x0  }
0x51: {  	s16 =	simm.s32 $0x5680;
	s18 =	sadd.s32 $0x50, s28;
	[sflag:s10] =	ssyncadd.s32 $0xFFFFFF80  }
0x52: {  	[tilespmem:s16], [sflag:$0x11] =	stream.linear.gather [hbm4b:s18+s3], $0x80, $0x38;
	[tilespmem:$0xD800] =	vst v63  }
0x53: {  	_ =	swait.ge [sflag:s10], $0x80  }
0x54: {  	[sflag:s10] =	ssyncset.done $0x0  }
0x55: {  	s17 =	simm.s32 $0xA800;
	[sflag:s10] =	ssyncadd.s32 $0xFFFFFF80  }
0x56: {  	[tilespmem:s17], [sflag:$0x6] =	stream.indirect.gather [hbm4b:s4+s13], $0x20, s21, s13, $0xb8;
	[tilespmem:$0xD800] =	vst v63  }
0x57: {  	s19 =	sadd.s32 $0x60, s26;
	s20 =	simm.s32 $0x5300  }
0x58: {  	[tilespmem:s20], [sflag:$0x11] =	stream.linear.gather [hbm4b:s19+s3], $0x80, $0x38;
	[tilespmem:$0xD800] =	vst v63  }
0x59: {  	_ =	swait.ge [sflag:s10], $0x80  }
0x5a: {  	[sflag:s10] =	ssyncset.done $0x0  }
0x5b: {  	s18 =	simm.s32 $0x5700;
	s21 =	sadd.s32 $0x60, s28;
	[sflag:s10] =	ssyncadd.s32 $0xFFFFFF80  }
0x5c: {  	[tilespmem:s18], [sflag:$0x11] =	stream.linear.gather [hbm4b:s21+s3], $0x80, $0x38;
	[tilespmem:$0xD800] =	vst v63  }
0x5d: {  	_ =	swait.ge [sflag:s10], $0x80  }
0x5e: {  	[sflag:s10] =	ssyncset.done $0x0  }
0x5f: {  	s19 =	simm.s32 $0xB800;
	[sflag:s10] =	ssyncadd.s32 $0xFFFFFF80  }
0x60: {  	[tilespmem:s19], [sflag:$0x7] =	stream.indirect.gather [hbm4b:s4+s13], $0x20, s20, s13, $0xb8;
	[tilespmem:$0xD800] =	vst v63  }
0x61: {  	s29 =	simm.s32 $0x5380;
	s26 =	sadd.s32 $0x70, s26  }
0x62: {  	[tilespmem:s29], [sflag:$0x11] =	stream.linear.gather [hbm4b:s26+s3], $0x80, $0x38;
	[tilespmem:$0xD800] =	vst v63  }
0x63: {  	_ =	swait.ge [sflag:s10], $0x80  }
0x64: {  	[sflag:s10] =	ssyncset.done $0x0  }
0x65: {  	s28 =	sadd.s32 $0x70, s28;
	s20 =	simm.s32 $0x5780;
	[sflag:s10] =	ssyncadd.s32 $0xFFFFFF80  }
0x66: {  	[tilespmem:s20], [sflag:$0x11] =	stream.linear.gather [hbm4b:s28+s3], $0x80, $0x38;
	[tilespmem:$0xD800] =	vst v63  }
0x67: {  	_ =	swait.ge [sflag:s10], $0x80  }
0x68: {  	[sflag:s10] =	ssyncset.done $0x0  }
0x69: {  	s21 =	simm.s32 $0xC800;
	[sflag:s10] =	ssyncadd.s32 $0xFFFFFF80  }
0x6a: {  	[tilespmem:s21], [sflag:$0x8] =	stream.indirect.gather [hbm4b:s4+s13], $0x20, s29, s13, $0xb8;
	[tilespmem:$0xD800] =	vst v63  }
0x6b: {  	s29 =	simm.s32 $0x1  }
0x6c: {  	_ =	swait.ge [sflag:s29], $0x1000  }
0x6d: {  	[sflag:s29] =	ssyncset.done $0x0  }
0x6e: {  	[sflag:s29] =	ssyncadd.s32 $0xFFFFF000  }
0x6f: {  	[spmem:s2] =	stream.indirect.scatter.add.f32 [tilespmem:s1], [sflag:$0x9], $0x20, s31, s13, $0xb8;
	[tilespmem:$0xD800] =	vst v63  }
0x70: {  	s1 =	simm.s32 $0x2  }
0x71: {  	_ =	swait.ge [sflag:s1], $0x1000  }
0x72: {  	[sflag:s1] =	ssyncset.done $0x0  }
0x73: {  	[sflag:s1] =	ssyncadd.s32 $0xFFFFF000  }
0x74: {  	[spmem:s2] =	stream.indirect.scatter.add.f32 [tilespmem:s7], [sflag:$0xA], $0x20, s5, s13, $0xb8;
	[tilespmem:$0xD800] =	vst v63  }
0x75: {  	s7 =	simm.s32 $0x3  }
0x76: {  	_ =	swait.ge [sflag:s7], $0x1000  }
0x77: {  	[sflag:s7] =	ssyncset.done $0x0  }
0x78: {  	[sflag:s7] =	ssyncadd.s32 $0xFFFFF000  }
0x79: {  	[spmem:s2] =	stream.indirect.scatter.add.f32 [tilespmem:s6], [sflag:$0xB], $0x20, s8, s13, $0xb8;
	[tilespmem:$0xD800] =	vst v63  }
0x7a: {  	s8 =	simm.s32 $0x4  }
0x7b: {  	_ =	swait.ge [sflag:s8], $0x1000  }
0x7c: {  	[sflag:s8] =	ssyncset.done $0x0  }
0x7d: {  	[sflag:s8] =	ssyncadd.s32 $0xFFFFF000  }
0x7e: {  	[spmem:s2] =	stream.indirect.scatter.add.f32 [tilespmem:s12], [sflag:$0xC], $0x20, s11, s13, $0xb8;
	[tilespmem:$0xD800] =	vst v63  }
0x7f: {  	s12 =	simm.s32 $0x5  }
0x80: {  	_ =	swait.ge [sflag:s12], $0x1000  }
0x81: {  	[sflag:s12] =	ssyncset.done $0x0  }
0x82: {  	s26 =	simm.s32 $0x6;
	[sflag:s12] =	ssyncadd.s32 $0xFFFFF000  }
0x83: {  	[spmem:s2] =	stream.indirect.scatter.add.f32 [tilespmem:s15], [sflag:$0xD], $0x20, s14, s13, $0xb8;
	[tilespmem:$0xD800] =	vst v63  }
0x84: {  	_ =	swait.ge [sflag:s26], $0x1000  }
0x85: {  	[sflag:s26] =	ssyncset.done $0x0  }
0x86: {  	s28 =	simm.s32 $0x7;
	[sflag:s26] =	ssyncadd.s32 $0xFFFFF000  }
0x87: {  	[spmem:s2] =	stream.indirect.scatter.add.f32 [tilespmem:s17], [sflag:$0xE], $0x20, s16, s13, $0xb8;
	[tilespmem:$0xD800] =	vst v63  }
0x88: {  	_ =	swait.ge [sflag:s28], $0x1000  }
0x89: {  	[sflag:s28] =	ssyncset.done $0x0  }
0x8a: {  	s29 =	simm.s32 $0x8;
	[sflag:s28] =	ssyncadd.s32 $0xFFFFF000  }
0x8b: {  	[spmem:s2] =	stream.indirect.scatter.add.f32 [tilespmem:s19], [sflag:$0xF], $0x20, s18, s13, $0xb8;
	[tilespmem:$0xD800] =	vst v63  }
0x8c: {  	_ =	swait.ge [sflag:s29], $0x1000  }
0x8d: {  	[sflag:s29] =	ssyncset.done $0x0  }
0x8e: {  	s31 =	simm.s32 $0x9;
	[sflag:s29] =	ssyncadd.s32 $0xFFFFF000  }
0x8f: {  	[spmem:s2] =	stream.indirect.scatter.add.f32 [tilespmem:s21], [sflag:$0x10], $0x20, s20, s13, $0xb8;
	[tilespmem:$0xD800] =	vst v63  }
0x90: {  	_ =	swait.ge [sflag:s31], $0x1000  }
0x91: {  	[sflag:s31] =	ssyncset.done $0x0  }
0x92: {  	s20 =	simm.s32 $0xA;
	[sflag:s31] =	ssyncadd.s32 $0xFFFFF000  }
0x93: {  	_ =	swait.ge [sflag:s20], $0x1000  }
0x94: {  	[sflag:s20] =	ssyncset.done $0x0  }
0x95: {  	s21 =	simm.s32 $0xB;
	[sflag:s20] =	ssyncadd.s32 $0xFFFFF000  }
0x96: {  	_ =	swait.ge [sflag:s21], $0x1000  }
0x97: {  	[sflag:s21] =	ssyncset.done $0x0  }
0x98: {  	[sflag:s21] =	ssyncadd.s32 $0xFFFFF000  }
0x99: {  	_ =	swait.ge [sflag:s22], $0x1000  }
0x9a: {  	[sflag:s22] =	ssyncset.done $0x0  }
0x9b: {  	[sflag:s22] =	ssyncadd.s32 $0xFFFFF000  }
0x9c: {  	_ =	swait.ge [sflag:s23], $0x1000  }
0x9d: {  	[sflag:s23] =	ssyncset.done $0x0  }
0x9e: {  	[sflag:s23] =	ssyncadd.s32 $0xFFFFF000  }
0x9f: {  	_ =	swait.ge [sflag:s24], $0x1000  }
0xa0: {  	[sflag:s24] =	ssyncset.done $0x0  }
0xa1: {  	[sflag:s24] =	ssyncadd.s32 $0xFFFFF000  }
0xa2: {  	_ =	swait.ge [sflag:s25], $0x1000  }
0xa3: {  	[sflag:s25] =	ssyncset.done $0x0  }
0xa4: {  	[sflag:s25] =	ssyncadd.s32 $0xFFFFF000  }
0xa5: {  	s26 =	simm.s32 $0x80;
	_ =	swait.ge [sflag:s9], $0x1000  }
.LBB2_2:
0xa6: {  	s9 =	simm.s32 $0x10  }
0xa7: {  	s28 =	rddreg [dreg:$0x3];
	s29 =	smov.u32 s26;
	[sflag:s9] =	ssyncset.done $0x0  }
0xa8: {  	s28 =	sadd.s32 s29, s28;
	[sflag:s9] =	ssyncadd.s32 $0xFFFFF000  }
0xa9: {  	[tilespmem:s30], [sflag:$0x11] =	stream.linear.gather [hbm4b:s28+s3], $0x80, $0x38;
	[tilespmem:$0xD800] =	vst v63  }
0xaa: {  	_ =	swait.ge [sflag:s10], $0x80  }
0xab: {  	s30 =	rddreg [dreg:$0x4];
	[sflag:s10] =	ssyncset.done $0x0  }
0xac: {  	s1 =	simm.s32 $0x5400;
	[sflag:s10] =	ssyncadd.s32 $0xFFFFFF80;
	s29 =	sadd.s32 s29, s30  }
0xad: {  	[tilespmem:s1], [sflag:$0x11] =	stream.linear.gather [hbm4b:s29+s3], $0x80, $0x38;
	[tilespmem:$0xD800] =	vst v63  }
0xae: {  	_ =	swait.ge [sflag:s10], $0x80  }
0xaf: {  	[sflag:s10] =	ssyncset.done $0x0  }
0xb0: {  	s31 =	simm.s32 $0x5000;
	s1 =	simm.s32 $0x5800;
	[sflag:s10] =	ssyncadd.s32 $0xFFFFFF80  }
0xb1: {  	[tilespmem:s1], [sflag:$0x1] =	stream.indirect.gather [hbm4b:s4+s13], $0x20, s31, s13, $0xb8;
	[tilespmem:$0xD800] =	vst v63  }
0xb2: {  	s5 =	simm.s32 $0x5080;
	s30 =	sadd.s32 $0x10, s28  }
0xb3: {  	[tilespmem:s5], [sflag:$0x11] =	stream.linear.gather [hbm4b:s30+s3], $0x80, $0x38;
	[tilespmem:$0xD800] =	vst v63  }
0xb4: {  	_ =	swait.ge [sflag:s10], $0x80  }
0xb5: {  	[sflag:s10] =	ssyncset.done $0x0  }
0xb6: {  	s7 =	simm.s32 $0x5480;
	s30 =	sadd.s32 $0x10, s29;
	[sflag:s10] =	ssyncadd.s32 $0xFFFFFF80  }
0xb7: {  	[tilespmem:s7], [sflag:$0x11] =	stream.linear.gather [hbm4b:s30+s3], $0x80, $0x38;
	[tilespmem:$0xD800] =	vst v63  }
0xb8: {  	_ =	swait.ge [sflag:s10], $0x80  }
0xb9: {  	[sflag:s10] =	ssyncset.done $0x0  }
0xba: {  	s8 =	simm.s32 $0x6800;
	[sflag:s10] =	ssyncadd.s32 $0xFFFFFF80  }
0xbb: {  	[tilespmem:s8], [sflag:$0x2] =	stream.indirect.gather [hbm4b:s4+s13], $0x20, s5, s13, $0xb8;
	[tilespmem:$0xD800] =	vst v63  }
0xbc: {  	s16 =	simm.s32 $0x5100;
	s30 =	sadd.s32 $0x20, s28  }
0xbd: {  	[tilespmem:s16], [sflag:$0x11] =	stream.linear.gather [hbm4b:s30+s3], $0x80, $0x38;
	[tilespmem:$0xD800] =	vst v63  }
0xbe: {  	_ =	swait.ge [sflag:s10], $0x80  }
0xbf: {  	[sflag:s10] =	ssyncset.done $0x0  }
0xc0: {  	s0 =	simm.s32 $0x5500;
	s30 =	sadd.s32 $0x20, s29;
	[sflag:s10] =	ssyncadd.s32 $0xFFFFFF80  }
0xc1: {  	[tilespmem:s0], [sflag:$0x11] =	stream.linear.gather [hbm4b:s30+s3], $0x80, $0x38;
	[tilespmem:$0xD800] =	vst v63  }
0xc2: {  	_ =	swait.ge [sflag:s10], $0x80  }
0xc3: {  	[sflag:s10] =	ssyncset.done $0x0  }
0xc4: {  	s6 =	simm.s32 $0x7800;
	[sflag:s10] =	ssyncadd.s32 $0xFFFFFF80  }
0xc5: {  	[tilespmem:s6], [sflag:$0x3] =	stream.indirect.gather [hbm4b:s4+s13], $0x20, s16, s13, $0xb8;
	[tilespmem:$0xD800] =	vst v63  }
0xc6: {  	s17 =	simm.s32 $0x5180;
	s30 =	sadd.s32 $0x30, s28  }
0xc7: {  	[tilespmem:s17], [sflag:$0x11] =	stream.linear.gather [hbm4b:s30+s3], $0x80, $0x38;
	[tilespmem:$0xD800] =	vst v63  }
0xc8: {  	_ =	swait.ge [sflag:s10], $0x80  }
0xc9: {  	[sflag:s10] =	ssyncset.done $0x0  }
0xca: {  	s11 =	simm.s32 $0x5580;
	s30 =	sadd.s32 $0x30, s29;
	[sflag:s10] =	ssyncadd.s32 $0xFFFFFF80  }
0xcb: {  	[tilespmem:s11], [sflag:$0x11] =	stream.linear.gather [hbm4b:s30+s3], $0x80, $0x38;
	[tilespmem:$0xD800] =	vst v63  }
0xcc: {  	_ =	swait.ge [sflag:s10], $0x80  }
0xcd: {  	[sflag:s10] =	ssyncset.done $0x0  }
0xce: {  	s12 =	simm.s32 $0x8800;
	[sflag:s10] =	ssyncadd.s32 $0xFFFFFF80  }
0xcf: {  	[tilespmem:s12], [sflag:$0x4] =	stream.indirect.gather [hbm4b:s4+s13], $0x20, s17, s13, $0xb8;
	[tilespmem:$0xD800] =	vst v63  }
0xd0: {  	s18 =	simm.s32 $0x5200;
	s30 =	sadd.s32 $0x40, s28  }
0xd1: {  	[tilespmem:s18], [sflag:$0x11] =	stream.linear.gather [hbm4b:s30+s3], $0x80, $0x38;
	[tilespmem:$0xD800] =	vst v63  }
0xd2: {  	_ =	swait.ge [sflag:s10], $0x80  }
0xd3: {  	[sflag:s10] =	ssyncset.done $0x0  }
0xd4: {  	s14 =	simm.s32 $0x5600;
	s30 =	sadd.s32 $0x40, s29;
	[sflag:s10] =	ssyncadd.s32 $0xFFFFFF80  }
0xd5: {  	[tilespmem:s14], [sflag:$0x11] =	stream.linear.gather [hbm4b:s30+s3], $0x80, $0x38;
	[tilespmem:$0xD800] =	vst v63  }
0xd6: {  	_ =	swait.ge [sflag:s10], $0x80  }
0xd7: {  	[sflag:s10] =	ssyncset.done $0x0  }
0xd8: {  	s15 =	simm.s32 $0x9800;
	[sflag:s10] =	ssyncadd.s32 $0xFFFFFF80  }
0xd9: {  	[tilespmem:s15], [sflag:$0x5] =	stream.indirect.gather [hbm4b:s4+s13], $0x20, s18, s13, $0xb8;
	[tilespmem:$0xD800] =	vst v63  }
0xda: {  	s19 =	simm.s32 $0x5280;
	s30 =	sadd.s32 $0x50, s28  }
0xdb: {  	[tilespmem:s19], [sflag:$0x11] =	stream.linear.gather [hbm4b:s30+s3], $0x80, $0x38;
	[tilespmem:$0xD800] =	vst v63  }
0xdc: {  	_ =	swait.ge [sflag:s10], $0x80  }
0xdd: {  	[sflag:s10] =	ssyncset.done $0x0  }
0xde: {  	s16 =	simm.s32 $0x5680;
	s30 =	sadd.s32 $0x50, s29;
	[sflag:s10] =	ssyncadd.s32 $0xFFFFFF80  }
0xdf: {  	[tilespmem:s16], [sflag:$0x11] =	stream.linear.gather [hbm4b:s30+s3], $0x80, $0x38;
	[tilespmem:$0xD800] =	vst v63  }
0xe0: {  	_ =	swait.ge [sflag:s10], $0x80  }
0xe1: {  	[sflag:s10] =	ssyncset.done $0x0  }
0xe2: {  	s17 =	simm.s32 $0xA800;
	[sflag:s10] =	ssyncadd.s32 $0xFFFFFF80  }
0xe3: {  	[tilespmem:s17], [sflag:$0x6] =	stream.indirect.gather [hbm4b:s4+s13], $0x20, s19, s13, $0xb8;
	[tilespmem:$0xD800] =	vst v63  }
0xe4: {  	s5 =	simm.s32 $0x5300;
	s30 =	sadd.s32 $0x60, s28  }
0xe5: {  	[tilespmem:s5], [sflag:$0x11] =	stream.linear.gather [hbm4b:s30+s3], $0x80, $0x38;
	[tilespmem:$0xD800] =	vst v63  }
0xe6: {  	_ =	swait.ge [sflag:s10], $0x80  }
0xe7: {  	[sflag:s10] =	ssyncset.done $0x0  }
0xe8: {  	s18 =	simm.s32 $0x5700;
	s30 =	sadd.s32 $0x60, s29;
	[sflag:s10] =	ssyncadd.s32 $0xFFFFFF80  }
0xe9: {  	[tilespmem:s18], [sflag:$0x11] =	stream.linear.gather [hbm4b:s30+s3], $0x80, $0x38;
	[tilespmem:$0xD800] =	vst v63  }
0xea: {  	_ =	swait.ge [sflag:s10], $0x80  }
0xeb: {  	[sflag:s10] =	ssyncset.done $0x0  }
0xec: {  	s19 =	simm.s32 $0xB800;
	[sflag:s10] =	ssyncadd.s32 $0xFFFFFF80  }
0xed: {  	[tilespmem:s19], [sflag:$0x7] =	stream.indirect.gather [hbm4b:s4+s13], $0x20, s5, s13, $0xb8;
	[tilespmem:$0xD800] =	vst v63  }
0xee: {  	s28 =	sadd.s32 $0x70, s28;
	s5 =	simm.s32 $0x5380  }
0xef: {  	[tilespmem:s5], [sflag:$0x11] =	stream.linear.gather [hbm4b:s28+s3], $0x80, $0x38;
	[tilespmem:$0xD800] =	vst v63  }
0xf0: {  	_ =	swait.ge [sflag:s10], $0x80  }
0xf1: {  	[sflag:s10] =	ssyncset.done $0x0  }
0xf2: {  	s28 =	sadd.s32 $0x70, s29;
	s29 =	simm.s32 $0x5780;
	[sflag:s10] =	ssyncadd.s32 $0xFFFFFF80  }
0xf3: {  	[tilespmem:s29], [sflag:$0x11] =	stream.linear.gather [hbm4b:s28+s3], $0x80, $0x38;
	[tilespmem:$0xD800] =	vst v63  }
0xf4: {  	_ =	swait.ge [sflag:s10], $0x80  }
0xf5: {  	[sflag:s10] =	ssyncset.done $0x0  }
0xf6: {  	s28 =	simm.s32 $0xC800;
	[sflag:s10] =	ssyncadd.s32 $0xFFFFFF80  }
0xf7: {  	[tilespmem:s28], [sflag:$0x8] =	stream.indirect.gather [hbm4b:s4+s13], $0x20, s5, s13, $0xb8;
	[tilespmem:$0xD800] =	vst v63  }
0xf8: {  	s5 =	simm.s32 $0x1  }
0xf9: {  	_ =	swait.ge [sflag:s5], $0x1000  }
0xfa: {  	[sflag:s5] =	ssyncset.done $0x0  }
0xfb: {  	s31 =	simm.s32 $0x5400;
	[sflag:s5] =	ssyncadd.s32 $0xFFFFF000;
	s5 =	simm.s32 $0x2  }
0xfc: {  	[spmem:s2] =	stream.indirect.scatter.add.f32 [tilespmem:s1], [sflag:$0x9], $0x20, s31, s13, $0xb8;
	[tilespmem:$0xD800] =	vst v63  }
0xfd: {  	_ =	swait.ge [sflag:s5], $0x1000  }
0xfe: {  	[sflag:s5] =	ssyncset.done $0x0  }
0xff: {  	[sflag:s5] =	ssyncadd.s32 $0xFFFFF000  }
0x100: {  	[spmem:s2] =	stream.indirect.scatter.add.f32 [tilespmem:s8], [sflag:$0xA], $0x20, s7, s13, $0xb8;
	[tilespmem:$0xD800] =	vst v63  }
0x101: {  	s7 =	simm.s32 $0x3  }
0x102: {  	_ =	swait.ge [sflag:s7], $0x1000  }
0x103: {  	[sflag:s7] =	ssyncset.done $0x0  }
0x104: {  	s8 =	simm.s32 $0x4;
	[sflag:s7] =	ssyncadd.s32 $0xFFFFF000  }
0x105: {  	[spmem:s2] =	stream.indirect.scatter.add.f32 [tilespmem:s6], [sflag:$0xB], $0x20, s0, s13, $0xb8;
	[tilespmem:$0xD800] =	vst v63  }
0x106: {  	_ =	swait.ge [sflag:s8], $0x1000  }
0x107: {  	[sflag:s8] =	ssyncset.done $0x0  }
0x108: {  	[sflag:s8] =	ssyncadd.s32 $0xFFFFF000  }
0x109: {  	[spmem:s2] =	stream.indirect.scatter.add.f32 [tilespmem:s12], [sflag:$0xC], $0x20, s11, s13, $0xb8;
	[tilespmem:$0xD800] =	vst v63  }
0x10a: {  	s12 =	simm.s32 $0x5  }
0x10b: {  	_ =	swait.ge [sflag:s12], $0x1000  }
0x10c: {  	[sflag:s12] =	ssyncset.done $0x0  }
0x10d: {  	[sflag:s12] =	ssyncadd.s32 $0xFFFFF000  }
0x10e: {  	[spmem:s2] =	stream.indirect.scatter.add.f32 [tilespmem:s15], [sflag:$0xD], $0x20, s14, s13, $0xb8;
	[tilespmem:$0xD800] =	vst v63  }
0x10f: {  	s15 =	simm.s32 $0x6  }
0x110: {  	_ =	swait.ge [sflag:s15], $0x1000  }
0x111: {  	[sflag:s15] =	ssyncset.done $0x0  }
0x112: {  	[sflag:s15] =	ssyncadd.s32 $0xFFFFF000  }
0x113: {  	[spmem:s2] =	stream.indirect.scatter.add.f32 [tilespmem:s17], [sflag:$0xE], $0x20, s16, s13, $0xb8;
	[tilespmem:$0xD800] =	vst v63  }
0x114: {  	s17 =	simm.s32 $0x7  }
0x115: {  	_ =	swait.ge [sflag:s17], $0x1000  }
0x116: {  	[sflag:s17] =	ssyncset.done $0x0  }
0x117: {  	[sflag:s17] =	ssyncadd.s32 $0xFFFFF000  }
0x118: {  	[spmem:s2] =	stream.indirect.scatter.add.f32 [tilespmem:s19], [sflag:$0xF], $0x20, s18, s13, $0xb8;
	[tilespmem:$0xD800] =	vst v63  }
0x119: {  	s19 =	simm.s32 $0x8  }
0x11a: {  	_ =	swait.ge [sflag:s19], $0x1000  }
0x11b: {  	[sflag:s19] =	ssyncset.done $0x0  }
0x11c: {  	[sflag:s19] =	ssyncadd.s32 $0xFFFFF000  }
0x11d: {  	[spmem:s2] =	stream.indirect.scatter.add.f32 [tilespmem:s28], [sflag:$0x10], $0x20, s29, s13, $0xb8;
	[tilespmem:$0xD800] =	vst v63  }
0x11e: {  	s29 =	simm.s32 $0x9  }
0x11f: {  	_ =	swait.ge [sflag:s29], $0x1000  }
0x120: {  	[sflag:s29] =	ssyncset.done $0x0  }
0x121: {  	[sflag:s29] =	ssyncadd.s32 $0xFFFFF000  }
0x122: {  	_ =	swait.ge [sflag:s20], $0x1000  }
0x123: {  	[sflag:s20] =	ssyncset.done $0x0  }
0x124: {  	[sflag:s20] =	ssyncadd.s32 $0xFFFFF000  }
0x125: {  	_ =	swait.ge [sflag:s21], $0x1000  }
0x126: {  	[sflag:s21] =	ssyncset.done $0x0  }
0x127: {  	[sflag:s21] =	ssyncadd.s32 $0xFFFFF000  }
0x128: {  	_ =	swait.ge [sflag:s22], $0x1000  }
0x129: {  	[sflag:s22] =	ssyncset.done $0x0  }
0x12a: {  	[sflag:s22] =	ssyncadd.s32 $0xFFFFF000  }
0x12b: {  	_ =	swait.ge [sflag:s23], $0x1000  }
0x12c: {  	[sflag:s23] =	ssyncset.done $0x0  }
0x12d: {  	[sflag:s23] =	ssyncadd.s32 $0xFFFFF000  }
0x12e: {  	_ =	swait.ge [sflag:s24], $0x1000  }
0x12f: {  	p0 =	sne.s32 s26, $0x200;
	[sflag:s24] =	ssyncset.done $0x0  }
.Ltmp0:
0x130: {  	[sflag:s24] =	ssyncadd.s32 $0xFFFFF000;
	(pc) =	sbr.rel @p0 .LBB2_2-.Ltmp0, $4  }
0x131: {  	_ =	swait.ge [sflag:s25], $0x1000  }
0x132: {  	[sflag:s25] =	ssyncset.done $0x0  }
0x133: {  	[sflag:s25] =	ssyncadd.s32 $0xFFFFF000  }
0x134: {  	s26 =	sadd.s32 $0x80, s26;
	s30 =	simm.s32 $0x5000;
	_ =	swait.ge [sflag:s9], $0x1000  }
0x135: {  	s0 =	simm.s32 $0x10  }
0x136: {  	[sflag:s0] =	ssyncset.done $0x0  }
0x137: {  	[sflag:s0] =	ssyncadd.s32 $0xFFFFF000  }
0x138: {  	[bflag:$0x0] =	sbarrier.arrive $0xFFFF  }
0x139: {  	s28 =	rddreg [dreg:$0x6]  }
0x13a: {  	s26 =	rddreg [dreg:$0x7]  }
0x13b: {  	s29 =	rddreg [dreg:$0x9]  }
0x13c: {  	[hbm:s26], [sflag:s28] =	dma.local [spmem:s29], $0xA00  }
0x13d: {  	_ =	swait.ge [sflag:s10], $0xA00  }
0x13e: {  	s20 =	rddreg [dreg:$0xa]  }
0x13f: {  	s21 =	rddreg [dreg:$0x8];
	s0 =	sadd.s32 $0x1, s20  }
0x140: {  	p0 =	sne.s32 s0, s21  }
.Ltmp1:
0x141: {  	_ = 	snop;
	(pc) =	sbr.rel @p0 .LBB2_1-.Ltmp1, $3  }
0x142: {  	_ =	sdelay $0x1  }
0x143: {  	[sflag:s10] =	ssyncset.done $0x0  }
0x144: {  	s9 =	simm.s32 $0x10;
	[sflag:s10] =	ssyncadd.s32 $0xFFFFF600  }
0x145: {  	_ =	sfence.sel $0x180000  }
0x146: {  	[bflag:$0x0] =	sbarrier.arrive $0xFFFF  }
0x147: {  	_ =	strace $0x9000004D  }
0x148: {  	s0 =	stileid.u32;
	[bflag:$0x2] =	sbarrier.arrive $0xFFFF  }
0x149: {  	p0 =	sne.s32 s0, $0x0;
	s0 =	rddreg [dreg:$0x2]  }
0x14a: {  	s0 =	sadd.s32 @!p0 $0x100000, s0  }
0x14b: {  	[sflag:s0] =	ssyncadd.tile.s32 @!p0 $0x1;
	_ =	shalt  }
.Lfunc_end2:
_tile_overlayer_lowered:
.L_overlay_start_2:
0x14c: {  	(tag) =	ssettag $0x2  }
0x14d: {  	s0 =	rddreg [dreg:$0x0];
	s2 =	stileid.u32  }
0x14e: {  	s1 =	rddreg [dreg:$0x1];
	p0 =	sne.s32 s2, $0x0  }
0x14f: {  	s3 =	rddreg [dreg:$0x2];
	[bflag:$0x3] =	sbarrier.arrive $0xFFFF;
	s2 =	simm.s32 @!p0 $0x1C11  }
0x150: {  	[timem:s3], [sflag:s2] =	dma.local @!p0 [hbm:s0], s1  }
0x151: {  	s0 =	simm.s32 @!p0 $0x11  }
0x152: {  	_ =	swait.ge @!p0 [sflag:s0], s1  }
0x153: {  	s1 =	ssub.s32 @!p0 $0x0, s1;
	[sflag:s0] =	ssyncset.done @!p0 $0x0  }
0x154: {  	[sflag:s0] =	ssyncadd.s32 @!p0 s1  }
0x155: {  	[bflag:$0x3] =	sbarrier.arrive $0xFFFF  }
0x156: {  	_ =	shalt  }

// kernel: kernel.24.cloned.1.call-start
scs
__scs_entry_jumppad:
0x0: {  	(pc) =	sbr.rel $0x88, $3  }
0x1: {  	(tag) =	ssettag $0x0;
	lr =	simm.s32 $0x1  }
0x2: {  	[smem:$0x3F6F] =	sst lr;
	_ =	strace $0xD0000000  }
0x3: {  	_ = 	snop  }
0x4: {  	_ = 	snop  }
0x5: {  	_ = 	snop  }
0x6: {  	_ = 	snop  }
0x7: {  	_ = 	snop  }
__scs_overlays_trampoline_lowered:
0x8: {  	[smem:$0x3F7E] =	sst s0  }
0x9: {  	[smem:$0x3F7F] =	sst s1  }
0xa: {  	[smem:$0x3F80] =	sst s2  }
0xb: {  	[smem:$0x3F81] =	sst s3  }
0xc: {  	[smem:$0x3F82] =	sst s4  }
0xd: {  	[smem:$0x3F83] =	sst s5  }
0xe: {  	[smem:$0x3F84] =	sst s6  }
0xf: {  	[smem:$0x3F85] =	sst s7  }
0x10: {  	[smem:$0x3F86] =	sst s8  }
0x11: {  	[smem:$0x3F87] =	sst s9;
	s0 =	simm.s32 @!p0 $0x0  }
0x12: {  	s1 =	sld [smem:$0x3F6D];
	s0 =	simm.s32 @p0 $0x1  }
0x13: {  	[smem:$0x3F88] =	sst s0;
	s0 =	simm.s32 @!p1 $0x0  }
0x14: {  	s2 =	sld [smem:$0x3F6C];
	s0 =	simm.s32 @p1 $0x1  }
0x15: {  	[smem:$0x3F89] =	sst s0;
	s0 =	simm.s32 @!p2 $0x0  }
0x16: {  	s3 =	sld [smem:$0x3FDB];
	s0 =	simm.s32 @p2 $0x1  }
0x17: {  	s4 =	simm.s32 $0x1BF5;
	[smem:$0x3F8B] =	sst s0  }
0x18: {  	s0 =	sld [smem:$0x3F6E];
	_ =	swait.ge [sflag:s4], $0x0  }
0x19: {  	s7 =	sld [smem:$0x3F6F]  }
0x1a: {  	s8 =	sadd.s32 $0xFFFFE003, lr  }
0x1b: {  	s9 =	sadd.s32 $0xFFFFFEF7, lr;
	s5 =	simm.s32 $0xFFFFFFFF;
	p2 =	slt.u32 s8, $0xFFFFF086  }
0x1c: {  	p1 =	slt.u32 s9, $0xF7A;
	s5 =	simm.s32 @!p2 $0x0  }
0x1d: {  	s5 =	simm.s32 @p1 $0x1;
	p0 =	seq.s32 s7, s2  }
0x1e: {  	s7 =	smul.u32 @!p0 $0xF7A, s2;
	p2 =	seq.s32 @!p0 s5, $0x0  }
0x1f: {  	s9 =	smul.u32 $0xF7A, s1;
	s8 =	simm.s32 @!p0 $0x1BF5;
	p2 =	por !p2, p0  }
0x20: {  	[sflag:s8] =	ssyncset.s32 @!p0 $0xFFFFF086;
	s6 =	sadd.s32 @!p0 s3, s7;
	s7 =	simm.s32 @!p0 $0x108  }
0x21: {  	s3 =	sadd.s32 s3, s9;
	s6 =	sadd.s32 @!p0 $0x88, s6;
	s7 =	simm.s32 @p2 $0x1082  }
0x22: {  	[simem:s7], [sflag:s8] =	dma.local @!p0 [hbm:s6], $0xF7A  }
0x23: {  	s9 =	sor.u32 $0xD0000000, s2;
	s6 =	simm.s32 $0x108;
	_ =	swait.ge @!p0 [sflag:s8], $0x0  }
0x24: {  	s3 =	sadd.s32 $0x88, s3;
	s6 =	simm.s32 @!p1 $0x1082;
	[sflag:s4] =	ssyncset.s32 $0xFFFFF086  }
0x25: {  	[simem:s6], [sflag:s4] =	dma.local [hbm:s3], $0xF7A  }
0x26: {  	[smem:$0x3F6F] =	sst s1;
	(tag) =	ssettag s2;
	_ =	strace s9  }
0x27: {  	s1 =	sld [smem:$0x3F7F]  }
0x28: {  	s2 =	sld [smem:$0x3F80]  }
0x29: {  	s4 =	sld [smem:$0x3F82]  }
0x2a: {  	p0 =	seq.s32 s5, $0x0;
	s5 =	sld [smem:$0x3F83]  }
0x2b: {  	s6 =	sld [smem:$0x3F84]  }
0x2c: {  	s7 =	sld [smem:$0x3F85]  }
0x2d: {  	s3 =	simm.s32 $0x108;
	s8 =	sld [smem:$0x3F86]  }
0x2e: {  	s3 =	simm.s32 @!p0 $0x1082;
	s9 =	sld [smem:$0x3F87]  }
0x2f: {  	lr =	sadd.s32 s0, s3;
	s0 =	sld [smem:$0x3F7E]  }
0x30: {  	s3 =	sld [smem:$0x3F81]  }
0x31: {  	[smem:$0x3F8A] =	sst s10  }
0x32: {  	s10 =	sld [smem:$0x3F88];
	_ =	sdelay $0x3  }
0x33: {  	p0 =	seq.s32 s10, $0x1;
	s10 =	sld [smem:$0x3F8A];
	_ =	sdelay $0x3  }
0x34: {  	[smem:$0x3F8A] =	sst s10  }
0x35: {  	s10 =	sld [smem:$0x3F89];
	_ =	sdelay $0x3  }
0x36: {  	p1 =	seq.s32 s10, $0x1;
	s10 =	sld [smem:$0x3F8A];
	_ =	sdelay $0x3  }
0x37: {  	[smem:$0x3F8A] =	sst s10  }
0x38: {  	s10 =	sld [smem:$0x3F8B]  }
0x39: {  	_ = 	snop;
	(pc) =	sbr.ind lr, $3  }
0x3a: {  	_ = 	snop  }
0x3b: {  	_ = 	snop  }
0x3c: {  	p2 =	seq.s32 s10, $0x1;
	s10 =	sld [smem:$0x3F8A]  }
0x3d: {  	_ =	shalt  }
0x3e: {  	_ =	shalt  }
0x3f: {  	_ =	shalt  }
0x40: {  	_ =	shalt  }
0x41: {  	_ =	shalt  }
0x42: {  	_ =	shalt  }
0x43: {  	_ =	shalt  }
0x44: {  	_ =	shalt  }
0x45: {  	_ =	shalt  }
0x46: {  	_ =	shalt  }
0x47: {  	_ =	shalt  }
0x48: {  	_ =	shalt  }
0x49: {  	_ =	shalt  }
0x4a: {  	_ =	shalt  }
0x4b: {  	_ =	shalt  }
0x4c: {  	_ =	shalt  }
0x4d: {  	_ =	shalt  }
0x4e: {  	_ =	shalt  }
0x4f: {  	_ =	shalt  }
0x50: {  	_ =	shalt  }
0x51: {  	_ =	shalt  }
0x52: {  	_ =	shalt  }
0x53: {  	_ =	shalt  }
0x54: {  	_ =	shalt  }
0x55: {  	_ =	shalt  }
0x56: {  	_ =	shalt  }
0x57: {  	_ =	shalt  }
0x58: {  	_ =	shalt  }
0x59: {  	_ =	shalt  }
0x5a: {  	_ =	shalt  }
0x5b: {  	_ =	shalt  }
0x5c: {  	_ =	shalt  }
0x5d: {  	_ =	shalt  }
0x5e: {  	_ =	shalt  }
0x5f: {  	_ =	shalt  }
0x60: {  	_ =	shalt  }
0x61: {  	_ =	shalt  }
0x62: {  	_ =	shalt  }
0x63: {  	_ =	shalt  }
0x64: {  	_ =	shalt  }
0x65: {  	_ =	shalt  }
0x66: {  	_ =	shalt  }
0x67: {  	_ =	shalt  }
0x68: {  	_ =	shalt  }
0x69: {  	_ =	shalt  }
0x6a: {  	_ =	shalt  }
0x6b: {  	_ =	shalt  }
0x6c: {  	_ =	shalt  }
0x6d: {  	_ =	shalt  }
0x6e: {  	_ =	shalt  }
0x6f: {  	_ =	shalt  }
0x70: {  	_ =	shalt  }
0x71: {  	_ =	shalt  }
0x72: {  	_ =	shalt  }
0x73: {  	_ =	shalt  }
0x74: {  	_ =	shalt  }
0x75: {  	_ =	shalt  }
0x76: {  	_ =	shalt  }
0x77: {  	_ =	shalt  }
0x78: {  	_ =	shalt  }
0x79: {  	_ =	shalt  }
0x7a: {  	_ =	shalt  }
0x7b: {  	_ =	shalt  }
0x7c: {  	_ =	shalt  }
0x7d: {  	_ =	shalt  }
0x7e: {  	_ =	shalt  }
0x7f: {  	_ =	shalt  }
0x80: {  	_ =	shalt  }
0x81: {  	_ =	shalt  }
0x82: {  	_ =	shalt  }
0x83: {  	_ =	shalt  }
0x84: {  	_ =	shalt  }
0x85: {  	_ =	shalt  }
0x86: {  	_ =	shalt  }
0x87: {  	_ =	shalt  }
.Lfunc_end0:
.L_simem_size_0:
called_computation.3_lowered:
.L_overlay_start_0:
0x88: {  	s2 =	sld [smem:$0x3FD9]  }
0x89: {  	s3 =	sld [smem:$0x3FFE];
	_ =	sdelay $0x1  }
0x8a: {  	s1 =	srdreg.scid  }
0x8b: {  	s0 =	sand.u32 $0x1, s1  }
0x8c: {  	s16 =	sshll.u32 s0, $0xA;
	s2 =	sadd.s32 s3, s2  }
0x8d: {  	s2 =	sadd.s32 s2, s16  }
0x8e: {  	[smem:$0x3F96] =	sst s2  }
0x8f: {  	_ = 	snop  }
0x90: {  	(tm) =	ssettm $0x1  }
0x91: {  	s17 =	sld [smem:$0x3FFB];
	_ =	sdelay $0x3  }
0x92: {  	_ =	strace s17  }
0x93: {  	s2 =	sld [smem:$0x3FFC];
	_ =	sdelay $0x3  }
0x94: {  	_ =	strace s2  }
0x95: {  	s2 =	sld [smem:$0x3FFD];
	_ =	sdelay $0x3  }
0x96: {  	_ =	strace s2  }
0x97: {  	_ =	strace $0x8FFFFFFF  }
0x98: {  	s18 =	sld [smem:$0x3FDB];
	_ =	sdelay $0x1  }
0x99: {  	s19 =	simm.s32 $_scs_section_size  }
0x9a: {  	s4 =	simm.s32 $_size__tile_overlayer_lowered;
	s5 =	simm.s32 $_tile_overlayer_lowered  }
0x9b: {  	s22 =	simm.s32 $0x1BFF;
	s21 =	sshll.u32 s5, $0x1;
	s2 =	sadd.s32 s19, s18  }
0x9c: {  	s6 =	simm.s32 $0x0;
	s20 =	sshll.u32 s4, $0x1;
	s4 =	sadd.s32 s21, s2  }
0x9d: {  	[timem:s6], [sflag:s22] =	dma.local [hbm:s4], s20  }
0x9e: {  	_ =	swait.ge [sflag:s22], s20  }
0x9f: {  	s3 =	ssub.s32 $0x0, s20;
	[sflag:s22] =	ssyncset.done $0x0  }
0xa0: {  	[sflag:s22] =	ssyncadd.s32 s3;
	_ =	sdelay $0x1  }
0xa1: {  	s23 =	simm.s32 $0x1B8B  }
0xa2: {  	_ =	swait.ge [sflag:s23], $0x1  }
0xa3: {  	[sflag:s23] =	ssyncset.done $0x0  }
0xa4: {  	s25 =	simm.s32 $0x1B8E;
	s24 =	sld [smem:$0x3FFE];
	[sflag:s23] =	ssyncadd.s32 $0xFFFFFFFF  }
0xa5: {  	s26 =	simm.s32 $execute0_lowered;
	[smem:$0x3FD2] =	sst s25  }
0xa6: {  	s4 =	sshll.u32 s26, $0x1;
	_ =	strace $0x8000004F;
	[dreg:$0x1] =	wrdreg $0xFFFFFFFF  }
0xa7: {  	s28 =	simm.s32 $_size_execute0_lowered;
	s2 =	sadd.s32 s2, s4;
	[dreg:$0x0] =	wrdreg $0x0  }
0xa8: {  	s4 =	sshll.u32 s28, $0x1;
	[dreg:$0x2] =	wrdreg s2  }
0xa9: {  	[dreg:$0x3] =	wrdreg s4  }
0xaa: {  	[dreg:$0x4] =	wrdreg $0xC0  }
0xab: {  	_ =	task [dreg:s6], $0x5FFFF  }
0xac: {  	[dreg:$0x1] =	wrdreg $0xFFFFFFFF  }
0xad: {  	[dreg:$0x0] =	wrdreg $0x60  }
0xae: {  	[dreg:$0x2] =	wrdreg s24  }
0xaf: {  	[dreg:$0x3] =	wrdreg $0x0  }
0xb0: {  	[dreg:$0x4] =	wrdreg $0x9  }
0xb1: {  	_ =	task.clear_ibuf [dreg:s6], $0x5FFFF;
	_ =	strace $0x9000004F  }
0xb2: {  	s29 =	simm.s32 $0x9;
	_ =	strace $0x80000051  }
0xb3: {  	_ =	swait.ge [sflag:s29], $0x1  }
0xb4: {  	[sflag:s29] =	ssyncadd.s32 $0xFFFFFFFF  }
0xb5: {  	_ =	strace $0x90000051  }
0xb6: {  	_ =	sfence  }
0xb7: {  	s30 =	sld [smem:$0x0];
	_ =	sdelay $0x2  }
0xb8: {  	s31 =	sshll.u32 s1, $0xD;
	s1 =	sshrl.u32 s1, $0x2  }
0xb9: {  	s3 =	sand.u32 $0x4000, s31;
	s1 =	sadd.s32 s1, s30  }
0xba: {  	s0 =	sor.u32 s3, s0;
	s1 =	sshll.u32 s1, $0x11  }
0xbb: {  	s0 =	sor.u32 s1, s0  }
0xbc: {  	s0 =	sadd.s32 $0x8F2B, s0  }
0xbd: {  	[sflag:s0] =	ssyncadd.remote.s32 $0x1  }
0xbe: {  	_ =	sfence.sel $0xFFFF  }
0xbf: {  	[dreg:$0x0] =	wrdreg $0xFFFFFFFF;
	(pc) =	sbr.abs _section_cstart, $3  }
0xc0: {  	[dreg:$0x1] =	wrdreg $0xFFFFFFFF  }
0xc1: {  	_ =	task.clear_ibuf [dreg:s6], $0x2FFFF;
	_ =	strace $0x9FFFFFFF  }
0xc2: {  	(tm) =	ssettm $0x7FFFFFFF  }
0xc3: {  	_ =	shalt  }
tec
execute0_lowered:
.L_overlay_start_1:
0x0: {  	(tag) =	ssettag $0x1  }
0x1: {  	s0 =	srdreg.scid  }
0x2: {  	s1 =	rddreg [dreg:$0x0];
	s10 =	stileid.u32  }
0x3: {  	s2 =	rddreg [dreg:$0x1];
	s3 =	simm.s32 $0x0;
	s5 =	smul.u32 $0x1400, s10  }
0x4: {  	s30 =	simm.s32 $0x5000;
	s31 =	simm.s32 $0x5400;
	s6 =	smul.u32 $0x5000, s10  }
0x5: {  	s13 =	simm.s32 $0x80;
	s0 =	sand.u32 $0x1, s0;
	s20 =	smul.u32 $0xA00, s10  }
0x6: {  	[smem:$0x7FF] =	sst s3;
	s24 =	sshll.u32 s10, $0x6;
	s4 =	smul.u32 $0x14000, s0  }
0x7: {  	s10 =	simm.s32 $0x11;
	_ =	strace $0x80000050;
	s8 =	smul.u32 $0xA000, s0  }
0x8: {  	s0 =	ssub.s32 $0x2, s0;
	s28 =	sor.u32 $0x1C11, s24;
	s24 =	simm.s32 $0xE  }
0x9: {  	s9 =	sshrl.u32 s6, $0x3;
	s21 =	sshrl.u32 s0, $0x1;
	s22 =	sadd.s32 s6, s2  }
0xa: {  	[dreg:$0x6] =	wrdreg s28;
	s4 =	sadd.s32 s5, s4;
	s5 =	sadd.s32 s20, s8  }
0xb: {  	s9 =	sadd.s32 s9, s1;
	s0 =	ssub.s32 s0, s21;
	s29 =	sshrl.u32 s22, $0x3  }
0xc: {  	s22 =	simm.s32 $0xC;
	s7 =	sshrl.u32 s4, $0x3;
	s4 =	sadd.s32 $0xC200, s1  }
0xd: {  	s23 =	sadd.s32 $0x16000, s9;
	s0 =	smax.u32 s0, $0x1;
	[dreg:$0x9] =	wrdreg s29  }
0xe: {  	s7 =	sadd.s32 s7, s1;
	s1 =	sadd.s32 s5, s1;
	[dreg:$0x5] =	wrdreg s23  }
0xf: {  	s9 =	simm.s32 $0x10;
	[dreg:$0x8] =	wrdreg s0;
	s1 =	sadd.s32 $0x20000, s1  }
0x10: {  	s0 =	simm.s32 $0x0;
	s25 =	sadd.s32 $0x7200, s7;
	[dreg:$0x7] =	wrdreg s1  }
0x11: {  	s23 =	simm.s32 $0xD;
	s26 =	sadd.s32 $0xC3200, s7;
	[dreg:$0x3] =	wrdreg s25  }
0x12: {  	[dreg:$0x4] =	wrdreg s26;
	s1 =	simm.s32 $0x5800;
	s25 =	simm.s32 $0xF  }
.LBB2_1:
0x13: {  	[dreg:$0xa] =	wrdreg s0  }
0x14: {  	s26 =	rddreg [dreg:$0x5]  }
0x15: {  	[spmem:s29], [sflag:s28] =	dma.local [hbm:s26], $0xA00  }
0x16: {  	_ =	swait.ge [sflag:s10], $0xA00  }
0x17: {  	[sflag:s10] =	ssyncset.done $0x0  }
0x18: {  	[sflag:s10] =	ssyncadd.s32 $0xFFFFF600  }
0x19: {  	[bflag:$0x0] =	sbarrier.arrive $0xFFFF  }
0x1a: {  	s29 =	rddreg [dreg:$0x3]  }
0x1b: {  	s26 =	sadd.s32 $0x0, s29  }
0x1c: {  	[tilespmem:s30], [sflag:$0x11] =	stream.linear.gather [hbm4b:s26+s3], $0x80, $0x38;
	[tilespmem:$0xD800] =	vst v63  }
0x1d: {  	_ =	swait.ge [sflag:s10], $0x80  }
0x1e: {  	s0 =	rddreg [dreg:$0x4];
	[sflag:s10] =	ssyncset.done $0x0  }
0x1f: {  	[sflag:s10] =	ssyncadd.s32 $0xFFFFFF80;
	s28 =	sadd.s32 $0x0, s0  }
0x20: {  	[tilespmem:s31], [sflag:$0x11] =	stream.linear.gather [hbm4b:s28+s3], $0x80, $0x38;
	[tilespmem:$0xD800] =	vst v63  }
0x21: {  	_ =	swait.ge [sflag:s10], $0x80  }
0x22: {  	[sflag:s10] =	ssyncset.done $0x0  }
0x23: {  	[sflag:s10] =	ssyncadd.s32 $0xFFFFFF80  }
0x24: {  	[tilespmem:s1], [sflag:$0x1] =	stream.indirect.gather [hbm4b:s4+s13], $0x20, s30, s13, $0xb8;
	[tilespmem:$0xD800] =	vst v63  }
0x25: {  	s6 =	simm.s32 $0x5080;
	s5 =	sadd.s32 $0x10, s26  }
0x26: {  	[tilespmem:s6], [sflag:$0x11] =	stream.linear.gather [hbm4b:s5+s3], $0x80, $0x38;
	[tilespmem:$0xD800] =	vst v63  }
0x27: {  	_ =	swait.ge [sflag:s10], $0x80  }
0x28: {  	[sflag:s10] =	ssyncset.done $0x0  }
0x29: {  	s7 =	sadd.s32 $0x10, s28;
	s5 =	simm.s32 $0x5480;
	[sflag:s10] =	ssyncadd.s32 $0xFFFFFF80  }
0x2a: {  	[tilespmem:s5], [sflag:$0x11] =	stream.linear.gather [hbm4b:s7+s3], $0x80, $0x38;
	[tilespmem:$0xD800] =	vst v63  }
0x2b: {  	_ =	swait.ge [sflag:s10], $0x80  }
0x2c: {  	[sflag:s10] =	ssyncset.done $0x0  }
0x2d: {  	s7 =	simm.s32 $0x6800;
	[sflag:s10] =	ssyncadd.s32 $0xFFFFFF80  }
0x2e: {  	[tilespmem:s7], [sflag:$0x2] =	stream.indirect.gather [hbm4b:s4+s13], $0x20, s6, s13, $0xb8;
	[tilespmem:$0xD800] =	vst v63  }
0x2f: {  	s11 =	simm.s32 $0x5100;
	s8 =	sadd.s32 $0x20, s26  }
0x30: {  	[tilespmem:s11], [sflag:$0x11] =	stream.linear.gather [hbm4b:s8+s3], $0x80, $0x38;
	[tilespmem:$0xD800] =	vst v63  }
0x31: {  	_ =	swait.ge [sflag:s10], $0x80  }
0x32: {  	[sflag:s10] =	ssyncset.done $0x0  }
0x33: {  	s12 =	sadd.s32 $0x20, s28;
	s8 =	simm.s32 $0x5500;
	[sflag:s10] =	ssyncadd.s32 $0xFFFFFF80  }
0x34: {  	[tilespmem:s8], [sflag:$0x11] =	stream.linear.gather [hbm4b:s12+s3], $0x80, $0x38;
	[tilespmem:$0xD800] =	vst v63  }
0x35: {  	_ =	swait.ge [sflag:s10], $0x80  }
0x36: {  	[sflag:s10] =	ssyncset.done $0x0  }
0x37: {  	s6 =	simm.s32 $0x7800;
	[sflag:s10] =	ssyncadd.s32 $0xFFFFFF80  }
0x38: {  	[tilespmem:s6], [sflag:$0x3] =	stream.indirect.gather [hbm4b:s4+s13], $0x20, s11, s13, $0xb8;
	[tilespmem:$0xD800] =	vst v63  }
0x39: {  	s15 =	simm.s32 $0x5180;
	s14 =	sadd.s32 $0x30, s26  }
0x3a: {  	[tilespmem:s15], [sflag:$0x11] =	stream.linear.gather [hbm4b:s14+s3], $0x80, $0x38;
	[tilespmem:$0xD800] =	vst v63  }
0x3b: {  	_ =	swait.ge [sflag:s10], $0x80  }
0x3c: {  	[sflag:s10] =	ssyncset.done $0x0  }
0x3d: {  	s16 =	sadd.s32 $0x30, s28;
	s11 =	simm.s32 $0x5580;
	[sflag:s10] =	ssyncadd.s32 $0xFFFFFF80  }
0x3e: {  	[tilespmem:s11], [sflag:$0x11] =	stream.linear.gather [hbm4b:s16+s3], $0x80, $0x38;
	[tilespmem:$0xD800] =	vst v63  }
0x3f: {  	_ =	swait.ge [sflag:s10], $0x80  }
0x40: {  	[sflag:s10] =	ssyncset.done $0x0  }
0x41: {  	s12 =	simm.s32 $0x8800;
	[sflag:s10] =	ssyncadd.s32 $0xFFFFFF80  }
0x42: {  	[tilespmem:s12], [sflag:$0x4] =	stream.indirect.gather [hbm4b:s4+s13], $0x20, s15, s13, $0xb8;
	[tilespmem:$0xD800] =	vst v63  }
0x43: {  	s18 =	simm.s32 $0x5200;
	s17 =	sadd.s32 $0x40, s26  }
0x44: {  	[tilespmem:s18], [sflag:$0x11] =	stream.linear.gather [hbm4b:s17+s3], $0x80, $0x38;
	[tilespmem:$0xD800] =	vst v63  }
0x45: {  	_ =	swait.ge [sflag:s10], $0x80  }
0x46: {  	[sflag:s10] =	ssyncset.done $0x0  }
0x47: {  	s19 =	sadd.s32 $0x40, s28;
	s14 =	simm.s32 $0x5600;
	[sflag:s10] =	ssyncadd.s32 $0xFFFFFF80  }
0x48: {  	[tilespmem:s14], [sflag:$0x11] =	stream.linear.gather [hbm4b:s19+s3], $0x80, $0x38;
	[tilespmem:$0xD800] =	vst v63  }
0x49: {  	_ =	swait.ge [sflag:s10], $0x80  }
0x4a: {  	[sflag:s10] =	ssyncset.done $0x0  }
0x4b: {  	s15 =	simm.s32 $0x9800;
	[sflag:s10] =	ssyncadd.s32 $0xFFFFFF80  }
0x4c: {  	[tilespmem:s15], [sflag:$0x5] =	stream.indirect.gather [hbm4b:s4+s13], $0x20, s18, s13, $0xb8;
	[tilespmem:$0xD800] =	vst v63  }
0x4d: {  	s21 =	simm.s32 $0x5280;
	s20 =	sadd.s32 $0x50, s26  }
0x4e: {  	[tilespmem:s21], [sflag:$0x11] =	stream.linear.gather [hbm4b:s20+s3], $0x80, $0x38;
	[tilespmem:$0xD800] =	vst v63  }
0x4f: {  	_ =	swait.ge [sflag:s10], $0x80  }
0x50: {  	[sflag:s10] =	ssyncset.done $0x0  }
0x51: {  	s16 =	simm.s32 $0x5680;
	s18 =	sadd.s32 $0x50, s28;
	[sflag:s10] =	ssyncadd.s32 $0xFFFFFF80  }
0x52: {  	[tilespmem:s16], [sflag:$0x11] =	stream.linear.gather [hbm4b:s18+s3], $0x80, $0x38;
	[tilespmem:$0xD800] =	vst v63  }
0x53: {  	_ =	swait.ge [sflag:s10], $0x80  }
0x54: {  	[sflag:s10] =	ssyncset.done $0x0  }
0x55: {  	s17 =	simm.s32 $0xA800;
	[sflag:s10] =	ssyncadd.s32 $0xFFFFFF80  }
0x56: {  	[tilespmem:s17], [sflag:$0x6] =	stream.indirect.gather [hbm4b:s4+s13], $0x20, s21, s13, $0xb8;
	[tilespmem:$0xD800] =	vst v63  }
0x57: {  	s19 =	sadd.s32 $0x60, s26;
	s20 =	simm.s32 $0x5300  }
0x58: {  	[tilespmem:s20], [sflag:$0x11] =	stream.linear.gather [hbm4b:s19+s3], $0x80, $0x38;
	[tilespmem:$0xD800] =	vst v63  }
0x59: {  	_ =	swait.ge [sflag:s10], $0x80  }
0x5a: {  	[sflag:s10] =	ssyncset.done $0x0  }
0x5b: {  	s18 =	simm.s32 $0x5700;
	s21 =	sadd.s32 $0x60, s28;
	[sflag:s10] =	ssyncadd.s32 $0xFFFFFF80  }
0x5c: {  	[tilespmem:s18], [sflag:$0x11] =	stream.linear.gather [hbm4b:s21+s3], $0x80, $0x38;
	[tilespmem:$0xD800] =	vst v63  }
0x5d: {  	_ =	swait.ge [sflag:s10], $0x80  }
0x5e: {  	[sflag:s10] =	ssyncset.done $0x0  }
0x5f: {  	s19 =	simm.s32 $0xB800;
	[sflag:s10] =	ssyncadd.s32 $0xFFFFFF80  }
0x60: {  	[tilespmem:s19], [sflag:$0x7] =	stream.indirect.gather [hbm4b:s4+s13], $0x20, s20, s13, $0xb8;
	[tilespmem:$0xD800] =	vst v63  }
0x61: {  	s29 =	simm.s32 $0x5380;
	s26 =	sadd.s32 $0x70, s26  }
0x62: {  	[tilespmem:s29], [sflag:$0x11] =	stream.linear.gather [hbm4b:s26+s3], $0x80, $0x38;
	[tilespmem:$0xD800] =	vst v63  }
0x63: {  	_ =	swait.ge [sflag:s10], $0x80  }
0x64: {  	[sflag:s10] =	ssyncset.done $0x0  }
0x65: {  	s28 =	sadd.s32 $0x70, s28;
	s20 =	simm.s32 $0x5780;
	[sflag:s10] =	ssyncadd.s32 $0xFFFFFF80  }
0x66: {  	[tilespmem:s20], [sflag:$0x11] =	stream.linear.gather [hbm4b:s28+s3], $0x80, $0x38;
	[tilespmem:$0xD800] =	vst v63  }
0x67: {  	_ =	swait.ge [sflag:s10], $0x80  }
0x68: {  	[sflag:s10] =	ssyncset.done $0x0  }
0x69: {  	s21 =	simm.s32 $0xC800;
	[sflag:s10] =	ssyncadd.s32 $0xFFFFFF80  }
0x6a: {  	[tilespmem:s21], [sflag:$0x8] =	stream.indirect.gather [hbm4b:s4+s13], $0x20, s29, s13, $0xb8;
	[tilespmem:$0xD800] =	vst v63  }
0x6b: {  	s29 =	simm.s32 $0x1  }
0x6c: {  	_ =	swait.ge [sflag:s29], $0x1000  }
0x6d: {  	[sflag:s29] =	ssyncset.done $0x0  }
0x6e: {  	[sflag:s29] =	ssyncadd.s32 $0xFFFFF000  }
0x6f: {  	[spmem:s2] =	stream.indirect.scatter.add.f32 [tilespmem:s1], [sflag:$0x9], $0x20, s31, s13, $0xb8;
	[tilespmem:$0xD800] =	vst v63  }
0x70: {  	s1 =	simm.s32 $0x2  }
0x71: {  	_ =	swait.ge [sflag:s1], $0x1000  }
0x72: {  	[sflag:s1] =	ssyncset.done $0x0  }
0x73: {  	[sflag:s1] =	ssyncadd.s32 $0xFFFFF000  }
0x74: {  	[spmem:s2] =	stream.indirect.scatter.add.f32 [tilespmem:s7], [sflag:$0xA], $0x20, s5, s13, $0xb8;
	[tilespmem:$0xD800] =	vst v63  }
0x75: {  	s7 =	simm.s32 $0x3  }
0x76: {  	_ =	swait.ge [sflag:s7], $0x1000  }
0x77: {  	[sflag:s7] =	ssyncset.done $0x0  }
0x78: {  	[sflag:s7] =	ssyncadd.s32 $0xFFFFF000  }
0x79: {  	[spmem:s2] =	stream.indirect.scatter.add.f32 [tilespmem:s6], [sflag:$0xB], $0x20, s8, s13, $0xb8;
	[tilespmem:$0xD800] =	vst v63  }
0x7a: {  	s8 =	simm.s32 $0x4  }
0x7b: {  	_ =	swait.ge [sflag:s8], $0x1000  }
0x7c: {  	[sflag:s8] =	ssyncset.done $0x0  }
0x7d: {  	[sflag:s8] =	ssyncadd.s32 $0xFFFFF000  }
0x7e: {  	[spmem:s2] =	stream.indirect.scatter.add.f32 [tilespmem:s12], [sflag:$0xC], $0x20, s11, s13, $0xb8;
	[tilespmem:$0xD800] =	vst v63  }
0x7f: {  	s12 =	simm.s32 $0x5  }
0x80: {  	_ =	swait.ge [sflag:s12], $0x1000  }
0x81: {  	[sflag:s12] =	ssyncset.done $0x0  }
0x82: {  	s26 =	simm.s32 $0x6;
	[sflag:s12] =	ssyncadd.s32 $0xFFFFF000  }
0x83: {  	[spmem:s2] =	stream.indirect.scatter.add.f32 [tilespmem:s15], [sflag:$0xD], $0x20, s14, s13, $0xb8;
	[tilespmem:$0xD800] =	vst v63  }
0x84: {  	_ =	swait.ge [sflag:s26], $0x1000  }
0x85: {  	[sflag:s26] =	ssyncset.done $0x0  }
0x86: {  	s28 =	simm.s32 $0x7;
	[sflag:s26] =	ssyncadd.s32 $0xFFFFF000  }
0x87: {  	[spmem:s2] =	stream.indirect.scatter.add.f32 [tilespmem:s17], [sflag:$0xE], $0x20, s16, s13, $0xb8;
	[tilespmem:$0xD800] =	vst v63  }
0x88: {  	_ =	swait.ge [sflag:s28], $0x1000  }
0x89: {  	[sflag:s28] =	ssyncset.done $0x0  }
0x8a: {  	s29 =	simm.s32 $0x8;
	[sflag:s28] =	ssyncadd.s32 $0xFFFFF000  }
0x8b: {  	[spmem:s2] =	stream.indirect.scatter.add.f32 [tilespmem:s19], [sflag:$0xF], $0x20, s18, s13, $0xb8;
	[tilespmem:$0xD800] =	vst v63  }
0x8c: {  	_ =	swait.ge [sflag:s29], $0x1000  }
0x8d: {  	[sflag:s29] =	ssyncset.done $0x0  }
0x8e: {  	s31 =	simm.s32 $0x9;
	[sflag:s29] =	ssyncadd.s32 $0xFFFFF000  }
0x8f: {  	[spmem:s2] =	stream.indirect.scatter.add.f32 [tilespmem:s21], [sflag:$0x10], $0x20, s20, s13, $0xb8;
	[tilespmem:$0xD800] =	vst v63  }
0x90: {  	_ =	swait.ge [sflag:s31], $0x1000  }
0x91: {  	[sflag:s31] =	ssyncset.done $0x0  }
0x92: {  	s20 =	simm.s32 $0xA;
	[sflag:s31] =	ssyncadd.s32 $0xFFFFF000  }
0x93: {  	_ =	swait.ge [sflag:s20], $0x1000  }
0x94: {  	[sflag:s20] =	ssyncset.done $0x0  }
0x95: {  	s21 =	simm.s32 $0xB;
	[sflag:s20] =	ssyncadd.s32 $0xFFFFF000  }
0x96: {  	_ =	swait.ge [sflag:s21], $0x1000  }
0x97: {  	[sflag:s21] =	ssyncset.done $0x0  }
0x98: {  	[sflag:s21] =	ssyncadd.s32 $0xFFFFF000  }
0x99: {  	_ =	swait.ge [sflag:s22], $0x1000  }
0x9a: {  	[sflag:s22] =	ssyncset.done $0x0  }
0x9b: {  	[sflag:s22] =	ssyncadd.s32 $0xFFFFF000  }
0x9c: {  	_ =	swait.ge [sflag:s23], $0x1000  }
0x9d: {  	[sflag:s23] =	ssyncset.done $0x0  }
0x9e: {  	[sflag:s23] =	ssyncadd.s32 $0xFFFFF000  }
0x9f: {  	_ =	swait.ge [sflag:s24], $0x1000  }
0xa0: {  	[sflag:s24] =	ssyncset.done $0x0  }
0xa1: {  	[sflag:s24] =	ssyncadd.s32 $0xFFFFF000  }
0xa2: {  	_ =	swait.ge [sflag:s25], $0x1000  }
0xa3: {  	[sflag:s25] =	ssyncset.done $0x0  }
0xa4: {  	[sflag:s25] =	ssyncadd.s32 $0xFFFFF000  }
0xa5: {  	s26 =	simm.s32 $0x80;
	_ =	swait.ge [sflag:s9], $0x1000  }
.LBB2_2:
0xa6: {  	s9 =	simm.s32 $0x10  }
0xa7: {  	s28 =	rddreg [dreg:$0x3];
	s29 =	smov.u32 s26;
	[sflag:s9] =	ssyncset.done $0x0  }
0xa8: {  	s28 =	sadd.s32 s29, s28;
	[sflag:s9] =	ssyncadd.s32 $0xFFFFF000  }
0xa9: {  	[tilespmem:s30], [sflag:$0x11] =	stream.linear.gather [hbm4b:s28+s3], $0x80, $0x38;
	[tilespmem:$0xD800] =	vst v63  }
0xaa: {  	_ =	swait.ge [sflag:s10], $0x80  }
0xab: {  	s30 =	rddreg [dreg:$0x4];
	[sflag:s10] =	ssyncset.done $0x0  }
0xac: {  	s1 =	simm.s32 $0x5400;
	[sflag:s10] =	ssyncadd.s32 $0xFFFFFF80;
	s29 =	sadd.s32 s29, s30  }
0xad: {  	[tilespmem:s1], [sflag:$0x11] =	stream.linear.gather [hbm4b:s29+s3], $0x80, $0x38;
	[tilespmem:$0xD800] =	vst v63  }
0xae: {  	_ =	swait.ge [sflag:s10], $0x80  }
0xaf: {  	[sflag:s10] =	ssyncset.done $0x0  }
0xb0: {  	s31 =	simm.s32 $0x5000;
	s1 =	simm.s32 $0x5800;
	[sflag:s10] =	ssyncadd.s32 $0xFFFFFF80  }
0xb1: {  	[tilespmem:s1], [sflag:$0x1] =	stream.indirect.gather [hbm4b:s4+s13], $0x20, s31, s13, $0xb8;
	[tilespmem:$0xD800] =	vst v63  }
0xb2: {  	s5 =	simm.s32 $0x5080;
	s30 =	sadd.s32 $0x10, s28  }
0xb3: {  	[tilespmem:s5], [sflag:$0x11] =	stream.linear.gather [hbm4b:s30+s3], $0x80, $0x38;
	[tilespmem:$0xD800] =	vst v63  }
0xb4: {  	_ =	swait.ge [sflag:s10], $0x80  }
0xb5: {  	[sflag:s10] =	ssyncset.done $0x0  }
0xb6: {  	s7 =	simm.s32 $0x5480;
	s30 =	sadd.s32 $0x10, s29;
	[sflag:s10] =	ssyncadd.s32 $0xFFFFFF80  }
0xb7: {  	[tilespmem:s7], [sflag:$0x11] =	stream.linear.gather [hbm4b:s30+s3], $0x80, $0x38;
	[tilespmem:$0xD800] =	vst v63  }
0xb8: {  	_ =	swait.ge [sflag:s10], $0x80  }
0xb9: {  	[sflag:s10] =	ssyncset.done $0x0  }
0xba: {  	s8 =	simm.s32 $0x6800;
	[sflag:s10] =	ssyncadd.s32 $0xFFFFFF80  }
0xbb: {  	[tilespmem:s8], [sflag:$0x2] =	stream.indirect.gather [hbm4b:s4+s13], $0x20, s5, s13, $0xb8;
	[tilespmem:$0xD800] =	vst v63  }
0xbc: {  	s16 =	simm.s32 $0x5100;
	s30 =	sadd.s32 $0x20, s28  }
0xbd: {  	[tilespmem:s16], [sflag:$0x11] =	stream.linear.gather [hbm4b:s30+s3], $0x80, $0x38;
	[tilespmem:$0xD800] =	vst v63  }
0xbe: {  	_ =	swait.ge [sflag:s10], $0x80  }
0xbf: {  	[sflag:s10] =	ssyncset.done $0x0  }
0xc0: {  	s0 =	simm.s32 $0x5500;
	s30 =	sadd.s32 $0x20, s29;
	[sflag:s10] =	ssyncadd.s32 $0xFFFFFF80  }
0xc1: {  	[tilespmem:s0], [sflag:$0x11] =	stream.linear.gather [hbm4b:s30+s3], $0x80, $0x38;
	[tilespmem:$0xD800] =	vst v63  }
0xc2: {  	_ =	swait.ge [sflag:s10], $0x80  }
0xc3: {  	[sflag:s10] =	ssyncset.done $0x0  }
0xc4: {  	s6 =	simm.s32 $0x7800;
	[sflag:s10] =	ssyncadd.s32 $0xFFFFFF80  }
0xc5: {  	[tilespmem:s6], [sflag:$0x3] =	stream.indirect.gather [hbm4b:s4+s13], $0x20, s16, s13, $0xb8;
	[tilespmem:$0xD800] =	vst v63  }
0xc6: {  	s17 =	simm.s32 $0x5180;
	s30 =	sadd.s32 $0x30, s28  }
0xc7: {  	[tilespmem:s17], [sflag:$0x11] =	stream.linear.gather [hbm4b:s30+s3], $0x80, $0x38;
	[tilespmem:$0xD800] =	vst v63  }
0xc8: {  	_ =	swait.ge [sflag:s10], $0x80  }
0xc9: {  	[sflag:s10] =	ssyncset.done $0x0  }
0xca: {  	s11 =	simm.s32 $0x5580;
	s30 =	sadd.s32 $0x30, s29;
	[sflag:s10] =	ssyncadd.s32 $0xFFFFFF80  }
0xcb: {  	[tilespmem:s11], [sflag:$0x11] =	stream.linear.gather [hbm4b:s30+s3], $0x80, $0x38;
	[tilespmem:$0xD800] =	vst v63  }
0xcc: {  	_ =	swait.ge [sflag:s10], $0x80  }
0xcd: {  	[sflag:s10] =	ssyncset.done $0x0  }
0xce: {  	s12 =	simm.s32 $0x8800;
	[sflag:s10] =	ssyncadd.s32 $0xFFFFFF80  }
0xcf: {  	[tilespmem:s12], [sflag:$0x4] =	stream.indirect.gather [hbm4b:s4+s13], $0x20, s17, s13, $0xb8;
	[tilespmem:$0xD800] =	vst v63  }
0xd0: {  	s18 =	simm.s32 $0x5200;
	s30 =	sadd.s32 $0x40, s28  }
0xd1: {  	[tilespmem:s18], [sflag:$0x11] =	stream.linear.gather [hbm4b:s30+s3], $0x80, $0x38;
	[tilespmem:$0xD800] =	vst v63  }
0xd2: {  	_ =	swait.ge [sflag:s10], $0x80  }
0xd3: {  	[sflag:s10] =	ssyncset.done $0x0  }
0xd4: {  	s14 =	simm.s32 $0x5600;
	s30 =	sadd.s32 $0x40, s29;
	[sflag:s10] =	ssyncadd.s32 $0xFFFFFF80  }
0xd5: {  	[tilespmem:s14], [sflag:$0x11] =	stream.linear.gather [hbm4b:s30+s3], $0x80, $0x38;
	[tilespmem:$0xD800] =	vst v63  }
0xd6: {  	_ =	swait.ge [sflag:s10], $0x80  }
0xd7: {  	[sflag:s10] =	ssyncset.done $0x0  }
0xd8: {  	s15 =	simm.s32 $0x9800;
	[sflag:s10] =	ssyncadd.s32 $0xFFFFFF80  }
0xd9: {  	[tilespmem:s15], [sflag:$0x5] =	stream.indirect.gather [hbm4b:s4+s13], $0x20, s18, s13, $0xb8;
	[tilespmem:$0xD800] =	vst v63  }
0xda: {  	s19 =	simm.s32 $0x5280;
	s30 =	sadd.s32 $0x50, s28  }
0xdb: {  	[tilespmem:s19], [sflag:$0x11] =	stream.linear.gather [hbm4b:s30+s3], $0x80, $0x38;
	[tilespmem:$0xD800] =	vst v63  }
0xdc: {  	_ =	swait.ge [sflag:s10], $0x80  }
0xdd: {  	[sflag:s10] =	ssyncset.done $0x0  }
0xde: {  	s16 =	simm.s32 $0x5680;
	s30 =	sadd.s32 $0x50, s29;
	[sflag:s10] =	ssyncadd.s32 $0xFFFFFF80  }
0xdf: {  	[tilespmem:s16], [sflag:$0x11] =	stream.linear.gather [hbm4b:s30+s3], $0x80, $0x38;
	[tilespmem:$0xD800] =	vst v63  }
0xe0: {  	_ =	swait.ge [sflag:s10], $0x80  }
0xe1: {  	[sflag:s10] =	ssyncset.done $0x0  }
0xe2: {  	s17 =	simm.s32 $0xA800;
	[sflag:s10] =	ssyncadd.s32 $0xFFFFFF80  }
0xe3: {  	[tilespmem:s17], [sflag:$0x6] =	stream.indirect.gather [hbm4b:s4+s13], $0x20, s19, s13, $0xb8;
	[tilespmem:$0xD800] =	vst v63  }
0xe4: {  	s5 =	simm.s32 $0x5300;
	s30 =	sadd.s32 $0x60, s28  }
0xe5: {  	[tilespmem:s5], [sflag:$0x11] =	stream.linear.gather [hbm4b:s30+s3], $0x80, $0x38;
	[tilespmem:$0xD800] =	vst v63  }
0xe6: {  	_ =	swait.ge [sflag:s10], $0x80  }
0xe7: {  	[sflag:s10] =	ssyncset.done $0x0  }
0xe8: {  	s18 =	simm.s32 $0x5700;
	s30 =	sadd.s32 $0x60, s29;
	[sflag:s10] =	ssyncadd.s32 $0xFFFFFF80  }
0xe9: {  	[tilespmem:s18], [sflag:$0x11] =	stream.linear.gather [hbm4b:s30+s3], $0x80, $0x38;
	[tilespmem:$0xD800] =	vst v63  }
0xea: {  	_ =	swait.ge [sflag:s10], $0x80  }
0xeb: {  	[sflag:s10] =	ssyncset.done $0x0  }
0xec: {  	s19 =	simm.s32 $0xB800;
	[sflag:s10] =	ssyncadd.s32 $0xFFFFFF80  }
0xed: {  	[tilespmem:s19], [sflag:$0x7] =	stream.indirect.gather [hbm4b:s4+s13], $0x20, s5, s13, $0xb8;
	[tilespmem:$0xD800] =	vst v63  }
0xee: {  	s28 =	sadd.s32 $0x70, s28;
	s5 =	simm.s32 $0x5380  }
0xef: {  	[tilespmem:s5], [sflag:$0x11] =	stream.linear.gather [hbm4b:s28+s3], $0x80, $0x38;
	[tilespmem:$0xD800] =	vst v63  }
0xf0: {  	_ =	swait.ge [sflag:s10], $0x80  }
0xf1: {  	[sflag:s10] =	ssyncset.done $0x0  }
0xf2: {  	s28 =	sadd.s32 $0x70, s29;
	s29 =	simm.s32 $0x5780;
	[sflag:s10] =	ssyncadd.s32 $0xFFFFFF80  }
0xf3: {  	[tilespmem:s29], [sflag:$0x11] =	stream.linear.gather [hbm4b:s28+s3], $0x80, $0x38;
	[tilespmem:$0xD800] =	vst v63  }
0xf4: {  	_ =	swait.ge [sflag:s10], $0x80  }
0xf5: {  	[sflag:s10] =	ssyncset.done $0x0  }
0xf6: {  	s28 =	simm.s32 $0xC800;
	[sflag:s10] =	ssyncadd.s32 $0xFFFFFF80  }
0xf7: {  	[tilespmem:s28], [sflag:$0x8] =	stream.indirect.gather [hbm4b:s4+s13], $0x20, s5, s13, $0xb8;
	[tilespmem:$0xD800] =	vst v63  }
0xf8: {  	s5 =	simm.s32 $0x1  }
0xf9: {  	_ =	swait.ge [sflag:s5], $0x1000  }
0xfa: {  	[sflag:s5] =	ssyncset.done $0x0  }
0xfb: {  	s31 =	simm.s32 $0x5400;
	[sflag:s5] =	ssyncadd.s32 $0xFFFFF000;
	s5 =	simm.s32 $0x2  }
0xfc: {  	[spmem:s2] =	stream.indirect.scatter.add.f32 [tilespmem:s1], [sflag:$0x9], $0x20, s31, s13, $0xb8;
	[tilespmem:$0xD800] =	vst v63  }
0xfd: {  	_ =	swait.ge [sflag:s5], $0x1000  }
0xfe: {  	[sflag:s5] =	ssyncset.done $0x0  }
0xff: {  	[sflag:s5] =	ssyncadd.s32 $0xFFFFF000  }
0x100: {  	[spmem:s2] =	stream.indirect.scatter.add.f32 [tilespmem:s8], [sflag:$0xA], $0x20, s7, s13, $0xb8;
	[tilespmem:$0xD800] =	vst v63  }
0x101: {  	s7 =	simm.s32 $0x3  }
0x102: {  	_ =	swait.ge [sflag:s7], $0x1000  }
0x103: {  	[sflag:s7] =	ssyncset.done $0x0  }
0x104: {  	s8 =	simm.s32 $0x4;
	[sflag:s7] =	ssyncadd.s32 $0xFFFFF000  }
0x105: {  	[spmem:s2] =	stream.indirect.scatter.add.f32 [tilespmem:s6], [sflag:$0xB], $0x20, s0, s13, $0xb8;
	[tilespmem:$0xD800] =	vst v63  }
0x106: {  	_ =	swait.ge [sflag:s8], $0x1000  }
0x107: {  	[sflag:s8] =	ssyncset.done $0x0  }
0x108: {  	[sflag:s8] =	ssyncadd.s32 $0xFFFFF000  }
0x109: {  	[spmem:s2] =	stream.indirect.scatter.add.f32 [tilespmem:s12], [sflag:$0xC], $0x20, s11, s13, $0xb8;
	[tilespmem:$0xD800] =	vst v63  }
0x10a: {  	s12 =	simm.s32 $0x5  }
0x10b: {  	_ =	swait.ge [sflag:s12], $0x1000  }
0x10c: {  	[sflag:s12] =	ssyncset.done $0x0  }
0x10d: {  	[sflag:s12] =	ssyncadd.s32 $0xFFFFF000  }
0x10e: {  	[spmem:s2] =	stream.indirect.scatter.add.f32 [tilespmem:s15], [sflag:$0xD], $0x20, s14, s13, $0xb8;
	[tilespmem:$0xD800] =	vst v63  }
0x10f: {  	s15 =	simm.s32 $0x6  }
0x110: {  	_ =	swait.ge [sflag:s15], $0x1000  }
0x111: {  	[sflag:s15] =	ssyncset.done $0x0  }
0x112: {  	[sflag:s15] =	ssyncadd.s32 $0xFFFFF000  }
0x113: {  	[spmem:s2] =	stream.indirect.scatter.add.f32 [tilespmem:s17], [sflag:$0xE], $0x20, s16, s13, $0xb8;
	[tilespmem:$0xD800] =	vst v63  }
0x114: {  	s17 =	simm.s32 $0x7  }
0x115: {  	_ =	swait.ge [sflag:s17], $0x1000  }
0x116: {  	[sflag:s17] =	ssyncset.done $0x0  }
0x117: {  	[sflag:s17] =	ssyncadd.s32 $0xFFFFF000  }
0x118: {  	[spmem:s2] =	stream.indirect.scatter.add.f32 [tilespmem:s19], [sflag:$0xF], $0x20, s18, s13, $0xb8;
	[tilespmem:$0xD800] =	vst v63  }
0x119: {  	s19 =	simm.s32 $0x8  }
0x11a: {  	_ =	swait.ge [sflag:s19], $0x1000  }
0x11b: {  	[sflag:s19] =	ssyncset.done $0x0  }
0x11c: {  	[sflag:s19] =	ssyncadd.s32 $0xFFFFF000  }
0x11d: {  	[spmem:s2] =	stream.indirect.scatter.add.f32 [tilespmem:s28], [sflag:$0x10], $0x20, s29, s13, $0xb8;
	[tilespmem:$0xD800] =	vst v63  }
0x11e: {  	s29 =	simm.s32 $0x9  }
0x11f: {  	_ =	swait.ge [sflag:s29], $0x1000  }
0x120: {  	[sflag:s29] =	ssyncset.done $0x0  }
0x121: {  	[sflag:s29] =	ssyncadd.s32 $0xFFFFF000  }
0x122: {  	_ =	swait.ge [sflag:s20], $0x1000  }
0x123: {  	[sflag:s20] =	ssyncset.done $0x0  }
0x124: {  	[sflag:s20] =	ssyncadd.s32 $0xFFFFF000  }
0x125: {  	_ =	swait.ge [sflag:s21], $0x1000  }
0x126: {  	[sflag:s21] =	ssyncset.done $0x0  }
0x127: {  	[sflag:s21] =	ssyncadd.s32 $0xFFFFF000  }
0x128: {  	_ =	swait.ge [sflag:s22], $0x1000  }
0x129: {  	[sflag:s22] =	ssyncset.done $0x0  }
0x12a: {  	[sflag:s22] =	ssyncadd.s32 $0xFFFFF000  }
0x12b: {  	_ =	swait.ge [sflag:s23], $0x1000  }
0x12c: {  	[sflag:s23] =	ssyncset.done $0x0  }
0x12d: {  	[sflag:s23] =	ssyncadd.s32 $0xFFFFF000  }
0x12e: {  	_ =	swait.ge [sflag:s24], $0x1000  }
0x12f: {  	p0 =	sne.s32 s26, $0x200;
	[sflag:s24] =	ssyncset.done $0x0  }
.Ltmp0:
0x130: {  	[sflag:s24] =	ssyncadd.s32 $0xFFFFF000;
	(pc) =	sbr.rel @p0 .LBB2_2-.Ltmp0, $4  }
0x131: {  	_ =	swait.ge [sflag:s25], $0x1000  }
0x132: {  	[sflag:s25] =	ssyncset.done $0x0  }
0x133: {  	[sflag:s25] =	ssyncadd.s32 $0xFFFFF000  }
0x134: {  	s26 =	sadd.s32 $0x80, s26;
	s30 =	simm.s32 $0x5000;
	_ =	swait.ge [sflag:s9], $0x1000  }
0x135: {  	s0 =	simm.s32 $0x10  }
0x136: {  	[sflag:s0] =	ssyncset.done $0x0  }
0x137: {  	[sflag:s0] =	ssyncadd.s32 $0xFFFFF000  }
0x138: {  	[bflag:$0x0] =	sbarrier.arrive $0xFFFF  }
0x139: {  	s28 =	rddreg [dreg:$0x6]  }
0x13a: {  	s26 =	rddreg [dreg:$0x7]  }
0x13b: {  	s29 =	rddreg [dreg:$0x9]  }
0x13c: {  	[hbm:s26], [sflag:s28] =	dma.local [spmem:s29], $0xA00  }
0x13d: {  	_ =	swait.ge [sflag:s10], $0xA00  }
0x13e: {  	s20 =	rddreg [dreg:$0xa]  }
0x13f: {  	s21 =	rddreg [dreg:$0x8];
	s0 =	sadd.s32 $0x1, s20  }
0x140: {  	p0 =	sne.s32 s0, s21  }
.Ltmp1:
0x141: {  	_ = 	snop;
	(pc) =	sbr.rel @p0 .LBB2_1-.Ltmp1, $3  }
0x142: {  	_ =	sdelay $0x1  }
0x143: {  	[sflag:s10] =	ssyncset.done $0x0  }
0x144: {  	s9 =	simm.s32 $0x10;
	[sflag:s10] =	ssyncadd.s32 $0xFFFFF600  }
0x145: {  	_ =	sfence.sel $0x180000  }
0x146: {  	[bflag:$0x0] =	sbarrier.arrive $0xFFFF  }
0x147: {  	_ =	strace $0x90000050  }
0x148: {  	s0 =	stileid.u32;
	[bflag:$0x2] =	sbarrier.arrive $0xFFFF  }
0x149: {  	p0 =	sne.s32 s0, $0x0;
	s0 =	rddreg [dreg:$0x2]  }
0x14a: {  	s0 =	sadd.s32 @!p0 $0x100000, s0  }
0x14b: {  	[sflag:s0] =	ssyncadd.tile.s32 @!p0 $0x1;
	_ =	shalt  }
.Lfunc_end2:
_tile_overlayer_lowered:
.L_overlay_start_2:
0x14c: {  	(tag) =	ssettag $0x2  }
0x14d: {  	s0 =	rddreg [dreg:$0x0];
	s2 =	stileid.u32  }
0x14e: {  	s1 =	rddreg [dreg:$0x1];
	p0 =	sne.s32 s2, $0x0  }
0x14f: {  	s3 =	rddreg [dreg:$0x2];
	[bflag:$0x3] =	sbarrier.arrive $0xFFFF;
	s2 =	simm.s32 @!p0 $0x1C11  }
0x150: {  	[timem:s3], [sflag:s2] =	dma.local @!p0 [hbm:s0], s1  }
0x151: {  	s0 =	simm.s32 @!p0 $0x11  }
0x152: {  	_ =	swait.ge @!p0 [sflag:s0], s1  }
0x153: {  	s1 =	ssub.s32 @!p0 $0x0, s1;
	[sflag:s0] =	ssyncset.done @!p0 $0x0  }
0x154: {  	[sflag:s0] =	ssyncadd.s32 @!p0 s1  }
0x155: {  	[bflag:$0x3] =	sbarrier.arrive $0xFFFF  }
0x156: {  	_ =	shalt  }

// kernel: kernel.27.cloned.1.call-start
scs
__scs_entry_jumppad:
0x0: {  	(pc) =	sbr.rel $0x88, $3  }
0x1: {  	(tag) =	ssettag $0x0;
	lr =	simm.s32 $0x1  }
0x2: {  	[smem:$0x3F6F] =	sst lr;
	_ =	strace $0xD0000000  }
0x3: {  	_ = 	snop  }
0x4: {  	_ = 	snop  }
0x5: {  	_ = 	snop  }
0x6: {  	_ = 	snop  }
0x7: {  	_ = 	snop  }
__scs_overlays_trampoline_lowered:
0x8: {  	[smem:$0x3F7E] =	sst s0  }
0x9: {  	[smem:$0x3F7F] =	sst s1  }
0xa: {  	[smem:$0x3F80] =	sst s2  }
0xb: {  	[smem:$0x3F81] =	sst s3  }
0xc: {  	[smem:$0x3F82] =	sst s4  }
0xd: {  	[smem:$0x3F83] =	sst s5  }
0xe: {  	[smem:$0x3F84] =	sst s6  }
0xf: {  	[smem:$0x3F85] =	sst s7  }
0x10: {  	[smem:$0x3F86] =	sst s8  }
0x11: {  	[smem:$0x3F87] =	sst s9;
	s0 =	simm.s32 @!p0 $0x0  }
0x12: {  	s1 =	sld [smem:$0x3F6D];
	s0 =	simm.s32 @p0 $0x1  }
0x13: {  	[smem:$0x3F88] =	sst s0;
	s0 =	simm.s32 @!p1 $0x0  }
0x14: {  	s2 =	sld [smem:$0x3F6C];
	s0 =	simm.s32 @p1 $0x1  }
0x15: {  	[smem:$0x3F89] =	sst s0;
	s0 =	simm.s32 @!p2 $0x0  }
0x16: {  	s3 =	sld [smem:$0x3FDB];
	s0 =	simm.s32 @p2 $0x1  }
0x17: {  	s4 =	simm.s32 $0x1BF5;
	[smem:$0x3F8B] =	sst s0  }
0x18: {  	s0 =	sld [smem:$0x3F6E];
	_ =	swait.ge [sflag:s4], $0x0  }
0x19: {  	s7 =	sld [smem:$0x3F6F]  }
0x1a: {  	s8 =	sadd.s32 $0xFFFFE003, lr  }
0x1b: {  	s9 =	sadd.s32 $0xFFFFFEF7, lr;
	s5 =	simm.s32 $0xFFFFFFFF;
	p2 =	slt.u32 s8, $0xFFFFF086  }
0x1c: {  	p1 =	slt.u32 s9, $0xF7A;
	s5 =	simm.s32 @!p2 $0x0  }
0x1d: {  	s5 =	simm.s32 @p1 $0x1;
	p0 =	seq.s32 s7, s2  }
0x1e: {  	s7 =	smul.u32 @!p0 $0xF7A, s2;
	p2 =	seq.s32 @!p0 s5, $0x0  }
0x1f: {  	s9 =	smul.u32 $0xF7A, s1;
	s8 =	simm.s32 @!p0 $0x1BF5;
	p2 =	por !p2, p0  }
0x20: {  	[sflag:s8] =	ssyncset.s32 @!p0 $0xFFFFF086;
	s6 =	sadd.s32 @!p0 s3, s7;
	s7 =	simm.s32 @!p0 $0x108  }
0x21: {  	s3 =	sadd.s32 s3, s9;
	s6 =	sadd.s32 @!p0 $0x88, s6;
	s7 =	simm.s32 @p2 $0x1082  }
0x22: {  	[simem:s7], [sflag:s8] =	dma.local @!p0 [hbm:s6], $0xF7A  }
0x23: {  	s9 =	sor.u32 $0xD0000000, s2;
	s6 =	simm.s32 $0x108;
	_ =	swait.ge @!p0 [sflag:s8], $0x0  }
0x24: {  	s3 =	sadd.s32 $0x88, s3;
	s6 =	simm.s32 @!p1 $0x1082;
	[sflag:s4] =	ssyncset.s32 $0xFFFFF086  }
0x25: {  	[simem:s6], [sflag:s4] =	dma.local [hbm:s3], $0xF7A  }
0x26: {  	[smem:$0x3F6F] =	sst s1;
	(tag) =	ssettag s2;
	_ =	strace s9  }
0x27: {  	s1 =	sld [smem:$0x3F7F]  }
0x28: {  	s2 =	sld [smem:$0x3F80]  }
0x29: {  	s4 =	sld [smem:$0x3F82]  }
0x2a: {  	p0 =	seq.s32 s5, $0x0;
	s5 =	sld [smem:$0x3F83]  }
0x2b: {  	s6 =	sld [smem:$0x3F84]  }
0x2c: {  	s7 =	sld [smem:$0x3F85]  }
0x2d: {  	s3 =	simm.s32 $0x108;
	s8 =	sld [smem:$0x3F86]  }
0x2e: {  	s3 =	simm.s32 @!p0 $0x1082;
	s9 =	sld [smem:$0x3F87]  }
0x2f: {  	lr =	sadd.s32 s0, s3;
	s0 =	sld [smem:$0x3F7E]  }
0x30: {  	s3 =	sld [smem:$0x3F81]  }
0x31: {  	[smem:$0x3F8A] =	sst s10  }
0x32: {  	s10 =	sld [smem:$0x3F88];
	_ =	sdelay $0x3  }
0x33: {  	p0 =	seq.s32 s10, $0x1;
	s10 =	sld [smem:$0x3F8A];
	_ =	sdelay $0x3  }
0x34: {  	[smem:$0x3F8A] =	sst s10  }
0x35: {  	s10 =	sld [smem:$0x3F89];
	_ =	sdelay $0x3  }
0x36: {  	p1 =	seq.s32 s10, $0x1;
	s10 =	sld [smem:$0x3F8A];
	_ =	sdelay $0x3  }
0x37: {  	[smem:$0x3F8A] =	sst s10  }
0x38: {  	s10 =	sld [smem:$0x3F8B]  }
0x39: {  	_ = 	snop;
	(pc) =	sbr.ind lr, $3  }
0x3a: {  	_ = 	snop  }
0x3b: {  	_ = 	snop  }
0x3c: {  	p2 =	seq.s32 s10, $0x1;
	s10 =	sld [smem:$0x3F8A]  }
0x3d: {  	_ =	shalt  }
0x3e: {  	_ =	shalt  }
0x3f: {  	_ =	shalt  }
0x40: {  	_ =	shalt  }
0x41: {  	_ =	shalt  }
0x42: {  	_ =	shalt  }
0x43: {  	_ =	shalt  }
0x44: {  	_ =	shalt  }
0x45: {  	_ =	shalt  }
0x46: {  	_ =	shalt  }
0x47: {  	_ =	shalt  }
0x48: {  	_ =	shalt  }
0x49: {  	_ =	shalt  }
0x4a: {  	_ =	shalt  }
0x4b: {  	_ =	shalt  }
0x4c: {  	_ =	shalt  }
0x4d: {  	_ =	shalt  }
0x4e: {  	_ =	shalt  }
0x4f: {  	_ =	shalt  }
0x50: {  	_ =	shalt  }
0x51: {  	_ =	shalt  }
0x52: {  	_ =	shalt  }
0x53: {  	_ =	shalt  }
0x54: {  	_ =	shalt  }
0x55: {  	_ =	shalt  }
0x56: {  	_ =	shalt  }
0x57: {  	_ =	shalt  }
0x58: {  	_ =	shalt  }
0x59: {  	_ =	shalt  }
0x5a: {  	_ =	shalt  }
0x5b: {  	_ =	shalt  }
0x5c: {  	_ =	shalt  }
0x5d: {  	_ =	shalt  }
0x5e: {  	_ =	shalt  }
0x5f: {  	_ =	shalt  }
0x60: {  	_ =	shalt  }
0x61: {  	_ =	shalt  }
0x62: {  	_ =	shalt  }
0x63: {  	_ =	shalt  }
0x64: {  	_ =	shalt  }
0x65: {  	_ =	shalt  }
0x66: {  	_ =	shalt  }
0x67: {  	_ =	shalt  }
0x68: {  	_ =	shalt  }
0x69: {  	_ =	shalt  }
0x6a: {  	_ =	shalt  }
0x6b: {  	_ =	shalt  }
0x6c: {  	_ =	shalt  }
0x6d: {  	_ =	shalt  }
0x6e: {  	_ =	shalt  }
0x6f: {  	_ =	shalt  }
0x70: {  	_ =	shalt  }
0x71: {  	_ =	shalt  }
0x72: {  	_ =	shalt  }
0x73: {  	_ =	shalt  }
0x74: {  	_ =	shalt  }
0x75: {  	_ =	shalt  }
0x76: {  	_ =	shalt  }
0x77: {  	_ =	shalt  }
0x78: {  	_ =	shalt  }
0x79: {  	_ =	shalt  }
0x7a: {  	_ =	shalt  }
0x7b: {  	_ =	shalt  }
0x7c: {  	_ =	shalt  }
0x7d: {  	_ =	shalt  }
0x7e: {  	_ =	shalt  }
0x7f: {  	_ =	shalt  }
0x80: {  	_ =	shalt  }
0x81: {  	_ =	shalt  }
0x82: {  	_ =	shalt  }
0x83: {  	_ =	shalt  }
0x84: {  	_ =	shalt  }
0x85: {  	_ =	shalt  }
0x86: {  	_ =	shalt  }
0x87: {  	_ =	shalt  }
.Lfunc_end0:
.L_simem_size_0:
called_computation.4_lowered:
.L_overlay_start_0:
0x88: {  	s2 =	sld [smem:$0x3FD9]  }
0x89: {  	s3 =	sld [smem:$0x3FFE];
	_ =	sdelay $0x1  }
0x8a: {  	s1 =	srdreg.scid  }
0x8b: {  	s0 =	sand.u32 $0x1, s1  }
0x8c: {  	s16 =	sshll.u32 s0, $0xA;
	s2 =	sadd.s32 s3, s2  }
0x8d: {  	s2 =	sadd.s32 s2, s16  }
0x8e: {  	[smem:$0x3F96] =	sst s2  }
0x8f: {  	_ = 	snop  }
0x90: {  	(tm) =	ssettm $0x1  }
0x91: {  	s17 =	sld [smem:$0x3FFB];
	_ =	sdelay $0x3  }
0x92: {  	_ =	strace s17  }
0x93: {  	s2 =	sld [smem:$0x3FFC];
	_ =	sdelay $0x3  }
0x94: {  	_ =	strace s2  }
0x95: {  	s2 =	sld [smem:$0x3FFD];
	_ =	sdelay $0x3  }
0x96: {  	_ =	strace s2  }
0x97: {  	_ =	strace $0x8FFFFFFF  }
0x98: {  	s18 =	sld [smem:$0x3FDB];
	_ =	sdelay $0x1  }
0x99: {  	s19 =	simm.s32 $_scs_section_size  }
0x9a: {  	s4 =	simm.s32 $_size__tile_overlayer_lowered;
	s5 =	simm.s32 $_tile_overlayer_lowered  }
0x9b: {  	s22 =	simm.s32 $0x1BFF;
	s21 =	sshll.u32 s5, $0x1;
	s2 =	sadd.s32 s19, s18  }
0x9c: {  	s6 =	simm.s32 $0x0;
	s20 =	sshll.u32 s4, $0x1;
	s4 =	sadd.s32 s21, s2  }
0x9d: {  	[timem:s6], [sflag:s22] =	dma.local [hbm:s4], s20  }
0x9e: {  	_ =	swait.ge [sflag:s22], s20  }
0x9f: {  	s3 =	ssub.s32 $0x0, s20;
	[sflag:s22] =	ssyncset.done $0x0  }
0xa0: {  	[sflag:s22] =	ssyncadd.s32 s3;
	_ =	sdelay $0x1  }
0xa1: {  	s23 =	simm.s32 $0x1B8B  }
0xa2: {  	_ =	swait.ge [sflag:s23], $0x1  }
0xa3: {  	[sflag:s23] =	ssyncset.done $0x0  }
0xa4: {  	s25 =	simm.s32 $0x1B8E;
	s24 =	sld [smem:$0x3FFE];
	[sflag:s23] =	ssyncadd.s32 $0xFFFFFFFF  }
0xa5: {  	s26 =	simm.s32 $execute0_lowered;
	[smem:$0x3FD2] =	sst s25  }
0xa6: {  	s4 =	sshll.u32 s26, $0x1;
	_ =	strace $0x80000052;
	[dreg:$0x1] =	wrdreg $0xFFFFFFFF  }
0xa7: {  	s28 =	simm.s32 $_size_execute0_lowered;
	s2 =	sadd.s32 s2, s4;
	[dreg:$0x0] =	wrdreg $0x0  }
0xa8: {  	s4 =	sshll.u32 s28, $0x1;
	[dreg:$0x2] =	wrdreg s2  }
0xa9: {  	[dreg:$0x3] =	wrdreg s4  }
0xaa: {  	[dreg:$0x4] =	wrdreg $0xC0  }
0xab: {  	_ =	task [dreg:s6], $0x5FFFF  }
0xac: {  	[dreg:$0x1] =	wrdreg $0xFFFFFFFF  }
0xad: {  	[dreg:$0x0] =	wrdreg $0x60  }
0xae: {  	[dreg:$0x2] =	wrdreg s24  }
0xaf: {  	[dreg:$0x3] =	wrdreg $0x0  }
0xb0: {  	[dreg:$0x4] =	wrdreg $0x9  }
0xb1: {  	_ =	task.clear_ibuf [dreg:s6], $0x5FFFF;
	_ =	strace $0x90000052  }
0xb2: {  	s29 =	simm.s32 $0x9;
	_ =	strace $0x80000054  }
0xb3: {  	_ =	swait.ge [sflag:s29], $0x1  }
0xb4: {  	[sflag:s29] =	ssyncadd.s32 $0xFFFFFFFF  }
0xb5: {  	_ =	strace $0x90000054  }
0xb6: {  	_ =	sfence  }
0xb7: {  	s30 =	sld [smem:$0x0];
	_ =	sdelay $0x2  }
0xb8: {  	s31 =	sshll.u32 s1, $0xD;
	s1 =	sshrl.u32 s1, $0x2  }
0xb9: {  	s3 =	sand.u32 $0x4000, s31;
	s1 =	sadd.s32 s1, s30  }
0xba: {  	s0 =	sor.u32 s3, s0;
	s1 =	sshll.u32 s1, $0x11  }
0xbb: {  	s0 =	sor.u32 s1, s0  }
0xbc: {  	s0 =	sadd.s32 $0x8F2B, s0  }
0xbd: {  	[sflag:s0] =	ssyncadd.remote.s32 $0x1  }
0xbe: {  	_ =	sfence.sel $0xFFFF  }
0xbf: {  	[dreg:$0x0] =	wrdreg $0xFFFFFFFF;
	(pc) =	sbr.abs _section_cstart, $3  }
0xc0: {  	[dreg:$0x1] =	wrdreg $0xFFFFFFFF  }
0xc1: {  	_ =	task.clear_ibuf [dreg:s6], $0x2FFFF;
	_ =	strace $0x9FFFFFFF  }
0xc2: {  	(tm) =	ssettm $0x7FFFFFFF  }
0xc3: {  	_ =	shalt  }
tec
execute0_lowered:
.L_overlay_start_1:
0x0: {  	(tag) =	ssettag $0x1  }
0x1: {  	s0 =	srdreg.scid  }
0x2: {  	s1 =	rddreg [dreg:$0x0];
	s10 =	stileid.u32  }
0x3: {  	s2 =	rddreg [dreg:$0x1];
	s3 =	simm.s32 $0x0;
	s5 =	smul.u32 $0x1400, s10  }
0x4: {  	s30 =	simm.s32 $0x5000;
	s31 =	simm.s32 $0x5400;
	s6 =	smul.u32 $0x5000, s10  }
0x5: {  	s13 =	simm.s32 $0x80;
	s0 =	sand.u32 $0x1, s0;
	s20 =	smul.u32 $0xA00, s10  }
0x6: {  	[smem:$0x7FF] =	sst s3;
	s24 =	sshll.u32 s10, $0x6;
	s4 =	smul.u32 $0x14000, s0  }
0x7: {  	s10 =	simm.s32 $0x11;
	_ =	strace $0x80000053;
	s8 =	smul.u32 $0xA000, s0  }
0x8: {  	s0 =	ssub.s32 $0x2, s0;
	s28 =	sor.u32 $0x1C11, s24;
	s24 =	simm.s32 $0xE  }
0x9: {  	s9 =	sshrl.u32 s6, $0x3;
	s21 =	sshrl.u32 s0, $0x1;
	s22 =	sadd.s32 s6, s2  }
0xa: {  	[dreg:$0x6] =	wrdreg s28;
	s4 =	sadd.s32 s5, s4;
	s5 =	sadd.s32 s20, s8  }
0xb: {  	s9 =	sadd.s32 s9, s1;
	s0 =	ssub.s32 s0, s21;
	s29 =	sshrl.u32 s22, $0x3  }
0xc: {  	s22 =	simm.s32 $0xC;
	s7 =	sshrl.u32 s4, $0x3;
	s4 =	sadd.s32 $0xC200, s1  }
0xd: {  	s23 =	sadd.s32 $0x16000, s9;
	s0 =	smax.u32 s0, $0x1;
	[dreg:$0x9] =	wrdreg s29  }
0xe: {  	s7 =	sadd.s32 s7, s1;
	s1 =	sadd.s32 s5, s1;
	[dreg:$0x5] =	wrdreg s23  }
0xf: {  	s9 =	simm.s32 $0x10;
	[dreg:$0x8] =	wrdreg s0;
	s1 =	sadd.s32 $0x20000, s1  }
0x10: {  	s0 =	simm.s32 $0x0;
	s25 =	sadd.s32 $0x7200, s7;
	[dreg:$0x7] =	wrdreg s1  }
0x11: {  	s23 =	simm.s32 $0xD;
	s26 =	sadd.s32 $0xC3200, s7;
	[dreg:$0x3] =	wrdreg s25  }
0x12: {  	[dreg:$0x4] =	wrdreg s26;
	s1 =	simm.s32 $0x5800;
	s25 =	simm.s32 $0xF  }
.LBB2_1:
0x13: {  	[dreg:$0xa] =	wrdreg s0  }
0x14: {  	s26 =	rddreg [dreg:$0x5]  }
0x15: {  	[spmem:s29], [sflag:s28] =	dma.local [hbm:s26], $0xA00  }
0x16: {  	_ =	swait.ge [sflag:s10], $0xA00  }
0x17: {  	[sflag:s10] =	ssyncset.done $0x0  }
0x18: {  	[sflag:s10] =	ssyncadd.s32 $0xFFFFF600  }
0x19: {  	[bflag:$0x0] =	sbarrier.arrive $0xFFFF  }
0x1a: {  	s29 =	rddreg [dreg:$0x3]  }
0x1b: {  	s26 =	sadd.s32 $0x0, s29  }
0x1c: {  	[tilespmem:s30], [sflag:$0x11] =	stream.linear.gather [hbm4b:s26+s3], $0x80, $0x38;
	[tilespmem:$0xD800] =	vst v63  }
0x1d: {  	_ =	swait.ge [sflag:s10], $0x80  }
0x1e: {  	s0 =	rddreg [dreg:$0x4];
	[sflag:s10] =	ssyncset.done $0x0  }
0x1f: {  	[sflag:s10] =	ssyncadd.s32 $0xFFFFFF80;
	s28 =	sadd.s32 $0x0, s0  }
0x20: {  	[tilespmem:s31], [sflag:$0x11] =	stream.linear.gather [hbm4b:s28+s3], $0x80, $0x38;
	[tilespmem:$0xD800] =	vst v63  }
0x21: {  	_ =	swait.ge [sflag:s10], $0x80  }
0x22: {  	[sflag:s10] =	ssyncset.done $0x0  }
0x23: {  	[sflag:s10] =	ssyncadd.s32 $0xFFFFFF80  }
0x24: {  	[tilespmem:s1], [sflag:$0x1] =	stream.indirect.gather [hbm4b:s4+s13], $0x20, s30, s13, $0xb8;
	[tilespmem:$0xD800] =	vst v63  }
0x25: {  	s6 =	simm.s32 $0x5080;
	s5 =	sadd.s32 $0x10, s26  }
0x26: {  	[tilespmem:s6], [sflag:$0x11] =	stream.linear.gather [hbm4b:s5+s3], $0x80, $0x38;
	[tilespmem:$0xD800] =	vst v63  }
0x27: {  	_ =	swait.ge [sflag:s10], $0x80  }
0x28: {  	[sflag:s10] =	ssyncset.done $0x0  }
0x29: {  	s7 =	sadd.s32 $0x10, s28;
	s5 =	simm.s32 $0x5480;
	[sflag:s10] =	ssyncadd.s32 $0xFFFFFF80  }
0x2a: {  	[tilespmem:s5], [sflag:$0x11] =	stream.linear.gather [hbm4b:s7+s3], $0x80, $0x38;
	[tilespmem:$0xD800] =	vst v63  }
0x2b: {  	_ =	swait.ge [sflag:s10], $0x80  }
0x2c: {  	[sflag:s10] =	ssyncset.done $0x0  }
0x2d: {  	s7 =	simm.s32 $0x6800;
	[sflag:s10] =	ssyncadd.s32 $0xFFFFFF80  }
0x2e: {  	[tilespmem:s7], [sflag:$0x2] =	stream.indirect.gather [hbm4b:s4+s13], $0x20, s6, s13, $0xb8;
	[tilespmem:$0xD800] =	vst v63  }
0x2f: {  	s11 =	simm.s32 $0x5100;
	s8 =	sadd.s32 $0x20, s26  }
0x30: {  	[tilespmem:s11], [sflag:$0x11] =	stream.linear.gather [hbm4b:s8+s3], $0x80, $0x38;
	[tilespmem:$0xD800] =	vst v63  }
0x31: {  	_ =	swait.ge [sflag:s10], $0x80  }
0x32: {  	[sflag:s10] =	ssyncset.done $0x0  }
0x33: {  	s12 =	sadd.s32 $0x20, s28;
	s8 =	simm.s32 $0x5500;
	[sflag:s10] =	ssyncadd.s32 $0xFFFFFF80  }
0x34: {  	[tilespmem:s8], [sflag:$0x11] =	stream.linear.gather [hbm4b:s12+s3], $0x80, $0x38;
	[tilespmem:$0xD800] =	vst v63  }
0x35: {  	_ =	swait.ge [sflag:s10], $0x80  }
0x36: {  	[sflag:s10] =	ssyncset.done $0x0  }
0x37: {  	s6 =	simm.s32 $0x7800;
	[sflag:s10] =	ssyncadd.s32 $0xFFFFFF80  }
0x38: {  	[tilespmem:s6], [sflag:$0x3] =	stream.indirect.gather [hbm4b:s4+s13], $0x20, s11, s13, $0xb8;
	[tilespmem:$0xD800] =	vst v63  }
0x39: {  	s15 =	simm.s32 $0x5180;
	s14 =	sadd.s32 $0x30, s26  }
0x3a: {  	[tilespmem:s15], [sflag:$0x11] =	stream.linear.gather [hbm4b:s14+s3], $0x80, $0x38;
	[tilespmem:$0xD800] =	vst v63  }
0x3b: {  	_ =	swait.ge [sflag:s10], $0x80  }
0x3c: {  	[sflag:s10] =	ssyncset.done $0x0  }
0x3d: {  	s16 =	sadd.s32 $0x30, s28;
	s11 =	simm.s32 $0x5580;
	[sflag:s10] =	ssyncadd.s32 $0xFFFFFF80  }
0x3e: {  	[tilespmem:s11], [sflag:$0x11] =	stream.linear.gather [hbm4b:s16+s3], $0x80, $0x38;
	[tilespmem:$0xD800] =	vst v63  }
0x3f: {  	_ =	swait.ge [sflag:s10], $0x80  }
0x40: {  	[sflag:s10] =	ssyncset.done $0x0  }
0x41: {  	s12 =	simm.s32 $0x8800;
	[sflag:s10] =	ssyncadd.s32 $0xFFFFFF80  }
0x42: {  	[tilespmem:s12], [sflag:$0x4] =	stream.indirect.gather [hbm4b:s4+s13], $0x20, s15, s13, $0xb8;
	[tilespmem:$0xD800] =	vst v63  }
0x43: {  	s18 =	simm.s32 $0x5200;
	s17 =	sadd.s32 $0x40, s26  }
0x44: {  	[tilespmem:s18], [sflag:$0x11] =	stream.linear.gather [hbm4b:s17+s3], $0x80, $0x38;
	[tilespmem:$0xD800] =	vst v63  }
0x45: {  	_ =	swait.ge [sflag:s10], $0x80  }
0x46: {  	[sflag:s10] =	ssyncset.done $0x0  }
0x47: {  	s19 =	sadd.s32 $0x40, s28;
	s14 =	simm.s32 $0x5600;
	[sflag:s10] =	ssyncadd.s32 $0xFFFFFF80  }
0x48: {  	[tilespmem:s14], [sflag:$0x11] =	stream.linear.gather [hbm4b:s19+s3], $0x80, $0x38;
	[tilespmem:$0xD800] =	vst v63  }
0x49: {  	_ =	swait.ge [sflag:s10], $0x80  }
0x4a: {  	[sflag:s10] =	ssyncset.done $0x0  }
0x4b: {  	s15 =	simm.s32 $0x9800;
	[sflag:s10] =	ssyncadd.s32 $0xFFFFFF80  }
0x4c: {  	[tilespmem:s15], [sflag:$0x5] =	stream.indirect.gather [hbm4b:s4+s13], $0x20, s18, s13, $0xb8;
	[tilespmem:$0xD800] =	vst v63  }
0x4d: {  	s21 =	simm.s32 $0x5280;
	s20 =	sadd.s32 $0x50, s26  }
0x4e: {  	[tilespmem:s21], [sflag:$0x11] =	stream.linear.gather [hbm4b:s20+s3], $0x80, $0x38;
	[tilespmem:$0xD800] =	vst v63  }
0x4f: {  	_ =	swait.ge [sflag:s10], $0x80  }
0x50: {  	[sflag:s10] =	ssyncset.done $0x0  }
0x51: {  	s16 =	simm.s32 $0x5680;
	s18 =	sadd.s32 $0x50, s28;
	[sflag:s10] =	ssyncadd.s32 $0xFFFFFF80  }
0x52: {  	[tilespmem:s16], [sflag:$0x11] =	stream.linear.gather [hbm4b:s18+s3], $0x80, $0x38;
	[tilespmem:$0xD800] =	vst v63  }
0x53: {  	_ =	swait.ge [sflag:s10], $0x80  }
0x54: {  	[sflag:s10] =	ssyncset.done $0x0  }
0x55: {  	s17 =	simm.s32 $0xA800;
	[sflag:s10] =	ssyncadd.s32 $0xFFFFFF80  }
0x56: {  	[tilespmem:s17], [sflag:$0x6] =	stream.indirect.gather [hbm4b:s4+s13], $0x20, s21, s13, $0xb8;
	[tilespmem:$0xD800] =	vst v63  }
0x57: {  	s19 =	sadd.s32 $0x60, s26;
	s20 =	simm.s32 $0x5300  }
0x58: {  	[tilespmem:s20], [sflag:$0x11] =	stream.linear.gather [hbm4b:s19+s3], $0x80, $0x38;
	[tilespmem:$0xD800] =	vst v63  }
0x59: {  	_ =	swait.ge [sflag:s10], $0x80  }
0x5a: {  	[sflag:s10] =	ssyncset.done $0x0  }
0x5b: {  	s18 =	simm.s32 $0x5700;
	s21 =	sadd.s32 $0x60, s28;
	[sflag:s10] =	ssyncadd.s32 $0xFFFFFF80  }
0x5c: {  	[tilespmem:s18], [sflag:$0x11] =	stream.linear.gather [hbm4b:s21+s3], $0x80, $0x38;
	[tilespmem:$0xD800] =	vst v63  }
0x5d: {  	_ =	swait.ge [sflag:s10], $0x80  }
0x5e: {  	[sflag:s10] =	ssyncset.done $0x0  }
0x5f: {  	s19 =	simm.s32 $0xB800;
	[sflag:s10] =	ssyncadd.s32 $0xFFFFFF80  }
0x60: {  	[tilespmem:s19], [sflag:$0x7] =	stream.indirect.gather [hbm4b:s4+s13], $0x20, s20, s13, $0xb8;
	[tilespmem:$0xD800] =	vst v63  }
0x61: {  	s29 =	simm.s32 $0x5380;
	s26 =	sadd.s32 $0x70, s26  }
0x62: {  	[tilespmem:s29], [sflag:$0x11] =	stream.linear.gather [hbm4b:s26+s3], $0x80, $0x38;
	[tilespmem:$0xD800] =	vst v63  }
0x63: {  	_ =	swait.ge [sflag:s10], $0x80  }
0x64: {  	[sflag:s10] =	ssyncset.done $0x0  }
0x65: {  	s28 =	sadd.s32 $0x70, s28;
	s20 =	simm.s32 $0x5780;
	[sflag:s10] =	ssyncadd.s32 $0xFFFFFF80  }
0x66: {  	[tilespmem:s20], [sflag:$0x11] =	stream.linear.gather [hbm4b:s28+s3], $0x80, $0x38;
	[tilespmem:$0xD800] =	vst v63  }
0x67: {  	_ =	swait.ge [sflag:s10], $0x80  }
0x68: {  	[sflag:s10] =	ssyncset.done $0x0  }
0x69: {  	s21 =	simm.s32 $0xC800;
	[sflag:s10] =	ssyncadd.s32 $0xFFFFFF80  }
0x6a: {  	[tilespmem:s21], [sflag:$0x8] =	stream.indirect.gather [hbm4b:s4+s13], $0x20, s29, s13, $0xb8;
	[tilespmem:$0xD800] =	vst v63  }
0x6b: {  	s29 =	simm.s32 $0x1  }
0x6c: {  	_ =	swait.ge [sflag:s29], $0x1000  }
0x6d: {  	[sflag:s29] =	ssyncset.done $0x0  }
0x6e: {  	[sflag:s29] =	ssyncadd.s32 $0xFFFFF000  }
0x6f: {  	[spmem:s2] =	stream.indirect.scatter.add.f32 [tilespmem:s1], [sflag:$0x9], $0x20, s31, s13, $0xb8;
	[tilespmem:$0xD800] =	vst v63  }
0x70: {  	s1 =	simm.s32 $0x2  }
0x71: {  	_ =	swait.ge [sflag:s1], $0x1000  }
0x72: {  	[sflag:s1] =	ssyncset.done $0x0  }
0x73: {  	[sflag:s1] =	ssyncadd.s32 $0xFFFFF000  }
0x74: {  	[spmem:s2] =	stream.indirect.scatter.add.f32 [tilespmem:s7], [sflag:$0xA], $0x20, s5, s13, $0xb8;
	[tilespmem:$0xD800] =	vst v63  }
0x75: {  	s7 =	simm.s32 $0x3  }
0x76: {  	_ =	swait.ge [sflag:s7], $0x1000  }
0x77: {  	[sflag:s7] =	ssyncset.done $0x0  }
0x78: {  	[sflag:s7] =	ssyncadd.s32 $0xFFFFF000  }
0x79: {  	[spmem:s2] =	stream.indirect.scatter.add.f32 [tilespmem:s6], [sflag:$0xB], $0x20, s8, s13, $0xb8;
	[tilespmem:$0xD800] =	vst v63  }
0x7a: {  	s8 =	simm.s32 $0x4  }
0x7b: {  	_ =	swait.ge [sflag:s8], $0x1000  }
0x7c: {  	[sflag:s8] =	ssyncset.done $0x0  }
0x7d: {  	[sflag:s8] =	ssyncadd.s32 $0xFFFFF000  }
0x7e: {  	[spmem:s2] =	stream.indirect.scatter.add.f32 [tilespmem:s12], [sflag:$0xC], $0x20, s11, s13, $0xb8;
	[tilespmem:$0xD800] =	vst v63  }
0x7f: {  	s12 =	simm.s32 $0x5  }
0x80: {  	_ =	swait.ge [sflag:s12], $0x1000  }
0x81: {  	[sflag:s12] =	ssyncset.done $0x0  }
0x82: {  	s26 =	simm.s32 $0x6;
	[sflag:s12] =	ssyncadd.s32 $0xFFFFF000  }
0x83: {  	[spmem:s2] =	stream.indirect.scatter.add.f32 [tilespmem:s15], [sflag:$0xD], $0x20, s14, s13, $0xb8;
	[tilespmem:$0xD800] =	vst v63  }
0x84: {  	_ =	swait.ge [sflag:s26], $0x1000  }
0x85: {  	[sflag:s26] =	ssyncset.done $0x0  }
0x86: {  	s28 =	simm.s32 $0x7;
	[sflag:s26] =	ssyncadd.s32 $0xFFFFF000  }
0x87: {  	[spmem:s2] =	stream.indirect.scatter.add.f32 [tilespmem:s17], [sflag:$0xE], $0x20, s16, s13, $0xb8;
	[tilespmem:$0xD800] =	vst v63  }
0x88: {  	_ =	swait.ge [sflag:s28], $0x1000  }
0x89: {  	[sflag:s28] =	ssyncset.done $0x0  }
0x8a: {  	s29 =	simm.s32 $0x8;
	[sflag:s28] =	ssyncadd.s32 $0xFFFFF000  }
0x8b: {  	[spmem:s2] =	stream.indirect.scatter.add.f32 [tilespmem:s19], [sflag:$0xF], $0x20, s18, s13, $0xb8;
	[tilespmem:$0xD800] =	vst v63  }
0x8c: {  	_ =	swait.ge [sflag:s29], $0x1000  }
0x8d: {  	[sflag:s29] =	ssyncset.done $0x0  }
0x8e: {  	s31 =	simm.s32 $0x9;
	[sflag:s29] =	ssyncadd.s32 $0xFFFFF000  }
0x8f: {  	[spmem:s2] =	stream.indirect.scatter.add.f32 [tilespmem:s21], [sflag:$0x10], $0x20, s20, s13, $0xb8;
	[tilespmem:$0xD800] =	vst v63  }
0x90: {  	_ =	swait.ge [sflag:s31], $0x1000  }
0x91: {  	[sflag:s31] =	ssyncset.done $0x0  }
0x92: {  	s20 =	simm.s32 $0xA;
	[sflag:s31] =	ssyncadd.s32 $0xFFFFF000  }
0x93: {  	_ =	swait.ge [sflag:s20], $0x1000  }
0x94: {  	[sflag:s20] =	ssyncset.done $0x0  }
0x95: {  	s21 =	simm.s32 $0xB;
	[sflag:s20] =	ssyncadd.s32 $0xFFFFF000  }
0x96: {  	_ =	swait.ge [sflag:s21], $0x1000  }
0x97: {  	[sflag:s21] =	ssyncset.done $0x0  }
0x98: {  	[sflag:s21] =	ssyncadd.s32 $0xFFFFF000  }
0x99: {  	_ =	swait.ge [sflag:s22], $0x1000  }
0x9a: {  	[sflag:s22] =	ssyncset.done $0x0  }
0x9b: {  	[sflag:s22] =	ssyncadd.s32 $0xFFFFF000  }
0x9c: {  	_ =	swait.ge [sflag:s23], $0x1000  }
0x9d: {  	[sflag:s23] =	ssyncset.done $0x0  }
0x9e: {  	[sflag:s23] =	ssyncadd.s32 $0xFFFFF000  }
0x9f: {  	_ =	swait.ge [sflag:s24], $0x1000  }
0xa0: {  	[sflag:s24] =	ssyncset.done $0x0  }
0xa1: {  	[sflag:s24] =	ssyncadd.s32 $0xFFFFF000  }
0xa2: {  	_ =	swait.ge [sflag:s25], $0x1000  }
0xa3: {  	[sflag:s25] =	ssyncset.done $0x0  }
0xa4: {  	[sflag:s25] =	ssyncadd.s32 $0xFFFFF000  }
0xa5: {  	s26 =	simm.s32 $0x80;
	_ =	swait.ge [sflag:s9], $0x1000  }
.LBB2_2:
0xa6: {  	s9 =	simm.s32 $0x10  }
0xa7: {  	s28 =	rddreg [dreg:$0x3];
	s29 =	smov.u32 s26;
	[sflag:s9] =	ssyncset.done $0x0  }
0xa8: {  	s28 =	sadd.s32 s29, s28;
	[sflag:s9] =	ssyncadd.s32 $0xFFFFF000  }
0xa9: {  	[tilespmem:s30], [sflag:$0x11] =	stream.linear.gather [hbm4b:s28+s3], $0x80, $0x38;
	[tilespmem:$0xD800] =	vst v63  }
0xaa: {  	_ =	swait.ge [sflag:s10], $0x80  }
0xab: {  	s30 =	rddreg [dreg:$0x4];
	[sflag:s10] =	ssyncset.done $0x0  }
0xac: {  	s1 =	simm.s32 $0x5400;
	[sflag:s10] =	ssyncadd.s32 $0xFFFFFF80;
	s29 =	sadd.s32 s29, s30  }
0xad: {  	[tilespmem:s1], [sflag:$0x11] =	stream.linear.gather [hbm4b:s29+s3], $0x80, $0x38;
	[tilespmem:$0xD800] =	vst v63  }
0xae: {  	_ =	swait.ge [sflag:s10], $0x80  }
0xaf: {  	[sflag:s10] =	ssyncset.done $0x0  }
0xb0: {  	s31 =	simm.s32 $0x5000;
	s1 =	simm.s32 $0x5800;
	[sflag:s10] =	ssyncadd.s32 $0xFFFFFF80  }
0xb1: {  	[tilespmem:s1], [sflag:$0x1] =	stream.indirect.gather [hbm4b:s4+s13], $0x20, s31, s13, $0xb8;
	[tilespmem:$0xD800] =	vst v63  }
0xb2: {  	s5 =	simm.s32 $0x5080;
	s30 =	sadd.s32 $0x10, s28  }
0xb3: {  	[tilespmem:s5], [sflag:$0x11] =	stream.linear.gather [hbm4b:s30+s3], $0x80, $0x38;
	[tilespmem:$0xD800] =	vst v63  }
0xb4: {  	_ =	swait.ge [sflag:s10], $0x80  }
0xb5: {  	[sflag:s10] =	ssyncset.done $0x0  }
0xb6: {  	s7 =	simm.s32 $0x5480;
	s30 =	sadd.s32 $0x10, s29;
	[sflag:s10] =	ssyncadd.s32 $0xFFFFFF80  }
0xb7: {  	[tilespmem:s7], [sflag:$0x11] =	stream.linear.gather [hbm4b:s30+s3], $0x80, $0x38;
	[tilespmem:$0xD800] =	vst v63  }
0xb8: {  	_ =	swait.ge [sflag:s10], $0x80  }
0xb9: {  	[sflag:s10] =	ssyncset.done $0x0  }
0xba: {  	s8 =	simm.s32 $0x6800;
	[sflag:s10] =	ssyncadd.s32 $0xFFFFFF80  }
0xbb: {  	[tilespmem:s8], [sflag:$0x2] =	stream.indirect.gather [hbm4b:s4+s13], $0x20, s5, s13, $0xb8;
	[tilespmem:$0xD800] =	vst v63  }
0xbc: {  	s16 =	simm.s32 $0x5100;
	s30 =	sadd.s32 $0x20, s28  }
0xbd: {  	[tilespmem:s16], [sflag:$0x11] =	stream.linear.gather [hbm4b:s30+s3], $0x80, $0x38;
	[tilespmem:$0xD800] =	vst v63  }
0xbe: {  	_ =	swait.ge [sflag:s10], $0x80  }
0xbf: {  	[sflag:s10] =	ssyncset.done $0x0  }
0xc0: {  	s0 =	simm.s32 $0x5500;
	s30 =	sadd.s32 $0x20, s29;
	[sflag:s10] =	ssyncadd.s32 $0xFFFFFF80  }
0xc1: {  	[tilespmem:s0], [sflag:$0x11] =	stream.linear.gather [hbm4b:s30+s3], $0x80, $0x38;
	[tilespmem:$0xD800] =	vst v63  }
0xc2: {  	_ =	swait.ge [sflag:s10], $0x80  }
0xc3: {  	[sflag:s10] =	ssyncset.done $0x0  }
0xc4: {  	s6 =	simm.s32 $0x7800;
	[sflag:s10] =	ssyncadd.s32 $0xFFFFFF80  }
0xc5: {  	[tilespmem:s6], [sflag:$0x3] =	stream.indirect.gather [hbm4b:s4+s13], $0x20, s16, s13, $0xb8;
	[tilespmem:$0xD800] =	vst v63  }
0xc6: {  	s17 =	simm.s32 $0x5180;
	s30 =	sadd.s32 $0x30, s28  }
0xc7: {  	[tilespmem:s17], [sflag:$0x11] =	stream.linear.gather [hbm4b:s30+s3], $0x80, $0x38;
	[tilespmem:$0xD800] =	vst v63  }
0xc8: {  	_ =	swait.ge [sflag:s10], $0x80  }
0xc9: {  	[sflag:s10] =	ssyncset.done $0x0  }
0xca: {  	s11 =	simm.s32 $0x5580;
	s30 =	sadd.s32 $0x30, s29;
	[sflag:s10] =	ssyncadd.s32 $0xFFFFFF80  }
0xcb: {  	[tilespmem:s11], [sflag:$0x11] =	stream.linear.gather [hbm4b:s30+s3], $0x80, $0x38;
	[tilespmem:$0xD800] =	vst v63  }
0xcc: {  	_ =	swait.ge [sflag:s10], $0x80  }
0xcd: {  	[sflag:s10] =	ssyncset.done $0x0  }
0xce: {  	s12 =	simm.s32 $0x8800;
	[sflag:s10] =	ssyncadd.s32 $0xFFFFFF80  }
0xcf: {  	[tilespmem:s12], [sflag:$0x4] =	stream.indirect.gather [hbm4b:s4+s13], $0x20, s17, s13, $0xb8;
	[tilespmem:$0xD800] =	vst v63  }
0xd0: {  	s18 =	simm.s32 $0x5200;
	s30 =	sadd.s32 $0x40, s28  }
0xd1: {  	[tilespmem:s18], [sflag:$0x11] =	stream.linear.gather [hbm4b:s30+s3], $0x80, $0x38;
	[tilespmem:$0xD800] =	vst v63  }
0xd2: {  	_ =	swait.ge [sflag:s10], $0x80  }
0xd3: {  	[sflag:s10] =	ssyncset.done $0x0  }
0xd4: {  	s14 =	simm.s32 $0x5600;
	s30 =	sadd.s32 $0x40, s29;
	[sflag:s10] =	ssyncadd.s32 $0xFFFFFF80  }
0xd5: {  	[tilespmem:s14], [sflag:$0x11] =	stream.linear.gather [hbm4b:s30+s3], $0x80, $0x38;
	[tilespmem:$0xD800] =	vst v63  }
0xd6: {  	_ =	swait.ge [sflag:s10], $0x80  }
0xd7: {  	[sflag:s10] =	ssyncset.done $0x0  }
0xd8: {  	s15 =	simm.s32 $0x9800;
	[sflag:s10] =	ssyncadd.s32 $0xFFFFFF80  }
0xd9: {  	[tilespmem:s15], [sflag:$0x5] =	stream.indirect.gather [hbm4b:s4+s13], $0x20, s18, s13, $0xb8;
	[tilespmem:$0xD800] =	vst v63  }
0xda: {  	s19 =	simm.s32 $0x5280;
	s30 =	sadd.s32 $0x50, s28  }
0xdb: {  	[tilespmem:s19], [sflag:$0x11] =	stream.linear.gather [hbm4b:s30+s3], $0x80, $0x38;
	[tilespmem:$0xD800] =	vst v63  }
0xdc: {  	_ =	swait.ge [sflag:s10], $0x80  }
0xdd: {  	[sflag:s10] =	ssyncset.done $0x0  }
0xde: {  	s16 =	simm.s32 $0x5680;
	s30 =	sadd.s32 $0x50, s29;
	[sflag:s10] =	ssyncadd.s32 $0xFFFFFF80  }
0xdf: {  	[tilespmem:s16], [sflag:$0x11] =	stream.linear.gather [hbm4b:s30+s3], $0x80, $0x38;
	[tilespmem:$0xD800] =	vst v63  }
0xe0: {  	_ =	swait.ge [sflag:s10], $0x80  }
0xe1: {  	[sflag:s10] =	ssyncset.done $0x0  }
0xe2: {  	s17 =	simm.s32 $0xA800;
	[sflag:s10] =	ssyncadd.s32 $0xFFFFFF80  }
0xe3: {  	[tilespmem:s17], [sflag:$0x6] =	stream.indirect.gather [hbm4b:s4+s13], $0x20, s19, s13, $0xb8;
	[tilespmem:$0xD800] =	vst v63  }
0xe4: {  	s5 =	simm.s32 $0x5300;
	s30 =	sadd.s32 $0x60, s28  }
0xe5: {  	[tilespmem:s5], [sflag:$0x11] =	stream.linear.gather [hbm4b:s30+s3], $0x80, $0x38;
	[tilespmem:$0xD800] =	vst v63  }
0xe6: {  	_ =	swait.ge [sflag:s10], $0x80  }
0xe7: {  	[sflag:s10] =	ssyncset.done $0x0  }
0xe8: {  	s18 =	simm.s32 $0x5700;
	s30 =	sadd.s32 $0x60, s29;
	[sflag:s10] =	ssyncadd.s32 $0xFFFFFF80  }
0xe9: {  	[tilespmem:s18], [sflag:$0x11] =	stream.linear.gather [hbm4b:s30+s3], $0x80, $0x38;
	[tilespmem:$0xD800] =	vst v63  }
0xea: {  	_ =	swait.ge [sflag:s10], $0x80  }
0xeb: {  	[sflag:s10] =	ssyncset.done $0x0  }
0xec: {  	s19 =	simm.s32 $0xB800;
	[sflag:s10] =	ssyncadd.s32 $0xFFFFFF80  }
0xed: {  	[tilespmem:s19], [sflag:$0x7] =	stream.indirect.gather [hbm4b:s4+s13], $0x20, s5, s13, $0xb8;
	[tilespmem:$0xD800] =	vst v63  }
0xee: {  	s28 =	sadd.s32 $0x70, s28;
	s5 =	simm.s32 $0x5380  }
0xef: {  	[tilespmem:s5], [sflag:$0x11] =	stream.linear.gather [hbm4b:s28+s3], $0x80, $0x38;
	[tilespmem:$0xD800] =	vst v63  }
0xf0: {  	_ =	swait.ge [sflag:s10], $0x80  }
0xf1: {  	[sflag:s10] =	ssyncset.done $0x0  }
0xf2: {  	s28 =	sadd.s32 $0x70, s29;
	s29 =	simm.s32 $0x5780;
	[sflag:s10] =	ssyncadd.s32 $0xFFFFFF80  }
0xf3: {  	[tilespmem:s29], [sflag:$0x11] =	stream.linear.gather [hbm4b:s28+s3], $0x80, $0x38;
	[tilespmem:$0xD800] =	vst v63  }
0xf4: {  	_ =	swait.ge [sflag:s10], $0x80  }
0xf5: {  	[sflag:s10] =	ssyncset.done $0x0  }
0xf6: {  	s28 =	simm.s32 $0xC800;
	[sflag:s10] =	ssyncadd.s32 $0xFFFFFF80  }
0xf7: {  	[tilespmem:s28], [sflag:$0x8] =	stream.indirect.gather [hbm4b:s4+s13], $0x20, s5, s13, $0xb8;
	[tilespmem:$0xD800] =	vst v63  }
0xf8: {  	s5 =	simm.s32 $0x1  }
0xf9: {  	_ =	swait.ge [sflag:s5], $0x1000  }
0xfa: {  	[sflag:s5] =	ssyncset.done $0x0  }
0xfb: {  	s31 =	simm.s32 $0x5400;
	[sflag:s5] =	ssyncadd.s32 $0xFFFFF000;
	s5 =	simm.s32 $0x2  }
0xfc: {  	[spmem:s2] =	stream.indirect.scatter.add.f32 [tilespmem:s1], [sflag:$0x9], $0x20, s31, s13, $0xb8;
	[tilespmem:$0xD800] =	vst v63  }
0xfd: {  	_ =	swait.ge [sflag:s5], $0x1000  }
0xfe: {  	[sflag:s5] =	ssyncset.done $0x0  }
0xff: {  	[sflag:s5] =	ssyncadd.s32 $0xFFFFF000  }
0x100: {  	[spmem:s2] =	stream.indirect.scatter.add.f32 [tilespmem:s8], [sflag:$0xA], $0x20, s7, s13, $0xb8;
	[tilespmem:$0xD800] =	vst v63  }
0x101: {  	s7 =	simm.s32 $0x3  }
0x102: {  	_ =	swait.ge [sflag:s7], $0x1000  }
0x103: {  	[sflag:s7] =	ssyncset.done $0x0  }
0x104: {  	s8 =	simm.s32 $0x4;
	[sflag:s7] =	ssyncadd.s32 $0xFFFFF000  }
0x105: {  	[spmem:s2] =	stream.indirect.scatter.add.f32 [tilespmem:s6], [sflag:$0xB], $0x20, s0, s13, $0xb8;
	[tilespmem:$0xD800] =	vst v63  }
0x106: {  	_ =	swait.ge [sflag:s8], $0x1000  }
0x107: {  	[sflag:s8] =	ssyncset.done $0x0  }
0x108: {  	[sflag:s8] =	ssyncadd.s32 $0xFFFFF000  }
0x109: {  	[spmem:s2] =	stream.indirect.scatter.add.f32 [tilespmem:s12], [sflag:$0xC], $0x20, s11, s13, $0xb8;
	[tilespmem:$0xD800] =	vst v63  }
0x10a: {  	s12 =	simm.s32 $0x5  }
0x10b: {  	_ =	swait.ge [sflag:s12], $0x1000  }
0x10c: {  	[sflag:s12] =	ssyncset.done $0x0  }
0x10d: {  	[sflag:s12] =	ssyncadd.s32 $0xFFFFF000  }
0x10e: {  	[spmem:s2] =	stream.indirect.scatter.add.f32 [tilespmem:s15], [sflag:$0xD], $0x20, s14, s13, $0xb8;
	[tilespmem:$0xD800] =	vst v63  }
0x10f: {  	s15 =	simm.s32 $0x6  }
0x110: {  	_ =	swait.ge [sflag:s15], $0x1000  }
0x111: {  	[sflag:s15] =	ssyncset.done $0x0  }
0x112: {  	[sflag:s15] =	ssyncadd.s32 $0xFFFFF000  }
0x113: {  	[spmem:s2] =	stream.indirect.scatter.add.f32 [tilespmem:s17], [sflag:$0xE], $0x20, s16, s13, $0xb8;
	[tilespmem:$0xD800] =	vst v63  }
0x114: {  	s17 =	simm.s32 $0x7  }
0x115: {  	_ =	swait.ge [sflag:s17], $0x1000  }
0x116: {  	[sflag:s17] =	ssyncset.done $0x0  }
0x117: {  	[sflag:s17] =	ssyncadd.s32 $0xFFFFF000  }
0x118: {  	[spmem:s2] =	stream.indirect.scatter.add.f32 [tilespmem:s19], [sflag:$0xF], $0x20, s18, s13, $0xb8;
	[tilespmem:$0xD800] =	vst v63  }
0x119: {  	s19 =	simm.s32 $0x8  }
0x11a: {  	_ =	swait.ge [sflag:s19], $0x1000  }
0x11b: {  	[sflag:s19] =	ssyncset.done $0x0  }
0x11c: {  	[sflag:s19] =	ssyncadd.s32 $0xFFFFF000  }
0x11d: {  	[spmem:s2] =	stream.indirect.scatter.add.f32 [tilespmem:s28], [sflag:$0x10], $0x20, s29, s13, $0xb8;
	[tilespmem:$0xD800] =	vst v63  }
0x11e: {  	s29 =	simm.s32 $0x9  }
0x11f: {  	_ =	swait.ge [sflag:s29], $0x1000  }
0x120: {  	[sflag:s29] =	ssyncset.done $0x0  }
0x121: {  	[sflag:s29] =	ssyncadd.s32 $0xFFFFF000  }
0x122: {  	_ =	swait.ge [sflag:s20], $0x1000  }
0x123: {  	[sflag:s20] =	ssyncset.done $0x0  }
0x124: {  	[sflag:s20] =	ssyncadd.s32 $0xFFFFF000  }
0x125: {  	_ =	swait.ge [sflag:s21], $0x1000  }
0x126: {  	[sflag:s21] =	ssyncset.done $0x0  }
0x127: {  	[sflag:s21] =	ssyncadd.s32 $0xFFFFF000  }
0x128: {  	_ =	swait.ge [sflag:s22], $0x1000  }
0x129: {  	[sflag:s22] =	ssyncset.done $0x0  }
0x12a: {  	[sflag:s22] =	ssyncadd.s32 $0xFFFFF000  }
0x12b: {  	_ =	swait.ge [sflag:s23], $0x1000  }
0x12c: {  	[sflag:s23] =	ssyncset.done $0x0  }
0x12d: {  	[sflag:s23] =	ssyncadd.s32 $0xFFFFF000  }
0x12e: {  	_ =	swait.ge [sflag:s24], $0x1000  }
0x12f: {  	p0 =	sne.s32 s26, $0x200;
	[sflag:s24] =	ssyncset.done $0x0  }
.Ltmp0:
0x130: {  	[sflag:s24] =	ssyncadd.s32 $0xFFFFF000;
	(pc) =	sbr.rel @p0 .LBB2_2-.Ltmp0, $4  }
0x131: {  	_ =	swait.ge [sflag:s25], $0x1000  }
0x132: {  	[sflag:s25] =	ssyncset.done $0x0  }
0x133: {  	[sflag:s25] =	ssyncadd.s32 $0xFFFFF000  }
0x134: {  	s26 =	sadd.s32 $0x80, s26;
	s30 =	simm.s32 $0x5000;
	_ =	swait.ge [sflag:s9], $0x1000  }
0x135: {  	s0 =	simm.s32 $0x10  }
0x136: {  	[sflag:s0] =	ssyncset.done $0x0  }
0x137: {  	[sflag:s0] =	ssyncadd.s32 $0xFFFFF000  }
0x138: {  	[bflag:$0x0] =	sbarrier.arrive $0xFFFF  }
0x139: {  	s28 =	rddreg [dreg:$0x6]  }
0x13a: {  	s26 =	rddreg [dreg:$0x7]  }
0x13b: {  	s29 =	rddreg [dreg:$0x9]  }
0x13c: {  	[hbm:s26], [sflag:s28] =	dma.local [spmem:s29], $0xA00  }
0x13d: {  	_ =	swait.ge [sflag:s10], $0xA00  }
0x13e: {  	s20 =	rddreg [dreg:$0xa]  }
0x13f: {  	s21 =	rddreg [dreg:$0x8];
	s0 =	sadd.s32 $0x1, s20  }
0x140: {  	p0 =	sne.s32 s0, s21  }
.Ltmp1:
0x141: {  	_ = 	snop;
	(pc) =	sbr.rel @p0 .LBB2_1-.Ltmp1, $3  }
0x142: {  	_ =	sdelay $0x1  }
0x143: {  	[sflag:s10] =	ssyncset.done $0x0  }
0x144: {  	s9 =	simm.s32 $0x10;
	[sflag:s10] =	ssyncadd.s32 $0xFFFFF600  }
0x145: {  	_ =	sfence.sel $0x180000  }
0x146: {  	[bflag:$0x0] =	sbarrier.arrive $0xFFFF  }
0x147: {  	_ =	strace $0x90000053  }
0x148: {  	s0 =	stileid.u32;
	[bflag:$0x2] =	sbarrier.arrive $0xFFFF  }
0x149: {  	p0 =	sne.s32 s0, $0x0;
	s0 =	rddreg [dreg:$0x2]  }
0x14a: {  	s0 =	sadd.s32 @!p0 $0x100000, s0  }
0x14b: {  	[sflag:s0] =	ssyncadd.tile.s32 @!p0 $0x1;
	_ =	shalt  }
.Lfunc_end2:
_tile_overlayer_lowered:
.L_overlay_start_2:
0x14c: {  	(tag) =	ssettag $0x2  }
0x14d: {  	s0 =	rddreg [dreg:$0x0];
	s2 =	stileid.u32  }
0x14e: {  	s1 =	rddreg [dreg:$0x1];
	p0 =	sne.s32 s2, $0x0  }
0x14f: {  	s3 =	rddreg [dreg:$0x2];
	[bflag:$0x3] =	sbarrier.arrive $0xFFFF;
	s2 =	simm.s32 @!p0 $0x1C11  }
0x150: {  	[timem:s3], [sflag:s2] =	dma.local @!p0 [hbm:s0], s1  }
0x151: {  	s0 =	simm.s32 @!p0 $0x11  }
0x152: {  	_ =	swait.ge @!p0 [sflag:s0], s1  }
0x153: {  	s1 =	ssub.s32 @!p0 $0x0, s1;
	[sflag:s0] =	ssyncset.done @!p0 $0x0  }
0x154: {  	[sflag:s0] =	ssyncadd.s32 @!p0 s1  }
0x155: {  	[bflag:$0x3] =	sbarrier.arrive $0xFFFF  }
0x156: {  	_ =	shalt  }

</sc_bundles>
